<compile_context>
chip_gen: v7x
topology: tpu7x:2x2x1
jax: 0.10.2.dev20260603
libtpu: 0.0.44.dev20260713+nightly
codegen_flags: <defaults>
</compile_context>

<pallas_src>
import functools

import jax
import jax.numpy as jnp
from jax import lax
from jax.experimental import pallas as pl
from jax.experimental.pallas import tpu as pltpu
from jax.experimental.pallas import tpu_sc as plsc

_NUM_CORES = 2
_NUM_SUBCORES = 16
_NW = _NUM_CORES * _NUM_SUBCORES
_LANES = 16
_CHUNK = 32


def _sc_logits(table, src, dst, per_w):
    n_edges = per_w * _NW
    d = table.shape[1]
    n_nodes = table.shape[0]
    n_chunks = per_w // _CHUNK
    mesh = plsc.VectorSubcoreMesh(
        core_axis_name="c", subcore_axis_name="s",
        num_cores=_NUM_CORES, num_subcores=_NUM_SUBCORES)

    @functools.partial(
        pl.kernel,
        out_type=jax.ShapeDtypeStruct((n_edges,), jnp.float32),
        mesh=mesh,
        scratch_types=[
            pltpu.VMEM((_CHUNK,), jnp.int32),
            pltpu.VMEM((_CHUNK,), jnp.int32),
            pltpu.VMEM((_CHUNK,), jnp.int32),
            pltpu.VMEM((_CHUNK,), jnp.int32),
            pltpu.VMEM((_CHUNK, 128), jnp.float32),
            pltpu.VMEM((_CHUNK, 128), jnp.float32),
            pltpu.VMEM((_CHUNK, 128), jnp.float32),
            pltpu.VMEM((_CHUNK, 128), jnp.float32),
            pltpu.VMEM((per_w,), jnp.float32),
            pltpu.VMEM_SHARED((n_nodes, 128), jnp.float32),
            pltpu.SemaphoreType.DMA,
            pltpu.SemaphoreType.DMA,
            pltpu.SemaphoreType.DMA,
            pltpu.SemaphoreType.DMA,
            pltpu.SemaphoreType.DMA,
            pltpu.SemaphoreType.DMA,
        ],
    )
    def body(table_hbm, src_hbm, dst_hbm, out_hbm,
             si0, si1, di0, di1, rs0, rs1, rd0, rd1, lbuf, tcache,
             sg0, sg1, ssi0, ssi1, sdi0, sdi1):
        sibuf = (si0, si1)
        dibuf = (di0, di1)
        rs = (rs0, rs1)
        rd = (rd0, rd1)
        sg = (sg0, sg1)
        ssi = (ssi0, ssi1)
        sdi = (sdi0, sdi1)
        wid = lax.axis_index("c") * _NUM_SUBCORES + lax.axis_index("s")
        ebase_w = wid * per_w

        def issue_idx(i, q):
            off = ebase_w + i * _CHUNK
            pltpu.async_copy(src_hbm.at[pl.ds(off, _CHUNK)],
                             sibuf[q], ssi[q])
            pltpu.async_copy(dst_hbm.at[pl.ds(off, _CHUNK)],
                             dibuf[q], sdi[q])

        def wait_idx(q):
            pltpu.make_async_copy(src_hbm.at[pl.ds(ebase_w, _CHUNK)],
                                  sibuf[q], ssi[q]).wait()
            pltpu.make_async_copy(dst_hbm.at[pl.ds(ebase_w, _CHUNK)],
                                  dibuf[q], sdi[q]).wait()

        def issue_gathers(q):
            pltpu.async_copy(tcache.at[sibuf[q]], rs[q], sg[q])
            pltpu.async_copy(tcache.at[dibuf[q]], rd[q], sg[q])

        def wait_gathers(q):
            pltpu.make_async_copy(tcache.at[sibuf[q]], rs[q], sg[q]).wait()
            pltpu.make_async_copy(tcache.at[dibuf[q]], rd[q], sg[q]).wait()

        lane = lax.iota(jnp.int32, _LANES)
        folds = [lane ^ f for f in (8, 4, 2, 1)]
        _dnums = lax.GatherDimensionNumbers(
            offset_dims=(), collapsed_slice_dims=(0,), start_index_map=(0,))

        def _shuffle(v, f):
            return lax.gather(v, f[:, None], _dnums, slice_sizes=(1,),
                              mode=lax.GatherScatterMode.PROMISE_IN_BOUNDS)

        def compute_chunk(i, p):
            srows, drows = rs[p], rd[p]
            lbase = i * _CHUNK

            def group_body(g, _):
                out_vec = jnp.zeros((_LANES,), jnp.float32)
                for e in range(_LANES):
                    row = g * _LANES + e
                    acc = (srows[row, pl.ds(0, _LANES)]
                           * drows[row, pl.ds(0, _LANES)])
                    for k in range(1, d // _LANES):
                        acc = acc + (srows[row, pl.ds(k * _LANES, _LANES)]
                                     * drows[row, pl.ds(k * _LANES, _LANES)])
                    for f in folds:
                        acc = acc + _shuffle(acc, f)
                    out_vec = jnp.where(lane == e, acc, out_vec)
                lbuf[pl.ds(lbase + g * _LANES, _LANES)] = out_vec
                return 0

            lax.fori_loop(0, _CHUNK // _LANES, group_body, 0)

        def body_iter(i, p):
            wait_gathers(p)
            wait_idx(1 - p)
            issue_gathers(1 - p)
            issue_idx(i + 2, p)
            compute_chunk(i, p)

        @pl.when(lax.axis_index("s") == 0)
        def _():
            pltpu.sync_copy(table_hbm, tcache)

        plsc.subcore_barrier()

        issue_idx(0, 0)
        issue_idx(1, 1)
        wait_idx(0)
        issue_gathers(0)

        def pair_body(i2, _):
            body_iter(i2 * 2, 0)
            body_iter(i2 * 2 + 1, 1)
            return 0

        lax.fori_loop(0, n_chunks // 2, pair_body, 0)

        wait_gathers(0)
        wait_idx(1)
        pltpu.sync_copy(lbuf, out_hbm.at[pl.ds(ebase_w, per_w)])

    return body(table, src, dst)


def _bce_loss(logits2d, n_pos, n_neg):

    def body(l_ref, out_ref):
        l = l_ref[...]
        rows = lax.broadcasted_iota(jnp.int32, l.shape, 0)
        cols = lax.broadcasted_iota(jnp.int32, l.shape, 1)
        eid = rows * l.shape[1] + cols
        is_pos = eid < n_pos
        is_neg = (eid >= n_pos) & (eid < n_pos + n_neg)
        label = jnp.where(is_pos, 1.0, 0.0)
        per = (jnp.maximum(l, 0.0) - l * label
               + jnp.log1p(jnp.exp(-jnp.abs(l))))
        pos_sum = jnp.sum(jnp.where(is_pos, per, 0.0))
        neg_sum = jnp.sum(jnp.where(is_neg, per, 0.0))
        out_ref[...] = jnp.reshape(pos_sum / n_pos + neg_sum / n_neg, (1, 1))

    out = pl.pallas_call(
        body, out_shape=jax.ShapeDtypeStruct((1, 1), jnp.float32))(logits2d)
    return out[0, 0]


def kernel(node_embeddings, positive_edge_index, negative_edge_index,
           num_nodes):
    n_pos = positive_edge_index.shape[1]
    n_neg = negative_edge_index.shape[1]
    total = n_pos + n_neg
    per_w = -(-total // _NW)
    per_w = -(-per_w // (2 * _CHUNK)) * (2 * _CHUNK)
    n_edges = per_w * _NW
    pad = n_edges + 2 * _CHUNK - total

    zero_pad = jnp.zeros((pad,), jnp.int32)
    src = jnp.concatenate(
        [positive_edge_index[0], negative_edge_index[0], zero_pad])
    dst = jnp.concatenate(
        [positive_edge_index[1], negative_edge_index[1], zero_pad])

    logits = _sc_logits(node_embeddings, src, dst, per_w)
    return _bce_loss(logits.reshape(n_edges // 128, 128), n_pos, n_neg)

# --- scband reference (transcript-rebuilt; emitter-appended) ---
"""Pipeline reference for scband-graph-reconstruction-loss-28741921145363 (READ-ONLY COPY).

The authoritative reference and input builder live on the scoring server;
editing this copy changes nothing except your own understanding.
"""

import jax, jax.numpy as jnp
import numpy as np

NUM_NODES = 10000
NUM_POS = 320000
D = 128
NUM_NEG_RATIO = 1.0


def _decoder(z, edge_index):
    # Inner-product edge decoder (standard GAE decoder): logit = <z_src, z_dst>
    src = jnp.take(z, edge_index[0], axis=0)
    dst = jnp.take(z, edge_index[1], axis=0)
    return jnp.sum(src * dst, axis=-1)


def _bce_with_logits_mean(logits, labels):
    # Numerically-stable BCE-with-logits, mean reduction (matches F.binary_cross_entropy_with_logits)
    return jnp.mean(jnp.maximum(logits, 0.0) - logits * labels + jnp.log1p(jnp.exp(-jnp.abs(logits))))


def setup_inputs(seed: int = 0) -> dict:
    key = jax.random.key(seed)
    k1, k2, k3 = jax.random.split(key, 3)
    node_embeddings = jax.random.normal(k1, (NUM_NODES, D), dtype=jnp.float32)
    positive_edge_index = jax.random.randint(k2, (2, NUM_POS), 0, NUM_NODES, dtype=jnp.int32)
    num_neg = max(1, int(NUM_POS * NUM_NEG_RATIO))
    # negative_sampling approximated by uniform random node pairs (sampled once here so the
    # reference is deterministic; the torch module samples internally per call)
    negative_edge_index = jax.random.randint(k3, (2, num_neg), 0, NUM_NODES, dtype=jnp.int32)
    return {
        "node_embeddings": node_embeddings,
        "positive_edge_index": positive_edge_index,
        "negative_edge_index": negative_edge_index,
        "num_nodes": NUM_NODES,
    }


def reference(node_embeddings, positive_edge_index, negative_edge_index, num_nodes):
    pos_logits = _decoder(node_embeddings, positive_edge_index)
    neg_logits = _decoder(node_embeddings, negative_edge_index)
    pos_labels = jnp.ones_like(pos_logits)
    neg_labels = jnp.zeros_like(neg_logits)
    pos_loss = _bce_with_logits_mean(pos_logits, pos_labels)
    neg_loss = _bce_with_logits_mean(neg_logits, neg_labels)
    return pos_loss + neg_loss

if __name__ == "__main__":
    import jax
    _d = setup_inputs()
    print(jax.jit(kernel)(*tuple(_d.values())))

</pallas_src>

<mosaic_0001>
#map = affine_map<(d0, d1) -> (0, 0)>
#map1 = affine_map<(d0, d1) -> (0)>
module attributes {stable_mosaic.version = 14 : i64} {
  func.func @body(%arg0: i32, %arg1: i32, %arg2: memref<10000x128xf32, #tpu.memory_space<hbm>>, %arg3: memref<641088xi32, #tpu.memory_space<hbm>>, %arg4: memref<641088xi32, #tpu.memory_space<hbm>>, %arg5: memref<641024xf32, #tpu.memory_space<hbm>>, %arg6: memref<32xi32, #tpu.memory_space<vmem>>, %arg7: memref<32xi32, #tpu.memory_space<vmem>>, %arg8: memref<32xi32, #tpu.memory_space<vmem>>, %arg9: memref<32xi32, #tpu.memory_space<vmem>>, %arg10: memref<32x128xf32, #tpu.memory_space<vmem>>, %arg11: memref<32x128xf32, #tpu.memory_space<vmem>>, %arg12: memref<32x128xf32, #tpu.memory_space<vmem>>, %arg13: memref<32x128xf32, #tpu.memory_space<vmem>>, %arg14: memref<20032xf32, #tpu.memory_space<vmem>>, %arg15: memref<10000x128xf32, #tpu.memory_space<vmem_shared>>, %arg16: memref<!tpu.dma_semaphore, #tpu.memory_space<semaphore_mem>>, %arg17: memref<!tpu.dma_semaphore, #tpu.memory_space<semaphore_mem>>, %arg18: memref<!tpu.dma_semaphore, #tpu.memory_space<semaphore_mem>>, %arg19: memref<!tpu.dma_semaphore, #tpu.memory_space<semaphore_mem>>, %arg20: memref<!tpu.dma_semaphore, #tpu.memory_space<semaphore_mem>>, %arg21: memref<!tpu.dma_semaphore, #tpu.memory_space<semaphore_mem>>) attributes {dimension_semantics = [#tpu.dimension_semantics<core_parallel>, #tpu.dimension_semantics<subcore_parallel>], iteration_bounds = array<i64: 2, 16>, scalar_prefetch = 0 : i64, scratch_operands = 16 : i64, tpu.core_type = #tpu.core_type<sc_vector_subcore>, window_params = [{transform_indices = #map}, {transform_indices = #map1}, {transform_indices = #map1}, {transform_indices = #map1}]} {
    %mul3A = arith.constant 16 : i32
    %mul3A_0 = arith.muli %arg0, %mul3A : i32
    %add3A = arith.addi %mul3A_0, %arg1 : i32
    %mul3A_1 = arith.constant 20032 : i32
    %mul3A_2 = arith.muli %add3A, %mul3A_1 : i32
    %iota3A = tpu.iota {dimensions = array<i32: 0>} : vector<16xi32>
    %xor3A = arith.constant 8 : i32
    %xor3A_3 = vector.broadcast %xor3A : i32 to vector<16xi32>
    %xor3A_4 = arith.xori %iota3A, %xor3A_3 : vector<16xi32>
    %xor3A_5 = arith.constant 4 : i32
    %xor3A_6 = vector.broadcast %xor3A_5 : i32 to vector<16xi32>
    %xor3A_7 = arith.xori %iota3A, %xor3A_6 : vector<16xi32>
    %xor3A_8 = arith.constant 2 : i32
    %xor3A_9 = vector.broadcast %xor3A_8 : i32 to vector<16xi32>
    %xor3A_10 = arith.xori %iota3A, %xor3A_9 : vector<16xi32>
    %xor3A_11 = arith.constant 1 : i32
    %xor3A_12 = vector.broadcast %xor3A_11 : i32 to vector<16xi32>
    %xor3A_13 = arith.xori %iota3A, %xor3A_12 : vector<16xi32>
    %eq3A = arith.constant 0 : i32
    %eq3A_14 = arith.cmpi eq, %arg1, %eq3A : i32
    %convert_element_type3A = arith.extui %eq3A_14 : i1 to i32
    %cond3A = arith.constant 0 : i32
    %cond3A_15 = arith.cmpi ne, %convert_element_type3A, %cond3A : i32
    scf.if %cond3A_15 {
      "tpu.region"() ({
        %run_scoped3A = tpu.sem_alloc : memref<!tpu.dma_semaphore, #tpu.memory_space<semaphore_mem>>
        tpu.enqueue_dma source(%arg2 : memref<10000x128xf32, #tpu.memory_space<hbm>>) target(%arg15 : memref<10000x128xf32, #tpu.memory_space<vmem_shared>>) target_semaphore(%run_scoped3A : memref<!tpu.dma_semaphore, #tpu.memory_space<semaphore_mem>>)
        tpu.wait_dma2 semaphore(%run_scoped3A : memref<!tpu.dma_semaphore, #tpu.memory_space<semaphore_mem>>) src(%arg2 : memref<10000x128xf32, #tpu.memory_space<hbm>>) dst(%arg15 : memref<10000x128xf32, #tpu.memory_space<vmem_shared>>)
        tpu.yield
      }) : () -> ()
    } else {
    }
    %barrier3A = arith.constant 0 : index
    tpu.barrier barrier_id(%barrier3A)
    %add3A_16 = arith.constant 0 : i32
    %add3A_17 = arith.addi %mul3A_2, %add3A_16 : i32
    %dma_start3A = tpu.memref_slice %arg3[%add3A_17] : memref<641088xi32, #tpu.memory_space<hbm>> -> memref<32xi32, #tpu.memory_space<hbm>>
    %dma_start3A_18 = tpu.memref_slice %arg3[%add3A_17] : memref<641088xi32, #tpu.memory_space<hbm>> -> memref<32xi32, #tpu.memory_space<hbm>>
    tpu.enqueue_dma source(%dma_start3A_18 : memref<32xi32, #tpu.memory_space<hbm>>) target(%arg6 : memref<32xi32, #tpu.memory_space<vmem>>) target_semaphore(%arg18 : memref<!tpu.dma_semaphore, #tpu.memory_space<semaphore_mem>>)
    %dma_start3A_19 = tpu.memref_slice %arg4[%add3A_17] : memref<641088xi32, #tpu.memory_space<hbm>> -> memref<32xi32, #tpu.memory_space<hbm>>
    %dma_start3A_20 = tpu.memref_slice %arg4[%add3A_17] : memref<641088xi32, #tpu.memory_space<hbm>> -> memref<32xi32, #tpu.memory_space<hbm>>
    tpu.enqueue_dma source(%dma_start3A_20 : memref<32xi32, #tpu.memory_space<hbm>>) target(%arg8 : memref<32xi32, #tpu.memory_space<vmem>>) target_semaphore(%arg20 : memref<!tpu.dma_semaphore, #tpu.memory_space<semaphore_mem>>)
    %add3A_21 = arith.constant 32 : i32
    %add3A_22 = arith.addi %mul3A_2, %add3A_21 : i32
    %dma_start3A_23 = tpu.memref_slice %arg3[%add3A_22] : memref<641088xi32, #tpu.memory_space<hbm>> -> memref<32xi32, #tpu.memory_space<hbm>>
    %dma_start3A_24 = tpu.memref_slice %arg3[%add3A_22] : memref<641088xi32, #tpu.memory_space<hbm>> -> memref<32xi32, #tpu.memory_space<hbm>>
    tpu.enqueue_dma source(%dma_start3A_24 : memref<32xi32, #tpu.memory_space<hbm>>) target(%arg7 : memref<32xi32, #tpu.memory_space<vmem>>) target_semaphore(%arg19 : memref<!tpu.dma_semaphore, #tpu.memory_space<semaphore_mem>>)
    %dma_start3A_25 = tpu.memref_slice %arg4[%add3A_22] : memref<641088xi32, #tpu.memory_space<hbm>> -> memref<32xi32, #tpu.memory_space<hbm>>
    %dma_start3A_26 = tpu.memref_slice %arg4[%add3A_22] : memref<641088xi32, #tpu.memory_space<hbm>> -> memref<32xi32, #tpu.memory_space<hbm>>
    tpu.enqueue_dma source(%dma_start3A_26 : memref<32xi32, #tpu.memory_space<hbm>>) target(%arg9 : memref<32xi32, #tpu.memory_space<vmem>>) target_semaphore(%arg21 : memref<!tpu.dma_semaphore, #tpu.memory_space<semaphore_mem>>)
    %dma_wait3A = tpu.memref_slice %arg3[%mul3A_2] : memref<641088xi32, #tpu.memory_space<hbm>> -> memref<32xi32, #tpu.memory_space<hbm>>
    %dma_wait3A_27 = tpu.memref_slice %arg3[%mul3A_2] : memref<641088xi32, #tpu.memory_space<hbm>> -> memref<32xi32, #tpu.memory_space<hbm>>
    tpu.wait_dma2 semaphore(%arg18 : memref<!tpu.dma_semaphore, #tpu.memory_space<semaphore_mem>>) src(%dma_wait3A_27 : memref<32xi32, #tpu.memory_space<hbm>>) dst(%arg6 : memref<32xi32, #tpu.memory_space<vmem>>)
    %dma_wait3A_28 = tpu.memref_slice %arg4[%mul3A_2] : memref<641088xi32, #tpu.memory_space<hbm>> -> memref<32xi32, #tpu.memory_space<hbm>>
    %dma_wait3A_29 = tpu.memref_slice %arg4[%mul3A_2] : memref<641088xi32, #tpu.memory_space<hbm>> -> memref<32xi32, #tpu.memory_space<hbm>>
    tpu.wait_dma2 semaphore(%arg20 : memref<!tpu.dma_semaphore, #tpu.memory_space<semaphore_mem>>) src(%dma_wait3A_29 : memref<32xi32, #tpu.memory_space<hbm>>) dst(%arg8 : memref<32xi32, #tpu.memory_space<vmem>>)
    %dma_start3A_30 = arith.constant 0 : i32
    %dma_start3A_31 = arith.constant 0 : i32
    %dma_start3A_32 = tpu.memref_slice %arg15[%dma_start3A_30, %dma_start3A_31] : memref<10000x128xf32, #tpu.memory_space<vmem_shared>> -> memref<10000x128xf32, #tpu.memory_space<vmem_shared>>
    tpu.enqueue_indirect_dma source(%dma_start3A_32 : memref<10000x128xf32, #tpu.memory_space<vmem_shared>>) target(%arg10 : memref<32x128xf32, #tpu.memory_space<vmem>>) offsets(%arg6 : memref<32xi32, #tpu.memory_space<vmem>>) semaphore(%arg16 : memref<!tpu.dma_semaphore, #tpu.memory_space<semaphore_mem>>)
    %dma_start3A_33 = arith.constant 0 : i32
    %dma_start3A_34 = arith.constant 0 : i32
    %dma_start3A_35 = tpu.memref_slice %arg15[%dma_start3A_33, %dma_start3A_34] : memref<10000x128xf32, #tpu.memory_space<vmem_shared>> -> memref<10000x128xf32, #tpu.memory_space<vmem_shared>>
    tpu.enqueue_indirect_dma source(%dma_start3A_35 : memref<10000x128xf32, #tpu.memory_space<vmem_shared>>) target(%arg12 : memref<32x128xf32, #tpu.memory_space<vmem>>) offsets(%arg8 : memref<32xi32, #tpu.memory_space<vmem>>) semaphore(%arg16 : memref<!tpu.dma_semaphore, #tpu.memory_space<semaphore_mem>>)
    %scan3A = arith.constant 0 : i32
    %scan3A_36 = arith.constant 0 : i32
    %scan3A_37 = arith.constant 313 : i32
    %scan3A_38 = arith.addi %scan3A_36, %scan3A_37 : i32
    %scan3A_39 = arith.constant 1 : i32
    %scan3A_40 = scf.for %scan3A_52 = %scan3A_36 to %scan3A_38 step %scan3A_39 iter_args(%scan3A_53 = %scan3A) -> (i32)  : i32 {
      %mul3A_54 = arith.constant 2 : i32
      %mul3A_55 = arith.muli %scan3A_52, %mul3A_54 : i32
      %dma_wait3A_56 = arith.constant 0 : i32
      %dma_wait3A_57 = arith.constant 0 : i32
      %dma_wait3A_58 = tpu.memref_slice %arg15[%dma_wait3A_56, %dma_wait3A_57] : memref<10000x128xf32, #tpu.memory_space<vmem_shared>> -> memref<10000x128xf32, #tpu.memory_space<vmem_shared>>
      tpu.wait_indirect_dma semaphore(%arg16 : memref<!tpu.dma_semaphore, #tpu.memory_space<semaphore_mem>>) src(%dma_wait3A_58 : memref<10000x128xf32, #tpu.memory_space<vmem_shared>>) dst(%arg10 : memref<32x128xf32, #tpu.memory_space<vmem>>)
      %dma_wait3A_59 = arith.constant 0 : i32
      %dma_wait3A_60 = arith.constant 0 : i32
      %dma_wait3A_61 = tpu.memref_slice %arg15[%dma_wait3A_59, %dma_wait3A_60] : memref<10000x128xf32, #tpu.memory_space<vmem_shared>> -> memref<10000x128xf32, #tpu.memory_space<vmem_shared>>
      tpu.wait_indirect_dma semaphore(%arg16 : memref<!tpu.dma_semaphore, #tpu.memory_space<semaphore_mem>>) src(%dma_wait3A_61 : memref<10000x128xf32, #tpu.memory_space<vmem_shared>>) dst(%arg12 : memref<32x128xf32, #tpu.memory_space<vmem>>)
      %dma_wait3A_62 = tpu.memref_slice %arg3[%mul3A_2] : memref<641088xi32, #tpu.memory_space<hbm>> -> memref<32xi32, #tpu.memory_space<hbm>>
      %dma_wait3A_63 = tpu.memref_slice %arg3[%mul3A_2] : memref<641088xi32, #tpu.memory_space<hbm>> -> memref<32xi32, #tpu.memory_space<hbm>>
      tpu.wait_dma2 semaphore(%arg19 : memref<!tpu.dma_semaphore, #tpu.memory_space<semaphore_mem>>) src(%dma_wait3A_63 : memref<32xi32, #tpu.memory_space<hbm>>) dst(%arg7 : memref<32xi32, #tpu.memory_space<vmem>>)
      %dma_wait3A_64 = tpu.memref_slice %arg4[%mul3A_2] : memref<641088xi32, #tpu.memory_space<hbm>> -> memref<32xi32, #tpu.memory_space<hbm>>
      %dma_wait3A_65 = tpu.memref_slice %arg4[%mul3A_2] : memref<641088xi32, #tpu.memory_space<hbm>> -> memref<32xi32, #tpu.memory_space<hbm>>
      tpu.wait_dma2 semaphore(%arg21 : memref<!tpu.dma_semaphore, #tpu.memory_space<semaphore_mem>>) src(%dma_wait3A_65 : memref<32xi32, #tpu.memory_space<hbm>>) dst(%arg9 : memref<32xi32, #tpu.memory_space<vmem>>)
      %dma_start3A_66 = arith.constant 0 : i32
      %dma_start3A_67 = arith.constant 0 : i32
      %dma_start3A_68 = tpu.memref_slice %arg15[%dma_start3A_66, %dma_start3A_67] : memref<10000x128xf32, #tpu.memory_space<vmem_shared>> -> memref<10000x128xf32, #tpu.memory_space<vmem_shared>>
      tpu.enqueue_indirect_dma source(%dma_start3A_68 : memref<10000x128xf32, #tpu.memory_space<vmem_shared>>) target(%arg11 : memref<32x128xf32, #tpu.memory_space<vmem>>) offsets(%arg7 : memref<32xi32, #tpu.memory_space<vmem>>) semaphore(%arg17 : memref<!tpu.dma_semaphore, #tpu.memory_space<semaphore_mem>>)
      %dma_start3A_69 = arith.constant 0 : i32
      %dma_start3A_70 = arith.constant 0 : i32
      %dma_start3A_71 = tpu.memref_slice %arg15[%dma_start3A_69, %dma_start3A_70] : memref<10000x128xf32, #tpu.memory_space<vmem_shared>> -> memref<10000x128xf32, #tpu.memory_space<vmem_shared>>
      tpu.enqueue_indirect_dma source(%dma_start3A_71 : memref<10000x128xf32, #tpu.memory_space<vmem_shared>>) target(%arg13 : memref<32x128xf32, #tpu.memory_space<vmem>>) offsets(%arg9 : memref<32xi32, #tpu.memory_space<vmem>>) semaphore(%arg17 : memref<!tpu.dma_semaphore, #tpu.memory_space<semaphore_mem>>)
      %add3A_72 = arith.constant 2 : i32
      %add3A_73 = arith.addi %mul3A_55, %add3A_72 : i32
      %mul3A_74 = arith.constant 32 : i32
      %mul3A_75 = arith.muli %add3A_73, %mul3A_74 : i32
      %add3A_76 = arith.addi %mul3A_2, %mul3A_75 : i32
      %dma_start3A_77 = tpu.memref_slice %arg3[%add3A_76] : memref<641088xi32, #tpu.memory_space<hbm>> -> memref<32xi32, #tpu.memory_space<hbm>>
      %dma_start3A_78 = tpu.memref_slice %arg3[%add3A_76] : memref<641088xi32, #tpu.memory_space<hbm>> -> memref<32xi32, #tpu.memory_space<hbm>>
      tpu.enqueue_dma source(%dma_start3A_78 : memref<32xi32, #tpu.memory_space<hbm>>) target(%arg6 : memref<32xi32, #tpu.memory_space<vmem>>) target_semaphore(%arg18 : memref<!tpu.dma_semaphore, #tpu.memory_space<semaphore_mem>>)
      %dma_start3A_79 = tpu.memref_slice %arg4[%add3A_76] : memref<641088xi32, #tpu.memory_space<hbm>> -> memref<32xi32, #tpu.memory_space<hbm>>
      %dma_start3A_80 = tpu.memref_slice %arg4[%add3A_76] : memref<641088xi32, #tpu.memory_space<hbm>> -> memref<32xi32, #tpu.memory_space<hbm>>
      tpu.enqueue_dma source(%dma_start3A_80 : memref<32xi32, #tpu.memory_space<hbm>>) target(%arg8 : memref<32xi32, #tpu.memory_space<vmem>>) target_semaphore(%arg20 : memref<!tpu.dma_semaphore, #tpu.memory_space<semaphore_mem>>)
      %mul3A_81 = arith.constant 32 : i32
      %mul3A_82 = arith.muli %mul3A_55, %mul3A_81 : i32
      %scan3A_83 = arith.constant 0 : i32
      %scan3A_84 = arith.constant 0 : i32
      %scan3A_85 = arith.constant 2 : i32
      %scan3A_86 = arith.addi %scan3A_84, %scan3A_85 : i32
      %scan3A_87 = arith.constant 1 : i32
      %scan3A_88 = scf.for %scan3A_129 = %scan3A_84 to %scan3A_86 step %scan3A_87 iter_args(%scan3A_130 = %scan3A_83) -> (i32)  : i32 {
        %broadcast_in_dim3A = arith.constant 0.000000e+00 : f32
        %broadcast_in_dim3A_131 = vector.broadcast %broadcast_in_dim3A : f32 to vector<16xf32>
        %mul3A_132 = arith.constant 16 : i32
        %mul3A_133 = arith.muli %scan3A_129, %mul3A_132 : i32
        %add3A_134 = arith.constant 0 : i32
        %add3A_135 = arith.addi %mul3A_133, %add3A_134 : i32
        %get3A = arith.index_cast %add3A_135 : i32 to index
        %get3A_136 = arith.constant 0 : index
        %get3A_137 = tpu.vector_load %arg10[%get3A, %get3A_136] {strides = array<i32>} : memref<32x128xf32, #tpu.memory_space<vmem>>, vector<1x16xf32>,
        %get3A_138 = vector.shape_cast %get3A_137 : vector<1x16xf32> to vector<16xf32>
        %get3A_139 = arith.index_cast %add3A_135 : i32 to index
        %get3A_140 = arith.constant 0 : index
        %get3A_141 = tpu.vector_load %arg12[%get3A_139, %get3A_140] {strides = array<i32>} : memref<32x128xf32, #tpu.memory_space<vmem>>, vector<1x16xf32>,
        %get3A_142 = vector.shape_cast %get3A_141 : vector<1x16xf32> to vector<16xf32>
        %mul3A_143 = arith.mulf %get3A_138, %get3A_142 : vector<16xf32>
        %get3A_144 = arith.index_cast %add3A_135 : i32 to index
        %get3A_145 = arith.constant 16 : index
        %get3A_146 = tpu.vector_load %arg10[%get3A_144, %get3A_145] {strides = array<i32>} : memref<32x128xf32, #tpu.memory_space<vmem>>, vector<1x16xf32>,
        %get3A_147 = vector.shape_cast %get3A_146 : vector<1x16xf32> to vector<16xf32>
        %get3A_148 = arith.index_cast %add3A_135 : i32 to index
        %get3A_149 = arith.constant 16 : index
        %get3A_150 = tpu.vector_load %arg12[%get3A_148, %get3A_149] {strides = array<i32>} : memref<32x128xf32, #tpu.memory_space<vmem>>, vector<1x16xf32>,
        %get3A_151 = vector.shape_cast %get3A_150 : vector<1x16xf32> to vector<16xf32>
        %mul3A_152 = arith.mulf %get3A_147, %get3A_151 : vector<16xf32>
        %add3A_153 = arith.addf %mul3A_143, %mul3A_152 : vector<16xf32>
        %get3A_154 = arith.index_cast %add3A_135 : i32 to index
        %get3A_155 = arith.constant 32 : index
        %get3A_156 = tpu.vector_load %arg10[%get3A_154, %get3A_155] {strides = array<i32>} : memref<32x128xf32, #tpu.memory_space<vmem>>, vector<1x16xf32>,
        %get3A_157 = vector.shape_cast %get3A_156 : vector<1x16xf32> to vector<16xf32>
        %get3A_158 = arith.index_cast %add3A_135 : i32 to index
        %get3A_159 = arith.constant 32 : index
        %get3A_160 = tpu.vector_load %arg12[%get3A_158, %get3A_159] {strides = array<i32>} : memref<32x128xf32, #tpu.memory_space<vmem>>, vector<1x16xf32>,
        %get3A_161 = vector.shape_cast %get3A_160 : vector<1x16xf32> to vector<16xf32>
        %mul3A_162 = arith.mulf %get3A_157, %get3A_161 : vector<16xf32>
        %add3A_163 = arith.addf %add3A_153, %mul3A_162 : vector<16xf32>
        %get3A_164 = arith.index_cast %add3A_135 : i32 to index
        %get3A_165 = arith.constant 48 : index
        %get3A_166 = tpu.vector_load %arg10[%get3A_164, %get3A_165] {strides = array<i32>} : memref<32x128xf32, #tpu.memory_space<vmem>>, vector<1x16xf32>,
        %get3A_167 = vector.shape_cast %get3A_166 : vector<1x16xf32> to vector<16xf32>
        %get3A_168 = arith.index_cast %add3A_135 : i32 to index
        %get3A_169 = arith.constant 48 : index
        %get3A_170 = tpu.vector_load %arg12[%get3A_168, %get3A_169] {strides = array<i32>} : memref<32x128xf32, #tpu.memory_space<vmem>>, vector<1x16xf32>,
        %get3A_171 = vector.shape_cast %get3A_170 : vector<1x16xf32> to vector<16xf32>
        %mul3A_172 = arith.mulf %get3A_167, %get3A_171 : vector<16xf32>
        %add3A_173 = arith.addf %add3A_163, %mul3A_172 : vector<16xf32>
        %get3A_174 = arith.index_cast %add3A_135 : i32 to index
        %get3A_175 = arith.constant 64 : index
        %get3A_176 = tpu.vector_load %arg10[%get3A_174, %get3A_175] {strides = array<i32>} : memref<32x128xf32, #tpu.memory_space<vmem>>, vector<1x16xf32>,
        %get3A_177 = vector.shape_cast %get3A_176 : vector<1x16xf32> to vector<16xf32>
        %get3A_178 = arith.index_cast %add3A_135 : i32 to index
        %get3A_179 = arith.constant 64 : index
        %get3A_180 = tpu.vector_load %arg12[%get3A_178, %get3A_179] {strides = array<i32>} : memref<32x128xf32, #tpu.memory_space<vmem>>, vector<1x16xf32>,
        %get3A_181 = vector.shape_cast %get3A_180 : vector<1x16xf32> to vector<16xf32>
        %mul3A_182 = arith.mulf %get3A_177, %get3A_181 : vector<16xf32>
        %add3A_183 = arith.addf %add3A_173, %mul3A_182 : vector<16xf32>
        %get3A_184 = arith.index_cast %add3A_135 : i32 to index
        %get3A_185 = arith.constant 80 : index
        %get3A_186 = tpu.vector_load %arg10[%get3A_184, %get3A_185] {strides = array<i32>} : memref<32x128xf32, #tpu.memory_space<vmem>>, vector<1x16xf32>,
        %get3A_187 = vector.shape_cast %get3A_186 : vector<1x16xf32> to vector<16xf32>
        %get3A_188 = arith.index_cast %add3A_135 : i32 to index
        %get3A_189 = arith.constant 80 : index
        %get3A_190 = tpu.vector_load %arg12[%get3A_188, %get3A_189] {strides = array<i32>} : memref<32x128xf32, #tpu.memory_space<vmem>>, vector<1x16xf32>,
        %get3A_191 = vector.shape_cast %get3A_190 : vector<1x16xf32> to vector<16xf32>
        %mul3A_192 = arith.mulf %get3A_187, %get3A_191 : vector<16xf32>
        %add3A_193 = arith.addf %add3A_183, %mul3A_192 : vector<16xf32>
        %get3A_194 = arith.index_cast %add3A_135 : i32 to index
        %get3A_195 = arith.constant 96 : index
        %get3A_196 = tpu.vector_load %arg10[%get3A_194, %get3A_195] {strides = array<i32>} : memref<32x128xf32, #tpu.memory_space<vmem>>, vector<1x16xf32>,
        %get3A_197 = vector.shape_cast %get3A_196 : vector<1x16xf32> to vector<16xf32>
        %get3A_198 = arith.index_cast %add3A_135 : i32 to index
        %get3A_199 = arith.constant 96 : index
        %get3A_200 = tpu.vector_load %arg12[%get3A_198, %get3A_199] {strides = array<i32>} : memref<32x128xf32, #tpu.memory_space<vmem>>, vector<1x16xf32>,
        %get3A_201 = vector.shape_cast %get3A_200 : vector<1x16xf32> to vector<16xf32>
        %mul3A_202 = arith.mulf %get3A_197, %get3A_201 : vector<16xf32>
        %add3A_203 = arith.addf %add3A_193, %mul3A_202 : vector<16xf32>
        %get3A_204 = arith.index_cast %add3A_135 : i32 to index
        %get3A_205 = arith.constant 112 : index
        %get3A_206 = tpu.vector_load %arg10[%get3A_204, %get3A_205] {strides = array<i32>} : memref<32x128xf32, #tpu.memory_space<vmem>>, vector<1x16xf32>,
        %get3A_207 = vector.shape_cast %get3A_206 : vector<1x16xf32> to vector<16xf32>
        %get3A_208 = arith.index_cast %add3A_135 : i32 to index
        %get3A_209 = arith.constant 112 : index
        %get3A_210 = tpu.vector_load %arg12[%get3A_208, %get3A_209] {strides = array<i32>} : memref<32x128xf32, #tpu.memory_space<vmem>>, vector<1x16xf32>,
        %get3A_211 = vector.shape_cast %get3A_210 : vector<1x16xf32> to vector<16xf32>
        %mul3A_212 = arith.mulf %get3A_207, %get3A_211 : vector<16xf32>
        %add3A_213 = arith.addf %add3A_203, %mul3A_212 : vector<16xf32>
        %broadcast_in_dim3A_214 = vector.shape_cast %xor3A_4 : vector<16xi32> to vector<16x1xi32>
        %gather3A = vector.shape_cast %broadcast_in_dim3A_214 : vector<16x1xi32> to vector<16xi32>
        %gather3A_215 = tpu.dynamic_gather %add3A_213[%gather3A] in [0] : vector<16xf32>, vector<16xi32> -> vector<16xf32>
        %add3A_216 = arith.addf %add3A_213, %gather3A_215 : vector<16xf32>
        %broadcast_in_dim3A_217 = vector.shape_cast %xor3A_7 : vector<16xi32> to vector<16x1xi32>
        %gather3A_218 = vector.shape_cast %broadcast_in_dim3A_217 : vector<16x1xi32> to vector<16xi32>
        %gather3A_219 = tpu.dynamic_gather %add3A_216[%gather3A_218] in [0] : vector<16xf32>, vector<16xi32> -> vector<16xf32>
        %add3A_220 = arith.addf %add3A_216, %gather3A_219 : vector<16xf32>
        %broadcast_in_dim3A_221 = vector.shape_cast %xor3A_10 : vector<16xi32> to vector<16x1xi32>
        %gather3A_222 = vector.shape_cast %broadcast_in_dim3A_221 : vector<16x1xi32> to vector<16xi32>
        %gather3A_223 = tpu.dynamic_gather %add3A_220[%gather3A_222] in [0] : vector<16xf32>, vector<16xi32> -> vector<16xf32>
        %add3A_224 = arith.addf %add3A_220, %gather3A_223 : vector<16xf32>
        %broadcast_in_dim3A_225 = vector.shape_cast %xor3A_13 : vector<16xi32> to vector<16x1xi32>
        %gather3A_226 = vector.shape_cast %broadcast_in_dim3A_225 : vector<16x1xi32> to vector<16xi32>
        %gather3A_227 = tpu.dynamic_gather %add3A_224[%gather3A_226] in [0] : vector<16xf32>, vector<16xi32> -> vector<16xf32>
        %add3A_228 = arith.addf %add3A_224, %gather3A_227 : vector<16xf32>
        %eq3A_229 = arith.constant 0 : i32
        %eq3A_230 = vector.broadcast %eq3A_229 : i32 to vector<16xi32>
        %eq3A_231 = arith.cmpi eq, %iota3A, %eq3A_230 : vector<16xi32>
        %select_n3A = arith.select %eq3A_231, %add3A_228, %broadcast_in_dim3A_131 : vector<16xi1>, vector<16xf32>
        %mul3A_232 = arith.constant 16 : i32
        %mul3A_233 = arith.muli %scan3A_129, %mul3A_232 : i32
        %add3A_234 = arith.constant 1 : i32
        %add3A_235 = arith.addi %mul3A_233, %add3A_234 : i32
        %get3A_236 = arith.index_cast %add3A_235 : i32 to index
        %get3A_237 = arith.constant 0 : index
        %get3A_238 = tpu.vector_load %arg10[%get3A_236, %get3A_237] {strides = array<i32>} : memref<32x128xf32, #tpu.memory_space<vmem>>, vector<1x16xf32>,
        %get3A_239 = vector.shape_cast %get3A_238 : vector<1x16xf32> to vector<16xf32>
        %get3A_240 = arith.index_cast %add3A_235 : i32 to index
        %get3A_241 = arith.constant 0 : index
        %get3A_242 = tpu.vector_load %arg12[%get3A_240, %get3A_241] {strides = array<i32>} : memref<32x128xf32, #tpu.memory_space<vmem>>, vector<1x16xf32>,
        %get3A_243 = vector.shape_cast %get3A_242 : vector<1x16xf32> to vector<16xf32>
        %mul3A_244 = arith.mulf %get3A_239, %get3A_243 : vector<16xf32>
        %get3A_245 = arith.index_cast %add3A_235 : i32 to index
        %get3A_246 = arith.constant 16 : index
        %get3A_247 = tpu.vector_load %arg10[%get3A_245, %get3A_246] {strides = array<i32>} : memref<32x128xf32, #tpu.memory_space<vmem>>, vector<1x16xf32>,
        %get3A_248 = vector.shape_cast %get3A_247 : vector<1x16xf32> to vector<16xf32>
        %get3A_249 = arith.index_cast %add3A_235 : i32 to index
        %get3A_250 = arith.constant 16 : index
        %get3A_251 = tpu.vector_load %arg12[%get3A_249, %get3A_250] {strides = array<i32>} : memref<32x128xf32, #tpu.memory_space<vmem>>, vector<1x16xf32>,
        %get3A_252 = vector.shape_cast %get3A_251 : vector<1x16xf32> to vector<16xf32>
        %mul3A_253 = arith.mulf %get3A_248, %get3A_252 : vector<16xf32>
        %add3A_254 = arith.addf %mul3A_244, %mul3A_253 : vector<16xf32>
        %get3A_255 = arith.index_cast %add3A_235 : i32 to index
        %get3A_256 = arith.constant 32 : index
        %get3A_257 = tpu.vector_load %arg10[%get3A_255, %get3A_256] {strides = array<i32>} : memref<32x128xf32, #tpu.memory_space<vmem>>, vector<1x16xf32>,
        %get3A_258 = vector.shape_cast %get3A_257 : vector<1x16xf32> to vector<16xf32>
        %get3A_259 = arith.index_cast %add3A_235 : i32 to index
        %get3A_260 = arith.constant 32 : index
        %get3A_261 = tpu.vector_load %arg12[%get3A_259, %get3A_260] {strides = array<i32>} : memref<32x128xf32, #tpu.memory_space<vmem>>, vector<1x16xf32>,
        %get3A_262 = vector.shape_cast %get3A_261 : vector<1x16xf32> to vector<16xf32>
        %mul3A_263 = arith.mulf %get3A_258, %get3A_262 : vector<16xf32>
        %add3A_264 = arith.addf %add3A_254, %mul3A_263 : vector<16xf32>
        %get3A_265 = arith.index_cast %add3A_235 : i32 to index
        %get3A_266 = arith.constant 48 : index
        %get3A_267 = tpu.vector_load %arg10[%get3A_265, %get3A_266] {strides = array<i32>} : memref<32x128xf32, #tpu.memory_space<vmem>>, vector<1x16xf32>,
        %get3A_268 = vector.shape_cast %get3A_267 : vector<1x16xf32> to vector<16xf32>
        %get3A_269 = arith.index_cast %add3A_235 : i32 to index
        %get3A_270 = arith.constant 48 : index
        %get3A_271 = tpu.vector_load %arg12[%get3A_269, %get3A_270] {strides = array<i32>} : memref<32x128xf32, #tpu.memory_space<vmem>>, vector<1x16xf32>,
        %get3A_272 = vector.shape_cast %get3A_271 : vector<1x16xf32> to vector<16xf32>
        %mul3A_273 = arith.mulf %get3A_268, %get3A_272 : vector<16xf32>
        %add3A_274 = arith.addf %add3A_264, %mul3A_273 : vector<16xf32>
        %get3A_275 = arith.index_cast %add3A_235 : i32 to index
        %get3A_276 = arith.constant 64 : index
        %get3A_277 = tpu.vector_load %arg10[%get3A_275, %get3A_276] {strides = array<i32>} : memref<32x128xf32, #tpu.memory_space<vmem>>, vector<1x16xf32>,
        %get3A_278 = vector.shape_cast %get3A_277 : vector<1x16xf32> to vector<16xf32>
        %get3A_279 = arith.index_cast %add3A_235 : i32 to index
        %get3A_280 = arith.constant 64 : index
        %get3A_281 = tpu.vector_load %arg12[%get3A_279, %get3A_280] {strides = array<i32>} : memref<32x128xf32, #tpu.memory_space<vmem>>, vector<1x16xf32>,
        %get3A_282 = vector.shape_cast %get3A_281 : vector<1x16xf32> to vector<16xf32>
        %mul3A_283 = arith.mulf %get3A_278, %get3A_282 : vector<16xf32>
        %add3A_284 = arith.addf %add3A_274, %mul3A_283 : vector<16xf32>
        %get3A_285 = arith.index_cast %add3A_235 : i32 to index
        %get3A_286 = arith.constant 80 : index
        %get3A_287 = tpu.vector_load %arg10[%get3A_285, %get3A_286] {strides = array<i32>} : memref<32x128xf32, #tpu.memory_space<vmem>>, vector<1x16xf32>,
        %get3A_288 = vector.shape_cast %get3A_287 : vector<1x16xf32> to vector<16xf32>
        %get3A_289 = arith.index_cast %add3A_235 : i32 to index
        %get3A_290 = arith.constant 80 : index
        %get3A_291 = tpu.vector_load %arg12[%get3A_289, %get3A_290] {strides = array<i32>} : memref<32x128xf32, #tpu.memory_space<vmem>>, vector<1x16xf32>,
        %get3A_292 = vector.shape_cast %get3A_291 : vector<1x16xf32> to vector<16xf32>
        %mul3A_293 = arith.mulf %get3A_288, %get3A_292 : vector<16xf32>
        %add3A_294 = arith.addf %add3A_284, %mul3A_293 : vector<16xf32>
        %get3A_295 = arith.index_cast %add3A_235 : i32 to index
        %get3A_296 = arith.constant 96 : index
        %get3A_297 = tpu.vector_load %arg10[%get3A_295, %get3A_296] {strides = array<i32>} : memref<32x128xf32, #tpu.memory_space<vmem>>, vector<1x16xf32>,
        %get3A_298 = vector.shape_cast %get3A_297 : vector<1x16xf32> to vector<16xf32>
        %get3A_299 = arith.index_cast %add3A_235 : i32 to index
        %get3A_300 = arith.constant 96 : index
        %get3A_301 = tpu.vector_load %arg12[%get3A_299, %get3A_300] {strides = array<i32>} : memref<32x128xf32, #tpu.memory_space<vmem>>, vector<1x16xf32>,
        %get3A_302 = vector.shape_cast %get3A_301 : vector<1x16xf32> to vector<16xf32>
        %mul3A_303 = arith.mulf %get3A_298, %get3A_302 : vector<16xf32>
        %add3A_304 = arith.addf %add3A_294, %mul3A_303 : vector<16xf32>
        %get3A_305 = arith.index_cast %add3A_235 : i32 to index
        %get3A_306 = arith.constant 112 : index
        %get3A_307 = tpu.vector_load %arg10[%get3A_305, %get3A_306] {strides = array<i32>} : memref<32x128xf32, #tpu.memory_space<vmem>>, vector<1x16xf32>,
        %get3A_308 = vector.shape_cast %get3A_307 : vector<1x16xf32> to vector<16xf32>
        %get3A_309 = arith.index_cast %add3A_235 : i32 to index
        %get3A_310 = arith.constant 112 : index
        %get3A_311 = tpu.vector_load %arg12[%get3A_309, %get3A_310] {strides = array<i32>} : memref<32x128xf32, #tpu.memory_space<vmem>>, vector<1x16xf32>,
        %get3A_312 = vector.shape_cast %get3A_311 : vector<1x16xf32> to vector<16xf32>
        %mul3A_313 = arith.mulf %get3A_308, %get3A_312 : vector<16xf32>
        %add3A_314 = arith.addf %add3A_304, %mul3A_313 : vector<16xf32>
        %broadcast_in_dim3A_315 = vector.shape_cast %xor3A_4 : vector<16xi32> to vector<16x1xi32>
        %gather3A_316 = vector.shape_cast %broadcast_in_dim3A_315 : vector<16x1xi32> to vector<16xi32>
        %gather3A_317 = tpu.dynamic_gather %add3A_314[%gather3A_316] in [0] : vector<16xf32>, vector<16xi32> -> vector<16xf32>
        %add3A_318 = arith.addf %add3A_314, %gather3A_317 : vector<16xf32>
        %broadcast_in_dim3A_319 = vector.shape_cast %xor3A_7 : vector<16xi32> to vector<16x1xi32>
        %gather3A_320 = vector.shape_cast %broadcast_in_dim3A_319 : vector<16x1xi32> to vector<16xi32>
        %gather3A_321 = tpu.dynamic_gather %add3A_318[%gather3A_320] in [0] : vector<16xf32>, vector<16xi32> -> vector<16xf32>
        %add3A_322 = arith.addf %add3A_318, %gather3A_321 : vector<16xf32>
        %broadcast_in_dim3A_323 = vector.shape_cast %xor3A_10 : vector<16xi32> to vector<16x1xi32>
        %gather3A_324 = vector.shape_cast %broadcast_in_dim3A_323 : vector<16x1xi32> to vector<16xi32>
        %gather3A_325 = tpu.dynamic_gather %add3A_322[%gather3A_324] in [0] : vector<16xf32>, vector<16xi32> -> vector<16xf32>
        %add3A_326 = arith.addf %add3A_322, %gather3A_325 : vector<16xf32>
        %broadcast_in_dim3A_327 = vector.shape_cast %xor3A_13 : vector<16xi32> to vector<16x1xi32>
        %gather3A_328 = vector.shape_cast %broadcast_in_dim3A_327 : vector<16x1xi32> to vector<16xi32>
        %gather3A_329 = tpu.dynamic_gather %add3A_326[%gather3A_328] in [0] : vector<16xf32>, vector<16xi32> -> vector<16xf32>
        %add3A_330 = arith.addf %add3A_326, %gather3A_329 : vector<16xf32>
        %eq3A_331 = arith.constant 1 : i32
        %eq3A_332 = vector.broadcast %eq3A_331 : i32 to vector<16xi32>
        %eq3A_333 = arith.cmpi eq, %iota3A, %eq3A_332 : vector<16xi32>
        %select_n3A_334 = arith.select %eq3A_333, %add3A_330, %select_n3A : vector<16xi1>, vector<16xf32>
        %mul3A_335 = arith.constant 16 : i32
        %mul3A_336 = arith.muli %scan3A_129, %mul3A_335 : i32
        %add3A_337 = arith.constant 2 : i32
        %add3A_338 = arith.addi %mul3A_336, %add3A_337 : i32
        %get3A_339 = arith.index_cast %add3A_338 : i32 to index
        %get3A_340 = arith.constant 0 : index
        %get3A_341 = tpu.vector_load %arg10[%get3A_339, %get3A_340] {strides = array<i32>} : memref<32x128xf32, #tpu.memory_space<vmem>>, vector<1x16xf32>,
        %get3A_342 = vector.shape_cast %get3A_341 : vector<1x16xf32> to vector<16xf32>
        %get3A_343 = arith.index_cast %add3A_338 : i32 to index
        %get3A_344 = arith.constant 0 : index
        %get3A_345 = tpu.vector_load %arg12[%get3A_343, %get3A_344] {strides = array<i32>} : memref<32x128xf32, #tpu.memory_space<vmem>>, vector<1x16xf32>,
        %get3A_346 = vector.shape_cast %get3A_345 : vector<1x16xf32> to vector<16xf32>
        %mul3A_347 = arith.mulf %get3A_342, %get3A_346 : vector<16xf32>
        %get3A_348 = arith.index_cast %add3A_338 : i32 to index
        %get3A_349 = arith.constant 16 : index
        %get3A_350 = tpu.vector_load %arg10[%get3A_348, %get3A_349] {strides = array<i32>} : memref<32x128xf32, #tpu.memory_space<vmem>>, vector<1x16xf32>,
        %get3A_351 = vector.shape_cast %get3A_350 : vector<1x16xf32> to vector<16xf32>
        %get3A_352 = arith.index_cast %add3A_338 : i32 to index
        %get3A_353 = arith.constant 16 : index
        %get3A_354 = tpu.vector_load %arg12[%get3A_352, %get3A_353] {strides = array<i32>} : memref<32x128xf32, #tpu.memory_space<vmem>>, vector<1x16xf32>,
        %get3A_355 = vector.shape_cast %get3A_354 : vector<1x16xf32> to vector<16xf32>
        %mul3A_356 = arith.mulf %get3A_351, %get3A_355 : vector<16xf32>
        %add3A_357 = arith.addf %mul3A_347, %mul3A_356 : vector<16xf32>
        %get3A_358 = arith.index_cast %add3A_338 : i32 to index
        %get3A_359 = arith.constant 32 : index
        %get3A_360 = tpu.vector_load %arg10[%get3A_358, %get3A_359] {strides = array<i32>} : memref<32x128xf32, #tpu.memory_space<vmem>>, vector<1x16xf32>,
        %get3A_361 = vector.shape_cast %get3A_360 : vector<1x16xf32> to vector<16xf32>
        %get3A_362 = arith.index_cast %add3A_338 : i32 to index
        %get3A_363 = arith.constant 32 : index
        %get3A_364 = tpu.vector_load %arg12[%get3A_362, %get3A_363] {strides = array<i32>} : memref<32x128xf32, #tpu.memory_space<vmem>>, vector<1x16xf32>,
        %get3A_365 = vector.shape_cast %get3A_364 : vector<1x16xf32> to vector<16xf32>
        %mul3A_366 = arith.mulf %get3A_361, %get3A_365 : vector<16xf32>
        %add3A_367 = arith.addf %add3A_357, %mul3A_366 : vector<16xf32>
        %get3A_368 = arith.index_cast %add3A_338 : i32 to index
        %get3A_369 = arith.constant 48 : index
        %get3A_370 = tpu.vector_load %arg10[%get3A_368, %get3A_369] {strides = array<i32>} : memref<32x128xf32, #tpu.memory_space<vmem>>, vector<1x16xf32>,
        %get3A_371 = vector.shape_cast %get3A_370 : vector<1x16xf32> to vector<16xf32>
        %get3A_372 = arith.index_cast %add3A_338 : i32 to index
        %get3A_373 = arith.constant 48 : index
        %get3A_374 = tpu.vector_load %arg12[%get3A_372, %get3A_373] {strides = array<i32>} : memref<32x128xf32, #tpu.memory_space<vmem>>, vector<1x16xf32>,
        %get3A_375 = vector.shape_cast %get3A_374 : vector<1x16xf32> to vector<16xf32>
        %mul3A_376 = arith.mulf %get3A_371, %get3A_375 : vector<16xf32>
        %add3A_377 = arith.addf %add3A_367, %mul3A_376 : vector<16xf32>
        %get3A_378 = arith.index_cast %add3A_338 : i32 to index
        %get3A_379 = arith.constant 64 : index
        %get3A_380 = tpu.vector_load %arg10[%get3A_378, %get3A_379] {strides = array<i32>} : memref<32x128xf32, #tpu.memory_space<vmem>>, vector<1x16xf32>,
        %get3A_381 = vector.shape_cast %get3A_380 : vector<1x16xf32> to vector<16xf32>
        %get3A_382 = arith.index_cast %add3A_338 : i32 to index
        %get3A_383 = arith.constant 64 : index
        %get3A_384 = tpu.vector_load %arg12[%get3A_382, %get3A_383] {strides = array<i32>} : memref<32x128xf32, #tpu.memory_space<vmem>>, vector<1x16xf32>,
        %get3A_385 = vector.shape_cast %get3A_384 : vector<1x16xf32> to vector<16xf32>
        %mul3A_386 = arith.mulf %get3A_381, %get3A_385 : vector<16xf32>
        %add3A_387 = arith.addf %add3A_377, %mul3A_386 : vector<16xf32>
        %get3A_388 = arith.index_cast %add3A_338 : i32 to index
        %get3A_389 = arith.constant 80 : index
        %get3A_390 = tpu.vector_load %arg10[%get3A_388, %get3A_389] {strides = array<i32>} : memref<32x128xf32, #tpu.memory_space<vmem>>, vector<1x16xf32>,
        %get3A_391 = vector.shape_cast %get3A_390 : vector<1x16xf32> to vector<16xf32>
        %get3A_392 = arith.index_cast %add3A_338 : i32 to index
        %get3A_393 = arith.constant 80 : index
        %get3A_394 = tpu.vector_load %arg12[%get3A_392, %get3A_393] {strides = array<i32>} : memref<32x128xf32, #tpu.memory_space<vmem>>, vector<1x16xf32>,
        %get3A_395 = vector.shape_cast %get3A_394 : vector<1x16xf32> to vector<16xf32>
        %mul3A_396 = arith.mulf %get3A_391, %get3A_395 : vector<16xf32>
        %add3A_397 = arith.addf %add3A_387, %mul3A_396 : vector<16xf32>
        %get3A_398 = arith.index_cast %add3A_338 : i32 to index
        %get3A_399 = arith.constant 96 : index
        %get3A_400 = tpu.vector_load %arg10[%get3A_398, %get3A_399] {strides = array<i32>} : memref<32x128xf32, #tpu.memory_space<vmem>>, vector<1x16xf32>,
        %get3A_401 = vector.shape_cast %get3A_400 : vector<1x16xf32> to vector<16xf32>
        %get3A_402 = arith.index_cast %add3A_338 : i32 to index
        %get3A_403 = arith.constant 96 : index
        %get3A_404 = tpu.vector_load %arg12[%get3A_402, %get3A_403] {strides = array<i32>} : memref<32x128xf32, #tpu.memory_space<vmem>>, vector<1x16xf32>,
        %get3A_405 = vector.shape_cast %get3A_404 : vector<1x16xf32> to vector<16xf32>
        %mul3A_406 = arith.mulf %get3A_401, %get3A_405 : vector<16xf32>
        %add3A_407 = arith.addf %add3A_397, %mul3A_406 : vector<16xf32>
        %get3A_408 = arith.index_cast %add3A_338 : i32 to index
        %get3A_409 = arith.constant 112 : index
        %get3A_410 = tpu.vector_load %arg10[%get3A_408, %get3A_409] {strides = array<i32>} : memref<32x128xf32, #tpu.memory_space<vmem>>, vector<1x16xf32>,
        %get3A_411 = vector.shape_cast %get3A_410 : vector<1x16xf32> to vector<16xf32>
        %get3A_412 = arith.index_cast %add3A_338 : i32 to index
        %get3A_413 = arith.constant 112 : index
        %get3A_414 = tpu.vector_load %arg12[%get3A_412, %get3A_413] {strides = array<i32>} : memref<32x128xf32, #tpu.memory_space<vmem>>, vector<1x16xf32>,
        %get3A_415 = vector.shape_cast %get3A_414 : vector<1x16xf32> to vector<16xf32>
        %mul3A_416 = arith.mulf %get3A_411, %get3A_415 : vector<16xf32>
        %add3A_417 = arith.addf %add3A_407, %mul3A_416 : vector<16xf32>
        %broadcast_in_dim3A_418 = vector.shape_cast %xor3A_4 : vector<16xi32> to vector<16x1xi32>
        %gather3A_419 = vector.shape_cast %broadcast_in_dim3A_418 : vector<16x1xi32> to vector<16xi32>
        %gather3A_420 = tpu.dynamic_gather %add3A_417[%gather3A_419] in [0] : vector<16xf32>, vector<16xi32> -> vector<16xf32>
        %add3A_421 = arith.addf %add3A_417, %gather3A_420 : vector<16xf32>
        %broadcast_in_dim3A_422 = vector.shape_cast %xor3A_7 : vector<16xi32> to vector<16x1xi32>
        %gather3A_423 = vector.shape_cast %broadcast_in_dim3A_422 : vector<16x1xi32> to vector<16xi32>
        %gather3A_424 = tpu.dynamic_gather %add3A_421[%gather3A_423] in [0] : vector<16xf32>, vector<16xi32> -> vector<16xf32>
        %add3A_425 = arith.addf %add3A_421, %gather3A_424 : vector<16xf32>
        %broadcast_in_dim3A_426 = vector.shape_cast %xor3A_10 : vector<16xi32> to vector<16x1xi32>
        %gather3A_427 = vector.shape_cast %broadcast_in_dim3A_426 : vector<16x1xi32> to vector<16xi32>
        %gather3A_428 = tpu.dynamic_gather %add3A_425[%gather3A_427] in [0] : vector<16xf32>, vector<16xi32> -> vector<16xf32>
        %add3A_429 = arith.addf %add3A_425, %gather3A_428 : vector<16xf32>
        %broadcast_in_dim3A_430 = vector.shape_cast %xor3A_13 : vector<16xi32> to vector<16x1xi32>
        %gather3A_431 = vector.shape_cast %broadcast_in_dim3A_430 : vector<16x1xi32> to vector<16xi32>
        %gather3A_432 = tpu.dynamic_gather %add3A_429[%gather3A_431] in [0] : vector<16xf32>, vector<16xi32> -> vector<16xf32>
        %add3A_433 = arith.addf %add3A_429, %gather3A_432 : vector<16xf32>
        %eq3A_434 = arith.constant 2 : i32
        %eq3A_435 = vector.broadcast %eq3A_434 : i32 to vector<16xi32>
        %eq3A_436 = arith.cmpi eq, %iota3A, %eq3A_435 : vector<16xi32>
        %select_n3A_437 = arith.select %eq3A_436, %add3A_433, %select_n3A_334 : vector<16xi1>, vector<16xf32>
        %mul3A_438 = arith.constant 16 : i32
        %mul3A_439 = arith.muli %scan3A_129, %mul3A_438 : i32
        %add3A_440 = arith.constant 3 : i32
        %add3A_441 = arith.addi %mul3A_439, %add3A_440 : i32
        %get3A_442 = arith.index_cast %add3A_441 : i32 to index
        %get3A_443 = arith.constant 0 : index
        %get3A_444 = tpu.vector_load %arg10[%get3A_442, %get3A_443] {strides = array<i32>} : memref<32x128xf32, #tpu.memory_space<vmem>>, vector<1x16xf32>,
        %get3A_445 = vector.shape_cast %get3A_444 : vector<1x16xf32> to vector<16xf32>
        %get3A_446 = arith.index_cast %add3A_441 : i32 to index
        %get3A_447 = arith.constant 0 : index
        %get3A_448 = tpu.vector_load %arg12[%get3A_446, %get3A_447] {strides = array<i32>} : memref<32x128xf32, #tpu.memory_space<vmem>>, vector<1x16xf32>,
        %get3A_449 = vector.shape_cast %get3A_448 : vector<1x16xf32> to vector<16xf32>
        %mul3A_450 = arith.mulf %get3A_445, %get3A_449 : vector<16xf32>
        %get3A_451 = arith.index_cast %add3A_441 : i32 to index
        %get3A_452 = arith.constant 16 : index
        %get3A_453 = tpu.vector_load %arg10[%get3A_451, %get3A_452] {strides = array<i32>} : memref<32x128xf32, #tpu.memory_space<vmem>>, vector<1x16xf32>,
        %get3A_454 = vector.shape_cast %get3A_453 : vector<1x16xf32> to vector<16xf32>
        %get3A_455 = arith.index_cast %add3A_441 : i32 to index
        %get3A_456 = arith.constant 16 : index
        %get3A_457 = tpu.vector_load %arg12[%get3A_455, %get3A_456] {strides = array<i32>} : memref<32x128xf32, #tpu.memory_space<vmem>>, vector<1x16xf32>,
        %get3A_458 = vector.shape_cast %get3A_457 : vector<1x16xf32> to vector<16xf32>
        %mul3A_459 = arith.mulf %get3A_454, %get3A_458 : vector<16xf32>
        %add3A_460 = arith.addf %mul3A_450, %mul3A_459 : vector<16xf32>
        %get3A_461 = arith.index_cast %add3A_441 : i32 to index
        %get3A_462 = arith.constant 32 : index
        %get3A_463 = tpu.vector_load %arg10[%get3A_461, %get3A_462] {strides = array<i32>} : memref<32x128xf32, #tpu.memory_space<vmem>>, vector<1x16xf32>,
        %get3A_464 = vector.shape_cast %get3A_463 : vector<1x16xf32> to vector<16xf32>
        %get3A_465 = arith.index_cast %add3A_441 : i32 to index
        %get3A_466 = arith.constant 32 : index
        %get3A_467 = tpu.vector_load %arg12[%get3A_465, %get3A_466] {strides = array<i32>} : memref<32x128xf32, #tpu.memory_space<vmem>>, vector<1x16xf32>,
        %get3A_468 = vector.shape_cast %get3A_467 : vector<1x16xf32> to vector<16xf32>
        %mul3A_469 = arith.mulf %get3A_464, %get3A_468 : vector<16xf32>
        %add3A_470 = arith.addf %add3A_460, %mul3A_469 : vector<16xf32>
        %get3A_471 = arith.index_cast %add3A_441 : i32 to index
        %get3A_472 = arith.constant 48 : index
        %get3A_473 = tpu.vector_load %arg10[%get3A_471, %get3A_472] {strides = array<i32>} : memref<32x128xf32, #tpu.memory_space<vmem>>, vector<1x16xf32>,
        %get3A_474 = vector.shape_cast %get3A_473 : vector<1x16xf32> to vector<16xf32>
        %get3A_475 = arith.index_cast %add3A_441 : i32 to index
        %get3A_476 = arith.constant 48 : index
        %get3A_477 = tpu.vector_load %arg12[%get3A_475, %get3A_476] {strides = array<i32>} : memref<32x128xf32, #tpu.memory_space<vmem>>, vector<1x16xf32>,
        %get3A_478 = vector.shape_cast %get3A_477 : vector<1x16xf32> to vector<16xf32>
        %mul3A_479 = arith.mulf %get3A_474, %get3A_478 : vector<16xf32>
        %add3A_480 = arith.addf %add3A_470, %mul3A_479 : vector<16xf32>
        %get3A_481 = arith.index_cast %add3A_441 : i32 to index
        %get3A_482 = arith.constant 64 : index
        %get3A_483 = tpu.vector_load %arg10[%get3A_481, %get3A_482] {strides = array<i32>} : memref<32x128xf32, #tpu.memory_space<vmem>>, vector<1x16xf32>,
        %get3A_484 = vector.shape_cast %get3A_483 : vector<1x16xf32> to vector<16xf32>
        %get3A_485 = arith.index_cast %add3A_441 : i32 to index
        %get3A_486 = arith.constant 64 : index
        %get3A_487 = tpu.vector_load %arg12[%get3A_485, %get3A_486] {strides = array<i32>} : memref<32x128xf32, #tpu.memory_space<vmem>>, vector<1x16xf32>,
        %get3A_488 = vector.shape_cast %get3A_487 : vector<1x16xf32> to vector<16xf32>
        %mul3A_489 = arith.mulf %get3A_484, %get3A_488 : vector<16xf32>
        %add3A_490 = arith.addf %add3A_480, %mul3A_489 : vector<16xf32>
        %get3A_491 = arith.index_cast %add3A_441 : i32 to index
        %get3A_492 = arith.constant 80 : index
        %get3A_493 = tpu.vector_load %arg10[%get3A_491, %get3A_492] {strides = array<i32>} : memref<32x128xf32, #tpu.memory_space<vmem>>, vector<1x16xf32>,
        %get3A_494 = vector.shape_cast %get3A_493 : vector<1x16xf32> to vector<16xf32>
        %get3A_495 = arith.index_cast %add3A_441 : i32 to index
        %get3A_496 = arith.constant 80 : index
        %get3A_497 = tpu.vector_load %arg12[%get3A_495, %get3A_496] {strides = array<i32>} : memref<32x128xf32, #tpu.memory_space<vmem>>, vector<1x16xf32>,
        %get3A_498 = vector.shape_cast %get3A_497 : vector<1x16xf32> to vector<16xf32>
        %mul3A_499 = arith.mulf %get3A_494, %get3A_498 : vector<16xf32>
        %add3A_500 = arith.addf %add3A_490, %mul3A_499 : vector<16xf32>
        %get3A_501 = arith.index_cast %add3A_441 : i32 to index
        %get3A_502 = arith.constant 96 : index
        %get3A_503 = tpu.vector_load %arg10[%get3A_501, %get3A_502] {strides = array<i32>} : memref<32x128xf32, #tpu.memory_space<vmem>>, vector<1x16xf32>,
        %get3A_504 = vector.shape_cast %get3A_503 : vector<1x16xf32> to vector<16xf32>
        %get3A_505 = arith.index_cast %add3A_441 : i32 to index
        %get3A_506 = arith.constant 96 : index
        %get3A_507 = tpu.vector_load %arg12[%get3A_505, %get3A_506] {strides = array<i32>} : memref<32x128xf32, #tpu.memory_space<vmem>>, vector<1x16xf32>,
        %get3A_508 = vector.shape_cast %get3A_507 : vector<1x16xf32> to vector<16xf32>
        %mul3A_509 = arith.mulf %get3A_504, %get3A_508 : vector<16xf32>
        %add3A_510 = arith.addf %add3A_500, %mul3A_509 : vector<16xf32>
        %get3A_511 = arith.index_cast %add3A_441 : i32 to index
        %get3A_512 = arith.constant 112 : index
        %get3A_513 = tpu.vector_load %arg10[%get3A_511, %get3A_512] {strides = array<i32>} : memref<32x128xf32, #tpu.memory_space<vmem>>, vector<1x16xf32>,
        %get3A_514 = vector.shape_cast %get3A_513 : vector<1x16xf32> to vector<16xf32>
        %get3A_515 = arith.index_cast %add3A_441 : i32 to index
        %get3A_516 = arith.constant 112 : index
        %get3A_517 = tpu.vector_load %arg12[%get3A_515, %get3A_516] {strides = array<i32>} : memref<32x128xf32, #tpu.memory_space<vmem>>, vector<1x16xf32>,
        %get3A_518 = vector.shape_cast %get3A_517 : vector<1x16xf32> to vector<16xf32>
        %mul3A_519 = arith.mulf %get3A_514, %get3A_518 : vector<16xf32>
        %add3A_520 = arith.addf %add3A_510, %mul3A_519 : vector<16xf32>
        %broadcast_in_dim3A_521 = vector.shape_cast %xor3A_4 : vector<16xi32> to vector<16x1xi32>
        %gather3A_522 = vector.shape_cast %broadcast_in_dim3A_521 : vector<16x1xi32> to vector<16xi32>
        %gather3A_523 = tpu.dynamic_gather %add3A_520[%gather3A_522] in [0] : vector<16xf32>, vector<16xi32> -> vector<16xf32>
        %add3A_524 = arith.addf %add3A_520, %gather3A_523 : vector<16xf32>
        %broadcast_in_dim3A_525 = vector.shape_cast %xor3A_7 : vector<16xi32> to vector<16x1xi32>
        %gather3A_526 = vector.shape_cast %broadcast_in_dim3A_525 : vector<16x1xi32> to vector<16xi32>
        %gather3A_527 = tpu.dynamic_gather %add3A_524[%gather3A_526] in [0] : vector<16xf32>, vector<16xi32> -> vector<16xf32>
        %add3A_528 = arith.addf %add3A_524, %gather3A_527 : vector<16xf32>
        %broadcast_in_dim3A_529 = vector.shape_cast %xor3A_10 : vector<16xi32> to vector<16x1xi32>
        %gather3A_530 = vector.shape_cast %broadcast_in_dim3A_529 : vector<16x1xi32> to vector<16xi32>
        %gather3A_531 = tpu.dynamic_gather %add3A_528[%gather3A_530] in [0] : vector<16xf32>, vector<16xi32> -> vector<16xf32>
        %add3A_532 = arith.addf %add3A_528, %gather3A_531 : vector<16xf32>
        %broadcast_in_dim3A_533 = vector.shape_cast %xor3A_13 : vector<16xi32> to vector<16x1xi32>
        %gather3A_534 = vector.shape_cast %broadcast_in_dim3A_533 : vector<16x1xi32> to vector<16xi32>
        %gather3A_535 = tpu.dynamic_gather %add3A_532[%gather3A_534] in [0] : vector<16xf32>, vector<16xi32> -> vector<16xf32>
        %add3A_536 = arith.addf %add3A_532, %gather3A_535 : vector<16xf32>
        %eq3A_537 = arith.constant 3 : i32
        %eq3A_538 = vector.broadcast %eq3A_537 : i32 to vector<16xi32>
        %eq3A_539 = arith.cmpi eq, %iota3A, %eq3A_538 : vector<16xi32>
        %select_n3A_540 = arith.select %eq3A_539, %add3A_536, %select_n3A_437 : vector<16xi1>, vector<16xf32>
        %mul3A_541 = arith.constant 16 : i32
        %mul3A_542 = arith.muli %scan3A_129, %mul3A_541 : i32
        %add3A_543 = arith.constant 4 : i32
        %add3A_544 = arith.addi %mul3A_542, %add3A_543 : i32
        %get3A_545 = arith.index_cast %add3A_544 : i32 to index
        %get3A_546 = arith.constant 0 : index
        %get3A_547 = tpu.vector_load %arg10[%get3A_545, %get3A_546] {strides = array<i32>} : memref<32x128xf32, #tpu.memory_space<vmem>>, vector<1x16xf32>,
        %get3A_548 = vector.shape_cast %get3A_547 : vector<1x16xf32> to vector<16xf32>
        %get3A_549 = arith.index_cast %add3A_544 : i32 to index
        %get3A_550 = arith.constant 0 : index
        %get3A_551 = tpu.vector_load %arg12[%get3A_549, %get3A_550] {strides = array<i32>} : memref<32x128xf32, #tpu.memory_space<vmem>>, vector<1x16xf32>,
        %get3A_552 = vector.shape_cast %get3A_551 : vector<1x16xf32> to vector<16xf32>
        %mul3A_553 = arith.mulf %get3A_548, %get3A_552 : vector<16xf32>
        %get3A_554 = arith.index_cast %add3A_544 : i32 to index
        %get3A_555 = arith.constant 16 : index
        %get3A_556 = tpu.vector_load %arg10[%get3A_554, %get3A_555] {strides = array<i32>} : memref<32x128xf32, #tpu.memory_space<vmem>>, vector<1x16xf32>,
        %get3A_557 = vector.shape_cast %get3A_556 : vector<1x16xf32> to vector<16xf32>
        %get3A_558 = arith.index_cast %add3A_544 : i32 to index
        %get3A_559 = arith.constant 16 : index
        %get3A_560 = tpu.vector_load %arg12[%get3A_558, %get3A_559] {strides = array<i32>} : memref<32x128xf32, #tpu.memory_space<vmem>>, vector<1x16xf32>,
        %get3A_561 = vector.shape_cast %get3A_560 : vector<1x16xf32> to vector<16xf32>
        %mul3A_562 = arith.mulf %get3A_557, %get3A_561 : vector<16xf32>
        %add3A_563 = arith.addf %mul3A_553, %mul3A_562 : vector<16xf32>
        %get3A_564 = arith.index_cast %add3A_544 : i32 to index
        %get3A_565 = arith.constant 32 : index
        %get3A_566 = tpu.vector_load %arg10[%get3A_564, %get3A_565] {strides = array<i32>} : memref<32x128xf32, #tpu.memory_space<vmem>>, vector<1x16xf32>,
        %get3A_567 = vector.shape_cast %get3A_566 : vector<1x16xf32> to vector<16xf32>
        %get3A_568 = arith.index_cast %add3A_544 : i32 to index
        %get3A_569 = arith.constant 32 : index
        %get3A_570 = tpu.vector_load %arg12[%get3A_568, %get3A_569] {strides = array<i32>} : memref<32x128xf32, #tpu.memory_space<vmem>>, vector<1x16xf32>,
        %get3A_571 = vector.shape_cast %get3A_570 : vector<1x16xf32> to vector<16xf32>
        %mul3A_572 = arith.mulf %get3A_567, %get3A_571 : vector<16xf32>
        %add3A_573 = arith.addf %add3A_563, %mul3A_572 : vector<16xf32>
        %get3A_574 = arith.index_cast %add3A_544 : i32 to index
        %get3A_575 = arith.constant 48 : index
        %get3A_576 = tpu.vector_load %arg10[%get3A_574, %get3A_575] {strides = array<i32>} : memref<32x128xf32, #tpu.memory_space<vmem>>, vector<1x16xf32>,
        %get3A_577 = vector.shape_cast %get3A_576 : vector<1x16xf32> to vector<16xf32>
        %get3A_578 = arith.index_cast %add3A_544 : i32 to index
        %get3A_579 = arith.constant 48 : index
        %get3A_580 = tpu.vector_load %arg12[%get3A_578, %get3A_579] {strides = array<i32>} : memref<32x128xf32, #tpu.memory_space<vmem>>, vector<1x16xf32>,
        %get3A_581 = vector.shape_cast %get3A_580 : vector<1x16xf32> to vector<16xf32>
        %mul3A_582 = arith.mulf %get3A_577, %get3A_581 : vector<16xf32>
        %add3A_583 = arith.addf %add3A_573, %mul3A_582 : vector<16xf32>
        %get3A_584 = arith.index_cast %add3A_544 : i32 to index
        %get3A_585 = arith.constant 64 : index
        %get3A_586 = tpu.vector_load %arg10[%get3A_584, %get3A_585] {strides = array<i32>} : memref<32x128xf32, #tpu.memory_space<vmem>>, vector<1x16xf32>,
        %get3A_587 = vector.shape_cast %get3A_586 : vector<1x16xf32> to vector<16xf32>
        %get3A_588 = arith.index_cast %add3A_544 : i32 to index
        %get3A_589 = arith.constant 64 : index
        %get3A_590 = tpu.vector_load %arg12[%get3A_588, %get3A_589] {strides = array<i32>} : memref<32x128xf32, #tpu.memory_space<vmem>>, vector<1x16xf32>,
        %get3A_591 = vector.shape_cast %get3A_590 : vector<1x16xf32> to vector<16xf32>
        %mul3A_592 = arith.mulf %get3A_587, %get3A_591 : vector<16xf32>
        %add3A_593 = arith.addf %add3A_583, %mul3A_592 : vector<16xf32>
        %get3A_594 = arith.index_cast %add3A_544 : i32 to index
        %get3A_595 = arith.constant 80 : index
        %get3A_596 = tpu.vector_load %arg10[%get3A_594, %get3A_595] {strides = array<i32>} : memref<32x128xf32, #tpu.memory_space<vmem>>, vector<1x16xf32>,
        %get3A_597 = vector.shape_cast %get3A_596 : vector<1x16xf32> to vector<16xf32>
        %get3A_598 = arith.index_cast %add3A_544 : i32 to index
        %get3A_599 = arith.constant 80 : index
        %get3A_600 = tpu.vector_load %arg12[%get3A_598, %get3A_599] {strides = array<i32>} : memref<32x128xf32, #tpu.memory_space<vmem>>, vector<1x16xf32>,
        %get3A_601 = vector.shape_cast %get3A_600 : vector<1x16xf32> to vector<16xf32>
        %mul3A_602 = arith.mulf %get3A_597, %get3A_601 : vector<16xf32>
        %add3A_603 = arith.addf %add3A_593, %mul3A_602 : vector<16xf32>
        %get3A_604 = arith.index_cast %add3A_544 : i32 to index
        %get3A_605 = arith.constant 96 : index
        %get3A_606 = tpu.vector_load %arg10[%get3A_604, %get3A_605] {strides = array<i32>} : memref<32x128xf32, #tpu.memory_space<vmem>>, vector<1x16xf32>,
        %get3A_607 = vector.shape_cast %get3A_606 : vector<1x16xf32> to vector<16xf32>
        %get3A_608 = arith.index_cast %add3A_544 : i32 to index
        %get3A_609 = arith.constant 96 : index
        %get3A_610 = tpu.vector_load %arg12[%get3A_608, %get3A_609] {strides = array<i32>} : memref<32x128xf32, #tpu.memory_space<vmem>>, vector<1x16xf32>,
        %get3A_611 = vector.shape_cast %get3A_610 : vector<1x16xf32> to vector<16xf32>
        %mul3A_612 = arith.mulf %get3A_607, %get3A_611 : vector<16xf32>
        %add3A_613 = arith.addf %add3A_603, %mul3A_612 : vector<16xf32>
        %get3A_614 = arith.index_cast %add3A_544 : i32 to index
        %get3A_615 = arith.constant 112 : index
        %get3A_616 = tpu.vector_load %arg10[%get3A_614, %get3A_615] {strides = array<i32>} : memref<32x128xf32, #tpu.memory_space<vmem>>, vector<1x16xf32>,
        %get3A_617 = vector.shape_cast %get3A_616 : vector<1x16xf32> to vector<16xf32>
        %get3A_618 = arith.index_cast %add3A_544 : i32 to index
        %get3A_619 = arith.constant 112 : index
        %get3A_620 = tpu.vector_load %arg12[%get3A_618, %get3A_619] {strides = array<i32>} : memref<32x128xf32, #tpu.memory_space<vmem>>, vector<1x16xf32>,
        %get3A_621 = vector.shape_cast %get3A_620 : vector<1x16xf32> to vector<16xf32>
        %mul3A_622 = arith.mulf %get3A_617, %get3A_621 : vector<16xf32>
        %add3A_623 = arith.addf %add3A_613, %mul3A_622 : vector<16xf32>
        %broadcast_in_dim3A_624 = vector.shape_cast %xor3A_4 : vector<16xi32> to vector<16x1xi32>
        %gather3A_625 = vector.shape_cast %broadcast_in_dim3A_624 : vector<16x1xi32> to vector<16xi32>
        %gather3A_626 = tpu.dynamic_gather %add3A_623[%gather3A_625] in [0] : vector<16xf32>, vector<16xi32> -> vector<16xf32>
        %add3A_627 = arith.addf %add3A_623, %gather3A_626 : vector<16xf32>
        %broadcast_in_dim3A_628 = vector.shape_cast %xor3A_7 : vector<16xi32> to vector<16x1xi32>
        %gather3A_629 = vector.shape_cast %broadcast_in_dim3A_628 : vector<16x1xi32> to vector<16xi32>
        %gather3A_630 = tpu.dynamic_gather %add3A_627[%gather3A_629] in [0] : vector<16xf32>, vector<16xi32> -> vector<16xf32>
        %add3A_631 = arith.addf %add3A_627, %gather3A_630 : vector<16xf32>
        %broadcast_in_dim3A_632 = vector.shape_cast %xor3A_10 : vector<16xi32> to vector<16x1xi32>
        %gather3A_633 = vector.shape_cast %broadcast_in_dim3A_632 : vector<16x1xi32> to vector<16xi32>
        %gather3A_634 = tpu.dynamic_gather %add3A_631[%gather3A_633] in [0] : vector<16xf32>, vector<16xi32> -> vector<16xf32>
        %add3A_635 = arith.addf %add3A_631, %gather3A_634 : vector<16xf32>
        %broadcast_in_dim3A_636 = vector.shape_cast %xor3A_13 : vector<16xi32> to vector<16x1xi32>
        %gather3A_637 = vector.shape_cast %broadcast_in_dim3A_636 : vector<16x1xi32> to vector<16xi32>
        %gather3A_638 = tpu.dynamic_gather %add3A_635[%gather3A_637] in [0] : vector<16xf32>, vector<16xi32> -> vector<16xf32>
        %add3A_639 = arith.addf %add3A_635, %gather3A_638 : vector<16xf32>
        %eq3A_640 = arith.constant 4 : i32
        %eq3A_641 = vector.broadcast %eq3A_640 : i32 to vector<16xi32>
        %eq3A_642 = arith.cmpi eq, %iota3A, %eq3A_641 : vector<16xi32>
        %select_n3A_643 = arith.select %eq3A_642, %add3A_639, %select_n3A_540 : vector<16xi1>, vector<16xf32>
        %mul3A_644 = arith.constant 16 : i32
        %mul3A_645 = arith.muli %scan3A_129, %mul3A_644 : i32
        %add3A_646 = arith.constant 5 : i32
        %add3A_647 = arith.addi %mul3A_645, %add3A_646 : i32
        %get3A_648 = arith.index_cast %add3A_647 : i32 to index
        %get3A_649 = arith.constant 0 : index
        %get3A_650 = tpu.vector_load %arg10[%get3A_648, %get3A_649] {strides = array<i32>} : memref<32x128xf32, #tpu.memory_space<vmem>>, vector<1x16xf32>,
        %get3A_651 = vector.shape_cast %get3A_650 : vector<1x16xf32> to vector<16xf32>
        %get3A_652 = arith.index_cast %add3A_647 : i32 to index
        %get3A_653 = arith.constant 0 : index
        %get3A_654 = tpu.vector_load %arg12[%get3A_652, %get3A_653] {strides = array<i32>} : memref<32x128xf32, #tpu.memory_space<vmem>>, vector<1x16xf32>,
        %get3A_655 = vector.shape_cast %get3A_654 : vector<1x16xf32> to vector<16xf32>
        %mul3A_656 = arith.mulf %get3A_651, %get3A_655 : vector<16xf32>
        %get3A_657 = arith.index_cast %add3A_647 : i32 to index
        %get3A_658 = arith.constant 16 : index
        %get3A_659 = tpu.vector_load %arg10[%get3A_657, %get3A_658] {strides = array<i32>} : memref<32x128xf32, #tpu.memory_space<vmem>>, vector<1x16xf32>,
        %get3A_660 = vector.shape_cast %get3A_659 : vector<1x16xf32> to vector<16xf32>
        %get3A_661 = arith.index_cast %add3A_647 : i32 to index
        %get3A_662 = arith.constant 16 : index
        %get3A_663 = tpu.vector_load %arg12[%get3A_661, %get3A_662] {strides = array<i32>} : memref<32x128xf32, #tpu.memory_space<vmem>>, vector<1x16xf32>,
        %get3A_664 = vector.shape_cast %get3A_663 : vector<1x16xf32> to vector<16xf32>
        %mul3A_665 = arith.mulf %get3A_660, %get3A_664 : vector<16xf32>
        %add3A_666 = arith.addf %mul3A_656, %mul3A_665 : vector<16xf32>
        %get3A_667 = arith.index_cast %add3A_647 : i32 to index
        %get3A_668 = arith.constant 32 : index
        %get3A_669 = tpu.vector_load %arg10[%get3A_667, %get3A_668] {strides = array<i32>} : memref<32x128xf32, #tpu.memory_space<vmem>>, vector<1x16xf32>,
        %get3A_670 = vector.shape_cast %get3A_669 : vector<1x16xf32> to vector<16xf32>
        %get3A_671 = arith.index_cast %add3A_647 : i32 to index
        %get3A_672 = arith.constant 32 : index
        %get3A_673 = tpu.vector_load %arg12[%get3A_671, %get3A_672] {strides = array<i32>} : memref<32x128xf32, #tpu.memory_space<vmem>>, vector<1x16xf32>,
        %get3A_674 = vector.shape_cast %get3A_673 : vector<1x16xf32> to vector<16xf32>
        %mul3A_675 = arith.mulf %get3A_670, %get3A_674 : vector<16xf32>
        %add3A_676 = arith.addf %add3A_666, %mul3A_675 : vector<16xf32>
        %get3A_677 = arith.index_cast %add3A_647 : i32 to index
        %get3A_678 = arith.constant 48 : index
        %get3A_679 = tpu.vector_load %arg10[%get3A_677, %get3A_678] {strides = array<i32>} : memref<32x128xf32, #tpu.memory_space<vmem>>, vector<1x16xf32>,
        %get3A_680 = vector.shape_cast %get3A_679 : vector<1x16xf32> to vector<16xf32>
        %get3A_681 = arith.index_cast %add3A_647 : i32 to index
        %get3A_682 = arith.constant 48 : index
        %get3A_683 = tpu.vector_load %arg12[%get3A_681, %get3A_682] {strides = array<i32>} : memref<32x128xf32, #tpu.memory_space<vmem>>, vector<1x16xf32>,
        %get3A_684 = vector.shape_cast %get3A_683 : vector<1x16xf32> to vector<16xf32>
        %mul3A_685 = arith.mulf %get3A_680, %get3A_684 : vector<16xf32>
        %add3A_686 = arith.addf %add3A_676, %mul3A_685 : vector<16xf32>
        %get3A_687 = arith.index_cast %add3A_647 : i32 to index
        %get3A_688 = arith.constant 64 : index
        %get3A_689 = tpu.vector_load %arg10[%get3A_687, %get3A_688] {strides = array<i32>} : memref<32x128xf32, #tpu.memory_space<vmem>>, vector<1x16xf32>,
        %get3A_690 = vector.shape_cast %get3A_689 : vector<1x16xf32> to vector<16xf32>
        %get3A_691 = arith.index_cast %add3A_647 : i32 to index
        %get3A_692 = arith.constant 64 : index
        %get3A_693 = tpu.vector_load %arg12[%get3A_691, %get3A_692] {strides = array<i32>} : memref<32x128xf32, #tpu.memory_space<vmem>>, vector<1x16xf32>,
        %get3A_694 = vector.shape_cast %get3A_693 : vector<1x16xf32> to vector<16xf32>
        %mul3A_695 = arith.mulf %get3A_690, %get3A_694 : vector<16xf32>
        %add3A_696 = arith.addf %add3A_686, %mul3A_695 : vector<16xf32>
        %get3A_697 = arith.index_cast %add3A_647 : i32 to index
        %get3A_698 = arith.constant 80 : index
        %get3A_699 = tpu.vector_load %arg10[%get3A_697, %get3A_698] {strides = array<i32>} : memref<32x128xf32, #tpu.memory_space<vmem>>, vector<1x16xf32>,
        %get3A_700 = vector.shape_cast %get3A_699 : vector<1x16xf32> to vector<16xf32>
        %get3A_701 = arith.index_cast %add3A_647 : i32 to index
        %get3A_702 = arith.constant 80 : index
        %get3A_703 = tpu.vector_load %arg12[%get3A_701, %get3A_702] {strides = array<i32>} : memref<32x128xf32, #tpu.memory_space<vmem>>, vector<1x16xf32>,
        %get3A_704 = vector.shape_cast %get3A_703 : vector<1x16xf32> to vector<16xf32>
        %mul3A_705 = arith.mulf %get3A_700, %get3A_704 : vector<16xf32>
        %add3A_706 = arith.addf %add3A_696, %mul3A_705 : vector<16xf32>
        %get3A_707 = arith.index_cast %add3A_647 : i32 to index
        %get3A_708 = arith.constant 96 : index
        %get3A_709 = tpu.vector_load %arg10[%get3A_707, %get3A_708] {strides = array<i32>} : memref<32x128xf32, #tpu.memory_space<vmem>>, vector<1x16xf32>,
        %get3A_710 = vector.shape_cast %get3A_709 : vector<1x16xf32> to vector<16xf32>
        %get3A_711 = arith.index_cast %add3A_647 : i32 to index
        %get3A_712 = arith.constant 96 : index
        %get3A_713 = tpu.vector_load %arg12[%get3A_711, %get3A_712] {strides = array<i32>} : memref<32x128xf32, #tpu.memory_space<vmem>>, vector<1x16xf32>,
        %get3A_714 = vector.shape_cast %get3A_713 : vector<1x16xf32> to vector<16xf32>
        %mul3A_715 = arith.mulf %get3A_710, %get3A_714 : vector<16xf32>
        %add3A_716 = arith.addf %add3A_706, %mul3A_715 : vector<16xf32>
        %get3A_717 = arith.index_cast %add3A_647 : i32 to index
        %get3A_718 = arith.constant 112 : index
        %get3A_719 = tpu.vector_load %arg10[%get3A_717, %get3A_718] {strides = array<i32>} : memref<32x128xf32, #tpu.memory_space<vmem>>, vector<1x16xf32>,
        %get3A_720 = vector.shape_cast %get3A_719 : vector<1x16xf32> to vector<16xf32>
        %get3A_721 = arith.index_cast %add3A_647 : i32 to index
        %get3A_722 = arith.constant 112 : index
        %get3A_723 = tpu.vector_load %arg12[%get3A_721, %get3A_722] {strides = array<i32>} : memref<32x128xf32, #tpu.memory_space<vmem>>, vector<1x16xf32>,
        %get3A_724 = vector.shape_cast %get3A_723 : vector<1x16xf32> to vector<16xf32>
        %mul3A_725 = arith.mulf %get3A_720, %get3A_724 : vector<16xf32>
        %add3A_726 = arith.addf %add3A_716, %mul3A_725 : vector<16xf32>
        %broadcast_in_dim3A_727 = vector.shape_cast %xor3A_4 : vector<16xi32> to vector<16x1xi32>
        %gather3A_728 = vector.shape_cast %broadcast_in_dim3A_727 : vector<16x1xi32> to vector<16xi32>
        %gather3A_729 = tpu.dynamic_gather %add3A_726[%gather3A_728] in [0] : vector<16xf32>, vector<16xi32> -> vector<16xf32>
        %add3A_730 = arith.addf %add3A_726, %gather3A_729 : vector<16xf32>
        %broadcast_in_dim3A_731 = vector.shape_cast %xor3A_7 : vector<16xi32> to vector<16x1xi32>
        %gather3A_732 = vector.shape_cast %broadcast_in_dim3A_731 : vector<16x1xi32> to vector<16xi32>
        %gather3A_733 = tpu.dynamic_gather %add3A_730[%gather3A_732] in [0] : vector<16xf32>, vector<16xi32> -> vector<16xf32>
        %add3A_734 = arith.addf %add3A_730, %gather3A_733 : vector<16xf32>
        %broadcast_in_dim3A_735 = vector.shape_cast %xor3A_10 : vector<16xi32> to vector<16x1xi32>
        %gather3A_736 = vector.shape_cast %broadcast_in_dim3A_735 : vector<16x1xi32> to vector<16xi32>
        %gather3A_737 = tpu.dynamic_gather %add3A_734[%gather3A_736] in [0] : vector<16xf32>, vector<16xi32> -> vector<16xf32>
        %add3A_738 = arith.addf %add3A_734, %gather3A_737 : vector<16xf32>
        %broadcast_in_dim3A_739 = vector.shape_cast %xor3A_13 : vector<16xi32> to vector<16x1xi32>
        %gather3A_740 = vector.shape_cast %broadcast_in_dim3A_739 : vector<16x1xi32> to vector<16xi32>
        %gather3A_741 = tpu.dynamic_gather %add3A_738[%gather3A_740] in [0] : vector<16xf32>, vector<16xi32> -> vector<16xf32>
        %add3A_742 = arith.addf %add3A_738, %gather3A_741 : vector<16xf32>
        %eq3A_743 = arith.constant 5 : i32
        %eq3A_744 = vector.broadcast %eq3A_743 : i32 to vector<16xi32>
        %eq3A_745 = arith.cmpi eq, %iota3A, %eq3A_744 : vector<16xi32>
        %select_n3A_746 = arith.select %eq3A_745, %add3A_742, %select_n3A_643 : vector<16xi1>, vector<16xf32>
        %mul3A_747 = arith.constant 16 : i32
        %mul3A_748 = arith.muli %scan3A_129, %mul3A_747 : i32
        %add3A_749 = arith.constant 6 : i32
        %add3A_750 = arith.addi %mul3A_748, %add3A_749 : i32
        %get3A_751 = arith.index_cast %add3A_750 : i32 to index
        %get3A_752 = arith.constant 0 : index
        %get3A_753 = tpu.vector_load %arg10[%get3A_751, %get3A_752] {strides = array<i32>} : memref<32x128xf32, #tpu.memory_space<vmem>>, vector<1x16xf32>,
        %get3A_754 = vector.shape_cast %get3A_753 : vector<1x16xf32> to vector<16xf32>
        %get3A_755 = arith.index_cast %add3A_750 : i32 to index
        %get3A_756 = arith.constant 0 : index
        %get3A_757 = tpu.vector_load %arg12[%get3A_755, %get3A_756] {strides = array<i32>} : memref<32x128xf32, #tpu.memory_space<vmem>>, vector<1x16xf32>,
        %get3A_758 = vector.shape_cast %get3A_757 : vector<1x16xf32> to vector<16xf32>
        %mul3A_759 = arith.mulf %get3A_754, %get3A_758 : vector<16xf32>
        %get3A_760 = arith.index_cast %add3A_750 : i32 to index
        %get3A_761 = arith.constant 16 : index
        %get3A_762 = tpu.vector_load %arg10[%get3A_760, %get3A_761] {strides = array<i32>} : memref<32x128xf32, #tpu.memory_space<vmem>>, vector<1x16xf32>,
        %get3A_763 = vector.shape_cast %get3A_762 : vector<1x16xf32> to vector<16xf32>
        %get3A_764 = arith.index_cast %add3A_750 : i32 to index
        %get3A_765 = arith.constant 16 : index
        %get3A_766 = tpu.vector_load %arg12[%get3A_764, %get3A_765] {strides = array<i32>} : memref<32x128xf32, #tpu.memory_space<vmem>>, vector<1x16xf32>,
        %get3A_767 = vector.shape_cast %get3A_766 : vector<1x16xf32> to vector<16xf32>
        %mul3A_768 = arith.mulf %get3A_763, %get3A_767 : vector<16xf32>
        %add3A_769 = arith.addf %mul3A_759, %mul3A_768 : vector<16xf32>
        %get3A_770 = arith.index_cast %add3A_750 : i32 to index
        %get3A_771 = arith.constant 32 : index
        %get3A_772 = tpu.vector_load %arg10[%get3A_770, %get3A_771] {strides = array<i32>} : memref<32x128xf32, #tpu.memory_space<vmem>>, vector<1x16xf32>,
        %get3A_773 = vector.shape_cast %get3A_772 : vector<1x16xf32> to vector<16xf32>
        %get3A_774 = arith.index_cast %add3A_750 : i32 to index
        %get3A_775 = arith.constant 32 : index
        %get3A_776 = tpu.vector_load %arg12[%get3A_774, %get3A_775] {strides = array<i32>} : memref<32x128xf32, #tpu.memory_space<vmem>>, vector<1x16xf32>,
        %get3A_777 = vector.shape_cast %get3A_776 : vector<1x16xf32> to vector<16xf32>
        %mul3A_778 = arith.mulf %get3A_773, %get3A_777 : vector<16xf32>
        %add3A_779 = arith.addf %add3A_769, %mul3A_778 : vector<16xf32>
        %get3A_780 = arith.index_cast %add3A_750 : i32 to index
        %get3A_781 = arith.constant 48 : index
        %get3A_782 = tpu.vector_load %arg10[%get3A_780, %get3A_781] {strides = array<i32>} : memref<32x128xf32, #tpu.memory_space<vmem>>, vector<1x16xf32>,
        %get3A_783 = vector.shape_cast %get3A_782 : vector<1x16xf32> to vector<16xf32>
        %get3A_784 = arith.index_cast %add3A_750 : i32 to index
        %get3A_785 = arith.constant 48 : index
        %get3A_786 = tpu.vector_load %arg12[%get3A_784, %get3A_785] {strides = array<i32>} : memref<32x128xf32, #tpu.memory_space<vmem>>, vector<1x16xf32>,
        %get3A_787 = vector.shape_cast %get3A_786 : vector<1x16xf32> to vector<16xf32>
        %mul3A_788 = arith.mulf %get3A_783, %get3A_787 : vector<16xf32>
        %add3A_789 = arith.addf %add3A_779, %mul3A_788 : vector<16xf32>
        %get3A_790 = arith.index_cast %add3A_750 : i32 to index
        %get3A_791 = arith.constant 64 : index
        %get3A_792 = tpu.vector_load %arg10[%get3A_790, %get3A_791] {strides = array<i32>} : memref<32x128xf32, #tpu.memory_space<vmem>>, vector<1x16xf32>,
        %get3A_793 = vector.shape_cast %get3A_792 : vector<1x16xf32> to vector<16xf32>
        %get3A_794 = arith.index_cast %add3A_750 : i32 to index
        %get3A_795 = arith.constant 64 : index
        %get3A_796 = tpu.vector_load %arg12[%get3A_794, %get3A_795] {strides = array<i32>} : memref<32x128xf32, #tpu.memory_space<vmem>>, vector<1x16xf32>,
        %get3A_797 = vector.shape_cast %get3A_796 : vector<1x16xf32> to vector<16xf32>
        %mul3A_798 = arith.mulf %get3A_793, %get3A_797 : vector<16xf32>
        %add3A_799 = arith.addf %add3A_789, %mul3A_798 : vector<16xf32>
        %get3A_800 = arith.index_cast %add3A_750 : i32 to index
        %get3A_801 = arith.constant 80 : index
        %get3A_802 = tpu.vector_load %arg10[%get3A_800, %get3A_801] {strides = array<i32>} : memref<32x128xf32, #tpu.memory_space<vmem>>, vector<1x16xf32>,
        %get3A_803 = vector.shape_cast %get3A_802 : vector<1x16xf32> to vector<16xf32>
        %get3A_804 = arith.index_cast %add3A_750 : i32 to index
        %get3A_805 = arith.constant 80 : index
        %get3A_806 = tpu.vector_load %arg12[%get3A_804, %get3A_805] {strides = array<i32>} : memref<32x128xf32, #tpu.memory_space<vmem>>, vector<1x16xf32>,
        %get3A_807 = vector.shape_cast %get3A_806 : vector<1x16xf32> to vector<16xf32>
        %mul3A_808 = arith.mulf %get3A_803, %get3A_807 : vector<16xf32>
        %add3A_809 = arith.addf %add3A_799, %mul3A_808 : vector<16xf32>
        %get3A_810 = arith.index_cast %add3A_750 : i32 to index
        %get3A_811 = arith.constant 96 : index
        %get3A_812 = tpu.vector_load %arg10[%get3A_810, %get3A_811] {strides = array<i32>} : memref<32x128xf32, #tpu.memory_space<vmem>>, vector<1x16xf32>,
        %get3A_813 = vector.shape_cast %get3A_812 : vector<1x16xf32> to vector<16xf32>
        %get3A_814 = arith.index_cast %add3A_750 : i32 to index
        %get3A_815 = arith.constant 96 : index
        %get3A_816 = tpu.vector_load %arg12[%get3A_814, %get3A_815] {strides = array<i32>} : memref<32x128xf32, #tpu.memory_space<vmem>>, vector<1x16xf32>,
        %get3A_817 = vector.shape_cast %get3A_816 : vector<1x16xf32> to vector<16xf32>
        %mul3A_818 = arith.mulf %get3A_813, %get3A_817 : vector<16xf32>
        %add3A_819 = arith.addf %add3A_809, %mul3A_818 : vector<16xf32>
        %get3A_820 = arith.index_cast %add3A_750 : i32 to index
        %get3A_821 = arith.constant 112 : index
        %get3A_822 = tpu.vector_load %arg10[%get3A_820, %get3A_821] {strides = array<i32>} : memref<32x128xf32, #tpu.memory_space<vmem>>, vector<1x16xf32>,
        %get3A_823 = vector.shape_cast %get3A_822 : vector<1x16xf32> to vector<16xf32>
        %get3A_824 = arith.index_cast %add3A_750 : i32 to index
        %get3A_825 = arith.constant 112 : index
        %get3A_826 = tpu.vector_load %arg12[%get3A_824, %get3A_825] {strides = array<i32>} : memref<32x128xf32, #tpu.memory_space<vmem>>, vector<1x16xf32>,
        %get3A_827 = vector.shape_cast %get3A_826 : vector<1x16xf32> to vector<16xf32>
        %mul3A_828 = arith.mulf %get3A_823, %get3A_827 : vector<16xf32>
        %add3A_829 = arith.addf %add3A_819, %mul3A_828 : vector<16xf32>
        %broadcast_in_dim3A_830 = vector.shape_cast %xor3A_4 : vector<16xi32> to vector<16x1xi32>
        %gather3A_831 = vector.shape_cast %broadcast_in_dim3A_830 : vector<16x1xi32> to vector<16xi32>
        %gather3A_832 = tpu.dynamic_gather %add3A_829[%gather3A_831] in [0] : vector<16xf32>, vector<16xi32> -> vector<16xf32>
        %add3A_833 = arith.addf %add3A_829, %gather3A_832 : vector<16xf32>
        %broadcast_in_dim3A_834 = vector.shape_cast %xor3A_7 : vector<16xi32> to vector<16x1xi32>
        %gather3A_835 = vector.shape_cast %broadcast_in_dim3A_834 : vector<16x1xi32> to vector<16xi32>
        %gather3A_836 = tpu.dynamic_gather %add3A_833[%gather3A_835] in [0] : vector<16xf32>, vector<16xi32> -> vector<16xf32>
        %add3A_837 = arith.addf %add3A_833, %gather3A_836 : vector<16xf32>
        %broadcast_in_dim3A_838 = vector.shape_cast %xor3A_10 : vector<16xi32> to vector<16x1xi32>
        %gather3A_839 = vector.shape_cast %broadcast_in_dim3A_838 : vector<16x1xi32> to vector<16xi32>
        %gather3A_840 = tpu.dynamic_gather %add3A_837[%gather3A_839] in [0] : vector<16xf32>, vector<16xi32> -> vector<16xf32>
        %add3A_841 = arith.addf %add3A_837, %gather3A_840 : vector<16xf32>
        %broadcast_in_dim3A_842 = vector.shape_cast %xor3A_13 : vector<16xi32> to vector<16x1xi32>
        %gather3A_843 = vector.shape_cast %broadcast_in_dim3A_842 : vector<16x1xi32> to vector<16xi32>
        %gather3A_844 = tpu.dynamic_gather %add3A_841[%gather3A_843] in [0] : vector<16xf32>, vector<16xi32> -> vector<16xf32>
        %add3A_845 = arith.addf %add3A_841, %gather3A_844 : vector<16xf32>
        %eq3A_846 = arith.constant 6 : i32
        %eq3A_847 = vector.broadcast %eq3A_846 : i32 to vector<16xi32>
        %eq3A_848 = arith.cmpi eq, %iota3A, %eq3A_847 : vector<16xi32>
        %select_n3A_849 = arith.select %eq3A_848, %add3A_845, %select_n3A_746 : vector<16xi1>, vector<16xf32>
        %mul3A_850 = arith.constant 16 : i32
        %mul3A_851 = arith.muli %scan3A_129, %mul3A_850 : i32
        %add3A_852 = arith.constant 7 : i32
        %add3A_853 = arith.addi %mul3A_851, %add3A_852 : i32
        %get3A_854 = arith.index_cast %add3A_853 : i32 to index
        %get3A_855 = arith.constant 0 : index
        %get3A_856 = tpu.vector_load %arg10[%get3A_854, %get3A_855] {strides = array<i32>} : memref<32x128xf32, #tpu.memory_space<vmem>>, vector<1x16xf32>,
        %get3A_857 = vector.shape_cast %get3A_856 : vector<1x16xf32> to vector<16xf32>
        %get3A_858 = arith.index_cast %add3A_853 : i32 to index
        %get3A_859 = arith.constant 0 : index
        %get3A_860 = tpu.vector_load %arg12[%get3A_858, %get3A_859] {strides = array<i32>} : memref<32x128xf32, #tpu.memory_space<vmem>>, vector<1x16xf32>,
        %get3A_861 = vector.shape_cast %get3A_860 : vector<1x16xf32> to vector<16xf32>
        %mul3A_862 = arith.mulf %get3A_857, %get3A_861 : vector<16xf32>
        %get3A_863 = arith.index_cast %add3A_853 : i32 to index
        %get3A_864 = arith.constant 16 : index
        %get3A_865 = tpu.vector_load %arg10[%get3A_863, %get3A_864] {strides = array<i32>} : memref<32x128xf32, #tpu.memory_space<vmem>>, vector<1x16xf32>,
        %get3A_866 = vector.shape_cast %get3A_865 : vector<1x16xf32> to vector<16xf32>
        %get3A_867 = arith.index_cast %add3A_853 : i32 to index
        %get3A_868 = arith.constant 16 : index
        %get3A_869 = tpu.vector_load %arg12[%get3A_867, %get3A_868] {strides = array<i32>} : memref<32x128xf32, #tpu.memory_space<vmem>>, vector<1x16xf32>,
        %get3A_870 = vector.shape_cast %get3A_869 : vector<1x16xf32> to vector<16xf32>
        %mul3A_871 = arith.mulf %get3A_866, %get3A_870 : vector<16xf32>
        %add3A_872 = arith.addf %mul3A_862, %mul3A_871 : vector<16xf32>
        %get3A_873 = arith.index_cast %add3A_853 : i32 to index
        %get3A_874 = arith.constant 32 : index
        %get3A_875 = tpu.vector_load %arg10[%get3A_873, %get3A_874] {strides = array<i32>} : memref<32x128xf32, #tpu.memory_space<vmem>>, vector<1x16xf32>,
        %get3A_876 = vector.shape_cast %get3A_875 : vector<1x16xf32> to vector<16xf32>
        %get3A_877 = arith.index_cast %add3A_853 : i32 to index
        %get3A_878 = arith.constant 32 : index
        %get3A_879 = tpu.vector_load %arg12[%get3A_877, %get3A_878] {strides = array<i32>} : memref<32x128xf32, #tpu.memory_space<vmem>>, vector<1x16xf32>,
        %get3A_880 = vector.shape_cast %get3A_879 : vector<1x16xf32> to vector<16xf32>
        %mul3A_881 = arith.mulf %get3A_876, %get3A_880 : vector<16xf32>
        %add3A_882 = arith.addf %add3A_872, %mul3A_881 : vector<16xf32>
        %get3A_883 = arith.index_cast %add3A_853 : i32 to index
        %get3A_884 = arith.constant 48 : index
        %get3A_885 = tpu.vector_load %arg10[%get3A_883, %get3A_884] {strides = array<i32>} : memref<32x128xf32, #tpu.memory_space<vmem>>, vector<1x16xf32>,
        %get3A_886 = vector.shape_cast %get3A_885 : vector<1x16xf32> to vector<16xf32>
        %get3A_887 = arith.index_cast %add3A_853 : i32 to index
        %get3A_888 = arith.constant 48 : index
        %get3A_889 = tpu.vector_load %arg12[%get3A_887, %get3A_888] {strides = array<i32>} : memref<32x128xf32, #tpu.memory_space<vmem>>, vector<1x16xf32>,
        %get3A_890 = vector.shape_cast %get3A_889 : vector<1x16xf32> to vector<16xf32>
        %mul3A_891 = arith.mulf %get3A_886, %get3A_890 : vector<16xf32>
        %add3A_892 = arith.addf %add3A_882, %mul3A_891 : vector<16xf32>
        %get3A_893 = arith.index_cast %add3A_853 : i32 to index
        %get3A_894 = arith.constant 64 : index
        %get3A_895 = tpu.vector_load %arg10[%get3A_893, %get3A_894] {strides = array<i32>} : memref<32x128xf32, #tpu.memory_space<vmem>>, vector<1x16xf32>,
        %get3A_896 = vector.shape_cast %get3A_895 : vector<1x16xf32> to vector<16xf32>
        %get3A_897 = arith.index_cast %add3A_853 : i32 to index
        %get3A_898 = arith.constant 64 : index
        %get3A_899 = tpu.vector_load %arg12[%get3A_897, %get3A_898] {strides = array<i32>} : memref<32x128xf32, #tpu.memory_space<vmem>>, vector<1x16xf32>,
        %get3A_900 = vector.shape_cast %get3A_899 : vector<1x16xf32> to vector<16xf32>
        %mul3A_901 = arith.mulf %get3A_896, %get3A_900 : vector<16xf32>
        %add3A_902 = arith.addf %add3A_892, %mul3A_901 : vector<16xf32>
        %get3A_903 = arith.index_cast %add3A_853 : i32 to index
        %get3A_904 = arith.constant 80 : index
        %get3A_905 = tpu.vector_load %arg10[%get3A_903, %get3A_904] {strides = array<i32>} : memref<32x128xf32, #tpu.memory_space<vmem>>, vector<1x16xf32>,
        %get3A_906 = vector.shape_cast %get3A_905 : vector<1x16xf32> to vector<16xf32>
        %get3A_907 = arith.index_cast %add3A_853 : i32 to index
        %get3A_908 = arith.constant 80 : index
        %get3A_909 = tpu.vector_load %arg12[%get3A_907, %get3A_908] {strides = array<i32>} : memref<32x128xf32, #tpu.memory_space<vmem>>, vector<1x16xf32>,
        %get3A_910 = vector.shape_cast %get3A_909 : vector<1x16xf32> to vector<16xf32>
        %mul3A_911 = arith.mulf %get3A_906, %get3A_910 : vector<16xf32>
        %add3A_912 = arith.addf %add3A_902, %mul3A_911 : vector<16xf32>
        %get3A_913 = arith.index_cast %add3A_853 : i32 to index
        %get3A_914 = arith.constant 96 : index
        %get3A_915 = tpu.vector_load %arg10[%get3A_913, %get3A_914] {strides = array<i32>} : memref<32x128xf32, #tpu.memory_space<vmem>>, vector<1x16xf32>,
        %get3A_916 = vector.shape_cast %get3A_915 : vector<1x16xf32> to vector<16xf32>
        %get3A_917 = arith.index_cast %add3A_853 : i32 to index
        %get3A_918 = arith.constant 96 : index
        %get3A_919 = tpu.vector_load %arg12[%get3A_917, %get3A_918] {strides = array<i32>} : memref<32x128xf32, #tpu.memory_space<vmem>>, vector<1x16xf32>,
        %get3A_920 = vector.shape_cast %get3A_919 : vector<1x16xf32> to vector<16xf32>
        %mul3A_921 = arith.mulf %get3A_916, %get3A_920 : vector<16xf32>
        %add3A_922 = arith.addf %add3A_912, %mul3A_921 : vector<16xf32>
        %get3A_923 = arith.index_cast %add3A_853 : i32 to index
        %get3A_924 = arith.constant 112 : index
        %get3A_925 = tpu.vector_load %arg10[%get3A_923, %get3A_924] {strides = array<i32>} : memref<32x128xf32, #tpu.memory_space<vmem>>, vector<1x16xf32>,
        %get3A_926 = vector.shape_cast %get3A_925 : vector<1x16xf32> to vector<16xf32>
        %get3A_927 = arith.index_cast %add3A_853 : i32 to index
        %get3A_928 = arith.constant 112 : index
        %get3A_929 = tpu.vector_load %arg12[%get3A_927, %get3A_928] {strides = array<i32>} : memref<32x128xf32, #tpu.memory_space<vmem>>, vector<1x16xf32>,
        %get3A_930 = vector.shape_cast %get3A_929 : vector<1x16xf32> to vector<16xf32>
        %mul3A_931 = arith.mulf %get3A_926, %get3A_930 : vector<16xf32>
        %add3A_932 = arith.addf %add3A_922, %mul3A_931 : vector<16xf32>
        %broadcast_in_dim3A_933 = vector.shape_cast %xor3A_4 : vector<16xi32> to vector<16x1xi32>
        %gather3A_934 = vector.shape_cast %broadcast_in_dim3A_933 : vector<16x1xi32> to vector<16xi32>
        %gather3A_935 = tpu.dynamic_gather %add3A_932[%gather3A_934] in [0] : vector<16xf32>, vector<16xi32> -> vector<16xf32>
        %add3A_936 = arith.addf %add3A_932, %gather3A_935 : vector<16xf32>
        %broadcast_in_dim3A_937 = vector.shape_cast %xor3A_7 : vector<16xi32> to vector<16x1xi32>
        %gather3A_938 = vector.shape_cast %broadcast_in_dim3A_937 : vector<16x1xi32> to vector<16xi32>
        %gather3A_939 = tpu.dynamic_gather %add3A_936[%gather3A_938] in [0] : vector<16xf32>, vector<16xi32> -> vector<16xf32>
        %add3A_940 = arith.addf %add3A_936, %gather3A_939 : vector<16xf32>
        %broadcast_in_dim3A_941 = vector.shape_cast %xor3A_10 : vector<16xi32> to vector<16x1xi32>
        %gather3A_942 = vector.shape_cast %broadcast_in_dim3A_941 : vector<16x1xi32> to vector<16xi32>
        %gather3A_943 = tpu.dynamic_gather %add3A_940[%gather3A_942] in [0] : vector<16xf32>, vector<16xi32> -> vector<16xf32>
        %add3A_944 = arith.addf %add3A_940, %gather3A_943 : vector<16xf32>
        %broadcast_in_dim3A_945 = vector.shape_cast %xor3A_13 : vector<16xi32> to vector<16x1xi32>
        %gather3A_946 = vector.shape_cast %broadcast_in_dim3A_945 : vector<16x1xi32> to vector<16xi32>
        %gather3A_947 = tpu.dynamic_gather %add3A_944[%gather3A_946] in [0] : vector<16xf32>, vector<16xi32> -> vector<16xf32>
        %add3A_948 = arith.addf %add3A_944, %gather3A_947 : vector<16xf32>
        %eq3A_949 = arith.constant 7 : i32
        %eq3A_950 = vector.broadcast %eq3A_949 : i32 to vector<16xi32>
        %eq3A_951 = arith.cmpi eq, %iota3A, %eq3A_950 : vector<16xi32>
        %select_n3A_952 = arith.select %eq3A_951, %add3A_948, %select_n3A_849 : vector<16xi1>, vector<16xf32>
        %mul3A_953 = arith.constant 16 : i32
        %mul3A_954 = arith.muli %scan3A_129, %mul3A_953 : i32
        %add3A_955 = arith.constant 8 : i32
        %add3A_956 = arith.addi %mul3A_954, %add3A_955 : i32
        %get3A_957 = arith.index_cast %add3A_956 : i32 to index
        %get3A_958 = arith.constant 0 : index
        %get3A_959 = tpu.vector_load %arg10[%get3A_957, %get3A_958] {strides = array<i32>} : memref<32x128xf32, #tpu.memory_space<vmem>>, vector<1x16xf32>,
        %get3A_960 = vector.shape_cast %get3A_959 : vector<1x16xf32> to vector<16xf32>
        %get3A_961 = arith.index_cast %add3A_956 : i32 to index
        %get3A_962 = arith.constant 0 : index
        %get3A_963 = tpu.vector_load %arg12[%get3A_961, %get3A_962] {strides = array<i32>} : memref<32x128xf32, #tpu.memory_space<vmem>>, vector<1x16xf32>,
        %get3A_964 = vector.shape_cast %get3A_963 : vector<1x16xf32> to vector<16xf32>
        %mul3A_965 = arith.mulf %get3A_960, %get3A_964 : vector<16xf32>
        %get3A_966 = arith.index_cast %add3A_956 : i32 to index
        %get3A_967 = arith.constant 16 : index
        %get3A_968 = tpu.vector_load %arg10[%get3A_966, %get3A_967] {strides = array<i32>} : memref<32x128xf32, #tpu.memory_space<vmem>>, vector<1x16xf32>,
        %get3A_969 = vector.shape_cast %get3A_968 : vector<1x16xf32> to vector<16xf32>
        %get3A_970 = arith.index_cast %add3A_956 : i32 to index
        %get3A_971 = arith.constant 16 : index
        %get3A_972 = tpu.vector_load %arg12[%get3A_970, %get3A_971] {strides = array<i32>} : memref<32x128xf32, #tpu.memory_space<vmem>>, vector<1x16xf32>,
        %get3A_973 = vector.shape_cast %get3A_972 : vector<1x16xf32> to vector<16xf32>
        %mul3A_974 = arith.mulf %get3A_969, %get3A_973 : vector<16xf32>
        %add3A_975 = arith.addf %mul3A_965, %mul3A_974 : vector<16xf32>
        %get3A_976 = arith.index_cast %add3A_956 : i32 to index
        %get3A_977 = arith.constant 32 : index
        %get3A_978 = tpu.vector_load %arg10[%get3A_976, %get3A_977] {strides = array<i32>} : memref<32x128xf32, #tpu.memory_space<vmem>>, vector<1x16xf32>,
        %get3A_979 = vector.shape_cast %get3A_978 : vector<1x16xf32> to vector<16xf32>
        %get3A_980 = arith.index_cast %add3A_956 : i32 to index
        %get3A_981 = arith.constant 32 : index
        %get3A_982 = tpu.vector_load %arg12[%get3A_980, %get3A_981] {strides = array<i32>} : memref<32x128xf32, #tpu.memory_space<vmem>>, vector<1x16xf32>,
        %get3A_983 = vector.shape_cast %get3A_982 : vector<1x16xf32> to vector<16xf32>
        %mul3A_984 = arith.mulf %get3A_979, %get3A_983 : vector<16xf32>
        %add3A_985 = arith.addf %add3A_975, %mul3A_984 : vector<16xf32>
        %get3A_986 = arith.index_cast %add3A_956 : i32 to index
        %get3A_987 = arith.constant 48 : index
        %get3A_988 = tpu.vector_load %arg10[%get3A_986, %get3A_987] {strides = array<i32>} : memref<32x128xf32, #tpu.memory_space<vmem>>, vector<1x16xf32>,
        %get3A_989 = vector.shape_cast %get3A_988 : vector<1x16xf32> to vector<16xf32>
        %get3A_990 = arith.index_cast %add3A_956 : i32 to index
        %get3A_991 = arith.constant 48 : index
        %get3A_992 = tpu.vector_load %arg12[%get3A_990, %get3A_991] {strides = array<i32>} : memref<32x128xf32, #tpu.memory_space<vmem>>, vector<1x16xf32>,
        %get3A_993 = vector.shape_cast %get3A_992 : vector<1x16xf32> to vector<16xf32>
        %mul3A_994 = arith.mulf %get3A_989, %get3A_993 : vector<16xf32>
        %add3A_995 = arith.addf %add3A_985, %mul3A_994 : vector<16xf32>
        %get3A_996 = arith.index_cast %add3A_956 : i32 to index
        %get3A_997 = arith.constant 64 : index
        %get3A_998 = tpu.vector_load %arg10[%get3A_996, %get3A_997] {strides = array<i32>} : memref<32x128xf32, #tpu.memory_space<vmem>>, vector<1x16xf32>,
        %get3A_999 = vector.shape_cast %get3A_998 : vector<1x16xf32> to vector<16xf32>
        %get3A_1000 = arith.index_cast %add3A_956 : i32 to index
        %get3A_1001 = arith.constant 64 : index
        %get3A_1002 = tpu.vector_load %arg12[%get3A_1000, %get3A_1001] {strides = array<i32>} : memref<32x128xf32, #tpu.memory_space<vmem>>, vector<1x16xf32>,
        %get3A_1003 = vector.shape_cast %get3A_1002 : vector<1x16xf32> to vector<16xf32>
        %mul3A_1004 = arith.mulf %get3A_999, %get3A_1003 : vector<16xf32>
        %add3A_1005 = arith.addf %add3A_995, %mul3A_1004 : vector<16xf32>
        %get3A_1006 = arith.index_cast %add3A_956 : i32 to index
        %get3A_1007 = arith.constant 80 : index
        %get3A_1008 = tpu.vector_load %arg10[%get3A_1006, %get3A_1007] {strides = array<i32>} : memref<32x128xf32, #tpu.memory_space<vmem>>, vector<1x16xf32>,
        %get3A_1009 = vector.shape_cast %get3A_1008 : vector<1x16xf32> to vector<16xf32>
        %get3A_1010 = arith.index_cast %add3A_956 : i32 to index
        %get3A_1011 = arith.constant 80 : index
        %get3A_1012 = tpu.vector_load %arg12[%get3A_1010, %get3A_1011] {strides = array<i32>} : memref<32x128xf32, #tpu.memory_space<vmem>>, vector<1x16xf32>,
        %get3A_1013 = vector.shape_cast %get3A_1012 : vector<1x16xf32> to vector<16xf32>
        %mul3A_1014 = arith.mulf %get3A_1009, %get3A_1013 : vector<16xf32>
        %add3A_1015 = arith.addf %add3A_1005, %mul3A_1014 : vector<16xf32>
        %get3A_1016 = arith.index_cast %add3A_956 : i32 to index
        %get3A_1017 = arith.constant 96 : index
        %get3A_1018 = tpu.vector_load %arg10[%get3A_1016, %get3A_1017] {strides = array<i32>} : memref<32x128xf32, #tpu.memory_space<vmem>>, vector<1x16xf32>,
        %get3A_1019 = vector.shape_cast %get3A_1018 : vector<1x16xf32> to vector<16xf32>
        %get3A_1020 = arith.index_cast %add3A_956 : i32 to index
        %get3A_1021 = arith.constant 96 : index
        %get3A_1022 = tpu.vector_load %arg12[%get3A_1020, %get3A_1021] {strides = array<i32>} : memref<32x128xf32, #tpu.memory_space<vmem>>, vector<1x16xf32>,
        %get3A_1023 = vector.shape_cast %get3A_1022 : vector<1x16xf32> to vector<16xf32>
        %mul3A_1024 = arith.mulf %get3A_1019, %get3A_1023 : vector<16xf32>
        %add3A_1025 = arith.addf %add3A_1015, %mul3A_1024 : vector<16xf32>
        %get3A_1026 = arith.index_cast %add3A_956 : i32 to index
        %get3A_1027 = arith.constant 112 : index
        %get3A_1028 = tpu.vector_load %arg10[%get3A_1026, %get3A_1027] {strides = array<i32>} : memref<32x128xf32, #tpu.memory_space<vmem>>, vector<1x16xf32>,
        %get3A_1029 = vector.shape_cast %get3A_1028 : vector<1x16xf32> to vector<16xf32>
        %get3A_1030 = arith.index_cast %add3A_956 : i32 to index
        %get3A_1031 = arith.constant 112 : index
        %get3A_1032 = tpu.vector_load %arg12[%get3A_1030, %get3A_1031] {strides = array<i32>} : memref<32x128xf32, #tpu.memory_space<vmem>>, vector<1x16xf32>,
        %get3A_1033 = vector.shape_cast %get3A_1032 : vector<1x16xf32> to vector<16xf32>
        %mul3A_1034 = arith.mulf %get3A_1029, %get3A_1033 : vector<16xf32>
        %add3A_1035 = arith.addf %add3A_1025, %mul3A_1034 : vector<16xf32>
        %broadcast_in_dim3A_1036 = vector.shape_cast %xor3A_4 : vector<16xi32> to vector<16x1xi32>
        %gather3A_1037 = vector.shape_cast %broadcast_in_dim3A_1036 : vector<16x1xi32> to vector<16xi32>
        %gather3A_1038 = tpu.dynamic_gather %add3A_1035[%gather3A_1037] in [0] : vector<16xf32>, vector<16xi32> -> vector<16xf32>
        %add3A_1039 = arith.addf %add3A_1035, %gather3A_1038 : vector<16xf32>
        %broadcast_in_dim3A_1040 = vector.shape_cast %xor3A_7 : vector<16xi32> to vector<16x1xi32>
        %gather3A_1041 = vector.shape_cast %broadcast_in_dim3A_1040 : vector<16x1xi32> to vector<16xi32>
        %gather3A_1042 = tpu.dynamic_gather %add3A_1039[%gather3A_1041] in [0] : vector<16xf32>, vector<16xi32> -> vector<16xf32>
        %add3A_1043 = arith.addf %add3A_1039, %gather3A_1042 : vector<16xf32>
        %broadcast_in_dim3A_1044 = vector.shape_cast %xor3A_10 : vector<16xi32> to vector<16x1xi32>
        %gather3A_1045 = vector.shape_cast %broadcast_in_dim3A_1044 : vector<16x1xi32> to vector<16xi32>
        %gather3A_1046 = tpu.dynamic_gather %add3A_1043[%gather3A_1045] in [0] : vector<16xf32>, vector<16xi32> -> vector<16xf32>
        %add3A_1047 = arith.addf %add3A_1043, %gather3A_1046 : vector<16xf32>
        %broadcast_in_dim3A_1048 = vector.shape_cast %xor3A_13 : vector<16xi32> to vector<16x1xi32>
        %gather3A_1049 = vector.shape_cast %broadcast_in_dim3A_1048 : vector<16x1xi32> to vector<16xi32>
        %gather3A_1050 = tpu.dynamic_gather %add3A_1047[%gather3A_1049] in [0] : vector<16xf32>, vector<16xi32> -> vector<16xf32>
        %add3A_1051 = arith.addf %add3A_1047, %gather3A_1050 : vector<16xf32>
        %eq3A_1052 = arith.constant 8 : i32
        %eq3A_1053 = vector.broadcast %eq3A_1052 : i32 to vector<16xi32>
        %eq3A_1054 = arith.cmpi eq, %iota3A, %eq3A_1053 : vector<16xi32>
        %select_n3A_1055 = arith.select %eq3A_1054, %add3A_1051, %select_n3A_952 : vector<16xi1>, vector<16xf32>
        %mul3A_1056 = arith.constant 16 : i32
        %mul3A_1057 = arith.muli %scan3A_129, %mul3A_1056 : i32
        %add3A_1058 = arith.constant 9 : i32
        %add3A_1059 = arith.addi %mul3A_1057, %add3A_1058 : i32
        %get3A_1060 = arith.index_cast %add3A_1059 : i32 to index
        %get3A_1061 = arith.constant 0 : index
        %get3A_1062 = tpu.vector_load %arg10[%get3A_1060, %get3A_1061] {strides = array<i32>} : memref<32x128xf32, #tpu.memory_space<vmem>>, vector<1x16xf32>,
        %get3A_1063 = vector.shape_cast %get3A_1062 : vector<1x16xf32> to vector<16xf32>
        %get3A_1064 = arith.index_cast %add3A_1059 : i32 to index
        %get3A_1065 = arith.constant 0 : index
        %get3A_1066 = tpu.vector_load %arg12[%get3A_1064, %get3A_1065] {strides = array<i32>} : memref<32x128xf32, #tpu.memory_space<vmem>>, vector<1x16xf32>,
        %get3A_1067 = vector.shape_cast %get3A_1066 : vector<1x16xf32> to vector<16xf32>
        %mul3A_1068 = arith.mulf %get3A_1063, %get3A_1067 : vector<16xf32>
        %get3A_1069 = arith.index_cast %add3A_1059 : i32 to index
        %get3A_1070 = arith.constant 16 : index
        %get3A_1071 = tpu.vector_load %arg10[%get3A_1069, %get3A_1070] {strides = array<i32>} : memref<32x128xf32, #tpu.memory_space<vmem>>, vector<1x16xf32>,
        %get3A_1072 = vector.shape_cast %get3A_1071 : vector<1x16xf32> to vector<16xf32>
        %get3A_1073 = arith.index_cast %add3A_1059 : i32 to index
        %get3A_1074 = arith.constant 16 : index
        %get3A_1075 = tpu.vector_load %arg12[%get3A_1073, %get3A_1074] {strides = array<i32>} : memref<32x128xf32, #tpu.memory_space<vmem>>, vector<1x16xf32>,
        %get3A_1076 = vector.shape_cast %get3A_1075 : vector<1x16xf32> to vector<16xf32>
        %mul3A_1077 = arith.mulf %get3A_1072, %get3A_1076 : vector<16xf32>
        %add3A_1078 = arith.addf %mul3A_1068, %mul3A_1077 : vector<16xf32>
        %get3A_1079 = arith.index_cast %add3A_1059 : i32 to index
        %get3A_1080 = arith.constant 32 : index
        %get3A_1081 = tpu.vector_load %arg10[%get3A_1079, %get3A_1080] {strides = array<i32>} : memref<32x128xf32, #tpu.memory_space<vmem>>, vector<1x16xf32>,
        %get3A_1082 = vector.shape_cast %get3A_1081 : vector<1x16xf32> to vector<16xf32>
        %get3A_1083 = arith.index_cast %add3A_1059 : i32 to index
        %get3A_1084 = arith.constant 32 : index
        %get3A_1085 = tpu.vector_load %arg12[%get3A_1083, %get3A_1084] {strides = array<i32>} : memref<32x128xf32, #tpu.memory_space<vmem>>, vector<1x16xf32>,
        %get3A_1086 = vector.shape_cast %get3A_1085 : vector<1x16xf32> to vector<16xf32>
        %mul3A_1087 = arith.mulf %get3A_1082, %get3A_1086 : vector<16xf32>
        %add3A_1088 = arith.addf %add3A_1078, %mul3A_1087 : vector<16xf32>
        %get3A_1089 = arith.index_cast %add3A_1059 : i32 to index
        %get3A_1090 = arith.constant 48 : index
        %get3A_1091 = tpu.vector_load %arg10[%get3A_1089, %get3A_1090] {strides = array<i32>} : memref<32x128xf32, #tpu.memory_space<vmem>>, vector<1x16xf32>,
        %get3A_1092 = vector.shape_cast %get3A_1091 : vector<1x16xf32> to vector<16xf32>
        %get3A_1093 = arith.index_cast %add3A_1059 : i32 to index
        %get3A_1094 = arith.constant 48 : index
        %get3A_1095 = tpu.vector_load %arg12[%get3A_1093, %get3A_1094] {strides = array<i32>} : memref<32x128xf32, #tpu.memory_space<vmem>>, vector<1x16xf32>,
        %get3A_1096 = vector.shape_cast %get3A_1095 : vector<1x16xf32> to vector<16xf32>
        %mul3A_1097 = arith.mulf %get3A_1092, %get3A_1096 : vector<16xf32>
        %add3A_1098 = arith.addf %add3A_1088, %mul3A_1097 : vector<16xf32>
        %get3A_1099 = arith.index_cast %add3A_1059 : i32 to index
        %get3A_1100 = arith.constant 64 : index
        %get3A_1101 = tpu.vector_load %arg10[%get3A_1099, %get3A_1100] {strides = array<i32>} : memref<32x128xf32, #tpu.memory_space<vmem>>, vector<1x16xf32>,
        %get3A_1102 = vector.shape_cast %get3A_1101 : vector<1x16xf32> to vector<16xf32>
        %get3A_1103 = arith.index_cast %add3A_1059 : i32 to index
        %get3A_1104 = arith.constant 64 : index
        %get3A_1105 = tpu.vector_load %arg12[%get3A_1103, %get3A_1104] {strides = array<i32>} : memref<32x128xf32, #tpu.memory_space<vmem>>, vector<1x16xf32>,
        %get3A_1106 = vector.shape_cast %get3A_1105 : vector<1x16xf32> to vector<16xf32>
        %mul3A_1107 = arith.mulf %get3A_1102, %get3A_1106 : vector<16xf32>
        %add3A_1108 = arith.addf %add3A_1098, %mul3A_1107 : vector<16xf32>
        %get3A_1109 = arith.index_cast %add3A_1059 : i32 to index
        %get3A_1110 = arith.constant 80 : index
        %get3A_1111 = tpu.vector_load %arg10[%get3A_1109, %get3A_1110] {strides = array<i32>} : memref<32x128xf32, #tpu.memory_space<vmem>>, vector<1x16xf32>,
        %get3A_1112 = vector.shape_cast %get3A_1111 : vector<1x16xf32> to vector<16xf32>
        %get3A_1113 = arith.index_cast %add3A_1059 : i32 to index
        %get3A_1114 = arith.constant 80 : index
        %get3A_1115 = tpu.vector_load %arg12[%get3A_1113, %get3A_1114] {strides = array<i32>} : memref<32x128xf32, #tpu.memory_space<vmem>>, vector<1x16xf32>,
        %get3A_1116 = vector.shape_cast %get3A_1115 : vector<1x16xf32> to vector<16xf32>
        %mul3A_1117 = arith.mulf %get3A_1112, %get3A_1116 : vector<16xf32>
        %add3A_1118 = arith.addf %add3A_1108, %mul3A_1117 : vector<16xf32>
        %get3A_1119 = arith.index_cast %add3A_1059 : i32 to index
        %get3A_1120 = arith.constant 96 : index
        %get3A_1121 = tpu.vector_load %arg10[%get3A_1119, %get3A_1120] {strides = array<i32>} : memref<32x128xf32, #tpu.memory_space<vmem>>, vector<1x16xf32>,
        %get3A_1122 = vector.shape_cast %get3A_1121 : vector<1x16xf32> to vector<16xf32>
        %get3A_1123 = arith.index_cast %add3A_1059 : i32 to index
        %get3A_1124 = arith.constant 96 : index
        %get3A_1125 = tpu.vector_load %arg12[%get3A_1123, %get3A_1124] {strides = array<i32>} : memref<32x128xf32, #tpu.memory_space<vmem>>, vector<1x16xf32>,
        %get3A_1126 = vector.shape_cast %get3A_1125 : vector<1x16xf32> to vector<16xf32>
        %mul3A_1127 = arith.mulf %get3A_1122, %get3A_1126 : vector<16xf32>
        %add3A_1128 = arith.addf %add3A_1118, %mul3A_1127 : vector<16xf32>
        %get3A_1129 = arith.index_cast %add3A_1059 : i32 to index
        %get3A_1130 = arith.constant 112 : index
        %get3A_1131 = tpu.vector_load %arg10[%get3A_1129, %get3A_1130] {strides = array<i32>} : memref<32x128xf32, #tpu.memory_space<vmem>>, vector<1x16xf32>,
        %get3A_1132 = vector.shape_cast %get3A_1131 : vector<1x16xf32> to vector<16xf32>
        %get3A_1133 = arith.index_cast %add3A_1059 : i32 to index
        %get3A_1134 = arith.constant 112 : index
        %get3A_1135 = tpu.vector_load %arg12[%get3A_1133, %get3A_1134] {strides = array<i32>} : memref<32x128xf32, #tpu.memory_space<vmem>>, vector<1x16xf32>,
        %get3A_1136 = vector.shape_cast %get3A_1135 : vector<1x16xf32> to vector<16xf32>
        %mul3A_1137 = arith.mulf %get3A_1132, %get3A_1136 : vector<16xf32>
        %add3A_1138 = arith.addf %add3A_1128, %mul3A_1137 : vector<16xf32>
        %broadcast_in_dim3A_1139 = vector.shape_cast %xor3A_4 : vector<16xi32> to vector<16x1xi32>
        %gather3A_1140 = vector.shape_cast %broadcast_in_dim3A_1139 : vector<16x1xi32> to vector<16xi32>
        %gather3A_1141 = tpu.dynamic_gather %add3A_1138[%gather3A_1140] in [0] : vector<16xf32>, vector<16xi32> -> vector<16xf32>
        %add3A_1142 = arith.addf %add3A_1138, %gather3A_1141 : vector<16xf32>
        %broadcast_in_dim3A_1143 = vector.shape_cast %xor3A_7 : vector<16xi32> to vector<16x1xi32>
        %gather3A_1144 = vector.shape_cast %broadcast_in_dim3A_1143 : vector<16x1xi32> to vector<16xi32>
        %gather3A_1145 = tpu.dynamic_gather %add3A_1142[%gather3A_1144] in [0] : vector<16xf32>, vector<16xi32> -> vector<16xf32>
        %add3A_1146 = arith.addf %add3A_1142, %gather3A_1145 : vector<16xf32>
        %broadcast_in_dim3A_1147 = vector.shape_cast %xor3A_10 : vector<16xi32> to vector<16x1xi32>
        %gather3A_1148 = vector.shape_cast %broadcast_in_dim3A_1147 : vector<16x1xi32> to vector<16xi32>
        %gather3A_1149 = tpu.dynamic_gather %add3A_1146[%gather3A_1148] in [0] : vector<16xf32>, vector<16xi32> -> vector<16xf32>
        %add3A_1150 = arith.addf %add3A_1146, %gather3A_1149 : vector<16xf32>
        %broadcast_in_dim3A_1151 = vector.shape_cast %xor3A_13 : vector<16xi32> to vector<16x1xi32>
        %gather3A_1152 = vector.shape_cast %broadcast_in_dim3A_1151 : vector<16x1xi32> to vector<16xi32>
        %gather3A_1153 = tpu.dynamic_gather %add3A_1150[%gather3A_1152] in [0] : vector<16xf32>, vector<16xi32> -> vector<16xf32>
        %add3A_1154 = arith.addf %add3A_1150, %gather3A_1153 : vector<16xf32>
        %eq3A_1155 = arith.constant 9 : i32
        %eq3A_1156 = vector.broadcast %eq3A_1155 : i32 to vector<16xi32>
        %eq3A_1157 = arith.cmpi eq, %iota3A, %eq3A_1156 : vector<16xi32>
        %select_n3A_1158 = arith.select %eq3A_1157, %add3A_1154, %select_n3A_1055 : vector<16xi1>, vector<16xf32>
        %mul3A_1159 = arith.constant 16 : i32
        %mul3A_1160 = arith.muli %scan3A_129, %mul3A_1159 : i32
        %add3A_1161 = arith.constant 10 : i32
        %add3A_1162 = arith.addi %mul3A_1160, %add3A_1161 : i32
        %get3A_1163 = arith.index_cast %add3A_1162 : i32 to index
        %get3A_1164 = arith.constant 0 : index
        %get3A_1165 = tpu.vector_load %arg10[%get3A_1163, %get3A_1164] {strides = array<i32>} : memref<32x128xf32, #tpu.memory_space<vmem>>, vector<1x16xf32>,
        %get3A_1166 = vector.shape_cast %get3A_1165 : vector<1x16xf32> to vector<16xf32>
        %get3A_1167 = arith.index_cast %add3A_1162 : i32 to index
        %get3A_1168 = arith.constant 0 : index
        %get3A_1169 = tpu.vector_load %arg12[%get3A_1167, %get3A_1168] {strides = array<i32>} : memref<32x128xf32, #tpu.memory_space<vmem>>, vector<1x16xf32>,
        %get3A_1170 = vector.shape_cast %get3A_1169 : vector<1x16xf32> to vector<16xf32>
        %mul3A_1171 = arith.mulf %get3A_1166, %get3A_1170 : vector<16xf32>
        %get3A_1172 = arith.index_cast %add3A_1162 : i32 to index
        %get3A_1173 = arith.constant 16 : index
        %get3A_1174 = tpu.vector_load %arg10[%get3A_1172, %get3A_1173] {strides = array<i32>} : memref<32x128xf32, #tpu.memory_space<vmem>>, vector<1x16xf32>,
        %get3A_1175 = vector.shape_cast %get3A_1174 : vector<1x16xf32> to vector<16xf32>
        %get3A_1176 = arith.index_cast %add3A_1162 : i32 to index
        %get3A_1177 = arith.constant 16 : index
        %get3A_1178 = tpu.vector_load %arg12[%get3A_1176, %get3A_1177] {strides = array<i32>} : memref<32x128xf32, #tpu.memory_space<vmem>>, vector<1x16xf32>,
        %get3A_1179 = vector.shape_cast %get3A_1178 : vector<1x16xf32> to vector<16xf32>
        %mul3A_1180 = arith.mulf %get3A_1175, %get3A_1179 : vector<16xf32>
        %add3A_1181 = arith.addf %mul3A_1171, %mul3A_1180 : vector<16xf32>
        %get3A_1182 = arith.index_cast %add3A_1162 : i32 to index
        %get3A_1183 = arith.constant 32 : index
        %get3A_1184 = tpu.vector_load %arg10[%get3A_1182, %get3A_1183] {strides = array<i32>} : memref<32x128xf32, #tpu.memory_space<vmem>>, vector<1x16xf32>,
        %get3A_1185 = vector.shape_cast %get3A_1184 : vector<1x16xf32> to vector<16xf32>
        %get3A_1186 = arith.index_cast %add3A_1162 : i32 to index
        %get3A_1187 = arith.constant 32 : index
        %get3A_1188 = tpu.vector_load %arg12[%get3A_1186, %get3A_1187] {strides = array<i32>} : memref<32x128xf32, #tpu.memory_space<vmem>>, vector<1x16xf32>,
        %get3A_1189 = vector.shape_cast %get3A_1188 : vector<1x16xf32> to vector<16xf32>
        %mul3A_1190 = arith.mulf %get3A_1185, %get3A_1189 : vector<16xf32>
        %add3A_1191 = arith.addf %add3A_1181, %mul3A_1190 : vector<16xf32>
        %get3A_1192 = arith.index_cast %add3A_1162 : i32 to index
        %get3A_1193 = arith.constant 48 : index
        %get3A_1194 = tpu.vector_load %arg10[%get3A_1192, %get3A_1193] {strides = array<i32>} : memref<32x128xf32, #tpu.memory_space<vmem>>, vector<1x16xf32>,
        %get3A_1195 = vector.shape_cast %get3A_1194 : vector<1x16xf32> to vector<16xf32>
        %get3A_1196 = arith.index_cast %add3A_1162 : i32 to index
        %get3A_1197 = arith.constant 48 : index
        %get3A_1198 = tpu.vector_load %arg12[%get3A_1196, %get3A_1197] {strides = array<i32>} : memref<32x128xf32, #tpu.memory_space<vmem>>, vector<1x16xf32>,
        %get3A_1199 = vector.shape_cast %get3A_1198 : vector<1x16xf32> to vector<16xf32>
        %mul3A_1200 = arith.mulf %get3A_1195, %get3A_1199 : vector<16xf32>
        %add3A_1201 = arith.addf %add3A_1191, %mul3A_1200 : vector<16xf32>
        %get3A_1202 = arith.index_cast %add3A_1162 : i32 to index
        %get3A_1203 = arith.constant 64 : index
        %get3A_1204 = tpu.vector_load %arg10[%get3A_1202, %get3A_1203] {strides = array<i32>} : memref<32x128xf32, #tpu.memory_space<vmem>>, vector<1x16xf32>,
        %get3A_1205 = vector.shape_cast %get3A_1204 : vector<1x16xf32> to vector<16xf32>
        %get3A_1206 = arith.index_cast %add3A_1162 : i32 to index
        %get3A_1207 = arith.constant 64 : index
        %get3A_1208 = tpu.vector_load %arg12[%get3A_1206, %get3A_1207] {strides = array<i32>} : memref<32x128xf32, #tpu.memory_space<vmem>>, vector<1x16xf32>,
        %get3A_1209 = vector.shape_cast %get3A_1208 : vector<1x16xf32> to vector<16xf32>
        %mul3A_1210 = arith.mulf %get3A_1205, %get3A_1209 : vector<16xf32>
        %add3A_1211 = arith.addf %add3A_1201, %mul3A_1210 : vector<16xf32>
        %get3A_1212 = arith.index_cast %add3A_1162 : i32 to index
        %get3A_1213 = arith.constant 80 : index
        %get3A_1214 = tpu.vector_load %arg10[%get3A_1212, %get3A_1213] {strides = array<i32>} : memref<32x128xf32, #tpu.memory_space<vmem>>, vector<1x16xf32>,
        %get3A_1215 = vector.shape_cast %get3A_1214 : vector<1x16xf32> to vector<16xf32>
        %get3A_1216 = arith.index_cast %add3A_1162 : i32 to index
        %get3A_1217 = arith.constant 80 : index
        %get3A_1218 = tpu.vector_load %arg12[%get3A_1216, %get3A_1217] {strides = array<i32>} : memref<32x128xf32, #tpu.memory_space<vmem>>, vector<1x16xf32>,
        %get3A_1219 = vector.shape_cast %get3A_1218 : vector<1x16xf32> to vector<16xf32>
        %mul3A_1220 = arith.mulf %get3A_1215, %get3A_1219 : vector<16xf32>
        %add3A_1221 = arith.addf %add3A_1211, %mul3A_1220 : vector<16xf32>
        %get3A_1222 = arith.index_cast %add3A_1162 : i32 to index
        %get3A_1223 = arith.constant 96 : index
        %get3A_1224 = tpu.vector_load %arg10[%get3A_1222, %get3A_1223] {strides = array<i32>} : memref<32x128xf32, #tpu.memory_space<vmem>>, vector<1x16xf32>,
        %get3A_1225 = vector.shape_cast %get3A_1224 : vector<1x16xf32> to vector<16xf32>
        %get3A_1226 = arith.index_cast %add3A_1162 : i32 to index
        %get3A_1227 = arith.constant 96 : index
        %get3A_1228 = tpu.vector_load %arg12[%get3A_1226, %get3A_1227] {strides = array<i32>} : memref<32x128xf32, #tpu.memory_space<vmem>>, vector<1x16xf32>,
        %get3A_1229 = vector.shape_cast %get3A_1228 : vector<1x16xf32> to vector<16xf32>
        %mul3A_1230 = arith.mulf %get3A_1225, %get3A_1229 : vector<16xf32>
        %add3A_1231 = arith.addf %add3A_1221, %mul3A_1230 : vector<16xf32>
        %get3A_1232 = arith.index_cast %add3A_1162 : i32 to index
        %get3A_1233 = arith.constant 112 : index
        %get3A_1234 = tpu.vector_load %arg10[%get3A_1232, %get3A_1233] {strides = array<i32>} : memref<32x128xf32, #tpu.memory_space<vmem>>, vector<1x16xf32>,
        %get3A_1235 = vector.shape_cast %get3A_1234 : vector<1x16xf32> to vector<16xf32>
        %get3A_1236 = arith.index_cast %add3A_1162 : i32 to index
        %get3A_1237 = arith.constant 112 : index
        %get3A_1238 = tpu.vector_load %arg12[%get3A_1236, %get3A_1237] {strides = array<i32>} : memref<32x128xf32, #tpu.memory_space<vmem>>, vector<1x16xf32>,
        %get3A_1239 = vector.shape_cast %get3A_1238 : vector<1x16xf32> to vector<16xf32>
        %mul3A_1240 = arith.mulf %get3A_1235, %get3A_1239 : vector<16xf32>
        %add3A_1241 = arith.addf %add3A_1231, %mul3A_1240 : vector<16xf32>
        %broadcast_in_dim3A_1242 = vector.shape_cast %xor3A_4 : vector<16xi32> to vector<16x1xi32>
        %gather3A_1243 = vector.shape_cast %broadcast_in_dim3A_1242 : vector<16x1xi32> to vector<16xi32>
        %gather3A_1244 = tpu.dynamic_gather %add3A_1241[%gather3A_1243] in [0] : vector<16xf32>, vector<16xi32> -> vector<16xf32>
        %add3A_1245 = arith.addf %add3A_1241, %gather3A_1244 : vector<16xf32>
        %broadcast_in_dim3A_1246 = vector.shape_cast %xor3A_7 : vector<16xi32> to vector<16x1xi32>
        %gather3A_1247 = vector.shape_cast %broadcast_in_dim3A_1246 : vector<16x1xi32> to vector<16xi32>
        %gather3A_1248 = tpu.dynamic_gather %add3A_1245[%gather3A_1247] in [0] : vector<16xf32>, vector<16xi32> -> vector<16xf32>
        %add3A_1249 = arith.addf %add3A_1245, %gather3A_1248 : vector<16xf32>
        %broadcast_in_dim3A_1250 = vector.shape_cast %xor3A_10 : vector<16xi32> to vector<16x1xi32>
        %gather3A_1251 = vector.shape_cast %broadcast_in_dim3A_1250 : vector<16x1xi32> to vector<16xi32>
        %gather3A_1252 = tpu.dynamic_gather %add3A_1249[%gather3A_1251] in [0] : vector<16xf32>, vector<16xi32> -> vector<16xf32>
        %add3A_1253 = arith.addf %add3A_1249, %gather3A_1252 : vector<16xf32>
        %broadcast_in_dim3A_1254 = vector.shape_cast %xor3A_13 : vector<16xi32> to vector<16x1xi32>
        %gather3A_1255 = vector.shape_cast %broadcast_in_dim3A_1254 : vector<16x1xi32> to vector<16xi32>
        %gather3A_1256 = tpu.dynamic_gather %add3A_1253[%gather3A_1255] in [0] : vector<16xf32>, vector<16xi32> -> vector<16xf32>
        %add3A_1257 = arith.addf %add3A_1253, %gather3A_1256 : vector<16xf32>
        %eq3A_1258 = arith.constant 10 : i32
        %eq3A_1259 = vector.broadcast %eq3A_1258 : i32 to vector<16xi32>
        %eq3A_1260 = arith.cmpi eq, %iota3A, %eq3A_1259 : vector<16xi32>
        %select_n3A_1261 = arith.select %eq3A_1260, %add3A_1257, %select_n3A_1158 : vector<16xi1>, vector<16xf32>
        %mul3A_1262 = arith.constant 16 : i32
        %mul3A_1263 = arith.muli %scan3A_129, %mul3A_1262 : i32
        %add3A_1264 = arith.constant 11 : i32
        %add3A_1265 = arith.addi %mul3A_1263, %add3A_1264 : i32
        %get3A_1266 = arith.index_cast %add3A_1265 : i32 to index
        %get3A_1267 = arith.constant 0 : index
        %get3A_1268 = tpu.vector_load %arg10[%get3A_1266, %get3A_1267] {strides = array<i32>} : memref<32x128xf32, #tpu.memory_space<vmem>>, vector<1x16xf32>,
        %get3A_1269 = vector.shape_cast %get3A_1268 : vector<1x16xf32> to vector<16xf32>
        %get3A_1270 = arith.index_cast %add3A_1265 : i32 to index
        %get3A_1271 = arith.constant 0 : index
        %get3A_1272 = tpu.vector_load %arg12[%get3A_1270, %get3A_1271] {strides = array<i32>} : memref<32x128xf32, #tpu.memory_space<vmem>>, vector<1x16xf32>,
        %get3A_1273 = vector.shape_cast %get3A_1272 : vector<1x16xf32> to vector<16xf32>
        %mul3A_1274 = arith.mulf %get3A_1269, %get3A_1273 : vector<16xf32>
        %get3A_1275 = arith.index_cast %add3A_1265 : i32 to index
        %get3A_1276 = arith.constant 16 : index
        %get3A_1277 = tpu.vector_load %arg10[%get3A_1275, %get3A_1276] {strides = array<i32>} : memref<32x128xf32, #tpu.memory_space<vmem>>, vector<1x16xf32>,
        %get3A_1278 = vector.shape_cast %get3A_1277 : vector<1x16xf32> to vector<16xf32>
        %get3A_1279 = arith.index_cast %add3A_1265 : i32 to index
        %get3A_1280 = arith.constant 16 : index
        %get3A_1281 = tpu.vector_load %arg12[%get3A_1279, %get3A_1280] {strides = array<i32>} : memref<32x128xf32, #tpu.memory_space<vmem>>, vector<1x16xf32>,
        %get3A_1282 = vector.shape_cast %get3A_1281 : vector<1x16xf32> to vector<16xf32>
        %mul3A_1283 = arith.mulf %get3A_1278, %get3A_1282 : vector<16xf32>
        %add3A_1284 = arith.addf %mul3A_1274, %mul3A_1283 : vector<16xf32>
        %get3A_1285 = arith.index_cast %add3A_1265 : i32 to index
        %get3A_1286 = arith.constant 32 : index
        %get3A_1287 = tpu.vector_load %arg10[%get3A_1285, %get3A_1286] {strides = array<i32>} : memref<32x128xf32, #tpu.memory_space<vmem>>, vector<1x16xf32>,
        %get3A_1288 = vector.shape_cast %get3A_1287 : vector<1x16xf32> to vector<16xf32>
        %get3A_1289 = arith.index_cast %add3A_1265 : i32 to index
        %get3A_1290 = arith.constant 32 : index
        %get3A_1291 = tpu.vector_load %arg12[%get3A_1289, %get3A_1290] {strides = array<i32>} : memref<32x128xf32, #tpu.memory_space<vmem>>, vector<1x16xf32>,
        %get3A_1292 = vector.shape_cast %get3A_1291 : vector<1x16xf32> to vector<16xf32>
        %mul3A_1293 = arith.mulf %get3A_1288, %get3A_1292 : vector<16xf32>
        %add3A_1294 = arith.addf %add3A_1284, %mul3A_1293 : vector<16xf32>
        %get3A_1295 = arith.index_cast %add3A_1265 : i32 to index
        %get3A_1296 = arith.constant 48 : index
        %get3A_1297 = tpu.vector_load %arg10[%get3A_1295, %get3A_1296] {strides = array<i32>} : memref<32x128xf32, #tpu.memory_space<vmem>>, vector<1x16xf32>,
        %get3A_1298 = vector.shape_cast %get3A_1297 : vector<1x16xf32> to vector<16xf32>
        %get3A_1299 = arith.index_cast %add3A_1265 : i32 to index
        %get3A_1300 = arith.constant 48 : index
        %get3A_1301 = tpu.vector_load %arg12[%get3A_1299, %get3A_1300] {strides = array<i32>} : memref<32x128xf32, #tpu.memory_space<vmem>>, vector<1x16xf32>,
        %get3A_1302 = vector.shape_cast %get3A_1301 : vector<1x16xf32> to vector<16xf32>
        %mul3A_1303 = arith.mulf %get3A_1298, %get3A_1302 : vector<16xf32>
        %add3A_1304 = arith.addf %add3A_1294, %mul3A_1303 : vector<16xf32>
        %get3A_1305 = arith.index_cast %add3A_1265 : i32 to index
        %get3A_1306 = arith.constant 64 : index
        %get3A_1307 = tpu.vector_load %arg10[%get3A_1305, %get3A_1306] {strides = array<i32>} : memref<32x128xf32, #tpu.memory_space<vmem>>, vector<1x16xf32>,
        %get3A_1308 = vector.shape_cast %get3A_1307 : vector<1x16xf32> to vector<16xf32>
        %get3A_1309 = arith.index_cast %add3A_1265 : i32 to index
        %get3A_1310 = arith.constant 64 : index
        %get3A_1311 = tpu.vector_load %arg12[%get3A_1309, %get3A_1310] {strides = array<i32>} : memref<32x128xf32, #tpu.memory_space<vmem>>, vector<1x16xf32>,
        %get3A_1312 = vector.shape_cast %get3A_1311 : vector<1x16xf32> to vector<16xf32>
        %mul3A_1313 = arith.mulf %get3A_1308, %get3A_1312 : vector<16xf32>
        %add3A_1314 = arith.addf %add3A_1304, %mul3A_1313 : vector<16xf32>
        %get3A_1315 = arith.index_cast %add3A_1265 : i32 to index
        %get3A_1316 = arith.constant 80 : index
        %get3A_1317 = tpu.vector_load %arg10[%get3A_1315, %get3A_1316] {strides = array<i32>} : memref<32x128xf32, #tpu.memory_space<vmem>>, vector<1x16xf32>,
        %get3A_1318 = vector.shape_cast %get3A_1317 : vector<1x16xf32> to vector<16xf32>
        %get3A_1319 = arith.index_cast %add3A_1265 : i32 to index
        %get3A_1320 = arith.constant 80 : index
        %get3A_1321 = tpu.vector_load %arg12[%get3A_1319, %get3A_1320] {strides = array<i32>} : memref<32x128xf32, #tpu.memory_space<vmem>>, vector<1x16xf32>,
        %get3A_1322 = vector.shape_cast %get3A_1321 : vector<1x16xf32> to vector<16xf32>
        %mul3A_1323 = arith.mulf %get3A_1318, %get3A_1322 : vector<16xf32>
        %add3A_1324 = arith.addf %add3A_1314, %mul3A_1323 : vector<16xf32>
        %get3A_1325 = arith.index_cast %add3A_1265 : i32 to index
        %get3A_1326 = arith.constant 96 : index
        %get3A_1327 = tpu.vector_load %arg10[%get3A_1325, %get3A_1326] {strides = array<i32>} : memref<32x128xf32, #tpu.memory_space<vmem>>, vector<1x16xf32>,
        %get3A_1328 = vector.shape_cast %get3A_1327 : vector<1x16xf32> to vector<16xf32>
        %get3A_1329 = arith.index_cast %add3A_1265 : i32 to index
        %get3A_1330 = arith.constant 96 : index
        %get3A_1331 = tpu.vector_load %arg12[%get3A_1329, %get3A_1330] {strides = array<i32>} : memref<32x128xf32, #tpu.memory_space<vmem>>, vector<1x16xf32>,
        %get3A_1332 = vector.shape_cast %get3A_1331 : vector<1x16xf32> to vector<16xf32>
        %mul3A_1333 = arith.mulf %get3A_1328, %get3A_1332 : vector<16xf32>
        %add3A_1334 = arith.addf %add3A_1324, %mul3A_1333 : vector<16xf32>
        %get3A_1335 = arith.index_cast %add3A_1265 : i32 to index
        %get3A_1336 = arith.constant 112 : index
        %get3A_1337 = tpu.vector_load %arg10[%get3A_1335, %get3A_1336] {strides = array<i32>} : memref<32x128xf32, #tpu.memory_space<vmem>>, vector<1x16xf32>,
        %get3A_1338 = vector.shape_cast %get3A_1337 : vector<1x16xf32> to vector<16xf32>
        %get3A_1339 = arith.index_cast %add3A_1265 : i32 to index
        %get3A_1340 = arith.constant 112 : index
        %get3A_1341 = tpu.vector_load %arg12[%get3A_1339, %get3A_1340] {strides = array<i32>} : memref<32x128xf32, #tpu.memory_space<vmem>>, vector<1x16xf32>,
        %get3A_1342 = vector.shape_cast %get3A_1341 : vector<1x16xf32> to vector<16xf32>
        %mul3A_1343 = arith.mulf %get3A_1338, %get3A_1342 : vector<16xf32>
        %add3A_1344 = arith.addf %add3A_1334, %mul3A_1343 : vector<16xf32>
        %broadcast_in_dim3A_1345 = vector.shape_cast %xor3A_4 : vector<16xi32> to vector<16x1xi32>
        %gather3A_1346 = vector.shape_cast %broadcast_in_dim3A_1345 : vector<16x1xi32> to vector<16xi32>
        %gather3A_1347 = tpu.dynamic_gather %add3A_1344[%gather3A_1346] in [0] : vector<16xf32>, vector<16xi32> -> vector<16xf32>
        %add3A_1348 = arith.addf %add3A_1344, %gather3A_1347 : vector<16xf32>
        %broadcast_in_dim3A_1349 = vector.shape_cast %xor3A_7 : vector<16xi32> to vector<16x1xi32>
        %gather3A_1350 = vector.shape_cast %broadcast_in_dim3A_1349 : vector<16x1xi32> to vector<16xi32>
        %gather3A_1351 = tpu.dynamic_gather %add3A_1348[%gather3A_1350] in [0] : vector<16xf32>, vector<16xi32> -> vector<16xf32>
        %add3A_1352 = arith.addf %add3A_1348, %gather3A_1351 : vector<16xf32>
        %broadcast_in_dim3A_1353 = vector.shape_cast %xor3A_10 : vector<16xi32> to vector<16x1xi32>
        %gather3A_1354 = vector.shape_cast %broadcast_in_dim3A_1353 : vector<16x1xi32> to vector<16xi32>
        %gather3A_1355 = tpu.dynamic_gather %add3A_1352[%gather3A_1354] in [0] : vector<16xf32>, vector<16xi32> -> vector<16xf32>
        %add3A_1356 = arith.addf %add3A_1352, %gather3A_1355 : vector<16xf32>
        %broadcast_in_dim3A_1357 = vector.shape_cast %xor3A_13 : vector<16xi32> to vector<16x1xi32>
        %gather3A_1358 = vector.shape_cast %broadcast_in_dim3A_1357 : vector<16x1xi32> to vector<16xi32>
        %gather3A_1359 = tpu.dynamic_gather %add3A_1356[%gather3A_1358] in [0] : vector<16xf32>, vector<16xi32> -> vector<16xf32>
        %add3A_1360 = arith.addf %add3A_1356, %gather3A_1359 : vector<16xf32>
        %eq3A_1361 = arith.constant 11 : i32
        %eq3A_1362 = vector.broadcast %eq3A_1361 : i32 to vector<16xi32>
        %eq3A_1363 = arith.cmpi eq, %iota3A, %eq3A_1362 : vector<16xi32>
        %select_n3A_1364 = arith.select %eq3A_1363, %add3A_1360, %select_n3A_1261 : vector<16xi1>, vector<16xf32>
        %mul3A_1365 = arith.constant 16 : i32
        %mul3A_1366 = arith.muli %scan3A_129, %mul3A_1365 : i32
        %add3A_1367 = arith.constant 12 : i32
        %add3A_1368 = arith.addi %mul3A_1366, %add3A_1367 : i32
        %get3A_1369 = arith.index_cast %add3A_1368 : i32 to index
        %get3A_1370 = arith.constant 0 : index
        %get3A_1371 = tpu.vector_load %arg10[%get3A_1369, %get3A_1370] {strides = array<i32>} : memref<32x128xf32, #tpu.memory_space<vmem>>, vector<1x16xf32>,
        %get3A_1372 = vector.shape_cast %get3A_1371 : vector<1x16xf32> to vector<16xf32>
        %get3A_1373 = arith.index_cast %add3A_1368 : i32 to index
        %get3A_1374 = arith.constant 0 : index
        %get3A_1375 = tpu.vector_load %arg12[%get3A_1373, %get3A_1374] {strides = array<i32>} : memref<32x128xf32, #tpu.memory_space<vmem>>, vector<1x16xf32>,
        %get3A_1376 = vector.shape_cast %get3A_1375 : vector<1x16xf32> to vector<16xf32>
        %mul3A_1377 = arith.mulf %get3A_1372, %get3A_1376 : vector<16xf32>
        %get3A_1378 = arith.index_cast %add3A_1368 : i32 to index
        %get3A_1379 = arith.constant 16 : index
        %get3A_1380 = tpu.vector_load %arg10[%get3A_1378, %get3A_1379] {strides = array<i32>} : memref<32x128xf32, #tpu.memory_space<vmem>>, vector<1x16xf32>,
        %get3A_1381 = vector.shape_cast %get3A_1380 : vector<1x16xf32> to vector<16xf32>
        %get3A_1382 = arith.index_cast %add3A_1368 : i32 to index
        %get3A_1383 = arith.constant 16 : index
        %get3A_1384 = tpu.vector_load %arg12[%get3A_1382, %get3A_1383] {strides = array<i32>} : memref<32x128xf32, #tpu.memory_space<vmem>>, vector<1x16xf32>,
        %get3A_1385 = vector.shape_cast %get3A_1384 : vector<1x16xf32> to vector<16xf32>
        %mul3A_1386 = arith.mulf %get3A_1381, %get3A_1385 : vector<16xf32>
        %add3A_1387 = arith.addf %mul3A_1377, %mul3A_1386 : vector<16xf32>
        %get3A_1388 = arith.index_cast %add3A_1368 : i32 to index
        %get3A_1389 = arith.constant 32 : index
        %get3A_1390 = tpu.vector_load %arg10[%get3A_1388, %get3A_1389] {strides = array<i32>} : memref<32x128xf32, #tpu.memory_space<vmem>>, vector<1x16xf32>,
        %get3A_1391 = vector.shape_cast %get3A_1390 : vector<1x16xf32> to vector<16xf32>
        %get3A_1392 = arith.index_cast %add3A_1368 : i32 to index
        %get3A_1393 = arith.constant 32 : index
        %get3A_1394 = tpu.vector_load %arg12[%get3A_1392, %get3A_1393] {strides = array<i32>} : memref<32x128xf32, #tpu.memory_space<vmem>>, vector<1x16xf32>,
        %get3A_1395 = vector.shape_cast %get3A_1394 : vector<1x16xf32> to vector<16xf32>
        %mul3A_1396 = arith.mulf %get3A_1391, %get3A_1395 : vector<16xf32>
        %add3A_1397 = arith.addf %add3A_1387, %mul3A_1396 : vector<16xf32>
        %get3A_1398 = arith.index_cast %add3A_1368 : i32 to index
        %get3A_1399 = arith.constant 48 : index
        %get3A_1400 = tpu.vector_load %arg10[%get3A_1398, %get3A_1399] {strides = array<i32>} : memref<32x128xf32, #tpu.memory_space<vmem>>, vector<1x16xf32>,
        %get3A_1401 = vector.shape_cast %get3A_1400 : vector<1x16xf32> to vector<16xf32>
        %get3A_1402 = arith.index_cast %add3A_1368 : i32 to index
        %get3A_1403 = arith.constant 48 : index
        %get3A_1404 = tpu.vector_load %arg12[%get3A_1402, %get3A_1403] {strides = array<i32>} : memref<32x128xf32, #tpu.memory_space<vmem>>, vector<1x16xf32>,
        %get3A_1405 = vector.shape_cast %get3A_1404 : vector<1x16xf32> to vector<16xf32>
        %mul3A_1406 = arith.mulf %get3A_1401, %get3A_1405 : vector<16xf32>
        %add3A_1407 = arith.addf %add3A_1397, %mul3A_1406 : vector<16xf32>
        %get3A_1408 = arith.index_cast %add3A_1368 : i32 to index
        %get3A_1409 = arith.constant 64 : index
        %get3A_1410 = tpu.vector_load %arg10[%get3A_1408, %get3A_1409] {strides = array<i32>} : memref<32x128xf32, #tpu.memory_space<vmem>>, vector<1x16xf32>,
        %get3A_1411 = vector.shape_cast %get3A_1410 : vector<1x16xf32> to vector<16xf32>
        %get3A_1412 = arith.index_cast %add3A_1368 : i32 to index
        %get3A_1413 = arith.constant 64 : index
        %get3A_1414 = tpu.vector_load %arg12[%get3A_1412, %get3A_1413] {strides = array<i32>} : memref<32x128xf32, #tpu.memory_space<vmem>>, vector<1x16xf32>,
        %get3A_1415 = vector.shape_cast %get3A_1414 : vector<1x16xf32> to vector<16xf32>
        %mul3A_1416 = arith.mulf %get3A_1411, %get3A_1415 : vector<16xf32>
        %add3A_1417 = arith.addf %add3A_1407, %mul3A_1416 : vector<16xf32>
        %get3A_1418 = arith.index_cast %add3A_1368 : i32 to index
        %get3A_1419 = arith.constant 80 : index
        %get3A_1420 = tpu.vector_load %arg10[%get3A_1418, %get3A_1419] {strides = array<i32>} : memref<32x128xf32, #tpu.memory_space<vmem>>, vector<1x16xf32>,
        %get3A_1421 = vector.shape_cast %get3A_1420 : vector<1x16xf32> to vector<16xf32>
        %get3A_1422 = arith.index_cast %add3A_1368 : i32 to index
        %get3A_1423 = arith.constant 80 : index
        %get3A_1424 = tpu.vector_load %arg12[%get3A_1422, %get3A_1423] {strides = array<i32>} : memref<32x128xf32, #tpu.memory_space<vmem>>, vector<1x16xf32>,
        %get3A_1425 = vector.shape_cast %get3A_1424 : vector<1x16xf32> to vector<16xf32>
        %mul3A_1426 = arith.mulf %get3A_1421, %get3A_1425 : vector<16xf32>
        %add3A_1427 = arith.addf %add3A_1417, %mul3A_1426 : vector<16xf32>
        %get3A_1428 = arith.index_cast %add3A_1368 : i32 to index
        %get3A_1429 = arith.constant 96 : index
        %get3A_1430 = tpu.vector_load %arg10[%get3A_1428, %get3A_1429] {strides = array<i32>} : memref<32x128xf32, #tpu.memory_space<vmem>>, vector<1x16xf32>,
        %get3A_1431 = vector.shape_cast %get3A_1430 : vector<1x16xf32> to vector<16xf32>
        %get3A_1432 = arith.index_cast %add3A_1368 : i32 to index
        %get3A_1433 = arith.constant 96 : index
        %get3A_1434 = tpu.vector_load %arg12[%get3A_1432, %get3A_1433] {strides = array<i32>} : memref<32x128xf32, #tpu.memory_space<vmem>>, vector<1x16xf32>,
        %get3A_1435 = vector.shape_cast %get3A_1434 : vector<1x16xf32> to vector<16xf32>
        %mul3A_1436 = arith.mulf %get3A_1431, %get3A_1435 : vector<16xf32>
        %add3A_1437 = arith.addf %add3A_1427, %mul3A_1436 : vector<16xf32>
        %get3A_1438 = arith.index_cast %add3A_1368 : i32 to index
        %get3A_1439 = arith.constant 112 : index
        %get3A_1440 = tpu.vector_load %arg10[%get3A_1438, %get3A_1439] {strides = array<i32>} : memref<32x128xf32, #tpu.memory_space<vmem>>, vector<1x16xf32>,
        %get3A_1441 = vector.shape_cast %get3A_1440 : vector<1x16xf32> to vector<16xf32>
        %get3A_1442 = arith.index_cast %add3A_1368 : i32 to index
        %get3A_1443 = arith.constant 112 : index
        %get3A_1444 = tpu.vector_load %arg12[%get3A_1442, %get3A_1443] {strides = array<i32>} : memref<32x128xf32, #tpu.memory_space<vmem>>, vector<1x16xf32>,
        %get3A_1445 = vector.shape_cast %get3A_1444 : vector<1x16xf32> to vector<16xf32>
        %mul3A_1446 = arith.mulf %get3A_1441, %get3A_1445 : vector<16xf32>
        %add3A_1447 = arith.addf %add3A_1437, %mul3A_1446 : vector<16xf32>
        %broadcast_in_dim3A_1448 = vector.shape_cast %xor3A_4 : vector<16xi32> to vector<16x1xi32>
        %gather3A_1449 = vector.shape_cast %broadcast_in_dim3A_1448 : vector<16x1xi32> to vector<16xi32>
        %gather3A_1450 = tpu.dynamic_gather %add3A_1447[%gather3A_1449] in [0] : vector<16xf32>, vector<16xi32> -> vector<16xf32>
        %add3A_1451 = arith.addf %add3A_1447, %gather3A_1450 : vector<16xf32>
        %broadcast_in_dim3A_1452 = vector.shape_cast %xor3A_7 : vector<16xi32> to vector<16x1xi32>
        %gather3A_1453 = vector.shape_cast %broadcast_in_dim3A_1452 : vector<16x1xi32> to vector<16xi32>
        %gather3A_1454 = tpu.dynamic_gather %add3A_1451[%gather3A_1453] in [0] : vector<16xf32>, vector<16xi32> -> vector<16xf32>
        %add3A_1455 = arith.addf %add3A_1451, %gather3A_1454 : vector<16xf32>
        %broadcast_in_dim3A_1456 = vector.shape_cast %xor3A_10 : vector<16xi32> to vector<16x1xi32>
        %gather3A_1457 = vector.shape_cast %broadcast_in_dim3A_1456 : vector<16x1xi32> to vector<16xi32>
        %gather3A_1458 = tpu.dynamic_gather %add3A_1455[%gather3A_1457] in [0] : vector<16xf32>, vector<16xi32> -> vector<16xf32>
        %add3A_1459 = arith.addf %add3A_1455, %gather3A_1458 : vector<16xf32>
        %broadcast_in_dim3A_1460 = vector.shape_cast %xor3A_13 : vector<16xi32> to vector<16x1xi32>
        %gather3A_1461 = vector.shape_cast %broadcast_in_dim3A_1460 : vector<16x1xi32> to vector<16xi32>
        %gather3A_1462 = tpu.dynamic_gather %add3A_1459[%gather3A_1461] in [0] : vector<16xf32>, vector<16xi32> -> vector<16xf32>
        %add3A_1463 = arith.addf %add3A_1459, %gather3A_1462 : vector<16xf32>
        %eq3A_1464 = arith.constant 12 : i32
        %eq3A_1465 = vector.broadcast %eq3A_1464 : i32 to vector<16xi32>
        %eq3A_1466 = arith.cmpi eq, %iota3A, %eq3A_1465 : vector<16xi32>
        %select_n3A_1467 = arith.select %eq3A_1466, %add3A_1463, %select_n3A_1364 : vector<16xi1>, vector<16xf32>
        %mul3A_1468 = arith.constant 16 : i32
        %mul3A_1469 = arith.muli %scan3A_129, %mul3A_1468 : i32
        %add3A_1470 = arith.constant 13 : i32
        %add3A_1471 = arith.addi %mul3A_1469, %add3A_1470 : i32
        %get3A_1472 = arith.index_cast %add3A_1471 : i32 to index
        %get3A_1473 = arith.constant 0 : index
        %get3A_1474 = tpu.vector_load %arg10[%get3A_1472, %get3A_1473] {strides = array<i32>} : memref<32x128xf32, #tpu.memory_space<vmem>>, vector<1x16xf32>,
        %get3A_1475 = vector.shape_cast %get3A_1474 : vector<1x16xf32> to vector<16xf32>
        %get3A_1476 = arith.index_cast %add3A_1471 : i32 to index
        %get3A_1477 = arith.constant 0 : index
        %get3A_1478 = tpu.vector_load %arg12[%get3A_1476, %get3A_1477] {strides = array<i32>} : memref<32x128xf32, #tpu.memory_space<vmem>>, vector<1x16xf32>,
        %get3A_1479 = vector.shape_cast %get3A_1478 : vector<1x16xf32> to vector<16xf32>
        %mul3A_1480 = arith.mulf %get3A_1475, %get3A_1479 : vector<16xf32>
        %get3A_1481 = arith.index_cast %add3A_1471 : i32 to index
        %get3A_1482 = arith.constant 16 : index
        %get3A_1483 = tpu.vector_load %arg10[%get3A_1481, %get3A_1482] {strides = array<i32>} : memref<32x128xf32, #tpu.memory_space<vmem>>, vector<1x16xf32>,
        %get3A_1484 = vector.shape_cast %get3A_1483 : vector<1x16xf32> to vector<16xf32>
        %get3A_1485 = arith.index_cast %add3A_1471 : i32 to index
        %get3A_1486 = arith.constant 16 : index
        %get3A_1487 = tpu.vector_load %arg12[%get3A_1485, %get3A_1486] {strides = array<i32>} : memref<32x128xf32, #tpu.memory_space<vmem>>, vector<1x16xf32>,
        %get3A_1488 = vector.shape_cast %get3A_1487 : vector<1x16xf32> to vector<16xf32>
        %mul3A_1489 = arith.mulf %get3A_1484, %get3A_1488 : vector<16xf32>
        %add3A_1490 = arith.addf %mul3A_1480, %mul3A_1489 : vector<16xf32>
        %get3A_1491 = arith.index_cast %add3A_1471 : i32 to index
        %get3A_1492 = arith.constant 32 : index
        %get3A_1493 = tpu.vector_load %arg10[%get3A_1491, %get3A_1492] {strides = array<i32>} : memref<32x128xf32, #tpu.memory_space<vmem>>, vector<1x16xf32>,
        %get3A_1494 = vector.shape_cast %get3A_1493 : vector<1x16xf32> to vector<16xf32>
        %get3A_1495 = arith.index_cast %add3A_1471 : i32 to index
        %get3A_1496 = arith.constant 32 : index
        %get3A_1497 = tpu.vector_load %arg12[%get3A_1495, %get3A_1496] {strides = array<i32>} : memref<32x128xf32, #tpu.memory_space<vmem>>, vector<1x16xf32>,
        %get3A_1498 = vector.shape_cast %get3A_1497 : vector<1x16xf32> to vector<16xf32>
        %mul3A_1499 = arith.mulf %get3A_1494, %get3A_1498 : vector<16xf32>
        %add3A_1500 = arith.addf %add3A_1490, %mul3A_1499 : vector<16xf32>
        %get3A_1501 = arith.index_cast %add3A_1471 : i32 to index
        %get3A_1502 = arith.constant 48 : index
        %get3A_1503 = tpu.vector_load %arg10[%get3A_1501, %get3A_1502] {strides = array<i32>} : memref<32x128xf32, #tpu.memory_space<vmem>>, vector<1x16xf32>,
        %get3A_1504 = vector.shape_cast %get3A_1503 : vector<1x16xf32> to vector<16xf32>
        %get3A_1505 = arith.index_cast %add3A_1471 : i32 to index
        %get3A_1506 = arith.constant 48 : index
        %get3A_1507 = tpu.vector_load %arg12[%get3A_1505, %get3A_1506] {strides = array<i32>} : memref<32x128xf32, #tpu.memory_space<vmem>>, vector<1x16xf32>,
        %get3A_1508 = vector.shape_cast %get3A_1507 : vector<1x16xf32> to vector<16xf32>
        %mul3A_1509 = arith.mulf %get3A_1504, %get3A_1508 : vector<16xf32>
        %add3A_1510 = arith.addf %add3A_1500, %mul3A_1509 : vector<16xf32>
        %get3A_1511 = arith.index_cast %add3A_1471 : i32 to index
        %get3A_1512 = arith.constant 64 : index
        %get3A_1513 = tpu.vector_load %arg10[%get3A_1511, %get3A_1512] {strides = array<i32>} : memref<32x128xf32, #tpu.memory_space<vmem>>, vector<1x16xf32>,
        %get3A_1514 = vector.shape_cast %get3A_1513 : vector<1x16xf32> to vector<16xf32>
        %get3A_1515 = arith.index_cast %add3A_1471 : i32 to index
        %get3A_1516 = arith.constant 64 : index
        %get3A_1517 = tpu.vector_load %arg12[%get3A_1515, %get3A_1516] {strides = array<i32>} : memref<32x128xf32, #tpu.memory_space<vmem>>, vector<1x16xf32>,
        %get3A_1518 = vector.shape_cast %get3A_1517 : vector<1x16xf32> to vector<16xf32>
        %mul3A_1519 = arith.mulf %get3A_1514, %get3A_1518 : vector<16xf32>
        %add3A_1520 = arith.addf %add3A_1510, %mul3A_1519 : vector<16xf32>
        %get3A_1521 = arith.index_cast %add3A_1471 : i32 to index
        %get3A_1522 = arith.constant 80 : index
        %get3A_1523 = tpu.vector_load %arg10[%get3A_1521, %get3A_1522] {strides = array<i32>} : memref<32x128xf32, #tpu.memory_space<vmem>>, vector<1x16xf32>,
        %get3A_1524 = vector.shape_cast %get3A_1523 : vector<1x16xf32> to vector<16xf32>
        %get3A_1525 = arith.index_cast %add3A_1471 : i32 to index
        %get3A_1526 = arith.constant 80 : index
        %get3A_1527 = tpu.vector_load %arg12[%get3A_1525, %get3A_1526] {strides = array<i32>} : memref<32x128xf32, #tpu.memory_space<vmem>>, vector<1x16xf32>,
        %get3A_1528 = vector.shape_cast %get3A_1527 : vector<1x16xf32> to vector<16xf32>
        %mul3A_1529 = arith.mulf %get3A_1524, %get3A_1528 : vector<16xf32>
        %add3A_1530 = arith.addf %add3A_1520, %mul3A_1529 : vector<16xf32>
        %get3A_1531 = arith.index_cast %add3A_1471 : i32 to index
        %get3A_1532 = arith.constant 96 : index
        %get3A_1533 = tpu.vector_load %arg10[%get3A_1531, %get3A_1532] {strides = array<i32>} : memref<32x128xf32, #tpu.memory_space<vmem>>, vector<1x16xf32>,
        %get3A_1534 = vector.shape_cast %get3A_1533 : vector<1x16xf32> to vector<16xf32>
        %get3A_1535 = arith.index_cast %add3A_1471 : i32 to index
        %get3A_1536 = arith.constant 96 : index
        %get3A_1537 = tpu.vector_load %arg12[%get3A_1535, %get3A_1536] {strides = array<i32>} : memref<32x128xf32, #tpu.memory_space<vmem>>, vector<1x16xf32>,
        %get3A_1538 = vector.shape_cast %get3A_1537 : vector<1x16xf32> to vector<16xf32>
        %mul3A_1539 = arith.mulf %get3A_1534, %get3A_1538 : vector<16xf32>
        %add3A_1540 = arith.addf %add3A_1530, %mul3A_1539 : vector<16xf32>
        %get3A_1541 = arith.index_cast %add3A_1471 : i32 to index
        %get3A_1542 = arith.constant 112 : index
        %get3A_1543 = tpu.vector_load %arg10[%get3A_1541, %get3A_1542] {strides = array<i32>} : memref<32x128xf32, #tpu.memory_space<vmem>>, vector<1x16xf32>,
        %get3A_1544 = vector.shape_cast %get3A_1543 : vector<1x16xf32> to vector<16xf32>
        %get3A_1545 = arith.index_cast %add3A_1471 : i32 to index
        %get3A_1546 = arith.constant 112 : index
        %get3A_1547 = tpu.vector_load %arg12[%get3A_1545, %get3A_1546] {strides = array<i32>} : memref<32x128xf32, #tpu.memory_space<vmem>>, vector<1x16xf32>,
        %get3A_1548 = vector.shape_cast %get3A_1547 : vector<1x16xf32> to vector<16xf32>
        %mul3A_1549 = arith.mulf %get3A_1544, %get3A_1548 : vector<16xf32>
        %add3A_1550 = arith.addf %add3A_1540, %mul3A_1549 : vector<16xf32>
        %broadcast_in_dim3A_1551 = vector.shape_cast %xor3A_4 : vector<16xi32> to vector<16x1xi32>
        %gather3A_1552 = vector.shape_cast %broadcast_in_dim3A_1551 : vector<16x1xi32> to vector<16xi32>
        %gather3A_1553 = tpu.dynamic_gather %add3A_1550[%gather3A_1552] in [0] : vector<16xf32>, vector<16xi32> -> vector<16xf32>
        %add3A_1554 = arith.addf %add3A_1550, %gather3A_1553 : vector<16xf32>
        %broadcast_in_dim3A_1555 = vector.shape_cast %xor3A_7 : vector<16xi32> to vector<16x1xi32>
        %gather3A_1556 = vector.shape_cast %broadcast_in_dim3A_1555 : vector<16x1xi32> to vector<16xi32>
        %gather3A_1557 = tpu.dynamic_gather %add3A_1554[%gather3A_1556] in [0] : vector<16xf32>, vector<16xi32> -> vector<16xf32>
        %add3A_1558 = arith.addf %add3A_1554, %gather3A_1557 : vector<16xf32>
        %broadcast_in_dim3A_1559 = vector.shape_cast %xor3A_10 : vector<16xi32> to vector<16x1xi32>
        %gather3A_1560 = vector.shape_cast %broadcast_in_dim3A_1559 : vector<16x1xi32> to vector<16xi32>
        %gather3A_1561 = tpu.dynamic_gather %add3A_1558[%gather3A_1560] in [0] : vector<16xf32>, vector<16xi32> -> vector<16xf32>
        %add3A_1562 = arith.addf %add3A_1558, %gather3A_1561 : vector<16xf32>
        %broadcast_in_dim3A_1563 = vector.shape_cast %xor3A_13 : vector<16xi32> to vector<16x1xi32>
        %gather3A_1564 = vector.shape_cast %broadcast_in_dim3A_1563 : vector<16x1xi32> to vector<16xi32>
        %gather3A_1565 = tpu.dynamic_gather %add3A_1562[%gather3A_1564] in [0] : vector<16xf32>, vector<16xi32> -> vector<16xf32>
        %add3A_1566 = arith.addf %add3A_1562, %gather3A_1565 : vector<16xf32>
        %eq3A_1567 = arith.constant 13 : i32
        %eq3A_1568 = vector.broadcast %eq3A_1567 : i32 to vector<16xi32>
        %eq3A_1569 = arith.cmpi eq, %iota3A, %eq3A_1568 : vector<16xi32>
        %select_n3A_1570 = arith.select %eq3A_1569, %add3A_1566, %select_n3A_1467 : vector<16xi1>, vector<16xf32>
        %mul3A_1571 = arith.constant 16 : i32
        %mul3A_1572 = arith.muli %scan3A_129, %mul3A_1571 : i32
        %add3A_1573 = arith.constant 14 : i32
        %add3A_1574 = arith.addi %mul3A_1572, %add3A_1573 : i32
        %get3A_1575 = arith.index_cast %add3A_1574 : i32 to index
        %get3A_1576 = arith.constant 0 : index
        %get3A_1577 = tpu.vector_load %arg10[%get3A_1575, %get3A_1576] {strides = array<i32>} : memref<32x128xf32, #tpu.memory_space<vmem>>, vector<1x16xf32>,
        %get3A_1578 = vector.shape_cast %get3A_1577 : vector<1x16xf32> to vector<16xf32>
        %get3A_1579 = arith.index_cast %add3A_1574 : i32 to index
        %get3A_1580 = arith.constant 0 : index
        %get3A_1581 = tpu.vector_load %arg12[%get3A_1579, %get3A_1580] {strides = array<i32>} : memref<32x128xf32, #tpu.memory_space<vmem>>, vector<1x16xf32>,
        %get3A_1582 = vector.shape_cast %get3A_1581 : vector<1x16xf32> to vector<16xf32>
        %mul3A_1583 = arith.mulf %get3A_1578, %get3A_1582 : vector<16xf32>
        %get3A_1584 = arith.index_cast %add3A_1574 : i32 to index
        %get3A_1585 = arith.constant 16 : index
        %get3A_1586 = tpu.vector_load %arg10[%get3A_1584, %get3A_1585] {strides = array<i32>} : memref<32x128xf32, #tpu.memory_space<vmem>>, vector<1x16xf32>,
        %get3A_1587 = vector.shape_cast %get3A_1586 : vector<1x16xf32> to vector<16xf32>
        %get3A_1588 = arith.index_cast %add3A_1574 : i32 to index
        %get3A_1589 = arith.constant 16 : index
        %get3A_1590 = tpu.vector_load %arg12[%get3A_1588, %get3A_1589] {strides = array<i32>} : memref<32x128xf32, #tpu.memory_space<vmem>>, vector<1x16xf32>,
        %get3A_1591 = vector.shape_cast %get3A_1590 : vector<1x16xf32> to vector<16xf32>
        %mul3A_1592 = arith.mulf %get3A_1587, %get3A_1591 : vector<16xf32>
        %add3A_1593 = arith.addf %mul3A_1583, %mul3A_1592 : vector<16xf32>
        %get3A_1594 = arith.index_cast %add3A_1574 : i32 to index
        %get3A_1595 = arith.constant 32 : index
        %get3A_1596 = tpu.vector_load %arg10[%get3A_1594, %get3A_1595] {strides = array<i32>} : memref<32x128xf32, #tpu.memory_space<vmem>>, vector<1x16xf32>,
        %get3A_1597 = vector.shape_cast %get3A_1596 : vector<1x16xf32> to vector<16xf32>
        %get3A_1598 = arith.index_cast %add3A_1574 : i32 to index
        %get3A_1599 = arith.constant 32 : index
        %get3A_1600 = tpu.vector_load %arg12[%get3A_1598, %get3A_1599] {strides = array<i32>} : memref<32x128xf32, #tpu.memory_space<vmem>>, vector<1x16xf32>,
        %get3A_1601 = vector.shape_cast %get3A_1600 : vector<1x16xf32> to vector<16xf32>
        %mul3A_1602 = arith.mulf %get3A_1597, %get3A_1601 : vector<16xf32>
        %add3A_1603 = arith.addf %add3A_1593, %mul3A_1602 : vector<16xf32>
        %get3A_1604 = arith.index_cast %add3A_1574 : i32 to index
        %get3A_1605 = arith.constant 48 : index
        %get3A_1606 = tpu.vector_load %arg10[%get3A_1604, %get3A_1605] {strides = array<i32>} : memref<32x128xf32, #tpu.memory_space<vmem>>, vector<1x16xf32>,
        %get3A_1607 = vector.shape_cast %get3A_1606 : vector<1x16xf32> to vector<16xf32>
        %get3A_1608 = arith.index_cast %add3A_1574 : i32 to index
        %get3A_1609 = arith.constant 48 : index
        %get3A_1610 = tpu.vector_load %arg12[%get3A_1608, %get3A_1609] {strides = array<i32>} : memref<32x128xf32, #tpu.memory_space<vmem>>, vector<1x16xf32>,
        %get3A_1611 = vector.shape_cast %get3A_1610 : vector<1x16xf32> to vector<16xf32>
        %mul3A_1612 = arith.mulf %get3A_1607, %get3A_1611 : vector<16xf32>
        %add3A_1613 = arith.addf %add3A_1603, %mul3A_1612 : vector<16xf32>
        %get3A_1614 = arith.index_cast %add3A_1574 : i32 to index
        %get3A_1615 = arith.constant 64 : index
        %get3A_1616 = tpu.vector_load %arg10[%get3A_1614, %get3A_1615] {strides = array<i32>} : memref<32x128xf32, #tpu.memory_space<vmem>>, vector<1x16xf32>,
        %get3A_1617 = vector.shape_cast %get3A_1616 : vector<1x16xf32> to vector<16xf32>
        %get3A_1618 = arith.index_cast %add3A_1574 : i32 to index
        %get3A_1619 = arith.constant 64 : index
        %get3A_1620 = tpu.vector_load %arg12[%get3A_1618, %get3A_1619] {strides = array<i32>} : memref<32x128xf32, #tpu.memory_space<vmem>>, vector<1x16xf32>,
        %get3A_1621 = vector.shape_cast %get3A_1620 : vector<1x16xf32> to vector<16xf32>
        %mul3A_1622 = arith.mulf %get3A_1617, %get3A_1621 : vector<16xf32>
        %add3A_1623 = arith.addf %add3A_1613, %mul3A_1622 : vector<16xf32>
        %get3A_1624 = arith.index_cast %add3A_1574 : i32 to index
        %get3A_1625 = arith.constant 80 : index
        %get3A_1626 = tpu.vector_load %arg10[%get3A_1624, %get3A_1625] {strides = array<i32>} : memref<32x128xf32, #tpu.memory_space<vmem>>, vector<1x16xf32>,
        %get3A_1627 = vector.shape_cast %get3A_1626 : vector<1x16xf32> to vector<16xf32>
        %get3A_1628 = arith.index_cast %add3A_1574 : i32 to index
        %get3A_1629 = arith.constant 80 : index
        %get3A_1630 = tpu.vector_load %arg12[%get3A_1628, %get3A_1629] {strides = array<i32>} : memref<32x128xf32, #tpu.memory_space<vmem>>, vector<1x16xf32>,
        %get3A_1631 = vector.shape_cast %get3A_1630 : vector<1x16xf32> to vector<16xf32>
        %mul3A_1632 = arith.mulf %get3A_1627, %get3A_1631 : vector<16xf32>
        %add3A_1633 = arith.addf %add3A_1623, %mul3A_1632 : vector<16xf32>
        %get3A_1634 = arith.index_cast %add3A_1574 : i32 to index
        %get3A_1635 = arith.constant 96 : index
        %get3A_1636 = tpu.vector_load %arg10[%get3A_1634, %get3A_1635] {strides = array<i32>} : memref<32x128xf32, #tpu.memory_space<vmem>>, vector<1x16xf32>,
        %get3A_1637 = vector.shape_cast %get3A_1636 : vector<1x16xf32> to vector<16xf32>
        %get3A_1638 = arith.index_cast %add3A_1574 : i32 to index
        %get3A_1639 = arith.constant 96 : index
        %get3A_1640 = tpu.vector_load %arg12[%get3A_1638, %get3A_1639] {strides = array<i32>} : memref<32x128xf32, #tpu.memory_space<vmem>>, vector<1x16xf32>,
        %get3A_1641 = vector.shape_cast %get3A_1640 : vector<1x16xf32> to vector<16xf32>
        %mul3A_1642 = arith.mulf %get3A_1637, %get3A_1641 : vector<16xf32>
        %add3A_1643 = arith.addf %add3A_1633, %mul3A_1642 : vector<16xf32>
        %get3A_1644 = arith.index_cast %add3A_1574 : i32 to index
        %get3A_1645 = arith.constant 112 : index
        %get3A_1646 = tpu.vector_load %arg10[%get3A_1644, %get3A_1645] {strides = array<i32>} : memref<32x128xf32, #tpu.memory_space<vmem>>, vector<1x16xf32>,
        %get3A_1647 = vector.shape_cast %get3A_1646 : vector<1x16xf32> to vector<16xf32>
        %get3A_1648 = arith.index_cast %add3A_1574 : i32 to index
        %get3A_1649 = arith.constant 112 : index
        %get3A_1650 = tpu.vector_load %arg12[%get3A_1648, %get3A_1649] {strides = array<i32>} : memref<32x128xf32, #tpu.memory_space<vmem>>, vector<1x16xf32>,
        %get3A_1651 = vector.shape_cast %get3A_1650 : vector<1x16xf32> to vector<16xf32>
        %mul3A_1652 = arith.mulf %get3A_1647, %get3A_1651 : vector<16xf32>
        %add3A_1653 = arith.addf %add3A_1643, %mul3A_1652 : vector<16xf32>
        %broadcast_in_dim3A_1654 = vector.shape_cast %xor3A_4 : vector<16xi32> to vector<16x1xi32>
        %gather3A_1655 = vector.shape_cast %broadcast_in_dim3A_1654 : vector<16x1xi32> to vector<16xi32>
        %gather3A_1656 = tpu.dynamic_gather %add3A_1653[%gather3A_1655] in [0] : vector<16xf32>, vector<16xi32> -> vector<16xf32>
        %add3A_1657 = arith.addf %add3A_1653, %gather3A_1656 : vector<16xf32>
        %broadcast_in_dim3A_1658 = vector.shape_cast %xor3A_7 : vector<16xi32> to vector<16x1xi32>
        %gather3A_1659 = vector.shape_cast %broadcast_in_dim3A_1658 : vector<16x1xi32> to vector<16xi32>
        %gather3A_1660 = tpu.dynamic_gather %add3A_1657[%gather3A_1659] in [0] : vector<16xf32>, vector<16xi32> -> vector<16xf32>
        %add3A_1661 = arith.addf %add3A_1657, %gather3A_1660 : vector<16xf32>
        %broadcast_in_dim3A_1662 = vector.shape_cast %xor3A_10 : vector<16xi32> to vector<16x1xi32>
        %gather3A_1663 = vector.shape_cast %broadcast_in_dim3A_1662 : vector<16x1xi32> to vector<16xi32>
        %gather3A_1664 = tpu.dynamic_gather %add3A_1661[%gather3A_1663] in [0] : vector<16xf32>, vector<16xi32> -> vector<16xf32>
        %add3A_1665 = arith.addf %add3A_1661, %gather3A_1664 : vector<16xf32>
        %broadcast_in_dim3A_1666 = vector.shape_cast %xor3A_13 : vector<16xi32> to vector<16x1xi32>
        %gather3A_1667 = vector.shape_cast %broadcast_in_dim3A_1666 : vector<16x1xi32> to vector<16xi32>
        %gather3A_1668 = tpu.dynamic_gather %add3A_1665[%gather3A_1667] in [0] : vector<16xf32>, vector<16xi32> -> vector<16xf32>
        %add3A_1669 = arith.addf %add3A_1665, %gather3A_1668 : vector<16xf32>
        %eq3A_1670 = arith.constant 14 : i32
        %eq3A_1671 = vector.broadcast %eq3A_1670 : i32 to vector<16xi32>
        %eq3A_1672 = arith.cmpi eq, %iota3A, %eq3A_1671 : vector<16xi32>
        %select_n3A_1673 = arith.select %eq3A_1672, %add3A_1669, %select_n3A_1570 : vector<16xi1>, vector<16xf32>
        %mul3A_1674 = arith.constant 16 : i32
        %mul3A_1675 = arith.muli %scan3A_129, %mul3A_1674 : i32
        %add3A_1676 = arith.constant 15 : i32
        %add3A_1677 = arith.addi %mul3A_1675, %add3A_1676 : i32
        %get3A_1678 = arith.index_cast %add3A_1677 : i32 to index
        %get3A_1679 = arith.constant 0 : index
        %get3A_1680 = tpu.vector_load %arg10[%get3A_1678, %get3A_1679] {strides = array<i32>} : memref<32x128xf32, #tpu.memory_space<vmem>>, vector<1x16xf32>,
        %get3A_1681 = vector.shape_cast %get3A_1680 : vector<1x16xf32> to vector<16xf32>
        %get3A_1682 = arith.index_cast %add3A_1677 : i32 to index
        %get3A_1683 = arith.constant 0 : index
        %get3A_1684 = tpu.vector_load %arg12[%get3A_1682, %get3A_1683] {strides = array<i32>} : memref<32x128xf32, #tpu.memory_space<vmem>>, vector<1x16xf32>,
        %get3A_1685 = vector.shape_cast %get3A_1684 : vector<1x16xf32> to vector<16xf32>
        %mul3A_1686 = arith.mulf %get3A_1681, %get3A_1685 : vector<16xf32>
        %get3A_1687 = arith.index_cast %add3A_1677 : i32 to index
        %get3A_1688 = arith.constant 16 : index
        %get3A_1689 = tpu.vector_load %arg10[%get3A_1687, %get3A_1688] {strides = array<i32>} : memref<32x128xf32, #tpu.memory_space<vmem>>, vector<1x16xf32>,
        %get3A_1690 = vector.shape_cast %get3A_1689 : vector<1x16xf32> to vector<16xf32>
        %get3A_1691 = arith.index_cast %add3A_1677 : i32 to index
        %get3A_1692 = arith.constant 16 : index
        %get3A_1693 = tpu.vector_load %arg12[%get3A_1691, %get3A_1692] {strides = array<i32>} : memref<32x128xf32, #tpu.memory_space<vmem>>, vector<1x16xf32>,
        %get3A_1694 = vector.shape_cast %get3A_1693 : vector<1x16xf32> to vector<16xf32>
        %mul3A_1695 = arith.mulf %get3A_1690, %get3A_1694 : vector<16xf32>
        %add3A_1696 = arith.addf %mul3A_1686, %mul3A_1695 : vector<16xf32>
        %get3A_1697 = arith.index_cast %add3A_1677 : i32 to index
        %get3A_1698 = arith.constant 32 : index
        %get3A_1699 = tpu.vector_load %arg10[%get3A_1697, %get3A_1698] {strides = array<i32>} : memref<32x128xf32, #tpu.memory_space<vmem>>, vector<1x16xf32>,
        %get3A_1700 = vector.shape_cast %get3A_1699 : vector<1x16xf32> to vector<16xf32>
        %get3A_1701 = arith.index_cast %add3A_1677 : i32 to index
        %get3A_1702 = arith.constant 32 : index
        %get3A_1703 = tpu.vector_load %arg12[%get3A_1701, %get3A_1702] {strides = array<i32>} : memref<32x128xf32, #tpu.memory_space<vmem>>, vector<1x16xf32>,
        %get3A_1704 = vector.shape_cast %get3A_1703 : vector<1x16xf32> to vector<16xf32>
        %mul3A_1705 = arith.mulf %get3A_1700, %get3A_1704 : vector<16xf32>
        %add3A_1706 = arith.addf %add3A_1696, %mul3A_1705 : vector<16xf32>
        %get3A_1707 = arith.index_cast %add3A_1677 : i32 to index
        %get3A_1708 = arith.constant 48 : index
        %get3A_1709 = tpu.vector_load %arg10[%get3A_1707, %get3A_1708] {strides = array<i32>} : memref<32x128xf32, #tpu.memory_space<vmem>>, vector<1x16xf32>,
        %get3A_1710 = vector.shape_cast %get3A_1709 : vector<1x16xf32> to vector<16xf32>
        %get3A_1711 = arith.index_cast %add3A_1677 : i32 to index
        %get3A_1712 = arith.constant 48 : index
        %get3A_1713 = tpu.vector_load %arg12[%get3A_1711, %get3A_1712] {strides = array<i32>} : memref<32x128xf32, #tpu.memory_space<vmem>>, vector<1x16xf32>,
        %get3A_1714 = vector.shape_cast %get3A_1713 : vector<1x16xf32> to vector<16xf32>
        %mul3A_1715 = arith.mulf %get3A_1710, %get3A_1714 : vector<16xf32>
        %add3A_1716 = arith.addf %add3A_1706, %mul3A_1715 : vector<16xf32>
        %get3A_1717 = arith.index_cast %add3A_1677 : i32 to index
        %get3A_1718 = arith.constant 64 : index
        %get3A_1719 = tpu.vector_load %arg10[%get3A_1717, %get3A_1718] {strides = array<i32>} : memref<32x128xf32, #tpu.memory_space<vmem>>, vector<1x16xf32>,
        %get3A_1720 = vector.shape_cast %get3A_1719 : vector<1x16xf32> to vector<16xf32>
        %get3A_1721 = arith.index_cast %add3A_1677 : i32 to index
        %get3A_1722 = arith.constant 64 : index
        %get3A_1723 = tpu.vector_load %arg12[%get3A_1721, %get3A_1722] {strides = array<i32>} : memref<32x128xf32, #tpu.memory_space<vmem>>, vector<1x16xf32>,
        %get3A_1724 = vector.shape_cast %get3A_1723 : vector<1x16xf32> to vector<16xf32>
        %mul3A_1725 = arith.mulf %get3A_1720, %get3A_1724 : vector<16xf32>
        %add3A_1726 = arith.addf %add3A_1716, %mul3A_1725 : vector<16xf32>
        %get3A_1727 = arith.index_cast %add3A_1677 : i32 to index
        %get3A_1728 = arith.constant 80 : index
        %get3A_1729 = tpu.vector_load %arg10[%get3A_1727, %get3A_1728] {strides = array<i32>} : memref<32x128xf32, #tpu.memory_space<vmem>>, vector<1x16xf32>,
        %get3A_1730 = vector.shape_cast %get3A_1729 : vector<1x16xf32> to vector<16xf32>
        %get3A_1731 = arith.index_cast %add3A_1677 : i32 to index
        %get3A_1732 = arith.constant 80 : index
        %get3A_1733 = tpu.vector_load %arg12[%get3A_1731, %get3A_1732] {strides = array<i32>} : memref<32x128xf32, #tpu.memory_space<vmem>>, vector<1x16xf32>,
        %get3A_1734 = vector.shape_cast %get3A_1733 : vector<1x16xf32> to vector<16xf32>
        %mul3A_1735 = arith.mulf %get3A_1730, %get3A_1734 : vector<16xf32>
        %add3A_1736 = arith.addf %add3A_1726, %mul3A_1735 : vector<16xf32>
        %get3A_1737 = arith.index_cast %add3A_1677 : i32 to index
        %get3A_1738 = arith.constant 96 : index
        %get3A_1739 = tpu.vector_load %arg10[%get3A_1737, %get3A_1738] {strides = array<i32>} : memref<32x128xf32, #tpu.memory_space<vmem>>, vector<1x16xf32>,
        %get3A_1740 = vector.shape_cast %get3A_1739 : vector<1x16xf32> to vector<16xf32>
        %get3A_1741 = arith.index_cast %add3A_1677 : i32 to index
        %get3A_1742 = arith.constant 96 : index
        %get3A_1743 = tpu.vector_load %arg12[%get3A_1741, %get3A_1742] {strides = array<i32>} : memref<32x128xf32, #tpu.memory_space<vmem>>, vector<1x16xf32>,
        %get3A_1744 = vector.shape_cast %get3A_1743 : vector<1x16xf32> to vector<16xf32>
        %mul3A_1745 = arith.mulf %get3A_1740, %get3A_1744 : vector<16xf32>
        %add3A_1746 = arith.addf %add3A_1736, %mul3A_1745 : vector<16xf32>
        %get3A_1747 = arith.index_cast %add3A_1677 : i32 to index
        %get3A_1748 = arith.constant 112 : index
        %get3A_1749 = tpu.vector_load %arg10[%get3A_1747, %get3A_1748] {strides = array<i32>} : memref<32x128xf32, #tpu.memory_space<vmem>>, vector<1x16xf32>,
        %get3A_1750 = vector.shape_cast %get3A_1749 : vector<1x16xf32> to vector<16xf32>
        %get3A_1751 = arith.index_cast %add3A_1677 : i32 to index
        %get3A_1752 = arith.constant 112 : index
        %get3A_1753 = tpu.vector_load %arg12[%get3A_1751, %get3A_1752] {strides = array<i32>} : memref<32x128xf32, #tpu.memory_space<vmem>>, vector<1x16xf32>,
        %get3A_1754 = vector.shape_cast %get3A_1753 : vector<1x16xf32> to vector<16xf32>
        %mul3A_1755 = arith.mulf %get3A_1750, %get3A_1754 : vector<16xf32>
        %add3A_1756 = arith.addf %add3A_1746, %mul3A_1755 : vector<16xf32>
        %broadcast_in_dim3A_1757 = vector.shape_cast %xor3A_4 : vector<16xi32> to vector<16x1xi32>
        %gather3A_1758 = vector.shape_cast %broadcast_in_dim3A_1757 : vector<16x1xi32> to vector<16xi32>
        %gather3A_1759 = tpu.dynamic_gather %add3A_1756[%gather3A_1758] in [0] : vector<16xf32>, vector<16xi32> -> vector<16xf32>
        %add3A_1760 = arith.addf %add3A_1756, %gather3A_1759 : vector<16xf32>
        %broadcast_in_dim3A_1761 = vector.shape_cast %xor3A_7 : vector<16xi32> to vector<16x1xi32>
        %gather3A_1762 = vector.shape_cast %broadcast_in_dim3A_1761 : vector<16x1xi32> to vector<16xi32>
        %gather3A_1763 = tpu.dynamic_gather %add3A_1760[%gather3A_1762] in [0] : vector<16xf32>, vector<16xi32> -> vector<16xf32>
        %add3A_1764 = arith.addf %add3A_1760, %gather3A_1763 : vector<16xf32>
        %broadcast_in_dim3A_1765 = vector.shape_cast %xor3A_10 : vector<16xi32> to vector<16x1xi32>
        %gather3A_1766 = vector.shape_cast %broadcast_in_dim3A_1765 : vector<16x1xi32> to vector<16xi32>
        %gather3A_1767 = tpu.dynamic_gather %add3A_1764[%gather3A_1766] in [0] : vector<16xf32>, vector<16xi32> -> vector<16xf32>
        %add3A_1768 = arith.addf %add3A_1764, %gather3A_1767 : vector<16xf32>
        %broadcast_in_dim3A_1769 = vector.shape_cast %xor3A_13 : vector<16xi32> to vector<16x1xi32>
        %gather3A_1770 = vector.shape_cast %broadcast_in_dim3A_1769 : vector<16x1xi32> to vector<16xi32>
        %gather3A_1771 = tpu.dynamic_gather %add3A_1768[%gather3A_1770] in [0] : vector<16xf32>, vector<16xi32> -> vector<16xf32>
        %add3A_1772 = arith.addf %add3A_1768, %gather3A_1771 : vector<16xf32>
        %eq3A_1773 = arith.constant 15 : i32
        %eq3A_1774 = vector.broadcast %eq3A_1773 : i32 to vector<16xi32>
        %eq3A_1775 = arith.cmpi eq, %iota3A, %eq3A_1774 : vector<16xi32>
        %select_n3A_1776 = arith.select %eq3A_1775, %add3A_1772, %select_n3A_1673 : vector<16xi1>, vector<16xf32>
        %mul3A_1777 = arith.constant 16 : i32
        %mul3A_1778 = arith.muli %scan3A_129, %mul3A_1777 : i32
        %add3A_1779 = arith.addi %mul3A_82, %mul3A_1778 : i32
        %swap3A = arith.index_cast %add3A_1779 : i32 to index
        %swap3A_1780 = tpu.vector_load %arg14[%swap3A] {strides = array<i32>} : memref<20032xf32, #tpu.memory_space<vmem>>, vector<16xf32>,
        %swap3A_1781 = vector.shape_cast %swap3A_1780 : vector<16xf32> to vector<16xf32>
        %swap3A_1782 = vector.shape_cast %select_n3A_1776 : vector<16xf32> to vector<16xf32>
        tpu.vector_store %arg14[%swap3A], %swap3A_1782 {strides = array<i32>} : memref<20032xf32, #tpu.memory_space<vmem>>, vector<16xf32>,
        %scan3A_1783 = arith.constant 0 : i32
        scf.yield %scan3A_1783 : i32
      }
      %scan3A_89 = arith.constant 2 : i32
      %mul3A_90 = arith.constant 2 : i32
      %mul3A_91 = arith.muli %scan3A_52, %mul3A_90 : i32
      %add3A_92 = arith.constant 1 : i32
      %add3A_93 = arith.addi %mul3A_91, %add3A_92 : i32
      %dma_wait3A_94 = arith.constant 0 : i32
      %dma_wait3A_95 = arith.constant 0 : i32
      %dma_wait3A_96 = tpu.memref_slice %arg15[%dma_wait3A_94, %dma_wait3A_95] : memref<10000x128xf32, #tpu.memory_space<vmem_shared>> -> memref<10000x128xf32, #tpu.memory_space<vmem_shared>>
      tpu.wait_indirect_dma semaphore(%arg17 : memref<!tpu.dma_semaphore, #tpu.memory_space<semaphore_mem>>) src(%dma_wait3A_96 : memref<10000x128xf32, #tpu.memory_space<vmem_shared>>) dst(%arg11 : memref<32x128xf32, #tpu.memory_space<vmem>>)
      %dma_wait3A_97 = arith.constant 0 : i32
      %dma_wait3A_98 = arith.constant 0 : i32
      %dma_wait3A_99 = tpu.memref_slice %arg15[%dma_wait3A_97, %dma_wait3A_98] : memref<10000x128xf32, #tpu.memory_space<vmem_shared>> -> memref<10000x128xf32, #tpu.memory_space<vmem_shared>>
      tpu.wait_indirect_dma semaphore(%arg17 : memref<!tpu.dma_semaphore, #tpu.memory_space<semaphore_mem>>) src(%dma_wait3A_99 : memref<10000x128xf32, #tpu.memory_space<vmem_shared>>) dst(%arg13 : memref<32x128xf32, #tpu.memory_space<vmem>>)
      %dma_wait3A_100 = tpu.memref_slice %arg3[%mul3A_2] : memref<641088xi32, #tpu.memory_space<hbm>> -> memref<32xi32, #tpu.memory_space<hbm>>
      %dma_wait3A_101 = tpu.memref_slice %arg3[%mul3A_2] : memref<641088xi32, #tpu.memory_space<hbm>> -> memref<32xi32, #tpu.memory_space<hbm>>
      tpu.wait_dma2 semaphore(%arg18 : memref<!tpu.dma_semaphore, #tpu.memory_space<semaphore_mem>>) src(%dma_wait3A_101 : memref<32xi32, #tpu.memory_space<hbm>>) dst(%arg6 : memref<32xi32, #tpu.memory_space<vmem>>)
      %dma_wait3A_102 = tpu.memref_slice %arg4[%mul3A_2] : memref<641088xi32, #tpu.memory_space<hbm>> -> memref<32xi32, #tpu.memory_space<hbm>>
      %dma_wait3A_103 = tpu.memref_slice %arg4[%mul3A_2] : memref<641088xi32, #tpu.memory_space<hbm>> -> memref<32xi32, #tpu.memory_space<hbm>>
      tpu.wait_dma2 semaphore(%arg20 : memref<!tpu.dma_semaphore, #tpu.memory_space<semaphore_mem>>) src(%dma_wait3A_103 : memref<32xi32, #tpu.memory_space<hbm>>) dst(%arg8 : memref<32xi32, #tpu.memory_space<vmem>>)
      %dma_start3A_104 = arith.constant 0 : i32
      %dma_start3A_105 = arith.constant 0 : i32
      %dma_start3A_106 = tpu.memref_slice %arg15[%dma_start3A_104, %dma_start3A_105] : memref<10000x128xf32, #tpu.memory_space<vmem_shared>> -> memref<10000x128xf32, #tpu.memory_space<vmem_shared>>
      tpu.enqueue_indirect_dma source(%dma_start3A_106 : memref<10000x128xf32, #tpu.memory_space<vmem_shared>>) target(%arg10 : memref<32x128xf32, #tpu.memory_space<vmem>>) offsets(%arg6 : memref<32xi32, #tpu.memory_space<vmem>>) semaphore(%arg16 : memref<!tpu.dma_semaphore, #tpu.memory_space<semaphore_mem>>)
      %dma_start3A_107 = arith.constant 0 : i32
      %dma_start3A_108 = arith.constant 0 : i32
      %dma_start3A_109 = tpu.memref_slice %arg15[%dma_start3A_107, %dma_start3A_108] : memref<10000x128xf32, #tpu.memory_space<vmem_shared>> -> memref<10000x128xf32, #tpu.memory_space<vmem_shared>>
      tpu.enqueue_indirect_dma source(%dma_start3A_109 : memref<10000x128xf32, #tpu.memory_space<vmem_shared>>) target(%arg12 : memref<32x128xf32, #tpu.memory_space<vmem>>) offsets(%arg8 : memref<32xi32, #tpu.memory_space<vmem>>) semaphore(%arg16 : memref<!tpu.dma_semaphore, #tpu.memory_space<semaphore_mem>>)
      %add3A_110 = arith.constant 2 : i32
      %add3A_111 = arith.addi %add3A_93, %add3A_110 : i32
      %mul3A_112 = arith.constant 32 : i32
      %mul3A_113 = arith.muli %add3A_111, %mul3A_112 : i32
      %add3A_114 = arith.addi %mul3A_2, %mul3A_113 : i32
      %dma_start3A_115 = tpu.memref_slice %arg3[%add3A_114] : memref<641088xi32, #tpu.memory_space<hbm>> -> memref<32xi32, #tpu.memory_space<hbm>>
      %dma_start3A_116 = tpu.memref_slice %arg3[%add3A_114] : memref<641088xi32, #tpu.memory_space<hbm>> -> memref<32xi32, #tpu.memory_space<hbm>>
      tpu.enqueue_dma source(%dma_start3A_116 : memref<32xi32, #tpu.memory_space<hbm>>) target(%arg7 : memref<32xi32, #tpu.memory_space<vmem>>) target_semaphore(%arg19 : memref<!tpu.dma_semaphore, #tpu.memory_space<semaphore_mem>>)
      %dma_start3A_117 = tpu.memref_slice %arg4[%add3A_114] : memref<641088xi32, #tpu.memory_space<hbm>> -> memref<32xi32, #tpu.memory_space<hbm>>
      %dma_start3A_118 = tpu.memref_slice %arg4[%add3A_114] : memref<641088xi32, #tpu.memory_space<hbm>> -> memref<32xi32, #tpu.memory_space<hbm>>
      tpu.enqueue_dma source(%dma_start3A_118 : memref<32xi32, #tpu.memory_space<hbm>>) target(%arg9 : memref<32xi32, #tpu.memory_space<vmem>>) target_semaphore(%arg21 : memref<!tpu.dma_semaphore, #tpu.memory_space<semaphore_mem>>)
      %mul3A_119 = arith.constant 32 : i32
      %mul3A_120 = arith.muli %add3A_93, %mul3A_119 : i32
      %scan3A_121 = arith.constant 0 : i32
      %scan3A_122 = arith.constant 0 : i32
      %scan3A_123 = arith.constant 2 : i32
      %scan3A_124 = arith.addi %scan3A_122, %scan3A_123 : i32
      %scan3A_125 = arith.constant 1 : i32
      %scan3A_126 = scf.for %scan3A_129 = %scan3A_122 to %scan3A_124 step %scan3A_125 iter_args(%scan3A_130 = %scan3A_121) -> (i32)  : i32 {
        %broadcast_in_dim3A = arith.constant 0.000000e+00 : f32
        %broadcast_in_dim3A_131 = vector.broadcast %broadcast_in_dim3A : f32 to vector<16xf32>
        %mul3A_132 = arith.constant 16 : i32
        %mul3A_133 = arith.muli %scan3A_129, %mul3A_132 : i32
        %add3A_134 = arith.constant 0 : i32
        %add3A_135 = arith.addi %mul3A_133, %add3A_134 : i32
        %get3A = arith.index_cast %add3A_135 : i32 to index
        %get3A_136 = arith.constant 0 : index
        %get3A_137 = tpu.vector_load %arg11[%get3A, %get3A_136] {strides = array<i32>} : memref<32x128xf32, #tpu.memory_space<vmem>>, vector<1x16xf32>,
        %get3A_138 = vector.shape_cast %get3A_137 : vector<1x16xf32> to vector<16xf32>
        %get3A_139 = arith.index_cast %add3A_135 : i32 to index
        %get3A_140 = arith.constant 0 : index
        %get3A_141 = tpu.vector_load %arg13[%get3A_139, %get3A_140] {strides = array<i32>} : memref<32x128xf32, #tpu.memory_space<vmem>>, vector<1x16xf32>,
        %get3A_142 = vector.shape_cast %get3A_141 : vector<1x16xf32> to vector<16xf32>
        %mul3A_143 = arith.mulf %get3A_138, %get3A_142 : vector<16xf32>
        %get3A_144 = arith.index_cast %add3A_135 : i32 to index
        %get3A_145 = arith.constant 16 : index
        %get3A_146 = tpu.vector_load %arg11[%get3A_144, %get3A_145] {strides = array<i32>} : memref<32x128xf32, #tpu.memory_space<vmem>>, vector<1x16xf32>,
        %get3A_147 = vector.shape_cast %get3A_146 : vector<1x16xf32> to vector<16xf32>
        %get3A_148 = arith.index_cast %add3A_135 : i32 to index
        %get3A_149 = arith.constant 16 : index
        %get3A_150 = tpu.vector_load %arg13[%get3A_148, %get3A_149] {strides = array<i32>} : memref<32x128xf32, #tpu.memory_space<vmem>>, vector<1x16xf32>,
        %get3A_151 = vector.shape_cast %get3A_150 : vector<1x16xf32> to vector<16xf32>
        %mul3A_152 = arith.mulf %get3A_147, %get3A_151 : vector<16xf32>
        %add3A_153 = arith.addf %mul3A_143, %mul3A_152 : vector<16xf32>
        %get3A_154 = arith.index_cast %add3A_135 : i32 to index
        %get3A_155 = arith.constant 32 : index
        %get3A_156 = tpu.vector_load %arg11[%get3A_154, %get3A_155] {strides = array<i32>} : memref<32x128xf32, #tpu.memory_space<vmem>>, vector<1x16xf32>,
        %get3A_157 = vector.shape_cast %get3A_156 : vector<1x16xf32> to vector<16xf32>
        %get3A_158 = arith.index_cast %add3A_135 : i32 to index
        %get3A_159 = arith.constant 32 : index
        %get3A_160 = tpu.vector_load %arg13[%get3A_158, %get3A_159] {strides = array<i32>} : memref<32x128xf32, #tpu.memory_space<vmem>>, vector<1x16xf32>,
        %get3A_161 = vector.shape_cast %get3A_160 : vector<1x16xf32> to vector<16xf32>
        %mul3A_162 = arith.mulf %get3A_157, %get3A_161 : vector<16xf32>
        %add3A_163 = arith.addf %add3A_153, %mul3A_162 : vector<16xf32>
        %get3A_164 = arith.index_cast %add3A_135 : i32 to index
        %get3A_165 = arith.constant 48 : index
        %get3A_166 = tpu.vector_load %arg11[%get3A_164, %get3A_165] {strides = array<i32>} : memref<32x128xf32, #tpu.memory_space<vmem>>, vector<1x16xf32>,
        %get3A_167 = vector.shape_cast %get3A_166 : vector<1x16xf32> to vector<16xf32>
        %get3A_168 = arith.index_cast %add3A_135 : i32 to index
        %get3A_169 = arith.constant 48 : index
        %get3A_170 = tpu.vector_load %arg13[%get3A_168, %get3A_169] {strides = array<i32>} : memref<32x128xf32, #tpu.memory_space<vmem>>, vector<1x16xf32>,
        %get3A_171 = vector.shape_cast %get3A_170 : vector<1x16xf32> to vector<16xf32>
        %mul3A_172 = arith.mulf %get3A_167, %get3A_171 : vector<16xf32>
        %add3A_173 = arith.addf %add3A_163, %mul3A_172 : vector<16xf32>
        %get3A_174 = arith.index_cast %add3A_135 : i32 to index
        %get3A_175 = arith.constant 64 : index
        %get3A_176 = tpu.vector_load %arg11[%get3A_174, %get3A_175] {strides = array<i32>} : memref<32x128xf32, #tpu.memory_space<vmem>>, vector<1x16xf32>,
        %get3A_177 = vector.shape_cast %get3A_176 : vector<1x16xf32> to vector<16xf32>
        %get3A_178 = arith.index_cast %add3A_135 : i32 to index
        %get3A_179 = arith.constant 64 : index
        %get3A_180 = tpu.vector_load %arg13[%get3A_178, %get3A_179] {strides = array<i32>} : memref<32x128xf32, #tpu.memory_space<vmem>>, vector<1x16xf32>,
        %get3A_181 = vector.shape_cast %get3A_180 : vector<1x16xf32> to vector<16xf32>
        %mul3A_182 = arith.mulf %get3A_177, %get3A_181 : vector<16xf32>
        %add3A_183 = arith.addf %add3A_173, %mul3A_182 : vector<16xf32>
        %get3A_184 = arith.index_cast %add3A_135 : i32 to index
        %get3A_185 = arith.constant 80 : index
        %get3A_186 = tpu.vector_load %arg11[%get3A_184, %get3A_185] {strides = array<i32>} : memref<32x128xf32, #tpu.memory_space<vmem>>, vector<1x16xf32>,
        %get3A_187 = vector.shape_cast %get3A_186 : vector<1x16xf32> to vector<16xf32>
        %get3A_188 = arith.index_cast %add3A_135 : i32 to index
        %get3A_189 = arith.constant 80 : index
        %get3A_190 = tpu.vector_load %arg13[%get3A_188, %get3A_189] {strides = array<i32>} : memref<32x128xf32, #tpu.memory_space<vmem>>, vector<1x16xf32>,
        %get3A_191 = vector.shape_cast %get3A_190 : vector<1x16xf32> to vector<16xf32>
        %mul3A_192 = arith.mulf %get3A_187, %get3A_191 : vector<16xf32>
        %add3A_193 = arith.addf %add3A_183, %mul3A_192 : vector<16xf32>
        %get3A_194 = arith.index_cast %add3A_135 : i32 to index
        %get3A_195 = arith.constant 96 : index
        %get3A_196 = tpu.vector_load %arg11[%get3A_194, %get3A_195] {strides = array<i32>} : memref<32x128xf32, #tpu.memory_space<vmem>>, vector<1x16xf32>,
        %get3A_197 = vector.shape_cast %get3A_196 : vector<1x16xf32> to vector<16xf32>
        %get3A_198 = arith.index_cast %add3A_135 : i32 to index
        %get3A_199 = arith.constant 96 : index
        %get3A_200 = tpu.vector_load %arg13[%get3A_198, %get3A_199] {strides = array<i32>} : memref<32x128xf32, #tpu.memory_space<vmem>>, vector<1x16xf32>,
        %get3A_201 = vector.shape_cast %get3A_200 : vector<1x16xf32> to vector<16xf32>
        %mul3A_202 = arith.mulf %get3A_197, %get3A_201 : vector<16xf32>
        %add3A_203 = arith.addf %add3A_193, %mul3A_202 : vector<16xf32>
        %get3A_204 = arith.index_cast %add3A_135 : i32 to index
        %get3A_205 = arith.constant 112 : index
        %get3A_206 = tpu.vector_load %arg11[%get3A_204, %get3A_205] {strides = array<i32>} : memref<32x128xf32, #tpu.memory_space<vmem>>, vector<1x16xf32>,
        %get3A_207 = vector.shape_cast %get3A_206 : vector<1x16xf32> to vector<16xf32>
        %get3A_208 = arith.index_cast %add3A_135 : i32 to index
        %get3A_209 = arith.constant 112 : index
        %get3A_210 = tpu.vector_load %arg13[%get3A_208, %get3A_209] {strides = array<i32>} : memref<32x128xf32, #tpu.memory_space<vmem>>, vector<1x16xf32>,
        %get3A_211 = vector.shape_cast %get3A_210 : vector<1x16xf32> to vector<16xf32>
        %mul3A_212 = arith.mulf %get3A_207, %get3A_211 : vector<16xf32>
        %add3A_213 = arith.addf %add3A_203, %mul3A_212 : vector<16xf32>
        %broadcast_in_dim3A_214 = vector.shape_cast %xor3A_4 : vector<16xi32> to vector<16x1xi32>
        %gather3A = vector.shape_cast %broadcast_in_dim3A_214 : vector<16x1xi32> to vector<16xi32>
        %gather3A_215 = tpu.dynamic_gather %add3A_213[%gather3A] in [0] : vector<16xf32>, vector<16xi32> -> vector<16xf32>
        %add3A_216 = arith.addf %add3A_213, %gather3A_215 : vector<16xf32>
        %broadcast_in_dim3A_217 = vector.shape_cast %xor3A_7 : vector<16xi32> to vector<16x1xi32>
        %gather3A_218 = vector.shape_cast %broadcast_in_dim3A_217 : vector<16x1xi32> to vector<16xi32>
        %gather3A_219 = tpu.dynamic_gather %add3A_216[%gather3A_218] in [0] : vector<16xf32>, vector<16xi32> -> vector<16xf32>
        %add3A_220 = arith.addf %add3A_216, %gather3A_219 : vector<16xf32>
        %broadcast_in_dim3A_221 = vector.shape_cast %xor3A_10 : vector<16xi32> to vector<16x1xi32>
        %gather3A_222 = vector.shape_cast %broadcast_in_dim3A_221 : vector<16x1xi32> to vector<16xi32>
        %gather3A_223 = tpu.dynamic_gather %add3A_220[%gather3A_222] in [0] : vector<16xf32>, vector<16xi32> -> vector<16xf32>
        %add3A_224 = arith.addf %add3A_220, %gather3A_223 : vector<16xf32>
        %broadcast_in_dim3A_225 = vector.shape_cast %xor3A_13 : vector<16xi32> to vector<16x1xi32>
        %gather3A_226 = vector.shape_cast %broadcast_in_dim3A_225 : vector<16x1xi32> to vector<16xi32>
        %gather3A_227 = tpu.dynamic_gather %add3A_224[%gather3A_226] in [0] : vector<16xf32>, vector<16xi32> -> vector<16xf32>
        %add3A_228 = arith.addf %add3A_224, %gather3A_227 : vector<16xf32>
        %eq3A_229 = arith.constant 0 : i32
        %eq3A_230 = vector.broadcast %eq3A_229 : i32 to vector<16xi32>
        %eq3A_231 = arith.cmpi eq, %iota3A, %eq3A_230 : vector<16xi32>
        %select_n3A = arith.select %eq3A_231, %add3A_228, %broadcast_in_dim3A_131 : vector<16xi1>, vector<16xf32>
        %mul3A_232 = arith.constant 16 : i32
        %mul3A_233 = arith.muli %scan3A_129, %mul3A_232 : i32
        %add3A_234 = arith.constant 1 : i32
        %add3A_235 = arith.addi %mul3A_233, %add3A_234 : i32
        %get3A_236 = arith.index_cast %add3A_235 : i32 to index
        %get3A_237 = arith.constant 0 : index
        %get3A_238 = tpu.vector_load %arg11[%get3A_236, %get3A_237] {strides = array<i32>} : memref<32x128xf32, #tpu.memory_space<vmem>>, vector<1x16xf32>,
        %get3A_239 = vector.shape_cast %get3A_238 : vector<1x16xf32> to vector<16xf32>
        %get3A_240 = arith.index_cast %add3A_235 : i32 to index
        %get3A_241 = arith.constant 0 : index
        %get3A_242 = tpu.vector_load %arg13[%get3A_240, %get3A_241] {strides = array<i32>} : memref<32x128xf32, #tpu.memory_space<vmem>>, vector<1x16xf32>,
        %get3A_243 = vector.shape_cast %get3A_242 : vector<1x16xf32> to vector<16xf32>
        %mul3A_244 = arith.mulf %get3A_239, %get3A_243 : vector<16xf32>
        %get3A_245 = arith.index_cast %add3A_235 : i32 to index
        %get3A_246 = arith.constant 16 : index
        %get3A_247 = tpu.vector_load %arg11[%get3A_245, %get3A_246] {strides = array<i32>} : memref<32x128xf32, #tpu.memory_space<vmem>>, vector<1x16xf32>,
        %get3A_248 = vector.shape_cast %get3A_247 : vector<1x16xf32> to vector<16xf32>
        %get3A_249 = arith.index_cast %add3A_235 : i32 to index
        %get3A_250 = arith.constant 16 : index
        %get3A_251 = tpu.vector_load %arg13[%get3A_249, %get3A_250] {strides = array<i32>} : memref<32x128xf32, #tpu.memory_space<vmem>>, vector<1x16xf32>,
        %get3A_252 = vector.shape_cast %get3A_251 : vector<1x16xf32> to vector<16xf32>
        %mul3A_253 = arith.mulf %get3A_248, %get3A_252 : vector<16xf32>
        %add3A_254 = arith.addf %mul3A_244, %mul3A_253 : vector<16xf32>
        %get3A_255 = arith.index_cast %add3A_235 : i32 to index
        %get3A_256 = arith.constant 32 : index
        %get3A_257 = tpu.vector_load %arg11[%get3A_255, %get3A_256] {strides = array<i32>} : memref<32x128xf32, #tpu.memory_space<vmem>>, vector<1x16xf32>,
        %get3A_258 = vector.shape_cast %get3A_257 : vector<1x16xf32> to vector<16xf32>
        %get3A_259 = arith.index_cast %add3A_235 : i32 to index
        %get3A_260 = arith.constant 32 : index
        %get3A_261 = tpu.vector_load %arg13[%get3A_259, %get3A_260] {strides = array<i32>} : memref<32x128xf32, #tpu.memory_space<vmem>>, vector<1x16xf32>,
        %get3A_262 = vector.shape_cast %get3A_261 : vector<1x16xf32> to vector<16xf32>
        %mul3A_263 = arith.mulf %get3A_258, %get3A_262 : vector<16xf32>
        %add3A_264 = arith.addf %add3A_254, %mul3A_263 : vector<16xf32>
        %get3A_265 = arith.index_cast %add3A_235 : i32 to index
        %get3A_266 = arith.constant 48 : index
        %get3A_267 = tpu.vector_load %arg11[%get3A_265, %get3A_266] {strides = array<i32>} : memref<32x128xf32, #tpu.memory_space<vmem>>, vector<1x16xf32>,
        %get3A_268 = vector.shape_cast %get3A_267 : vector<1x16xf32> to vector<16xf32>
        %get3A_269 = arith.index_cast %add3A_235 : i32 to index
        %get3A_270 = arith.constant 48 : index
        %get3A_271 = tpu.vector_load %arg13[%get3A_269, %get3A_270] {strides = array<i32>} : memref<32x128xf32, #tpu.memory_space<vmem>>, vector<1x16xf32>,
        %get3A_272 = vector.shape_cast %get3A_271 : vector<1x16xf32> to vector<16xf32>
        %mul3A_273 = arith.mulf %get3A_268, %get3A_272 : vector<16xf32>
        %add3A_274 = arith.addf %add3A_264, %mul3A_273 : vector<16xf32>
        %get3A_275 = arith.index_cast %add3A_235 : i32 to index
        %get3A_276 = arith.constant 64 : index
        %get3A_277 = tpu.vector_load %arg11[%get3A_275, %get3A_276] {strides = array<i32>} : memref<32x128xf32, #tpu.memory_space<vmem>>, vector<1x16xf32>,
        %get3A_278 = vector.shape_cast %get3A_277 : vector<1x16xf32> to vector<16xf32>
        %get3A_279 = arith.index_cast %add3A_235 : i32 to index
        %get3A_280 = arith.constant 64 : index
        %get3A_281 = tpu.vector_load %arg13[%get3A_279, %get3A_280] {strides = array<i32>} : memref<32x128xf32, #tpu.memory_space<vmem>>, vector<1x16xf32>,
        %get3A_282 = vector.shape_cast %get3A_281 : vector<1x16xf32> to vector<16xf32>
        %mul3A_283 = arith.mulf %get3A_278, %get3A_282 : vector<16xf32>
        %add3A_284 = arith.addf %add3A_274, %mul3A_283 : vector<16xf32>
        %get3A_285 = arith.index_cast %add3A_235 : i32 to index
        %get3A_286 = arith.constant 80 : index
        %get3A_287 = tpu.vector_load %arg11[%get3A_285, %get3A_286] {strides = array<i32>} : memref<32x128xf32, #tpu.memory_space<vmem>>, vector<1x16xf32>,
        %get3A_288 = vector.shape_cast %get3A_287 : vector<1x16xf32> to vector<16xf32>
        %get3A_289 = arith.index_cast %add3A_235 : i32 to index
        %get3A_290 = arith.constant 80 : index
        %get3A_291 = tpu.vector_load %arg13[%get3A_289, %get3A_290] {strides = array<i32>} : memref<32x128xf32, #tpu.memory_space<vmem>>, vector<1x16xf32>,
        %get3A_292 = vector.shape_cast %get3A_291 : vector<1x16xf32> to vector<16xf32>
        %mul3A_293 = arith.mulf %get3A_288, %get3A_292 : vector<16xf32>
        %add3A_294 = arith.addf %add3A_284, %mul3A_293 : vector<16xf32>
        %get3A_295 = arith.index_cast %add3A_235 : i32 to index
        %get3A_296 = arith.constant 96 : index
        %get3A_297 = tpu.vector_load %arg11[%get3A_295, %get3A_296] {strides = array<i32>} : memref<32x128xf32, #tpu.memory_space<vmem>>, vector<1x16xf32>,
        %get3A_298 = vector.shape_cast %get3A_297 : vector<1x16xf32> to vector<16xf32>
        %get3A_299 = arith.index_cast %add3A_235 : i32 to index
        %get3A_300 = arith.constant 96 : index
        %get3A_301 = tpu.vector_load %arg13[%get3A_299, %get3A_300] {strides = array<i32>} : memref<32x128xf32, #tpu.memory_space<vmem>>, vector<1x16xf32>,
        %get3A_302 = vector.shape_cast %get3A_301 : vector<1x16xf32> to vector<16xf32>
        %mul3A_303 = arith.mulf %get3A_298, %get3A_302 : vector<16xf32>
        %add3A_304 = arith.addf %add3A_294, %mul3A_303 : vector<16xf32>
        %get3A_305 = arith.index_cast %add3A_235 : i32 to index
        %get3A_306 = arith.constant 112 : index
        %get3A_307 = tpu.vector_load %arg11[%get3A_305, %get3A_306] {strides = array<i32>} : memref<32x128xf32, #tpu.memory_space<vmem>>, vector<1x16xf32>,
        %get3A_308 = vector.shape_cast %get3A_307 : vector<1x16xf32> to vector<16xf32>
        %get3A_309 = arith.index_cast %add3A_235 : i32 to index
        %get3A_310 = arith.constant 112 : index
        %get3A_311 = tpu.vector_load %arg13[%get3A_309, %get3A_310] {strides = array<i32>} : memref<32x128xf32, #tpu.memory_space<vmem>>, vector<1x16xf32>,
        %get3A_312 = vector.shape_cast %get3A_311 : vector<1x16xf32> to vector<16xf32>
        %mul3A_313 = arith.mulf %get3A_308, %get3A_312 : vector<16xf32>
        %add3A_314 = arith.addf %add3A_304, %mul3A_313 : vector<16xf32>
        %broadcast_in_dim3A_315 = vector.shape_cast %xor3A_4 : vector<16xi32> to vector<16x1xi32>
        %gather3A_316 = vector.shape_cast %broadcast_in_dim3A_315 : vector<16x1xi32> to vector<16xi32>
        %gather3A_317 = tpu.dynamic_gather %add3A_314[%gather3A_316] in [0] : vector<16xf32>, vector<16xi32> -> vector<16xf32>
        %add3A_318 = arith.addf %add3A_314, %gather3A_317 : vector<16xf32>
        %broadcast_in_dim3A_319 = vector.shape_cast %xor3A_7 : vector<16xi32> to vector<16x1xi32>
        %gather3A_320 = vector.shape_cast %broadcast_in_dim3A_319 : vector<16x1xi32> to vector<16xi32>
        %gather3A_321 = tpu.dynamic_gather %add3A_318[%gather3A_320] in [0] : vector<16xf32>, vector<16xi32> -> vector<16xf32>
        %add3A_322 = arith.addf %add3A_318, %gather3A_321 : vector<16xf32>
        %broadcast_in_dim3A_323 = vector.shape_cast %xor3A_10 : vector<16xi32> to vector<16x1xi32>
        %gather3A_324 = vector.shape_cast %broadcast_in_dim3A_323 : vector<16x1xi32> to vector<16xi32>
        %gather3A_325 = tpu.dynamic_gather %add3A_322[%gather3A_324] in [0] : vector<16xf32>, vector<16xi32> -> vector<16xf32>
        %add3A_326 = arith.addf %add3A_322, %gather3A_325 : vector<16xf32>
        %broadcast_in_dim3A_327 = vector.shape_cast %xor3A_13 : vector<16xi32> to vector<16x1xi32>
        %gather3A_328 = vector.shape_cast %broadcast_in_dim3A_327 : vector<16x1xi32> to vector<16xi32>
        %gather3A_329 = tpu.dynamic_gather %add3A_326[%gather3A_328] in [0] : vector<16xf32>, vector<16xi32> -> vector<16xf32>
        %add3A_330 = arith.addf %add3A_326, %gather3A_329 : vector<16xf32>
        %eq3A_331 = arith.constant 1 : i32
        %eq3A_332 = vector.broadcast %eq3A_331 : i32 to vector<16xi32>
        %eq3A_333 = arith.cmpi eq, %iota3A, %eq3A_332 : vector<16xi32>
        %select_n3A_334 = arith.select %eq3A_333, %add3A_330, %select_n3A : vector<16xi1>, vector<16xf32>
        %mul3A_335 = arith.constant 16 : i32
        %mul3A_336 = arith.muli %scan3A_129, %mul3A_335 : i32
        %add3A_337 = arith.constant 2 : i32
        %add3A_338 = arith.addi %mul3A_336, %add3A_337 : i32
        %get3A_339 = arith.index_cast %add3A_338 : i32 to index
        %get3A_340 = arith.constant 0 : index
        %get3A_341 = tpu.vector_load %arg11[%get3A_339, %get3A_340] {strides = array<i32>} : memref<32x128xf32, #tpu.memory_space<vmem>>, vector<1x16xf32>,
        %get3A_342 = vector.shape_cast %get3A_341 : vector<1x16xf32> to vector<16xf32>
        %get3A_343 = arith.index_cast %add3A_338 : i32 to index
        %get3A_344 = arith.constant 0 : index
        %get3A_345 = tpu.vector_load %arg13[%get3A_343, %get3A_344] {strides = array<i32>} : memref<32x128xf32, #tpu.memory_space<vmem>>, vector<1x16xf32>,
        %get3A_346 = vector.shape_cast %get3A_345 : vector<1x16xf32> to vector<16xf32>
        %mul3A_347 = arith.mulf %get3A_342, %get3A_346 : vector<16xf32>
        %get3A_348 = arith.index_cast %add3A_338 : i32 to index
        %get3A_349 = arith.constant 16 : index
        %get3A_350 = tpu.vector_load %arg11[%get3A_348, %get3A_349] {strides = array<i32>} : memref<32x128xf32, #tpu.memory_space<vmem>>, vector<1x16xf32>,
        %get3A_351 = vector.shape_cast %get3A_350 : vector<1x16xf32> to vector<16xf32>
        %get3A_352 = arith.index_cast %add3A_338 : i32 to index
        %get3A_353 = arith.constant 16 : index
        %get3A_354 = tpu.vector_load %arg13[%get3A_352, %get3A_353] {strides = array<i32>} : memref<32x128xf32, #tpu.memory_space<vmem>>, vector<1x16xf32>,
        %get3A_355 = vector.shape_cast %get3A_354 : vector<1x16xf32> to vector<16xf32>
        %mul3A_356 = arith.mulf %get3A_351, %get3A_355 : vector<16xf32>
        %add3A_357 = arith.addf %mul3A_347, %mul3A_356 : vector<16xf32>
        %get3A_358 = arith.index_cast %add3A_338 : i32 to index
        %get3A_359 = arith.constant 32 : index
        %get3A_360 = tpu.vector_load %arg11[%get3A_358, %get3A_359] {strides = array<i32>} : memref<32x128xf32, #tpu.memory_space<vmem>>, vector<1x16xf32>,
        %get3A_361 = vector.shape_cast %get3A_360 : vector<1x16xf32> to vector<16xf32>
        %get3A_362 = arith.index_cast %add3A_338 : i32 to index
        %get3A_363 = arith.constant 32 : index
        %get3A_364 = tpu.vector_load %arg13[%get3A_362, %get3A_363] {strides = array<i32>} : memref<32x128xf32, #tpu.memory_space<vmem>>, vector<1x16xf32>,
        %get3A_365 = vector.shape_cast %get3A_364 : vector<1x16xf32> to vector<16xf32>
        %mul3A_366 = arith.mulf %get3A_361, %get3A_365 : vector<16xf32>
        %add3A_367 = arith.addf %add3A_357, %mul3A_366 : vector<16xf32>
        %get3A_368 = arith.index_cast %add3A_338 : i32 to index
        %get3A_369 = arith.constant 48 : index
        %get3A_370 = tpu.vector_load %arg11[%get3A_368, %get3A_369] {strides = array<i32>} : memref<32x128xf32, #tpu.memory_space<vmem>>, vector<1x16xf32>,
        %get3A_371 = vector.shape_cast %get3A_370 : vector<1x16xf32> to vector<16xf32>
        %get3A_372 = arith.index_cast %add3A_338 : i32 to index
        %get3A_373 = arith.constant 48 : index
        %get3A_374 = tpu.vector_load %arg13[%get3A_372, %get3A_373] {strides = array<i32>} : memref<32x128xf32, #tpu.memory_space<vmem>>, vector<1x16xf32>,
        %get3A_375 = vector.shape_cast %get3A_374 : vector<1x16xf32> to vector<16xf32>
        %mul3A_376 = arith.mulf %get3A_371, %get3A_375 : vector<16xf32>
        %add3A_377 = arith.addf %add3A_367, %mul3A_376 : vector<16xf32>
        %get3A_378 = arith.index_cast %add3A_338 : i32 to index
        %get3A_379 = arith.constant 64 : index
        %get3A_380 = tpu.vector_load %arg11[%get3A_378, %get3A_379] {strides = array<i32>} : memref<32x128xf32, #tpu.memory_space<vmem>>, vector<1x16xf32>,
        %get3A_381 = vector.shape_cast %get3A_380 : vector<1x16xf32> to vector<16xf32>
        %get3A_382 = arith.index_cast %add3A_338 : i32 to index
        %get3A_383 = arith.constant 64 : index
        %get3A_384 = tpu.vector_load %arg13[%get3A_382, %get3A_383] {strides = array<i32>} : memref<32x128xf32, #tpu.memory_space<vmem>>, vector<1x16xf32>,
        %get3A_385 = vector.shape_cast %get3A_384 : vector<1x16xf32> to vector<16xf32>
        %mul3A_386 = arith.mulf %get3A_381, %get3A_385 : vector<16xf32>
        %add3A_387 = arith.addf %add3A_377, %mul3A_386 : vector<16xf32>
        %get3A_388 = arith.index_cast %add3A_338 : i32 to index
        %get3A_389 = arith.constant 80 : index
        %get3A_390 = tpu.vector_load %arg11[%get3A_388, %get3A_389] {strides = array<i32>} : memref<32x128xf32, #tpu.memory_space<vmem>>, vector<1x16xf32>,
        %get3A_391 = vector.shape_cast %get3A_390 : vector<1x16xf32> to vector<16xf32>
        %get3A_392 = arith.index_cast %add3A_338 : i32 to index
        %get3A_393 = arith.constant 80 : index
        %get3A_394 = tpu.vector_load %arg13[%get3A_392, %get3A_393] {strides = array<i32>} : memref<32x128xf32, #tpu.memory_space<vmem>>, vector<1x16xf32>,
        %get3A_395 = vector.shape_cast %get3A_394 : vector<1x16xf32> to vector<16xf32>
        %mul3A_396 = arith.mulf %get3A_391, %get3A_395 : vector<16xf32>
        %add3A_397 = arith.addf %add3A_387, %mul3A_396 : vector<16xf32>
        %get3A_398 = arith.index_cast %add3A_338 : i32 to index
        %get3A_399 = arith.constant 96 : index
        %get3A_400 = tpu.vector_load %arg11[%get3A_398, %get3A_399] {strides = array<i32>} : memref<32x128xf32, #tpu.memory_space<vmem>>, vector<1x16xf32>,
        %get3A_401 = vector.shape_cast %get3A_400 : vector<1x16xf32> to vector<16xf32>
        %get3A_402 = arith.index_cast %add3A_338 : i32 to index
        %get3A_403 = arith.constant 96 : index
        %get3A_404 = tpu.vector_load %arg13[%get3A_402, %get3A_403] {strides = array<i32>} : memref<32x128xf32, #tpu.memory_space<vmem>>, vector<1x16xf32>,
        %get3A_405 = vector.shape_cast %get3A_404 : vector<1x16xf32> to vector<16xf32>
        %mul3A_406 = arith.mulf %get3A_401, %get3A_405 : vector<16xf32>
        %add3A_407 = arith.addf %add3A_397, %mul3A_406 : vector<16xf32>
        %get3A_408 = arith.index_cast %add3A_338 : i32 to index
        %get3A_409 = arith.constant 112 : index
        %get3A_410 = tpu.vector_load %arg11[%get3A_408, %get3A_409] {strides = array<i32>} : memref<32x128xf32, #tpu.memory_space<vmem>>, vector<1x16xf32>,
        %get3A_411 = vector.shape_cast %get3A_410 : vector<1x16xf32> to vector<16xf32>
        %get3A_412 = arith.index_cast %add3A_338 : i32 to index
        %get3A_413 = arith.constant 112 : index
        %get3A_414 = tpu.vector_load %arg13[%get3A_412, %get3A_413] {strides = array<i32>} : memref<32x128xf32, #tpu.memory_space<vmem>>, vector<1x16xf32>,
        %get3A_415 = vector.shape_cast %get3A_414 : vector<1x16xf32> to vector<16xf32>
        %mul3A_416 = arith.mulf %get3A_411, %get3A_415 : vector<16xf32>
        %add3A_417 = arith.addf %add3A_407, %mul3A_416 : vector<16xf32>
        %broadcast_in_dim3A_418 = vector.shape_cast %xor3A_4 : vector<16xi32> to vector<16x1xi32>
        %gather3A_419 = vector.shape_cast %broadcast_in_dim3A_418 : vector<16x1xi32> to vector<16xi32>
        %gather3A_420 = tpu.dynamic_gather %add3A_417[%gather3A_419] in [0] : vector<16xf32>, vector<16xi32> -> vector<16xf32>
        %add3A_421 = arith.addf %add3A_417, %gather3A_420 : vector<16xf32>
        %broadcast_in_dim3A_422 = vector.shape_cast %xor3A_7 : vector<16xi32> to vector<16x1xi32>
        %gather3A_423 = vector.shape_cast %broadcast_in_dim3A_422 : vector<16x1xi32> to vector<16xi32>
        %gather3A_424 = tpu.dynamic_gather %add3A_421[%gather3A_423] in [0] : vector<16xf32>, vector<16xi32> -> vector<16xf32>
        %add3A_425 = arith.addf %add3A_421, %gather3A_424 : vector<16xf32>
        %broadcast_in_dim3A_426 = vector.shape_cast %xor3A_10 : vector<16xi32> to vector<16x1xi32>
        %gather3A_427 = vector.shape_cast %broadcast_in_dim3A_426 : vector<16x1xi32> to vector<16xi32>
        %gather3A_428 = tpu.dynamic_gather %add3A_425[%gather3A_427] in [0] : vector<16xf32>, vector<16xi32> -> vector<16xf32>
        %add3A_429 = arith.addf %add3A_425, %gather3A_428 : vector<16xf32>
        %broadcast_in_dim3A_430 = vector.shape_cast %xor3A_13 : vector<16xi32> to vector<16x1xi32>
        %gather3A_431 = vector.shape_cast %broadcast_in_dim3A_430 : vector<16x1xi32> to vector<16xi32>
        %gather3A_432 = tpu.dynamic_gather %add3A_429[%gather3A_431] in [0] : vector<16xf32>, vector<16xi32> -> vector<16xf32>
        %add3A_433 = arith.addf %add3A_429, %gather3A_432 : vector<16xf32>
        %eq3A_434 = arith.constant 2 : i32
        %eq3A_435 = vector.broadcast %eq3A_434 : i32 to vector<16xi32>
        %eq3A_436 = arith.cmpi eq, %iota3A, %eq3A_435 : vector<16xi32>
        %select_n3A_437 = arith.select %eq3A_436, %add3A_433, %select_n3A_334 : vector<16xi1>, vector<16xf32>
        %mul3A_438 = arith.constant 16 : i32
        %mul3A_439 = arith.muli %scan3A_129, %mul3A_438 : i32
        %add3A_440 = arith.constant 3 : i32
        %add3A_441 = arith.addi %mul3A_439, %add3A_440 : i32
        %get3A_442 = arith.index_cast %add3A_441 : i32 to index
        %get3A_443 = arith.constant 0 : index
        %get3A_444 = tpu.vector_load %arg11[%get3A_442, %get3A_443] {strides = array<i32>} : memref<32x128xf32, #tpu.memory_space<vmem>>, vector<1x16xf32>,
        %get3A_445 = vector.shape_cast %get3A_444 : vector<1x16xf32> to vector<16xf32>
        %get3A_446 = arith.index_cast %add3A_441 : i32 to index
        %get3A_447 = arith.constant 0 : index
        %get3A_448 = tpu.vector_load %arg13[%get3A_446, %get3A_447] {strides = array<i32>} : memref<32x128xf32, #tpu.memory_space<vmem>>, vector<1x16xf32>,
        %get3A_449 = vector.shape_cast %get3A_448 : vector<1x16xf32> to vector<16xf32>
        %mul3A_450 = arith.mulf %get3A_445, %get3A_449 : vector<16xf32>
        %get3A_451 = arith.index_cast %add3A_441 : i32 to index
        %get3A_452 = arith.constant 16 : index
        %get3A_453 = tpu.vector_load %arg11[%get3A_451, %get3A_452] {strides = array<i32>} : memref<32x128xf32, #tpu.memory_space<vmem>>, vector<1x16xf32>,
        %get3A_454 = vector.shape_cast %get3A_453 : vector<1x16xf32> to vector<16xf32>
        %get3A_455 = arith.index_cast %add3A_441 : i32 to index
        %get3A_456 = arith.constant 16 : index
        %get3A_457 = tpu.vector_load %arg13[%get3A_455, %get3A_456] {strides = array<i32>} : memref<32x128xf32, #tpu.memory_space<vmem>>, vector<1x16xf32>,
        %get3A_458 = vector.shape_cast %get3A_457 : vector<1x16xf32> to vector<16xf32>
        %mul3A_459 = arith.mulf %get3A_454, %get3A_458 : vector<16xf32>
        %add3A_460 = arith.addf %mul3A_450, %mul3A_459 : vector<16xf32>
        %get3A_461 = arith.index_cast %add3A_441 : i32 to index
        %get3A_462 = arith.constant 32 : index
        %get3A_463 = tpu.vector_load %arg11[%get3A_461, %get3A_462] {strides = array<i32>} : memref<32x128xf32, #tpu.memory_space<vmem>>, vector<1x16xf32>,
        %get3A_464 = vector.shape_cast %get3A_463 : vector<1x16xf32> to vector<16xf32>
        %get3A_465 = arith.index_cast %add3A_441 : i32 to index
        %get3A_466 = arith.constant 32 : index
        %get3A_467 = tpu.vector_load %arg13[%get3A_465, %get3A_466] {strides = array<i32>} : memref<32x128xf32, #tpu.memory_space<vmem>>, vector<1x16xf32>,
        %get3A_468 = vector.shape_cast %get3A_467 : vector<1x16xf32> to vector<16xf32>
        %mul3A_469 = arith.mulf %get3A_464, %get3A_468 : vector<16xf32>
        %add3A_470 = arith.addf %add3A_460, %mul3A_469 : vector<16xf32>
        %get3A_471 = arith.index_cast %add3A_441 : i32 to index
        %get3A_472 = arith.constant 48 : index
        %get3A_473 = tpu.vector_load %arg11[%get3A_471, %get3A_472] {strides = array<i32>} : memref<32x128xf32, #tpu.memory_space<vmem>>, vector<1x16xf32>,
        %get3A_474 = vector.shape_cast %get3A_473 : vector<1x16xf32> to vector<16xf32>
        %get3A_475 = arith.index_cast %add3A_441 : i32 to index
        %get3A_476 = arith.constant 48 : index
        %get3A_477 = tpu.vector_load %arg13[%get3A_475, %get3A_476] {strides = array<i32>} : memref<32x128xf32, #tpu.memory_space<vmem>>, vector<1x16xf32>,
        %get3A_478 = vector.shape_cast %get3A_477 : vector<1x16xf32> to vector<16xf32>
        %mul3A_479 = arith.mulf %get3A_474, %get3A_478 : vector<16xf32>
        %add3A_480 = arith.addf %add3A_470, %mul3A_479 : vector<16xf32>
        %get3A_481 = arith.index_cast %add3A_441 : i32 to index
        %get3A_482 = arith.constant 64 : index
        %get3A_483 = tpu.vector_load %arg11[%get3A_481, %get3A_482] {strides = array<i32>} : memref<32x128xf32, #tpu.memory_space<vmem>>, vector<1x16xf32>,
        %get3A_484 = vector.shape_cast %get3A_483 : vector<1x16xf32> to vector<16xf32>
        %get3A_485 = arith.index_cast %add3A_441 : i32 to index
        %get3A_486 = arith.constant 64 : index
        %get3A_487 = tpu.vector_load %arg13[%get3A_485, %get3A_486] {strides = array<i32>} : memref<32x128xf32, #tpu.memory_space<vmem>>, vector<1x16xf32>,
        %get3A_488 = vector.shape_cast %get3A_487 : vector<1x16xf32> to vector<16xf32>
        %mul3A_489 = arith.mulf %get3A_484, %get3A_488 : vector<16xf32>
        %add3A_490 = arith.addf %add3A_480, %mul3A_489 : vector<16xf32>
        %get3A_491 = arith.index_cast %add3A_441 : i32 to index
        %get3A_492 = arith.constant 80 : index
        %get3A_493 = tpu.vector_load %arg11[%get3A_491, %get3A_492] {strides = array<i32>} : memref<32x128xf32, #tpu.memory_space<vmem>>, vector<1x16xf32>,
        %get3A_494 = vector.shape_cast %get3A_493 : vector<1x16xf32> to vector<16xf32>
        %get3A_495 = arith.index_cast %add3A_441 : i32 to index
        %get3A_496 = arith.constant 80 : index
        %get3A_497 = tpu.vector_load %arg13[%get3A_495, %get3A_496] {strides = array<i32>} : memref<32x128xf32, #tpu.memory_space<vmem>>, vector<1x16xf32>,
        %get3A_498 = vector.shape_cast %get3A_497 : vector<1x16xf32> to vector<16xf32>
        %mul3A_499 = arith.mulf %get3A_494, %get3A_498 : vector<16xf32>
        %add3A_500 = arith.addf %add3A_490, %mul3A_499 : vector<16xf32>
        %get3A_501 = arith.index_cast %add3A_441 : i32 to index
        %get3A_502 = arith.constant 96 : index
        %get3A_503 = tpu.vector_load %arg11[%get3A_501, %get3A_502] {strides = array<i32>} : memref<32x128xf32, #tpu.memory_space<vmem>>, vector<1x16xf32>,
        %get3A_504 = vector.shape_cast %get3A_503 : vector<1x16xf32> to vector<16xf32>
        %get3A_505 = arith.index_cast %add3A_441 : i32 to index
        %get3A_506 = arith.constant 96 : index
        %get3A_507 = tpu.vector_load %arg13[%get3A_505, %get3A_506] {strides = array<i32>} : memref<32x128xf32, #tpu.memory_space<vmem>>, vector<1x16xf32>,
        %get3A_508 = vector.shape_cast %get3A_507 : vector<1x16xf32> to vector<16xf32>
        %mul3A_509 = arith.mulf %get3A_504, %get3A_508 : vector<16xf32>
        %add3A_510 = arith.addf %add3A_500, %mul3A_509 : vector<16xf32>
        %get3A_511 = arith.index_cast %add3A_441 : i32 to index
        %get3A_512 = arith.constant 112 : index
        %get3A_513 = tpu.vector_load %arg11[%get3A_511, %get3A_512] {strides = array<i32>} : memref<32x128xf32, #tpu.memory_space<vmem>>, vector<1x16xf32>,
        %get3A_514 = vector.shape_cast %get3A_513 : vector<1x16xf32> to vector<16xf32>
        %get3A_515 = arith.index_cast %add3A_441 : i32 to index
        %get3A_516 = arith.constant 112 : index
        %get3A_517 = tpu.vector_load %arg13[%get3A_515, %get3A_516] {strides = array<i32>} : memref<32x128xf32, #tpu.memory_space<vmem>>, vector<1x16xf32>,
        %get3A_518 = vector.shape_cast %get3A_517 : vector<1x16xf32> to vector<16xf32>
        %mul3A_519 = arith.mulf %get3A_514, %get3A_518 : vector<16xf32>
        %add3A_520 = arith.addf %add3A_510, %mul3A_519 : vector<16xf32>
        %broadcast_in_dim3A_521 = vector.shape_cast %xor3A_4 : vector<16xi32> to vector<16x1xi32>
        %gather3A_522 = vector.shape_cast %broadcast_in_dim3A_521 : vector<16x1xi32> to vector<16xi32>
        %gather3A_523 = tpu.dynamic_gather %add3A_520[%gather3A_522] in [0] : vector<16xf32>, vector<16xi32> -> vector<16xf32>
        %add3A_524 = arith.addf %add3A_520, %gather3A_523 : vector<16xf32>
        %broadcast_in_dim3A_525 = vector.shape_cast %xor3A_7 : vector<16xi32> to vector<16x1xi32>
        %gather3A_526 = vector.shape_cast %broadcast_in_dim3A_525 : vector<16x1xi32> to vector<16xi32>
        %gather3A_527 = tpu.dynamic_gather %add3A_524[%gather3A_526] in [0] : vector<16xf32>, vector<16xi32> -> vector<16xf32>
        %add3A_528 = arith.addf %add3A_524, %gather3A_527 : vector<16xf32>
        %broadcast_in_dim3A_529 = vector.shape_cast %xor3A_10 : vector<16xi32> to vector<16x1xi32>
        %gather3A_530 = vector.shape_cast %broadcast_in_dim3A_529 : vector<16x1xi32> to vector<16xi32>
        %gather3A_531 = tpu.dynamic_gather %add3A_528[%gather3A_530] in [0] : vector<16xf32>, vector<16xi32> -> vector<16xf32>
        %add3A_532 = arith.addf %add3A_528, %gather3A_531 : vector<16xf32>
        %broadcast_in_dim3A_533 = vector.shape_cast %xor3A_13 : vector<16xi32> to vector<16x1xi32>
        %gather3A_534 = vector.shape_cast %broadcast_in_dim3A_533 : vector<16x1xi32> to vector<16xi32>
        %gather3A_535 = tpu.dynamic_gather %add3A_532[%gather3A_534] in [0] : vector<16xf32>, vector<16xi32> -> vector<16xf32>
        %add3A_536 = arith.addf %add3A_532, %gather3A_535 : vector<16xf32>
        %eq3A_537 = arith.constant 3 : i32
        %eq3A_538 = vector.broadcast %eq3A_537 : i32 to vector<16xi32>
        %eq3A_539 = arith.cmpi eq, %iota3A, %eq3A_538 : vector<16xi32>
        %select_n3A_540 = arith.select %eq3A_539, %add3A_536, %select_n3A_437 : vector<16xi1>, vector<16xf32>
        %mul3A_541 = arith.constant 16 : i32
        %mul3A_542 = arith.muli %scan3A_129, %mul3A_541 : i32
        %add3A_543 = arith.constant 4 : i32
        %add3A_544 = arith.addi %mul3A_542, %add3A_543 : i32
        %get3A_545 = arith.index_cast %add3A_544 : i32 to index
        %get3A_546 = arith.constant 0 : index
        %get3A_547 = tpu.vector_load %arg11[%get3A_545, %get3A_546] {strides = array<i32>} : memref<32x128xf32, #tpu.memory_space<vmem>>, vector<1x16xf32>,
        %get3A_548 = vector.shape_cast %get3A_547 : vector<1x16xf32> to vector<16xf32>
        %get3A_549 = arith.index_cast %add3A_544 : i32 to index
        %get3A_550 = arith.constant 0 : index
        %get3A_551 = tpu.vector_load %arg13[%get3A_549, %get3A_550] {strides = array<i32>} : memref<32x128xf32, #tpu.memory_space<vmem>>, vector<1x16xf32>,
        %get3A_552 = vector.shape_cast %get3A_551 : vector<1x16xf32> to vector<16xf32>
        %mul3A_553 = arith.mulf %get3A_548, %get3A_552 : vector<16xf32>
        %get3A_554 = arith.index_cast %add3A_544 : i32 to index
        %get3A_555 = arith.constant 16 : index
        %get3A_556 = tpu.vector_load %arg11[%get3A_554, %get3A_555] {strides = array<i32>} : memref<32x128xf32, #tpu.memory_space<vmem>>, vector<1x16xf32>,
        %get3A_557 = vector.shape_cast %get3A_556 : vector<1x16xf32> to vector<16xf32>
        %get3A_558 = arith.index_cast %add3A_544 : i32 to index
        %get3A_559 = arith.constant 16 : index
        %get3A_560 = tpu.vector_load %arg13[%get3A_558, %get3A_559] {strides = array<i32>} : memref<32x128xf32, #tpu.memory_space<vmem>>, vector<1x16xf32>,
        %get3A_561 = vector.shape_cast %get3A_560 : vector<1x16xf32> to vector<16xf32>
        %mul3A_562 = arith.mulf %get3A_557, %get3A_561 : vector<16xf32>
        %add3A_563 = arith.addf %mul3A_553, %mul3A_562 : vector<16xf32>
        %get3A_564 = arith.index_cast %add3A_544 : i32 to index
        %get3A_565 = arith.constant 32 : index
        %get3A_566 = tpu.vector_load %arg11[%get3A_564, %get3A_565] {strides = array<i32>} : memref<32x128xf32, #tpu.memory_space<vmem>>, vector<1x16xf32>,
        %get3A_567 = vector.shape_cast %get3A_566 : vector<1x16xf32> to vector<16xf32>
        %get3A_568 = arith.index_cast %add3A_544 : i32 to index
        %get3A_569 = arith.constant 32 : index
        %get3A_570 = tpu.vector_load %arg13[%get3A_568, %get3A_569] {strides = array<i32>} : memref<32x128xf32, #tpu.memory_space<vmem>>, vector<1x16xf32>,
        %get3A_571 = vector.shape_cast %get3A_570 : vector<1x16xf32> to vector<16xf32>
        %mul3A_572 = arith.mulf %get3A_567, %get3A_571 : vector<16xf32>
        %add3A_573 = arith.addf %add3A_563, %mul3A_572 : vector<16xf32>
        %get3A_574 = arith.index_cast %add3A_544 : i32 to index
        %get3A_575 = arith.constant 48 : index
        %get3A_576 = tpu.vector_load %arg11[%get3A_574, %get3A_575] {strides = array<i32>} : memref<32x128xf32, #tpu.memory_space<vmem>>, vector<1x16xf32>,
        %get3A_577 = vector.shape_cast %get3A_576 : vector<1x16xf32> to vector<16xf32>
        %get3A_578 = arith.index_cast %add3A_544 : i32 to index
        %get3A_579 = arith.constant 48 : index
        %get3A_580 = tpu.vector_load %arg13[%get3A_578, %get3A_579] {strides = array<i32>} : memref<32x128xf32, #tpu.memory_space<vmem>>, vector<1x16xf32>,
        %get3A_581 = vector.shape_cast %get3A_580 : vector<1x16xf32> to vector<16xf32>
        %mul3A_582 = arith.mulf %get3A_577, %get3A_581 : vector<16xf32>
        %add3A_583 = arith.addf %add3A_573, %mul3A_582 : vector<16xf32>
        %get3A_584 = arith.index_cast %add3A_544 : i32 to index
        %get3A_585 = arith.constant 64 : index
        %get3A_586 = tpu.vector_load %arg11[%get3A_584, %get3A_585] {strides = array<i32>} : memref<32x128xf32, #tpu.memory_space<vmem>>, vector<1x16xf32>,
        %get3A_587 = vector.shape_cast %get3A_586 : vector<1x16xf32> to vector<16xf32>
        %get3A_588 = arith.index_cast %add3A_544 : i32 to index
        %get3A_589 = arith.constant 64 : index
        %get3A_590 = tpu.vector_load %arg13[%get3A_588, %get3A_589] {strides = array<i32>} : memref<32x128xf32, #tpu.memory_space<vmem>>, vector<1x16xf32>,
        %get3A_591 = vector.shape_cast %get3A_590 : vector<1x16xf32> to vector<16xf32>
        %mul3A_592 = arith.mulf %get3A_587, %get3A_591 : vector<16xf32>
        %add3A_593 = arith.addf %add3A_583, %mul3A_592 : vector<16xf32>
        %get3A_594 = arith.index_cast %add3A_544 : i32 to index
        %get3A_595 = arith.constant 80 : index
        %get3A_596 = tpu.vector_load %arg11[%get3A_594, %get3A_595] {strides = array<i32>} : memref<32x128xf32, #tpu.memory_space<vmem>>, vector<1x16xf32>,
        %get3A_597 = vector.shape_cast %get3A_596 : vector<1x16xf32> to vector<16xf32>
        %get3A_598 = arith.index_cast %add3A_544 : i32 to index
        %get3A_599 = arith.constant 80 : index
        %get3A_600 = tpu.vector_load %arg13[%get3A_598, %get3A_599] {strides = array<i32>} : memref<32x128xf32, #tpu.memory_space<vmem>>, vector<1x16xf32>,
        %get3A_601 = vector.shape_cast %get3A_600 : vector<1x16xf32> to vector<16xf32>
        %mul3A_602 = arith.mulf %get3A_597, %get3A_601 : vector<16xf32>
        %add3A_603 = arith.addf %add3A_593, %mul3A_602 : vector<16xf32>
        %get3A_604 = arith.index_cast %add3A_544 : i32 to index
        %get3A_605 = arith.constant 96 : index
        %get3A_606 = tpu.vector_load %arg11[%get3A_604, %get3A_605] {strides = array<i32>} : memref<32x128xf32, #tpu.memory_space<vmem>>, vector<1x16xf32>,
        %get3A_607 = vector.shape_cast %get3A_606 : vector<1x16xf32> to vector<16xf32>
        %get3A_608 = arith.index_cast %add3A_544 : i32 to index
        %get3A_609 = arith.constant 96 : index
        %get3A_610 = tpu.vector_load %arg13[%get3A_608, %get3A_609] {strides = array<i32>} : memref<32x128xf32, #tpu.memory_space<vmem>>, vector<1x16xf32>,
        %get3A_611 = vector.shape_cast %get3A_610 : vector<1x16xf32> to vector<16xf32>
        %mul3A_612 = arith.mulf %get3A_607, %get3A_611 : vector<16xf32>
        %add3A_613 = arith.addf %add3A_603, %mul3A_612 : vector<16xf32>
        %get3A_614 = arith.index_cast %add3A_544 : i32 to index
        %get3A_615 = arith.constant 112 : index
        %get3A_616 = tpu.vector_load %arg11[%get3A_614, %get3A_615] {strides = array<i32>} : memref<32x128xf32, #tpu.memory_space<vmem>>, vector<1x16xf32>,
        %get3A_617 = vector.shape_cast %get3A_616 : vector<1x16xf32> to vector<16xf32>
        %get3A_618 = arith.index_cast %add3A_544 : i32 to index
        %get3A_619 = arith.constant 112 : index
        %get3A_620 = tpu.vector_load %arg13[%get3A_618, %get3A_619] {strides = array<i32>} : memref<32x128xf32, #tpu.memory_space<vmem>>, vector<1x16xf32>,
        %get3A_621 = vector.shape_cast %get3A_620 : vector<1x16xf32> to vector<16xf32>
        %mul3A_622 = arith.mulf %get3A_617, %get3A_621 : vector<16xf32>
        %add3A_623 = arith.addf %add3A_613, %mul3A_622 : vector<16xf32>
        %broadcast_in_dim3A_624 = vector.shape_cast %xor3A_4 : vector<16xi32> to vector<16x1xi32>
        %gather3A_625 = vector.shape_cast %broadcast_in_dim3A_624 : vector<16x1xi32> to vector<16xi32>
        %gather3A_626 = tpu.dynamic_gather %add3A_623[%gather3A_625] in [0] : vector<16xf32>, vector<16xi32> -> vector<16xf32>
        %add3A_627 = arith.addf %add3A_623, %gather3A_626 : vector<16xf32>
        %broadcast_in_dim3A_628 = vector.shape_cast %xor3A_7 : vector<16xi32> to vector<16x1xi32>
        %gather3A_629 = vector.shape_cast %broadcast_in_dim3A_628 : vector<16x1xi32> to vector<16xi32>
        %gather3A_630 = tpu.dynamic_gather %add3A_627[%gather3A_629] in [0] : vector<16xf32>, vector<16xi32> -> vector<16xf32>
        %add3A_631 = arith.addf %add3A_627, %gather3A_630 : vector<16xf32>
        %broadcast_in_dim3A_632 = vector.shape_cast %xor3A_10 : vector<16xi32> to vector<16x1xi32>
        %gather3A_633 = vector.shape_cast %broadcast_in_dim3A_632 : vector<16x1xi32> to vector<16xi32>
        %gather3A_634 = tpu.dynamic_gather %add3A_631[%gather3A_633] in [0] : vector<16xf32>, vector<16xi32> -> vector<16xf32>
        %add3A_635 = arith.addf %add3A_631, %gather3A_634 : vector<16xf32>
        %broadcast_in_dim3A_636 = vector.shape_cast %xor3A_13 : vector<16xi32> to vector<16x1xi32>
        %gather3A_637 = vector.shape_cast %broadcast_in_dim3A_636 : vector<16x1xi32> to vector<16xi32>
        %gather3A_638 = tpu.dynamic_gather %add3A_635[%gather3A_637] in [0] : vector<16xf32>, vector<16xi32> -> vector<16xf32>
        %add3A_639 = arith.addf %add3A_635, %gather3A_638 : vector<16xf32>
        %eq3A_640 = arith.constant 4 : i32
        %eq3A_641 = vector.broadcast %eq3A_640 : i32 to vector<16xi32>
        %eq3A_642 = arith.cmpi eq, %iota3A, %eq3A_641 : vector<16xi32>
        %select_n3A_643 = arith.select %eq3A_642, %add3A_639, %select_n3A_540 : vector<16xi1>, vector<16xf32>
        %mul3A_644 = arith.constant 16 : i32
        %mul3A_645 = arith.muli %scan3A_129, %mul3A_644 : i32
        %add3A_646 = arith.constant 5 : i32
        %add3A_647 = arith.addi %mul3A_645, %add3A_646 : i32
        %get3A_648 = arith.index_cast %add3A_647 : i32 to index
        %get3A_649 = arith.constant 0 : index
        %get3A_650 = tpu.vector_load %arg11[%get3A_648, %get3A_649] {strides = array<i32>} : memref<32x128xf32, #tpu.memory_space<vmem>>, vector<1x16xf32>,
        %get3A_651 = vector.shape_cast %get3A_650 : vector<1x16xf32> to vector<16xf32>
        %get3A_652 = arith.index_cast %add3A_647 : i32 to index
        %get3A_653 = arith.constant 0 : index
        %get3A_654 = tpu.vector_load %arg13[%get3A_652, %get3A_653] {strides = array<i32>} : memref<32x128xf32, #tpu.memory_space<vmem>>, vector<1x16xf32>,
        %get3A_655 = vector.shape_cast %get3A_654 : vector<1x16xf32> to vector<16xf32>
        %mul3A_656 = arith.mulf %get3A_651, %get3A_655 : vector<16xf32>
        %get3A_657 = arith.index_cast %add3A_647 : i32 to index
        %get3A_658 = arith.constant 16 : index
        %get3A_659 = tpu.vector_load %arg11[%get3A_657, %get3A_658] {strides = array<i32>} : memref<32x128xf32, #tpu.memory_space<vmem>>, vector<1x16xf32>,
        %get3A_660 = vector.shape_cast %get3A_659 : vector<1x16xf32> to vector<16xf32>
        %get3A_661 = arith.index_cast %add3A_647 : i32 to index
        %get3A_662 = arith.constant 16 : index
        %get3A_663 = tpu.vector_load %arg13[%get3A_661, %get3A_662] {strides = array<i32>} : memref<32x128xf32, #tpu.memory_space<vmem>>, vector<1x16xf32>,
        %get3A_664 = vector.shape_cast %get3A_663 : vector<1x16xf32> to vector<16xf32>
        %mul3A_665 = arith.mulf %get3A_660, %get3A_664 : vector<16xf32>
        %add3A_666 = arith.addf %mul3A_656, %mul3A_665 : vector<16xf32>
        %get3A_667 = arith.index_cast %add3A_647 : i32 to index
        %get3A_668 = arith.constant 32 : index
        %get3A_669 = tpu.vector_load %arg11[%get3A_667, %get3A_668] {strides = array<i32>} : memref<32x128xf32, #tpu.memory_space<vmem>>, vector<1x16xf32>,
        %get3A_670 = vector.shape_cast %get3A_669 : vector<1x16xf32> to vector<16xf32>
        %get3A_671 = arith.index_cast %add3A_647 : i32 to index
        %get3A_672 = arith.constant 32 : index
        %get3A_673 = tpu.vector_load %arg13[%get3A_671, %get3A_672] {strides = array<i32>} : memref<32x128xf32, #tpu.memory_space<vmem>>, vector<1x16xf32>,
        %get3A_674 = vector.shape_cast %get3A_673 : vector<1x16xf32> to vector<16xf32>
        %mul3A_675 = arith.mulf %get3A_670, %get3A_674 : vector<16xf32>
        %add3A_676 = arith.addf %add3A_666, %mul3A_675 : vector<16xf32>
        %get3A_677 = arith.index_cast %add3A_647 : i32 to index
        %get3A_678 = arith.constant 48 : index
        %get3A_679 = tpu.vector_load %arg11[%get3A_677, %get3A_678] {strides = array<i32>} : memref<32x128xf32, #tpu.memory_space<vmem>>, vector<1x16xf32>,
        %get3A_680 = vector.shape_cast %get3A_679 : vector<1x16xf32> to vector<16xf32>
        %get3A_681 = arith.index_cast %add3A_647 : i32 to index
        %get3A_682 = arith.constant 48 : index
        %get3A_683 = tpu.vector_load %arg13[%get3A_681, %get3A_682] {strides = array<i32>} : memref<32x128xf32, #tpu.memory_space<vmem>>, vector<1x16xf32>,
        %get3A_684 = vector.shape_cast %get3A_683 : vector<1x16xf32> to vector<16xf32>
        %mul3A_685 = arith.mulf %get3A_680, %get3A_684 : vector<16xf32>
        %add3A_686 = arith.addf %add3A_676, %mul3A_685 : vector<16xf32>
        %get3A_687 = arith.index_cast %add3A_647 : i32 to index
        %get3A_688 = arith.constant 64 : index
        %get3A_689 = tpu.vector_load %arg11[%get3A_687, %get3A_688] {strides = array<i32>} : memref<32x128xf32, #tpu.memory_space<vmem>>, vector<1x16xf32>,
        %get3A_690 = vector.shape_cast %get3A_689 : vector<1x16xf32> to vector<16xf32>
        %get3A_691 = arith.index_cast %add3A_647 : i32 to index
        %get3A_692 = arith.constant 64 : index
        %get3A_693 = tpu.vector_load %arg13[%get3A_691, %get3A_692] {strides = array<i32>} : memref<32x128xf32, #tpu.memory_space<vmem>>, vector<1x16xf32>,
        %get3A_694 = vector.shape_cast %get3A_693 : vector<1x16xf32> to vector<16xf32>
        %mul3A_695 = arith.mulf %get3A_690, %get3A_694 : vector<16xf32>
        %add3A_696 = arith.addf %add3A_686, %mul3A_695 : vector<16xf32>
        %get3A_697 = arith.index_cast %add3A_647 : i32 to index
        %get3A_698 = arith.constant 80 : index
        %get3A_699 = tpu.vector_load %arg11[%get3A_697, %get3A_698] {strides = array<i32>} : memref<32x128xf32, #tpu.memory_space<vmem>>, vector<1x16xf32>,
        %get3A_700 = vector.shape_cast %get3A_699 : vector<1x16xf32> to vector<16xf32>
        %get3A_701 = arith.index_cast %add3A_647 : i32 to index
        %get3A_702 = arith.constant 80 : index
        %get3A_703 = tpu.vector_load %arg13[%get3A_701, %get3A_702] {strides = array<i32>} : memref<32x128xf32, #tpu.memory_space<vmem>>, vector<1x16xf32>,
        %get3A_704 = vector.shape_cast %get3A_703 : vector<1x16xf32> to vector<16xf32>
        %mul3A_705 = arith.mulf %get3A_700, %get3A_704 : vector<16xf32>
        %add3A_706 = arith.addf %add3A_696, %mul3A_705 : vector<16xf32>
        %get3A_707 = arith.index_cast %add3A_647 : i32 to index
        %get3A_708 = arith.constant 96 : index
        %get3A_709 = tpu.vector_load %arg11[%get3A_707, %get3A_708] {strides = array<i32>} : memref<32x128xf32, #tpu.memory_space<vmem>>, vector<1x16xf32>,
        %get3A_710 = vector.shape_cast %get3A_709 : vector<1x16xf32> to vector<16xf32>
        %get3A_711 = arith.index_cast %add3A_647 : i32 to index
        %get3A_712 = arith.constant 96 : index
        %get3A_713 = tpu.vector_load %arg13[%get3A_711, %get3A_712] {strides = array<i32>} : memref<32x128xf32, #tpu.memory_space<vmem>>, vector<1x16xf32>,
        %get3A_714 = vector.shape_cast %get3A_713 : vector<1x16xf32> to vector<16xf32>
        %mul3A_715 = arith.mulf %get3A_710, %get3A_714 : vector<16xf32>
        %add3A_716 = arith.addf %add3A_706, %mul3A_715 : vector<16xf32>
        %get3A_717 = arith.index_cast %add3A_647 : i32 to index
        %get3A_718 = arith.constant 112 : index
        %get3A_719 = tpu.vector_load %arg11[%get3A_717, %get3A_718] {strides = array<i32>} : memref<32x128xf32, #tpu.memory_space<vmem>>, vector<1x16xf32>,
        %get3A_720 = vector.shape_cast %get3A_719 : vector<1x16xf32> to vector<16xf32>
        %get3A_721 = arith.index_cast %add3A_647 : i32 to index
        %get3A_722 = arith.constant 112 : index
        %get3A_723 = tpu.vector_load %arg13[%get3A_721, %get3A_722] {strides = array<i32>} : memref<32x128xf32, #tpu.memory_space<vmem>>, vector<1x16xf32>,
        %get3A_724 = vector.shape_cast %get3A_723 : vector<1x16xf32> to vector<16xf32>
        %mul3A_725 = arith.mulf %get3A_720, %get3A_724 : vector<16xf32>
        %add3A_726 = arith.addf %add3A_716, %mul3A_725 : vector<16xf32>
        %broadcast_in_dim3A_727 = vector.shape_cast %xor3A_4 : vector<16xi32> to vector<16x1xi32>
        %gather3A_728 = vector.shape_cast %broadcast_in_dim3A_727 : vector<16x1xi32> to vector<16xi32>
        %gather3A_729 = tpu.dynamic_gather %add3A_726[%gather3A_728] in [0] : vector<16xf32>, vector<16xi32> -> vector<16xf32>
        %add3A_730 = arith.addf %add3A_726, %gather3A_729 : vector<16xf32>
        %broadcast_in_dim3A_731 = vector.shape_cast %xor3A_7 : vector<16xi32> to vector<16x1xi32>
        %gather3A_732 = vector.shape_cast %broadcast_in_dim3A_731 : vector<16x1xi32> to vector<16xi32>
        %gather3A_733 = tpu.dynamic_gather %add3A_730[%gather3A_732] in [0] : vector<16xf32>, vector<16xi32> -> vector<16xf32>
        %add3A_734 = arith.addf %add3A_730, %gather3A_733 : vector<16xf32>
        %broadcast_in_dim3A_735 = vector.shape_cast %xor3A_10 : vector<16xi32> to vector<16x1xi32>
        %gather3A_736 = vector.shape_cast %broadcast_in_dim3A_735 : vector<16x1xi32> to vector<16xi32>
        %gather3A_737 = tpu.dynamic_gather %add3A_734[%gather3A_736] in [0] : vector<16xf32>, vector<16xi32> -> vector<16xf32>
        %add3A_738 = arith.addf %add3A_734, %gather3A_737 : vector<16xf32>
        %broadcast_in_dim3A_739 = vector.shape_cast %xor3A_13 : vector<16xi32> to vector<16x1xi32>
        %gather3A_740 = vector.shape_cast %broadcast_in_dim3A_739 : vector<16x1xi32> to vector<16xi32>
        %gather3A_741 = tpu.dynamic_gather %add3A_738[%gather3A_740] in [0] : vector<16xf32>, vector<16xi32> -> vector<16xf32>
        %add3A_742 = arith.addf %add3A_738, %gather3A_741 : vector<16xf32>
        %eq3A_743 = arith.constant 5 : i32
        %eq3A_744 = vector.broadcast %eq3A_743 : i32 to vector<16xi32>
        %eq3A_745 = arith.cmpi eq, %iota3A, %eq3A_744 : vector<16xi32>
        %select_n3A_746 = arith.select %eq3A_745, %add3A_742, %select_n3A_643 : vector<16xi1>, vector<16xf32>
        %mul3A_747 = arith.constant 16 : i32
        %mul3A_748 = arith.muli %scan3A_129, %mul3A_747 : i32
        %add3A_749 = arith.constant 6 : i32
        %add3A_750 = arith.addi %mul3A_748, %add3A_749 : i32
        %get3A_751 = arith.index_cast %add3A_750 : i32 to index
        %get3A_752 = arith.constant 0 : index
        %get3A_753 = tpu.vector_load %arg11[%get3A_751, %get3A_752] {strides = array<i32>} : memref<32x128xf32, #tpu.memory_space<vmem>>, vector<1x16xf32>,
        %get3A_754 = vector.shape_cast %get3A_753 : vector<1x16xf32> to vector<16xf32>
        %get3A_755 = arith.index_cast %add3A_750 : i32 to index
        %get3A_756 = arith.constant 0 : index
        %get3A_757 = tpu.vector_load %arg13[%get3A_755, %get3A_756] {strides = array<i32>} : memref<32x128xf32, #tpu.memory_space<vmem>>, vector<1x16xf32>,
        %get3A_758 = vector.shape_cast %get3A_757 : vector<1x16xf32> to vector<16xf32>
        %mul3A_759 = arith.mulf %get3A_754, %get3A_758 : vector<16xf32>
        %get3A_760 = arith.index_cast %add3A_750 : i32 to index
        %get3A_761 = arith.constant 16 : index
        %get3A_762 = tpu.vector_load %arg11[%get3A_760, %get3A_761] {strides = array<i32>} : memref<32x128xf32, #tpu.memory_space<vmem>>, vector<1x16xf32>,
        %get3A_763 = vector.shape_cast %get3A_762 : vector<1x16xf32> to vector<16xf32>
        %get3A_764 = arith.index_cast %add3A_750 : i32 to index
        %get3A_765 = arith.constant 16 : index
        %get3A_766 = tpu.vector_load %arg13[%get3A_764, %get3A_765] {strides = array<i32>} : memref<32x128xf32, #tpu.memory_space<vmem>>, vector<1x16xf32>,
        %get3A_767 = vector.shape_cast %get3A_766 : vector<1x16xf32> to vector<16xf32>
        %mul3A_768 = arith.mulf %get3A_763, %get3A_767 : vector<16xf32>
        %add3A_769 = arith.addf %mul3A_759, %mul3A_768 : vector<16xf32>
        %get3A_770 = arith.index_cast %add3A_750 : i32 to index
        %get3A_771 = arith.constant 32 : index
        %get3A_772 = tpu.vector_load %arg11[%get3A_770, %get3A_771] {strides = array<i32>} : memref<32x128xf32, #tpu.memory_space<vmem>>, vector<1x16xf32>,
        %get3A_773 = vector.shape_cast %get3A_772 : vector<1x16xf32> to vector<16xf32>
        %get3A_774 = arith.index_cast %add3A_750 : i32 to index
        %get3A_775 = arith.constant 32 : index
        %get3A_776 = tpu.vector_load %arg13[%get3A_774, %get3A_775] {strides = array<i32>} : memref<32x128xf32, #tpu.memory_space<vmem>>, vector<1x16xf32>,
        %get3A_777 = vector.shape_cast %get3A_776 : vector<1x16xf32> to vector<16xf32>
        %mul3A_778 = arith.mulf %get3A_773, %get3A_777 : vector<16xf32>
        %add3A_779 = arith.addf %add3A_769, %mul3A_778 : vector<16xf32>
        %get3A_780 = arith.index_cast %add3A_750 : i32 to index
        %get3A_781 = arith.constant 48 : index
        %get3A_782 = tpu.vector_load %arg11[%get3A_780, %get3A_781] {strides = array<i32>} : memref<32x128xf32, #tpu.memory_space<vmem>>, vector<1x16xf32>,
        %get3A_783 = vector.shape_cast %get3A_782 : vector<1x16xf32> to vector<16xf32>
        %get3A_784 = arith.index_cast %add3A_750 : i32 to index
        %get3A_785 = arith.constant 48 : index
        %get3A_786 = tpu.vector_load %arg13[%get3A_784, %get3A_785] {strides = array<i32>} : memref<32x128xf32, #tpu.memory_space<vmem>>, vector<1x16xf32>,
        %get3A_787 = vector.shape_cast %get3A_786 : vector<1x16xf32> to vector<16xf32>
        %mul3A_788 = arith.mulf %get3A_783, %get3A_787 : vector<16xf32>
        %add3A_789 = arith.addf %add3A_779, %mul3A_788 : vector<16xf32>
        %get3A_790 = arith.index_cast %add3A_750 : i32 to index
        %get3A_791 = arith.constant 64 : index
        %get3A_792 = tpu.vector_load %arg11[%get3A_790, %get3A_791] {strides = array<i32>} : memref<32x128xf32, #tpu.memory_space<vmem>>, vector<1x16xf32>,
        %get3A_793 = vector.shape_cast %get3A_792 : vector<1x16xf32> to vector<16xf32>
        %get3A_794 = arith.index_cast %add3A_750 : i32 to index
        %get3A_795 = arith.constant 64 : index
        %get3A_796 = tpu.vector_load %arg13[%get3A_794, %get3A_795] {strides = array<i32>} : memref<32x128xf32, #tpu.memory_space<vmem>>, vector<1x16xf32>,
        %get3A_797 = vector.shape_cast %get3A_796 : vector<1x16xf32> to vector<16xf32>
        %mul3A_798 = arith.mulf %get3A_793, %get3A_797 : vector<16xf32>
        %add3A_799 = arith.addf %add3A_789, %mul3A_798 : vector<16xf32>
        %get3A_800 = arith.index_cast %add3A_750 : i32 to index
        %get3A_801 = arith.constant 80 : index
        %get3A_802 = tpu.vector_load %arg11[%get3A_800, %get3A_801] {strides = array<i32>} : memref<32x128xf32, #tpu.memory_space<vmem>>, vector<1x16xf32>,
        %get3A_803 = vector.shape_cast %get3A_802 : vector<1x16xf32> to vector<16xf32>
        %get3A_804 = arith.index_cast %add3A_750 : i32 to index
        %get3A_805 = arith.constant 80 : index
        %get3A_806 = tpu.vector_load %arg13[%get3A_804, %get3A_805] {strides = array<i32>} : memref<32x128xf32, #tpu.memory_space<vmem>>, vector<1x16xf32>,
        %get3A_807 = vector.shape_cast %get3A_806 : vector<1x16xf32> to vector<16xf32>
        %mul3A_808 = arith.mulf %get3A_803, %get3A_807 : vector<16xf32>
        %add3A_809 = arith.addf %add3A_799, %mul3A_808 : vector<16xf32>
        %get3A_810 = arith.index_cast %add3A_750 : i32 to index
        %get3A_811 = arith.constant 96 : index
        %get3A_812 = tpu.vector_load %arg11[%get3A_810, %get3A_811] {strides = array<i32>} : memref<32x128xf32, #tpu.memory_space<vmem>>, vector<1x16xf32>,
        %get3A_813 = vector.shape_cast %get3A_812 : vector<1x16xf32> to vector<16xf32>
        %get3A_814 = arith.index_cast %add3A_750 : i32 to index
        %get3A_815 = arith.constant 96 : index
        %get3A_816 = tpu.vector_load %arg13[%get3A_814, %get3A_815] {strides = array<i32>} : memref<32x128xf32, #tpu.memory_space<vmem>>, vector<1x16xf32>,
        %get3A_817 = vector.shape_cast %get3A_816 : vector<1x16xf32> to vector<16xf32>
        %mul3A_818 = arith.mulf %get3A_813, %get3A_817 : vector<16xf32>
        %add3A_819 = arith.addf %add3A_809, %mul3A_818 : vector<16xf32>
        %get3A_820 = arith.index_cast %add3A_750 : i32 to index
        %get3A_821 = arith.constant 112 : index
        %get3A_822 = tpu.vector_load %arg11[%get3A_820, %get3A_821] {strides = array<i32>} : memref<32x128xf32, #tpu.memory_space<vmem>>, vector<1x16xf32>,
        %get3A_823 = vector.shape_cast %get3A_822 : vector<1x16xf32> to vector<16xf32>
        %get3A_824 = arith.index_cast %add3A_750 : i32 to index
        %get3A_825 = arith.constant 112 : index
        %get3A_826 = tpu.vector_load %arg13[%get3A_824, %get3A_825] {strides = array<i32>} : memref<32x128xf32, #tpu.memory_space<vmem>>, vector<1x16xf32>,
        %get3A_827 = vector.shape_cast %get3A_826 : vector<1x16xf32> to vector<16xf32>
        %mul3A_828 = arith.mulf %get3A_823, %get3A_827 : vector<16xf32>
        %add3A_829 = arith.addf %add3A_819, %mul3A_828 : vector<16xf32>
        %broadcast_in_dim3A_830 = vector.shape_cast %xor3A_4 : vector<16xi32> to vector<16x1xi32>
        %gather3A_831 = vector.shape_cast %broadcast_in_dim3A_830 : vector<16x1xi32> to vector<16xi32>
        %gather3A_832 = tpu.dynamic_gather %add3A_829[%gather3A_831] in [0] : vector<16xf32>, vector<16xi32> -> vector<16xf32>
        %add3A_833 = arith.addf %add3A_829, %gather3A_832 : vector<16xf32>
        %broadcast_in_dim3A_834 = vector.shape_cast %xor3A_7 : vector<16xi32> to vector<16x1xi32>
        %gather3A_835 = vector.shape_cast %broadcast_in_dim3A_834 : vector<16x1xi32> to vector<16xi32>
        %gather3A_836 = tpu.dynamic_gather %add3A_833[%gather3A_835] in [0] : vector<16xf32>, vector<16xi32> -> vector<16xf32>
        %add3A_837 = arith.addf %add3A_833, %gather3A_836 : vector<16xf32>
        %broadcast_in_dim3A_838 = vector.shape_cast %xor3A_10 : vector<16xi32> to vector<16x1xi32>
        %gather3A_839 = vector.shape_cast %broadcast_in_dim3A_838 : vector<16x1xi32> to vector<16xi32>
        %gather3A_840 = tpu.dynamic_gather %add3A_837[%gather3A_839] in [0] : vector<16xf32>, vector<16xi32> -> vector<16xf32>
        %add3A_841 = arith.addf %add3A_837, %gather3A_840 : vector<16xf32>
        %broadcast_in_dim3A_842 = vector.shape_cast %xor3A_13 : vector<16xi32> to vector<16x1xi32>
        %gather3A_843 = vector.shape_cast %broadcast_in_dim3A_842 : vector<16x1xi32> to vector<16xi32>
        %gather3A_844 = tpu.dynamic_gather %add3A_841[%gather3A_843] in [0] : vector<16xf32>, vector<16xi32> -> vector<16xf32>
        %add3A_845 = arith.addf %add3A_841, %gather3A_844 : vector<16xf32>
        %eq3A_846 = arith.constant 6 : i32
        %eq3A_847 = vector.broadcast %eq3A_846 : i32 to vector<16xi32>
        %eq3A_848 = arith.cmpi eq, %iota3A, %eq3A_847 : vector<16xi32>
        %select_n3A_849 = arith.select %eq3A_848, %add3A_845, %select_n3A_746 : vector<16xi1>, vector<16xf32>
        %mul3A_850 = arith.constant 16 : i32
        %mul3A_851 = arith.muli %scan3A_129, %mul3A_850 : i32
        %add3A_852 = arith.constant 7 : i32
        %add3A_853 = arith.addi %mul3A_851, %add3A_852 : i32
        %get3A_854 = arith.index_cast %add3A_853 : i32 to index
        %get3A_855 = arith.constant 0 : index
        %get3A_856 = tpu.vector_load %arg11[%get3A_854, %get3A_855] {strides = array<i32>} : memref<32x128xf32, #tpu.memory_space<vmem>>, vector<1x16xf32>,
        %get3A_857 = vector.shape_cast %get3A_856 : vector<1x16xf32> to vector<16xf32>
        %get3A_858 = arith.index_cast %add3A_853 : i32 to index
        %get3A_859 = arith.constant 0 : index
        %get3A_860 = tpu.vector_load %arg13[%get3A_858, %get3A_859] {strides = array<i32>} : memref<32x128xf32, #tpu.memory_space<vmem>>, vector<1x16xf32>,
        %get3A_861 = vector.shape_cast %get3A_860 : vector<1x16xf32> to vector<16xf32>
        %mul3A_862 = arith.mulf %get3A_857, %get3A_861 : vector<16xf32>
        %get3A_863 = arith.index_cast %add3A_853 : i32 to index
        %get3A_864 = arith.constant 16 : index
        %get3A_865 = tpu.vector_load %arg11[%get3A_863, %get3A_864] {strides = array<i32>} : memref<32x128xf32, #tpu.memory_space<vmem>>, vector<1x16xf32>,
        %get3A_866 = vector.shape_cast %get3A_865 : vector<1x16xf32> to vector<16xf32>
        %get3A_867 = arith.index_cast %add3A_853 : i32 to index
        %get3A_868 = arith.constant 16 : index
        %get3A_869 = tpu.vector_load %arg13[%get3A_867, %get3A_868] {strides = array<i32>} : memref<32x128xf32, #tpu.memory_space<vmem>>, vector<1x16xf32>,
        %get3A_870 = vector.shape_cast %get3A_869 : vector<1x16xf32> to vector<16xf32>
        %mul3A_871 = arith.mulf %get3A_866, %get3A_870 : vector<16xf32>
        %add3A_872 = arith.addf %mul3A_862, %mul3A_871 : vector<16xf32>
        %get3A_873 = arith.index_cast %add3A_853 : i32 to index
        %get3A_874 = arith.constant 32 : index
        %get3A_875 = tpu.vector_load %arg11[%get3A_873, %get3A_874] {strides = array<i32>} : memref<32x128xf32, #tpu.memory_space<vmem>>, vector<1x16xf32>,
        %get3A_876 = vector.shape_cast %get3A_875 : vector<1x16xf32> to vector<16xf32>
        %get3A_877 = arith.index_cast %add3A_853 : i32 to index
        %get3A_878 = arith.constant 32 : index
        %get3A_879 = tpu.vector_load %arg13[%get3A_877, %get3A_878] {strides = array<i32>} : memref<32x128xf32, #tpu.memory_space<vmem>>, vector<1x16xf32>,
        %get3A_880 = vector.shape_cast %get3A_879 : vector<1x16xf32> to vector<16xf32>
        %mul3A_881 = arith.mulf %get3A_876, %get3A_880 : vector<16xf32>
        %add3A_882 = arith.addf %add3A_872, %mul3A_881 : vector<16xf32>
        %get3A_883 = arith.index_cast %add3A_853 : i32 to index
        %get3A_884 = arith.constant 48 : index
        %get3A_885 = tpu.vector_load %arg11[%get3A_883, %get3A_884] {strides = array<i32>} : memref<32x128xf32, #tpu.memory_space<vmem>>, vector<1x16xf32>,
        %get3A_886 = vector.shape_cast %get3A_885 : vector<1x16xf32> to vector<16xf32>
        %get3A_887 = arith.index_cast %add3A_853 : i32 to index
        %get3A_888 = arith.constant 48 : index
        %get3A_889 = tpu.vector_load %arg13[%get3A_887, %get3A_888] {strides = array<i32>} : memref<32x128xf32, #tpu.memory_space<vmem>>, vector<1x16xf32>,
        %get3A_890 = vector.shape_cast %get3A_889 : vector<1x16xf32> to vector<16xf32>
        %mul3A_891 = arith.mulf %get3A_886, %get3A_890 : vector<16xf32>
        %add3A_892 = arith.addf %add3A_882, %mul3A_891 : vector<16xf32>
        %get3A_893 = arith.index_cast %add3A_853 : i32 to index
        %get3A_894 = arith.constant 64 : index
        %get3A_895 = tpu.vector_load %arg11[%get3A_893, %get3A_894] {strides = array<i32>} : memref<32x128xf32, #tpu.memory_space<vmem>>, vector<1x16xf32>,
        %get3A_896 = vector.shape_cast %get3A_895 : vector<1x16xf32> to vector<16xf32>
        %get3A_897 = arith.index_cast %add3A_853 : i32 to index
        %get3A_898 = arith.constant 64 : index
        %get3A_899 = tpu.vector_load %arg13[%get3A_897, %get3A_898] {strides = array<i32>} : memref<32x128xf32, #tpu.memory_space<vmem>>, vector<1x16xf32>,
        %get3A_900 = vector.shape_cast %get3A_899 : vector<1x16xf32> to vector<16xf32>
        %mul3A_901 = arith.mulf %get3A_896, %get3A_900 : vector<16xf32>
        %add3A_902 = arith.addf %add3A_892, %mul3A_901 : vector<16xf32>
        %get3A_903 = arith.index_cast %add3A_853 : i32 to index
        %get3A_904 = arith.constant 80 : index
        %get3A_905 = tpu.vector_load %arg11[%get3A_903, %get3A_904] {strides = array<i32>} : memref<32x128xf32, #tpu.memory_space<vmem>>, vector<1x16xf32>,
        %get3A_906 = vector.shape_cast %get3A_905 : vector<1x16xf32> to vector<16xf32>
        %get3A_907 = arith.index_cast %add3A_853 : i32 to index
        %get3A_908 = arith.constant 80 : index
        %get3A_909 = tpu.vector_load %arg13[%get3A_907, %get3A_908] {strides = array<i32>} : memref<32x128xf32, #tpu.memory_space<vmem>>, vector<1x16xf32>,
        %get3A_910 = vector.shape_cast %get3A_909 : vector<1x16xf32> to vector<16xf32>
        %mul3A_911 = arith.mulf %get3A_906, %get3A_910 : vector<16xf32>
        %add3A_912 = arith.addf %add3A_902, %mul3A_911 : vector<16xf32>
        %get3A_913 = arith.index_cast %add3A_853 : i32 to index
        %get3A_914 = arith.constant 96 : index
        %get3A_915 = tpu.vector_load %arg11[%get3A_913, %get3A_914] {strides = array<i32>} : memref<32x128xf32, #tpu.memory_space<vmem>>, vector<1x16xf32>,
        %get3A_916 = vector.shape_cast %get3A_915 : vector<1x16xf32> to vector<16xf32>
        %get3A_917 = arith.index_cast %add3A_853 : i32 to index
        %get3A_918 = arith.constant 96 : index
        %get3A_919 = tpu.vector_load %arg13[%get3A_917, %get3A_918] {strides = array<i32>} : memref<32x128xf32, #tpu.memory_space<vmem>>, vector<1x16xf32>,
        %get3A_920 = vector.shape_cast %get3A_919 : vector<1x16xf32> to vector<16xf32>
        %mul3A_921 = arith.mulf %get3A_916, %get3A_920 : vector<16xf32>
        %add3A_922 = arith.addf %add3A_912, %mul3A_921 : vector<16xf32>
        %get3A_923 = arith.index_cast %add3A_853 : i32 to index
        %get3A_924 = arith.constant 112 : index
        %get3A_925 = tpu.vector_load %arg11[%get3A_923, %get3A_924] {strides = array<i32>} : memref<32x128xf32, #tpu.memory_space<vmem>>, vector<1x16xf32>,
        %get3A_926 = vector.shape_cast %get3A_925 : vector<1x16xf32> to vector<16xf32>
        %get3A_927 = arith.index_cast %add3A_853 : i32 to index
        %get3A_928 = arith.constant 112 : index
        %get3A_929 = tpu.vector_load %arg13[%get3A_927, %get3A_928] {strides = array<i32>} : memref<32x128xf32, #tpu.memory_space<vmem>>, vector<1x16xf32>,
        %get3A_930 = vector.shape_cast %get3A_929 : vector<1x16xf32> to vector<16xf32>
        %mul3A_931 = arith.mulf %get3A_926, %get3A_930 : vector<16xf32>
        %add3A_932 = arith.addf %add3A_922, %mul3A_931 : vector<16xf32>
        %broadcast_in_dim3A_933 = vector.shape_cast %xor3A_4 : vector<16xi32> to vector<16x1xi32>
        %gather3A_934 = vector.shape_cast %broadcast_in_dim3A_933 : vector<16x1xi32> to vector<16xi32>
        %gather3A_935 = tpu.dynamic_gather %add3A_932[%gather3A_934] in [0] : vector<16xf32>, vector<16xi32> -> vector<16xf32>
        %add3A_936 = arith.addf %add3A_932, %gather3A_935 : vector<16xf32>
        %broadcast_in_dim3A_937 = vector.shape_cast %xor3A_7 : vector<16xi32> to vector<16x1xi32>
        %gather3A_938 = vector.shape_cast %broadcast_in_dim3A_937 : vector<16x1xi32> to vector<16xi32>
        %gather3A_939 = tpu.dynamic_gather %add3A_936[%gather3A_938] in [0] : vector<16xf32>, vector<16xi32> -> vector<16xf32>
        %add3A_940 = arith.addf %add3A_936, %gather3A_939 : vector<16xf32>
        %broadcast_in_dim3A_941 = vector.shape_cast %xor3A_10 : vector<16xi32> to vector<16x1xi32>
        %gather3A_942 = vector.shape_cast %broadcast_in_dim3A_941 : vector<16x1xi32> to vector<16xi32>
        %gather3A_943 = tpu.dynamic_gather %add3A_940[%gather3A_942] in [0] : vector<16xf32>, vector<16xi32> -> vector<16xf32>
        %add3A_944 = arith.addf %add3A_940, %gather3A_943 : vector<16xf32>
        %broadcast_in_dim3A_945 = vector.shape_cast %xor3A_13 : vector<16xi32> to vector<16x1xi32>
        %gather3A_946 = vector.shape_cast %broadcast_in_dim3A_945 : vector<16x1xi32> to vector<16xi32>
        %gather3A_947 = tpu.dynamic_gather %add3A_944[%gather3A_946] in [0] : vector<16xf32>, vector<16xi32> -> vector<16xf32>
        %add3A_948 = arith.addf %add3A_944, %gather3A_947 : vector<16xf32>
        %eq3A_949 = arith.constant 7 : i32
        %eq3A_950 = vector.broadcast %eq3A_949 : i32 to vector<16xi32>
        %eq3A_951 = arith.cmpi eq, %iota3A, %eq3A_950 : vector<16xi32>
        %select_n3A_952 = arith.select %eq3A_951, %add3A_948, %select_n3A_849 : vector<16xi1>, vector<16xf32>
        %mul3A_953 = arith.constant 16 : i32
        %mul3A_954 = arith.muli %scan3A_129, %mul3A_953 : i32
        %add3A_955 = arith.constant 8 : i32
        %add3A_956 = arith.addi %mul3A_954, %add3A_955 : i32
        %get3A_957 = arith.index_cast %add3A_956 : i32 to index
        %get3A_958 = arith.constant 0 : index
        %get3A_959 = tpu.vector_load %arg11[%get3A_957, %get3A_958] {strides = array<i32>} : memref<32x128xf32, #tpu.memory_space<vmem>>, vector<1x16xf32>,
        %get3A_960 = vector.shape_cast %get3A_959 : vector<1x16xf32> to vector<16xf32>
        %get3A_961 = arith.index_cast %add3A_956 : i32 to index
        %get3A_962 = arith.constant 0 : index
        %get3A_963 = tpu.vector_load %arg13[%get3A_961, %get3A_962] {strides = array<i32>} : memref<32x128xf32, #tpu.memory_space<vmem>>, vector<1x16xf32>,
        %get3A_964 = vector.shape_cast %get3A_963 : vector<1x16xf32> to vector<16xf32>
        %mul3A_965 = arith.mulf %get3A_960, %get3A_964 : vector<16xf32>
        %get3A_966 = arith.index_cast %add3A_956 : i32 to index
        %get3A_967 = arith.constant 16 : index
        %get3A_968 = tpu.vector_load %arg11[%get3A_966, %get3A_967] {strides = array<i32>} : memref<32x128xf32, #tpu.memory_space<vmem>>, vector<1x16xf32>,
        %get3A_969 = vector.shape_cast %get3A_968 : vector<1x16xf32> to vector<16xf32>
        %get3A_970 = arith.index_cast %add3A_956 : i32 to index
        %get3A_971 = arith.constant 16 : index
        %get3A_972 = tpu.vector_load %arg13[%get3A_970, %get3A_971] {strides = array<i32>} : memref<32x128xf32, #tpu.memory_space<vmem>>, vector<1x16xf32>,
        %get3A_973 = vector.shape_cast %get3A_972 : vector<1x16xf32> to vector<16xf32>
        %mul3A_974 = arith.mulf %get3A_969, %get3A_973 : vector<16xf32>
        %add3A_975 = arith.addf %mul3A_965, %mul3A_974 : vector<16xf32>
        %get3A_976 = arith.index_cast %add3A_956 : i32 to index
        %get3A_977 = arith.constant 32 : index
        %get3A_978 = tpu.vector_load %arg11[%get3A_976, %get3A_977] {strides = array<i32>} : memref<32x128xf32, #tpu.memory_space<vmem>>, vector<1x16xf32>,
        %get3A_979 = vector.shape_cast %get3A_978 : vector<1x16xf32> to vector<16xf32>
        %get3A_980 = arith.index_cast %add3A_956 : i32 to index
        %get3A_981 = arith.constant 32 : index
        %get3A_982 = tpu.vector_load %arg13[%get3A_980, %get3A_981] {strides = array<i32>} : memref<32x128xf32, #tpu.memory_space<vmem>>, vector<1x16xf32>,
        %get3A_983 = vector.shape_cast %get3A_982 : vector<1x16xf32> to vector<16xf32>
        %mul3A_984 = arith.mulf %get3A_979, %get3A_983 : vector<16xf32>
        %add3A_985 = arith.addf %add3A_975, %mul3A_984 : vector<16xf32>
        %get3A_986 = arith.index_cast %add3A_956 : i32 to index
        %get3A_987 = arith.constant 48 : index
        %get3A_988 = tpu.vector_load %arg11[%get3A_986, %get3A_987] {strides = array<i32>} : memref<32x128xf32, #tpu.memory_space<vmem>>, vector<1x16xf32>,
        %get3A_989 = vector.shape_cast %get3A_988 : vector<1x16xf32> to vector<16xf32>
        %get3A_990 = arith.index_cast %add3A_956 : i32 to index
        %get3A_991 = arith.constant 48 : index
        %get3A_992 = tpu.vector_load %arg13[%get3A_990, %get3A_991] {strides = array<i32>} : memref<32x128xf32, #tpu.memory_space<vmem>>, vector<1x16xf32>,
        %get3A_993 = vector.shape_cast %get3A_992 : vector<1x16xf32> to vector<16xf32>
        %mul3A_994 = arith.mulf %get3A_989, %get3A_993 : vector<16xf32>
        %add3A_995 = arith.addf %add3A_985, %mul3A_994 : vector<16xf32>
        %get3A_996 = arith.index_cast %add3A_956 : i32 to index
        %get3A_997 = arith.constant 64 : index
        %get3A_998 = tpu.vector_load %arg11[%get3A_996, %get3A_997] {strides = array<i32>} : memref<32x128xf32, #tpu.memory_space<vmem>>, vector<1x16xf32>,
        %get3A_999 = vector.shape_cast %get3A_998 : vector<1x16xf32> to vector<16xf32>
        %get3A_1000 = arith.index_cast %add3A_956 : i32 to index
        %get3A_1001 = arith.constant 64 : index
        %get3A_1002 = tpu.vector_load %arg13[%get3A_1000, %get3A_1001] {strides = array<i32>} : memref<32x128xf32, #tpu.memory_space<vmem>>, vector<1x16xf32>,
        %get3A_1003 = vector.shape_cast %get3A_1002 : vector<1x16xf32> to vector<16xf32>
        %mul3A_1004 = arith.mulf %get3A_999, %get3A_1003 : vector<16xf32>
        %add3A_1005 = arith.addf %add3A_995, %mul3A_1004 : vector<16xf32>
        %get3A_1006 = arith.index_cast %add3A_956 : i32 to index
        %get3A_1007 = arith.constant 80 : index
        %get3A_1008 = tpu.vector_load %arg11[%get3A_1006, %get3A_1007] {strides = array<i32>} : memref<32x128xf32, #tpu.memory_space<vmem>>, vector<1x16xf32>,
        %get3A_1009 = vector.shape_cast %get3A_1008 : vector<1x16xf32> to vector<16xf32>
        %get3A_1010 = arith.index_cast %add3A_956 : i32 to index
        %get3A_1011 = arith.constant 80 : index
        %get3A_1012 = tpu.vector_load %arg13[%get3A_1010, %get3A_1011] {strides = array<i32>} : memref<32x128xf32, #tpu.memory_space<vmem>>, vector<1x16xf32>,
        %get3A_1013 = vector.shape_cast %get3A_1012 : vector<1x16xf32> to vector<16xf32>
        %mul3A_1014 = arith.mulf %get3A_1009, %get3A_1013 : vector<16xf32>
        %add3A_1015 = arith.addf %add3A_1005, %mul3A_1014 : vector<16xf32>
        %get3A_1016 = arith.index_cast %add3A_956 : i32 to index
        %get3A_1017 = arith.constant 96 : index
        %get3A_1018 = tpu.vector_load %arg11[%get3A_1016, %get3A_1017] {strides = array<i32>} : memref<32x128xf32, #tpu.memory_space<vmem>>, vector<1x16xf32>,
        %get3A_1019 = vector.shape_cast %get3A_1018 : vector<1x16xf32> to vector<16xf32>
        %get3A_1020 = arith.index_cast %add3A_956 : i32 to index
        %get3A_1021 = arith.constant 96 : index
        %get3A_1022 = tpu.vector_load %arg13[%get3A_1020, %get3A_1021] {strides = array<i32>} : memref<32x128xf32, #tpu.memory_space<vmem>>, vector<1x16xf32>,
        %get3A_1023 = vector.shape_cast %get3A_1022 : vector<1x16xf32> to vector<16xf32>
        %mul3A_1024 = arith.mulf %get3A_1019, %get3A_1023 : vector<16xf32>
        %add3A_1025 = arith.addf %add3A_1015, %mul3A_1024 : vector<16xf32>
        %get3A_1026 = arith.index_cast %add3A_956 : i32 to index
        %get3A_1027 = arith.constant 112 : index
        %get3A_1028 = tpu.vector_load %arg11[%get3A_1026, %get3A_1027] {strides = array<i32>} : memref<32x128xf32, #tpu.memory_space<vmem>>, vector<1x16xf32>,
        %get3A_1029 = vector.shape_cast %get3A_1028 : vector<1x16xf32> to vector<16xf32>
        %get3A_1030 = arith.index_cast %add3A_956 : i32 to index
        %get3A_1031 = arith.constant 112 : index
        %get3A_1032 = tpu.vector_load %arg13[%get3A_1030, %get3A_1031] {strides = array<i32>} : memref<32x128xf32, #tpu.memory_space<vmem>>, vector<1x16xf32>,
        %get3A_1033 = vector.shape_cast %get3A_1032 : vector<1x16xf32> to vector<16xf32>
        %mul3A_1034 = arith.mulf %get3A_1029, %get3A_1033 : vector<16xf32>
        %add3A_1035 = arith.addf %add3A_1025, %mul3A_1034 : vector<16xf32>
        %broadcast_in_dim3A_1036 = vector.shape_cast %xor3A_4 : vector<16xi32> to vector<16x1xi32>
        %gather3A_1037 = vector.shape_cast %broadcast_in_dim3A_1036 : vector<16x1xi32> to vector<16xi32>
        %gather3A_1038 = tpu.dynamic_gather %add3A_1035[%gather3A_1037] in [0] : vector<16xf32>, vector<16xi32> -> vector<16xf32>
        %add3A_1039 = arith.addf %add3A_1035, %gather3A_1038 : vector<16xf32>
        %broadcast_in_dim3A_1040 = vector.shape_cast %xor3A_7 : vector<16xi32> to vector<16x1xi32>
        %gather3A_1041 = vector.shape_cast %broadcast_in_dim3A_1040 : vector<16x1xi32> to vector<16xi32>
        %gather3A_1042 = tpu.dynamic_gather %add3A_1039[%gather3A_1041] in [0] : vector<16xf32>, vector<16xi32> -> vector<16xf32>
        %add3A_1043 = arith.addf %add3A_1039, %gather3A_1042 : vector<16xf32>
        %broadcast_in_dim3A_1044 = vector.shape_cast %xor3A_10 : vector<16xi32> to vector<16x1xi32>
        %gather3A_1045 = vector.shape_cast %broadcast_in_dim3A_1044 : vector<16x1xi32> to vector<16xi32>
        %gather3A_1046 = tpu.dynamic_gather %add3A_1043[%gather3A_1045] in [0] : vector<16xf32>, vector<16xi32> -> vector<16xf32>
        %add3A_1047 = arith.addf %add3A_1043, %gather3A_1046 : vector<16xf32>
        %broadcast_in_dim3A_1048 = vector.shape_cast %xor3A_13 : vector<16xi32> to vector<16x1xi32>
        %gather3A_1049 = vector.shape_cast %broadcast_in_dim3A_1048 : vector<16x1xi32> to vector<16xi32>
        %gather3A_1050 = tpu.dynamic_gather %add3A_1047[%gather3A_1049] in [0] : vector<16xf32>, vector<16xi32> -> vector<16xf32>
        %add3A_1051 = arith.addf %add3A_1047, %gather3A_1050 : vector<16xf32>
        %eq3A_1052 = arith.constant 8 : i32
        %eq3A_1053 = vector.broadcast %eq3A_1052 : i32 to vector<16xi32>
        %eq3A_1054 = arith.cmpi eq, %iota3A, %eq3A_1053 : vector<16xi32>
        %select_n3A_1055 = arith.select %eq3A_1054, %add3A_1051, %select_n3A_952 : vector<16xi1>, vector<16xf32>
        %mul3A_1056 = arith.constant 16 : i32
        %mul3A_1057 = arith.muli %scan3A_129, %mul3A_1056 : i32
        %add3A_1058 = arith.constant 9 : i32
        %add3A_1059 = arith.addi %mul3A_1057, %add3A_1058 : i32
        %get3A_1060 = arith.index_cast %add3A_1059 : i32 to index
        %get3A_1061 = arith.constant 0 : index
        %get3A_1062 = tpu.vector_load %arg11[%get3A_1060, %get3A_1061] {strides = array<i32>} : memref<32x128xf32, #tpu.memory_space<vmem>>, vector<1x16xf32>,
        %get3A_1063 = vector.shape_cast %get3A_1062 : vector<1x16xf32> to vector<16xf32>
        %get3A_1064 = arith.index_cast %add3A_1059 : i32 to index
        %get3A_1065 = arith.constant 0 : index
        %get3A_1066 = tpu.vector_load %arg13[%get3A_1064, %get3A_1065] {strides = array<i32>} : memref<32x128xf32, #tpu.memory_space<vmem>>, vector<1x16xf32>,
        %get3A_1067 = vector.shape_cast %get3A_1066 : vector<1x16xf32> to vector<16xf32>
        %mul3A_1068 = arith.mulf %get3A_1063, %get3A_1067 : vector<16xf32>
        %get3A_1069 = arith.index_cast %add3A_1059 : i32 to index
        %get3A_1070 = arith.constant 16 : index
        %get3A_1071 = tpu.vector_load %arg11[%get3A_1069, %get3A_1070] {strides = array<i32>} : memref<32x128xf32, #tpu.memory_space<vmem>>, vector<1x16xf32>,
        %get3A_1072 = vector.shape_cast %get3A_1071 : vector<1x16xf32> to vector<16xf32>
        %get3A_1073 = arith.index_cast %add3A_1059 : i32 to index
        %get3A_1074 = arith.constant 16 : index
        %get3A_1075 = tpu.vector_load %arg13[%get3A_1073, %get3A_1074] {strides = array<i32>} : memref<32x128xf32, #tpu.memory_space<vmem>>, vector<1x16xf32>,
        %get3A_1076 = vector.shape_cast %get3A_1075 : vector<1x16xf32> to vector<16xf32>
        %mul3A_1077 = arith.mulf %get3A_1072, %get3A_1076 : vector<16xf32>
        %add3A_1078 = arith.addf %mul3A_1068, %mul3A_1077 : vector<16xf32>
        %get3A_1079 = arith.index_cast %add3A_1059 : i32 to index
        %get3A_1080 = arith.constant 32 : index
        %get3A_1081 = tpu.vector_load %arg11[%get3A_1079, %get3A_1080] {strides = array<i32>} : memref<32x128xf32, #tpu.memory_space<vmem>>, vector<1x16xf32>,
        %get3A_1082 = vector.shape_cast %get3A_1081 : vector<1x16xf32> to vector<16xf32>
        %get3A_1083 = arith.index_cast %add3A_1059 : i32 to index
        %get3A_1084 = arith.constant 32 : index
        %get3A_1085 = tpu.vector_load %arg13[%get3A_1083, %get3A_1084] {strides = array<i32>} : memref<32x128xf32, #tpu.memory_space<vmem>>, vector<1x16xf32>,
        %get3A_1086 = vector.shape_cast %get3A_1085 : vector<1x16xf32> to vector<16xf32>
        %mul3A_1087 = arith.mulf %get3A_1082, %get3A_1086 : vector<16xf32>
        %add3A_1088 = arith.addf %add3A_1078, %mul3A_1087 : vector<16xf32>
        %get3A_1089 = arith.index_cast %add3A_1059 : i32 to index
        %get3A_1090 = arith.constant 48 : index
        %get3A_1091 = tpu.vector_load %arg11[%get3A_1089, %get3A_1090] {strides = array<i32>} : memref<32x128xf32, #tpu.memory_space<vmem>>, vector<1x16xf32>,
        %get3A_1092 = vector.shape_cast %get3A_1091 : vector<1x16xf32> to vector<16xf32>
        %get3A_1093 = arith.index_cast %add3A_1059 : i32 to index
        %get3A_1094 = arith.constant 48 : index
        %get3A_1095 = tpu.vector_load %arg13[%get3A_1093, %get3A_1094] {strides = array<i32>} : memref<32x128xf32, #tpu.memory_space<vmem>>, vector<1x16xf32>,
        %get3A_1096 = vector.shape_cast %get3A_1095 : vector<1x16xf32> to vector<16xf32>
        %mul3A_1097 = arith.mulf %get3A_1092, %get3A_1096 : vector<16xf32>
        %add3A_1098 = arith.addf %add3A_1088, %mul3A_1097 : vector<16xf32>
        %get3A_1099 = arith.index_cast %add3A_1059 : i32 to index
        %get3A_1100 = arith.constant 64 : index
        %get3A_1101 = tpu.vector_load %arg11[%get3A_1099, %get3A_1100] {strides = array<i32>} : memref<32x128xf32, #tpu.memory_space<vmem>>, vector<1x16xf32>,
        %get3A_1102 = vector.shape_cast %get3A_1101 : vector<1x16xf32> to vector<16xf32>
        %get3A_1103 = arith.index_cast %add3A_1059 : i32 to index
        %get3A_1104 = arith.constant 64 : index
        %get3A_1105 = tpu.vector_load %arg13[%get3A_1103, %get3A_1104] {strides = array<i32>} : memref<32x128xf32, #tpu.memory_space<vmem>>, vector<1x16xf32>,
        %get3A_1106 = vector.shape_cast %get3A_1105 : vector<1x16xf32> to vector<16xf32>
        %mul3A_1107 = arith.mulf %get3A_1102, %get3A_1106 : vector<16xf32>
        %add3A_1108 = arith.addf %add3A_1098, %mul3A_1107 : vector<16xf32>
        %get3A_1109 = arith.index_cast %add3A_1059 : i32 to index
        %get3A_1110 = arith.constant 80 : index
        %get3A_1111 = tpu.vector_load %arg11[%get3A_1109, %get3A_1110] {strides = array<i32>} : memref<32x128xf32, #tpu.memory_space<vmem>>, vector<1x16xf32>,
        %get3A_1112 = vector.shape_cast %get3A_1111 : vector<1x16xf32> to vector<16xf32>
        %get3A_1113 = arith.index_cast %add3A_1059 : i32 to index
        %get3A_1114 = arith.constant 80 : index
        %get3A_1115 = tpu.vector_load %arg13[%get3A_1113, %get3A_1114] {strides = array<i32>} : memref<32x128xf32, #tpu.memory_space<vmem>>, vector<1x16xf32>,
        %get3A_1116 = vector.shape_cast %get3A_1115 : vector<1x16xf32> to vector<16xf32>
        %mul3A_1117 = arith.mulf %get3A_1112, %get3A_1116 : vector<16xf32>
        %add3A_1118 = arith.addf %add3A_1108, %mul3A_1117 : vector<16xf32>
        %get3A_1119 = arith.index_cast %add3A_1059 : i32 to index
        %get3A_1120 = arith.constant 96 : index
        %get3A_1121 = tpu.vector_load %arg11[%get3A_1119, %get3A_1120] {strides = array<i32>} : memref<32x128xf32, #tpu.memory_space<vmem>>, vector<1x16xf32>,
        %get3A_1122 = vector.shape_cast %get3A_1121 : vector<1x16xf32> to vector<16xf32>
        %get3A_1123 = arith.index_cast %add3A_1059 : i32 to index
        %get3A_1124 = arith.constant 96 : index
        %get3A_1125 = tpu.vector_load %arg13[%get3A_1123, %get3A_1124] {strides = array<i32>} : memref<32x128xf32, #tpu.memory_space<vmem>>, vector<1x16xf32>,
        %get3A_1126 = vector.shape_cast %get3A_1125 : vector<1x16xf32> to vector<16xf32>
        %mul3A_1127 = arith.mulf %get3A_1122, %get3A_1126 : vector<16xf32>
        %add3A_1128 = arith.addf %add3A_1118, %mul3A_1127 : vector<16xf32>
        %get3A_1129 = arith.index_cast %add3A_1059 : i32 to index
        %get3A_1130 = arith.constant 112 : index
        %get3A_1131 = tpu.vector_load %arg11[%get3A_1129, %get3A_1130] {strides = array<i32>} : memref<32x128xf32, #tpu.memory_space<vmem>>, vector<1x16xf32>,
        %get3A_1132 = vector.shape_cast %get3A_1131 : vector<1x16xf32> to vector<16xf32>
        %get3A_1133 = arith.index_cast %add3A_1059 : i32 to index
        %get3A_1134 = arith.constant 112 : index
        %get3A_1135 = tpu.vector_load %arg13[%get3A_1133, %get3A_1134] {strides = array<i32>} : memref<32x128xf32, #tpu.memory_space<vmem>>, vector<1x16xf32>,
        %get3A_1136 = vector.shape_cast %get3A_1135 : vector<1x16xf32> to vector<16xf32>
        %mul3A_1137 = arith.mulf %get3A_1132, %get3A_1136 : vector<16xf32>
        %add3A_1138 = arith.addf %add3A_1128, %mul3A_1137 : vector<16xf32>
        %broadcast_in_dim3A_1139 = vector.shape_cast %xor3A_4 : vector<16xi32> to vector<16x1xi32>
        %gather3A_1140 = vector.shape_cast %broadcast_in_dim3A_1139 : vector<16x1xi32> to vector<16xi32>
        %gather3A_1141 = tpu.dynamic_gather %add3A_1138[%gather3A_1140] in [0] : vector<16xf32>, vector<16xi32> -> vector<16xf32>
        %add3A_1142 = arith.addf %add3A_1138, %gather3A_1141 : vector<16xf32>
        %broadcast_in_dim3A_1143 = vector.shape_cast %xor3A_7 : vector<16xi32> to vector<16x1xi32>
        %gather3A_1144 = vector.shape_cast %broadcast_in_dim3A_1143 : vector<16x1xi32> to vector<16xi32>
        %gather3A_1145 = tpu.dynamic_gather %add3A_1142[%gather3A_1144] in [0] : vector<16xf32>, vector<16xi32> -> vector<16xf32>
        %add3A_1146 = arith.addf %add3A_1142, %gather3A_1145 : vector<16xf32>
        %broadcast_in_dim3A_1147 = vector.shape_cast %xor3A_10 : vector<16xi32> to vector<16x1xi32>
        %gather3A_1148 = vector.shape_cast %broadcast_in_dim3A_1147 : vector<16x1xi32> to vector<16xi32>
        %gather3A_1149 = tpu.dynamic_gather %add3A_1146[%gather3A_1148] in [0] : vector<16xf32>, vector<16xi32> -> vector<16xf32>
        %add3A_1150 = arith.addf %add3A_1146, %gather3A_1149 : vector<16xf32>
        %broadcast_in_dim3A_1151 = vector.shape_cast %xor3A_13 : vector<16xi32> to vector<16x1xi32>
        %gather3A_1152 = vector.shape_cast %broadcast_in_dim3A_1151 : vector<16x1xi32> to vector<16xi32>
        %gather3A_1153 = tpu.dynamic_gather %add3A_1150[%gather3A_1152] in [0] : vector<16xf32>, vector<16xi32> -> vector<16xf32>
        %add3A_1154 = arith.addf %add3A_1150, %gather3A_1153 : vector<16xf32>
        %eq3A_1155 = arith.constant 9 : i32
        %eq3A_1156 = vector.broadcast %eq3A_1155 : i32 to vector<16xi32>
        %eq3A_1157 = arith.cmpi eq, %iota3A, %eq3A_1156 : vector<16xi32>
        %select_n3A_1158 = arith.select %eq3A_1157, %add3A_1154, %select_n3A_1055 : vector<16xi1>, vector<16xf32>
        %mul3A_1159 = arith.constant 16 : i32
        %mul3A_1160 = arith.muli %scan3A_129, %mul3A_1159 : i32
        %add3A_1161 = arith.constant 10 : i32
        %add3A_1162 = arith.addi %mul3A_1160, %add3A_1161 : i32
        %get3A_1163 = arith.index_cast %add3A_1162 : i32 to index
        %get3A_1164 = arith.constant 0 : index
        %get3A_1165 = tpu.vector_load %arg11[%get3A_1163, %get3A_1164] {strides = array<i32>} : memref<32x128xf32, #tpu.memory_space<vmem>>, vector<1x16xf32>,
        %get3A_1166 = vector.shape_cast %get3A_1165 : vector<1x16xf32> to vector<16xf32>
        %get3A_1167 = arith.index_cast %add3A_1162 : i32 to index
        %get3A_1168 = arith.constant 0 : index
        %get3A_1169 = tpu.vector_load %arg13[%get3A_1167, %get3A_1168] {strides = array<i32>} : memref<32x128xf32, #tpu.memory_space<vmem>>, vector<1x16xf32>,
        %get3A_1170 = vector.shape_cast %get3A_1169 : vector<1x16xf32> to vector<16xf32>
        %mul3A_1171 = arith.mulf %get3A_1166, %get3A_1170 : vector<16xf32>
        %get3A_1172 = arith.index_cast %add3A_1162 : i32 to index
        %get3A_1173 = arith.constant 16 : index
        %get3A_1174 = tpu.vector_load %arg11[%get3A_1172, %get3A_1173] {strides = array<i32>} : memref<32x128xf32, #tpu.memory_space<vmem>>, vector<1x16xf32>,
        %get3A_1175 = vector.shape_cast %get3A_1174 : vector<1x16xf32> to vector<16xf32>
        %get3A_1176 = arith.index_cast %add3A_1162 : i32 to index
        %get3A_1177 = arith.constant 16 : index
        %get3A_1178 = tpu.vector_load %arg13[%get3A_1176, %get3A_1177] {strides = array<i32>} : memref<32x128xf32, #tpu.memory_space<vmem>>, vector<1x16xf32>,
        %get3A_1179 = vector.shape_cast %get3A_1178 : vector<1x16xf32> to vector<16xf32>
        %mul3A_1180 = arith.mulf %get3A_1175, %get3A_1179 : vector<16xf32>
        %add3A_1181 = arith.addf %mul3A_1171, %mul3A_1180 : vector<16xf32>
        %get3A_1182 = arith.index_cast %add3A_1162 : i32 to index
        %get3A_1183 = arith.constant 32 : index
        %get3A_1184 = tpu.vector_load %arg11[%get3A_1182, %get3A_1183] {strides = array<i32>} : memref<32x128xf32, #tpu.memory_space<vmem>>, vector<1x16xf32>,
        %get3A_1185 = vector.shape_cast %get3A_1184 : vector<1x16xf32> to vector<16xf32>
        %get3A_1186 = arith.index_cast %add3A_1162 : i32 to index
        %get3A_1187 = arith.constant 32 : index
        %get3A_1188 = tpu.vector_load %arg13[%get3A_1186, %get3A_1187] {strides = array<i32>} : memref<32x128xf32, #tpu.memory_space<vmem>>, vector<1x16xf32>,
        %get3A_1189 = vector.shape_cast %get3A_1188 : vector<1x16xf32> to vector<16xf32>
        %mul3A_1190 = arith.mulf %get3A_1185, %get3A_1189 : vector<16xf32>
        %add3A_1191 = arith.addf %add3A_1181, %mul3A_1190 : vector<16xf32>
        %get3A_1192 = arith.index_cast %add3A_1162 : i32 to index
        %get3A_1193 = arith.constant 48 : index
        %get3A_1194 = tpu.vector_load %arg11[%get3A_1192, %get3A_1193] {strides = array<i32>} : memref<32x128xf32, #tpu.memory_space<vmem>>, vector<1x16xf32>,
        %get3A_1195 = vector.shape_cast %get3A_1194 : vector<1x16xf32> to vector<16xf32>
        %get3A_1196 = arith.index_cast %add3A_1162 : i32 to index
        %get3A_1197 = arith.constant 48 : index
        %get3A_1198 = tpu.vector_load %arg13[%get3A_1196, %get3A_1197] {strides = array<i32>} : memref<32x128xf32, #tpu.memory_space<vmem>>, vector<1x16xf32>,
        %get3A_1199 = vector.shape_cast %get3A_1198 : vector<1x16xf32> to vector<16xf32>
        %mul3A_1200 = arith.mulf %get3A_1195, %get3A_1199 : vector<16xf32>
        %add3A_1201 = arith.addf %add3A_1191, %mul3A_1200 : vector<16xf32>
        %get3A_1202 = arith.index_cast %add3A_1162 : i32 to index
        %get3A_1203 = arith.constant 64 : index
        %get3A_1204 = tpu.vector_load %arg11[%get3A_1202, %get3A_1203] {strides = array<i32>} : memref<32x128xf32, #tpu.memory_space<vmem>>, vector<1x16xf32>,
        %get3A_1205 = vector.shape_cast %get3A_1204 : vector<1x16xf32> to vector<16xf32>
        %get3A_1206 = arith.index_cast %add3A_1162 : i32 to index
        %get3A_1207 = arith.constant 64 : index
        %get3A_1208 = tpu.vector_load %arg13[%get3A_1206, %get3A_1207] {strides = array<i32>} : memref<32x128xf32, #tpu.memory_space<vmem>>, vector<1x16xf32>,
        %get3A_1209 = vector.shape_cast %get3A_1208 : vector<1x16xf32> to vector<16xf32>
        %mul3A_1210 = arith.mulf %get3A_1205, %get3A_1209 : vector<16xf32>
        %add3A_1211 = arith.addf %add3A_1201, %mul3A_1210 : vector<16xf32>
        %get3A_1212 = arith.index_cast %add3A_1162 : i32 to index
        %get3A_1213 = arith.constant 80 : index
        %get3A_1214 = tpu.vector_load %arg11[%get3A_1212, %get3A_1213] {strides = array<i32>} : memref<32x128xf32, #tpu.memory_space<vmem>>, vector<1x16xf32>,
        %get3A_1215 = vector.shape_cast %get3A_1214 : vector<1x16xf32> to vector<16xf32>
        %get3A_1216 = arith.index_cast %add3A_1162 : i32 to index
        %get3A_1217 = arith.constant 80 : index
        %get3A_1218 = tpu.vector_load %arg13[%get3A_1216, %get3A_1217] {strides = array<i32>} : memref<32x128xf32, #tpu.memory_space<vmem>>, vector<1x16xf32>,
        %get3A_1219 = vector.shape_cast %get3A_1218 : vector<1x16xf32> to vector<16xf32>
        %mul3A_1220 = arith.mulf %get3A_1215, %get3A_1219 : vector<16xf32>
        %add3A_1221 = arith.addf %add3A_1211, %mul3A_1220 : vector<16xf32>
        %get3A_1222 = arith.index_cast %add3A_1162 : i32 to index
        %get3A_1223 = arith.constant 96 : index
        %get3A_1224 = tpu.vector_load %arg11[%get3A_1222, %get3A_1223] {strides = array<i32>} : memref<32x128xf32, #tpu.memory_space<vmem>>, vector<1x16xf32>,
        %get3A_1225 = vector.shape_cast %get3A_1224 : vector<1x16xf32> to vector<16xf32>
        %get3A_1226 = arith.index_cast %add3A_1162 : i32 to index
        %get3A_1227 = arith.constant 96 : index
        %get3A_1228 = tpu.vector_load %arg13[%get3A_1226, %get3A_1227] {strides = array<i32>} : memref<32x128xf32, #tpu.memory_space<vmem>>, vector<1x16xf32>,
        %get3A_1229 = vector.shape_cast %get3A_1228 : vector<1x16xf32> to vector<16xf32>
        %mul3A_1230 = arith.mulf %get3A_1225, %get3A_1229 : vector<16xf32>
        %add3A_1231 = arith.addf %add3A_1221, %mul3A_1230 : vector<16xf32>
        %get3A_1232 = arith.index_cast %add3A_1162 : i32 to index
        %get3A_1233 = arith.constant 112 : index
        %get3A_1234 = tpu.vector_load %arg11[%get3A_1232, %get3A_1233] {strides = array<i32>} : memref<32x128xf32, #tpu.memory_space<vmem>>, vector<1x16xf32>,
        %get3A_1235 = vector.shape_cast %get3A_1234 : vector<1x16xf32> to vector<16xf32>
        %get3A_1236 = arith.index_cast %add3A_1162 : i32 to index
        %get3A_1237 = arith.constant 112 : index
        %get3A_1238 = tpu.vector_load %arg13[%get3A_1236, %get3A_1237] {strides = array<i32>} : memref<32x128xf32, #tpu.memory_space<vmem>>, vector<1x16xf32>,
        %get3A_1239 = vector.shape_cast %get3A_1238 : vector<1x16xf32> to vector<16xf32>
        %mul3A_1240 = arith.mulf %get3A_1235, %get3A_1239 : vector<16xf32>
        %add3A_1241 = arith.addf %add3A_1231, %mul3A_1240 : vector<16xf32>
        %broadcast_in_dim3A_1242 = vector.shape_cast %xor3A_4 : vector<16xi32> to vector<16x1xi32>
        %gather3A_1243 = vector.shape_cast %broadcast_in_dim3A_1242 : vector<16x1xi32> to vector<16xi32>
        %gather3A_1244 = tpu.dynamic_gather %add3A_1241[%gather3A_1243] in [0] : vector<16xf32>, vector<16xi32> -> vector<16xf32>
        %add3A_1245 = arith.addf %add3A_1241, %gather3A_1244 : vector<16xf32>
        %broadcast_in_dim3A_1246 = vector.shape_cast %xor3A_7 : vector<16xi32> to vector<16x1xi32>
        %gather3A_1247 = vector.shape_cast %broadcast_in_dim3A_1246 : vector<16x1xi32> to vector<16xi32>
        %gather3A_1248 = tpu.dynamic_gather %add3A_1245[%gather3A_1247] in [0] : vector<16xf32>, vector<16xi32> -> vector<16xf32>
        %add3A_1249 = arith.addf %add3A_1245, %gather3A_1248 : vector<16xf32>
        %broadcast_in_dim3A_1250 = vector.shape_cast %xor3A_10 : vector<16xi32> to vector<16x1xi32>
        %gather3A_1251 = vector.shape_cast %broadcast_in_dim3A_1250 : vector<16x1xi32> to vector<16xi32>
        %gather3A_1252 = tpu.dynamic_gather %add3A_1249[%gather3A_1251] in [0] : vector<16xf32>, vector<16xi32> -> vector<16xf32>
        %add3A_1253 = arith.addf %add3A_1249, %gather3A_1252 : vector<16xf32>
        %broadcast_in_dim3A_1254 = vector.shape_cast %xor3A_13 : vector<16xi32> to vector<16x1xi32>
        %gather3A_1255 = vector.shape_cast %broadcast_in_dim3A_1254 : vector<16x1xi32> to vector<16xi32>
        %gather3A_1256 = tpu.dynamic_gather %add3A_1253[%gather3A_1255] in [0] : vector<16xf32>, vector<16xi32> -> vector<16xf32>
        %add3A_1257 = arith.addf %add3A_1253, %gather3A_1256 : vector<16xf32>
        %eq3A_1258 = arith.constant 10 : i32
        %eq3A_1259 = vector.broadcast %eq3A_1258 : i32 to vector<16xi32>
        %eq3A_1260 = arith.cmpi eq, %iota3A, %eq3A_1259 : vector<16xi32>
        %select_n3A_1261 = arith.select %eq3A_1260, %add3A_1257, %select_n3A_1158 : vector<16xi1>, vector<16xf32>
        %mul3A_1262 = arith.constant 16 : i32
        %mul3A_1263 = arith.muli %scan3A_129, %mul3A_1262 : i32
        %add3A_1264 = arith.constant 11 : i32
        %add3A_1265 = arith.addi %mul3A_1263, %add3A_1264 : i32
        %get3A_1266 = arith.index_cast %add3A_1265 : i32 to index
        %get3A_1267 = arith.constant 0 : index
        %get3A_1268 = tpu.vector_load %arg11[%get3A_1266, %get3A_1267] {strides = array<i32>} : memref<32x128xf32, #tpu.memory_space<vmem>>, vector<1x16xf32>,
        %get3A_1269 = vector.shape_cast %get3A_1268 : vector<1x16xf32> to vector<16xf32>
        %get3A_1270 = arith.index_cast %add3A_1265 : i32 to index
        %get3A_1271 = arith.constant 0 : index
        %get3A_1272 = tpu.vector_load %arg13[%get3A_1270, %get3A_1271] {strides = array<i32>} : memref<32x128xf32, #tpu.memory_space<vmem>>, vector<1x16xf32>,
        %get3A_1273 = vector.shape_cast %get3A_1272 : vector<1x16xf32> to vector<16xf32>
        %mul3A_1274 = arith.mulf %get3A_1269, %get3A_1273 : vector<16xf32>
        %get3A_1275 = arith.index_cast %add3A_1265 : i32 to index
        %get3A_1276 = arith.constant 16 : index
        %get3A_1277 = tpu.vector_load %arg11[%get3A_1275, %get3A_1276] {strides = array<i32>} : memref<32x128xf32, #tpu.memory_space<vmem>>, vector<1x16xf32>,
        %get3A_1278 = vector.shape_cast %get3A_1277 : vector<1x16xf32> to vector<16xf32>
        %get3A_1279 = arith.index_cast %add3A_1265 : i32 to index
        %get3A_1280 = arith.constant 16 : index
        %get3A_1281 = tpu.vector_load %arg13[%get3A_1279, %get3A_1280] {strides = array<i32>} : memref<32x128xf32, #tpu.memory_space<vmem>>, vector<1x16xf32>,
        %get3A_1282 = vector.shape_cast %get3A_1281 : vector<1x16xf32> to vector<16xf32>
        %mul3A_1283 = arith.mulf %get3A_1278, %get3A_1282 : vector<16xf32>
        %add3A_1284 = arith.addf %mul3A_1274, %mul3A_1283 : vector<16xf32>
        %get3A_1285 = arith.index_cast %add3A_1265 : i32 to index
        %get3A_1286 = arith.constant 32 : index
        %get3A_1287 = tpu.vector_load %arg11[%get3A_1285, %get3A_1286] {strides = array<i32>} : memref<32x128xf32, #tpu.memory_space<vmem>>, vector<1x16xf32>,
        %get3A_1288 = vector.shape_cast %get3A_1287 : vector<1x16xf32> to vector<16xf32>
        %get3A_1289 = arith.index_cast %add3A_1265 : i32 to index
        %get3A_1290 = arith.constant 32 : index
        %get3A_1291 = tpu.vector_load %arg13[%get3A_1289, %get3A_1290] {strides = array<i32>} : memref<32x128xf32, #tpu.memory_space<vmem>>, vector<1x16xf32>,
        %get3A_1292 = vector.shape_cast %get3A_1291 : vector<1x16xf32> to vector<16xf32>
        %mul3A_1293 = arith.mulf %get3A_1288, %get3A_1292 : vector<16xf32>
        %add3A_1294 = arith.addf %add3A_1284, %mul3A_1293 : vector<16xf32>
        %get3A_1295 = arith.index_cast %add3A_1265 : i32 to index
        %get3A_1296 = arith.constant 48 : index
        %get3A_1297 = tpu.vector_load %arg11[%get3A_1295, %get3A_1296] {strides = array<i32>} : memref<32x128xf32, #tpu.memory_space<vmem>>, vector<1x16xf32>,
        %get3A_1298 = vector.shape_cast %get3A_1297 : vector<1x16xf32> to vector<16xf32>
        %get3A_1299 = arith.index_cast %add3A_1265 : i32 to index
        %get3A_1300 = arith.constant 48 : index
        %get3A_1301 = tpu.vector_load %arg13[%get3A_1299, %get3A_1300] {strides = array<i32>} : memref<32x128xf32, #tpu.memory_space<vmem>>, vector<1x16xf32>,
        %get3A_1302 = vector.shape_cast %get3A_1301 : vector<1x16xf32> to vector<16xf32>
        %mul3A_1303 = arith.mulf %get3A_1298, %get3A_1302 : vector<16xf32>
        %add3A_1304 = arith.addf %add3A_1294, %mul3A_1303 : vector<16xf32>
        %get3A_1305 = arith.index_cast %add3A_1265 : i32 to index
        %get3A_1306 = arith.constant 64 : index
        %get3A_1307 = tpu.vector_load %arg11[%get3A_1305, %get3A_1306] {strides = array<i32>} : memref<32x128xf32, #tpu.memory_space<vmem>>, vector<1x16xf32>,
        %get3A_1308 = vector.shape_cast %get3A_1307 : vector<1x16xf32> to vector<16xf32>
        %get3A_1309 = arith.index_cast %add3A_1265 : i32 to index
        %get3A_1310 = arith.constant 64 : index
        %get3A_1311 = tpu.vector_load %arg13[%get3A_1309, %get3A_1310] {strides = array<i32>} : memref<32x128xf32, #tpu.memory_space<vmem>>, vector<1x16xf32>,
        %get3A_1312 = vector.shape_cast %get3A_1311 : vector<1x16xf32> to vector<16xf32>
        %mul3A_1313 = arith.mulf %get3A_1308, %get3A_1312 : vector<16xf32>
        %add3A_1314 = arith.addf %add3A_1304, %mul3A_1313 : vector<16xf32>
        %get3A_1315 = arith.index_cast %add3A_1265 : i32 to index
        %get3A_1316 = arith.constant 80 : index
        %get3A_1317 = tpu.vector_load %arg11[%get3A_1315, %get3A_1316] {strides = array<i32>} : memref<32x128xf32, #tpu.memory_space<vmem>>, vector<1x16xf32>,
        %get3A_1318 = vector.shape_cast %get3A_1317 : vector<1x16xf32> to vector<16xf32>
        %get3A_1319 = arith.index_cast %add3A_1265 : i32 to index
        %get3A_1320 = arith.constant 80 : index
        %get3A_1321 = tpu.vector_load %arg13[%get3A_1319, %get3A_1320] {strides = array<i32>} : memref<32x128xf32, #tpu.memory_space<vmem>>, vector<1x16xf32>,
        %get3A_1322 = vector.shape_cast %get3A_1321 : vector<1x16xf32> to vector<16xf32>
        %mul3A_1323 = arith.mulf %get3A_1318, %get3A_1322 : vector<16xf32>
        %add3A_1324 = arith.addf %add3A_1314, %mul3A_1323 : vector<16xf32>
        %get3A_1325 = arith.index_cast %add3A_1265 : i32 to index
        %get3A_1326 = arith.constant 96 : index
        %get3A_1327 = tpu.vector_load %arg11[%get3A_1325, %get3A_1326] {strides = array<i32>} : memref<32x128xf32, #tpu.memory_space<vmem>>, vector<1x16xf32>,
        %get3A_1328 = vector.shape_cast %get3A_1327 : vector<1x16xf32> to vector<16xf32>
        %get3A_1329 = arith.index_cast %add3A_1265 : i32 to index
        %get3A_1330 = arith.constant 96 : index
        %get3A_1331 = tpu.vector_load %arg13[%get3A_1329, %get3A_1330] {strides = array<i32>} : memref<32x128xf32, #tpu.memory_space<vmem>>, vector<1x16xf32>,
        %get3A_1332 = vector.shape_cast %get3A_1331 : vector<1x16xf32> to vector<16xf32>
        %mul3A_1333 = arith.mulf %get3A_1328, %get3A_1332 : vector<16xf32>
        %add3A_1334 = arith.addf %add3A_1324, %mul3A_1333 : vector<16xf32>
        %get3A_1335 = arith.index_cast %add3A_1265 : i32 to index
        %get3A_1336 = arith.constant 112 : index
        %get3A_1337 = tpu.vector_load %arg11[%get3A_1335, %get3A_1336] {strides = array<i32>} : memref<32x128xf32, #tpu.memory_space<vmem>>, vector<1x16xf32>,
        %get3A_1338 = vector.shape_cast %get3A_1337 : vector<1x16xf32> to vector<16xf32>
        %get3A_1339 = arith.index_cast %add3A_1265 : i32 to index
        %get3A_1340 = arith.constant 112 : index
        %get3A_1341 = tpu.vector_load %arg13[%get3A_1339, %get3A_1340] {strides = array<i32>} : memref<32x128xf32, #tpu.memory_space<vmem>>, vector<1x16xf32>,
        %get3A_1342 = vector.shape_cast %get3A_1341 : vector<1x16xf32> to vector<16xf32>
        %mul3A_1343 = arith.mulf %get3A_1338, %get3A_1342 : vector<16xf32>
        %add3A_1344 = arith.addf %add3A_1334, %mul3A_1343 : vector<16xf32>
        %broadcast_in_dim3A_1345 = vector.shape_cast %xor3A_4 : vector<16xi32> to vector<16x1xi32>
        %gather3A_1346 = vector.shape_cast %broadcast_in_dim3A_1345 : vector<16x1xi32> to vector<16xi32>
        %gather3A_1347 = tpu.dynamic_gather %add3A_1344[%gather3A_1346] in [0] : vector<16xf32>, vector<16xi32> -> vector<16xf32>
        %add3A_1348 = arith.addf %add3A_1344, %gather3A_1347 : vector<16xf32>
        %broadcast_in_dim3A_1349 = vector.shape_cast %xor3A_7 : vector<16xi32> to vector<16x1xi32>
        %gather3A_1350 = vector.shape_cast %broadcast_in_dim3A_1349 : vector<16x1xi32> to vector<16xi32>
        %gather3A_1351 = tpu.dynamic_gather %add3A_1348[%gather3A_1350] in [0] : vector<16xf32>, vector<16xi32> -> vector<16xf32>
        %add3A_1352 = arith.addf %add3A_1348, %gather3A_1351 : vector<16xf32>
        %broadcast_in_dim3A_1353 = vector.shape_cast %xor3A_10 : vector<16xi32> to vector<16x1xi32>
        %gather3A_1354 = vector.shape_cast %broadcast_in_dim3A_1353 : vector<16x1xi32> to vector<16xi32>
        %gather3A_1355 = tpu.dynamic_gather %add3A_1352[%gather3A_1354] in [0] : vector<16xf32>, vector<16xi32> -> vector<16xf32>
        %add3A_1356 = arith.addf %add3A_1352, %gather3A_1355 : vector<16xf32>
        %broadcast_in_dim3A_1357 = vector.shape_cast %xor3A_13 : vector<16xi32> to vector<16x1xi32>
        %gather3A_1358 = vector.shape_cast %broadcast_in_dim3A_1357 : vector<16x1xi32> to vector<16xi32>
        %gather3A_1359 = tpu.dynamic_gather %add3A_1356[%gather3A_1358] in [0] : vector<16xf32>, vector<16xi32> -> vector<16xf32>
        %add3A_1360 = arith.addf %add3A_1356, %gather3A_1359 : vector<16xf32>
        %eq3A_1361 = arith.constant 11 : i32
        %eq3A_1362 = vector.broadcast %eq3A_1361 : i32 to vector<16xi32>
        %eq3A_1363 = arith.cmpi eq, %iota3A, %eq3A_1362 : vector<16xi32>
        %select_n3A_1364 = arith.select %eq3A_1363, %add3A_1360, %select_n3A_1261 : vector<16xi1>, vector<16xf32>
        %mul3A_1365 = arith.constant 16 : i32
        %mul3A_1366 = arith.muli %scan3A_129, %mul3A_1365 : i32
        %add3A_1367 = arith.constant 12 : i32
        %add3A_1368 = arith.addi %mul3A_1366, %add3A_1367 : i32
        %get3A_1369 = arith.index_cast %add3A_1368 : i32 to index
        %get3A_1370 = arith.constant 0 : index
        %get3A_1371 = tpu.vector_load %arg11[%get3A_1369, %get3A_1370] {strides = array<i32>} : memref<32x128xf32, #tpu.memory_space<vmem>>, vector<1x16xf32>,
        %get3A_1372 = vector.shape_cast %get3A_1371 : vector<1x16xf32> to vector<16xf32>
        %get3A_1373 = arith.index_cast %add3A_1368 : i32 to index
        %get3A_1374 = arith.constant 0 : index
        %get3A_1375 = tpu.vector_load %arg13[%get3A_1373, %get3A_1374] {strides = array<i32>} : memref<32x128xf32, #tpu.memory_space<vmem>>, vector<1x16xf32>,
        %get3A_1376 = vector.shape_cast %get3A_1375 : vector<1x16xf32> to vector<16xf32>
        %mul3A_1377 = arith.mulf %get3A_1372, %get3A_1376 : vector<16xf32>
        %get3A_1378 = arith.index_cast %add3A_1368 : i32 to index
        %get3A_1379 = arith.constant 16 : index
        %get3A_1380 = tpu.vector_load %arg11[%get3A_1378, %get3A_1379] {strides = array<i32>} : memref<32x128xf32, #tpu.memory_space<vmem>>, vector<1x16xf32>,
        %get3A_1381 = vector.shape_cast %get3A_1380 : vector<1x16xf32> to vector<16xf32>
        %get3A_1382 = arith.index_cast %add3A_1368 : i32 to index
        %get3A_1383 = arith.constant 16 : index
        %get3A_1384 = tpu.vector_load %arg13[%get3A_1382, %get3A_1383] {strides = array<i32>} : memref<32x128xf32, #tpu.memory_space<vmem>>, vector<1x16xf32>,
        %get3A_1385 = vector.shape_cast %get3A_1384 : vector<1x16xf32> to vector<16xf32>
        %mul3A_1386 = arith.mulf %get3A_1381, %get3A_1385 : vector<16xf32>
        %add3A_1387 = arith.addf %mul3A_1377, %mul3A_1386 : vector<16xf32>
        %get3A_1388 = arith.index_cast %add3A_1368 : i32 to index
        %get3A_1389 = arith.constant 32 : index
        %get3A_1390 = tpu.vector_load %arg11[%get3A_1388, %get3A_1389] {strides = array<i32>} : memref<32x128xf32, #tpu.memory_space<vmem>>, vector<1x16xf32>,
        %get3A_1391 = vector.shape_cast %get3A_1390 : vector<1x16xf32> to vector<16xf32>
        %get3A_1392 = arith.index_cast %add3A_1368 : i32 to index
        %get3A_1393 = arith.constant 32 : index
        %get3A_1394 = tpu.vector_load %arg13[%get3A_1392, %get3A_1393] {strides = array<i32>} : memref<32x128xf32, #tpu.memory_space<vmem>>, vector<1x16xf32>,
        %get3A_1395 = vector.shape_cast %get3A_1394 : vector<1x16xf32> to vector<16xf32>
        %mul3A_1396 = arith.mulf %get3A_1391, %get3A_1395 : vector<16xf32>
        %add3A_1397 = arith.addf %add3A_1387, %mul3A_1396 : vector<16xf32>
        %get3A_1398 = arith.index_cast %add3A_1368 : i32 to index
        %get3A_1399 = arith.constant 48 : index
        %get3A_1400 = tpu.vector_load %arg11[%get3A_1398, %get3A_1399] {strides = array<i32>} : memref<32x128xf32, #tpu.memory_space<vmem>>, vector<1x16xf32>,
        %get3A_1401 = vector.shape_cast %get3A_1400 : vector<1x16xf32> to vector<16xf32>
        %get3A_1402 = arith.index_cast %add3A_1368 : i32 to index
        %get3A_1403 = arith.constant 48 : index
        %get3A_1404 = tpu.vector_load %arg13[%get3A_1402, %get3A_1403] {strides = array<i32>} : memref<32x128xf32, #tpu.memory_space<vmem>>, vector<1x16xf32>,
        %get3A_1405 = vector.shape_cast %get3A_1404 : vector<1x16xf32> to vector<16xf32>
        %mul3A_1406 = arith.mulf %get3A_1401, %get3A_1405 : vector<16xf32>
        %add3A_1407 = arith.addf %add3A_1397, %mul3A_1406 : vector<16xf32>
        %get3A_1408 = arith.index_cast %add3A_1368 : i32 to index
        %get3A_1409 = arith.constant 64 : index
        %get3A_1410 = tpu.vector_load %arg11[%get3A_1408, %get3A_1409] {strides = array<i32>} : memref<32x128xf32, #tpu.memory_space<vmem>>, vector<1x16xf32>,
        %get3A_1411 = vector.shape_cast %get3A_1410 : vector<1x16xf32> to vector<16xf32>
        %get3A_1412 = arith.index_cast %add3A_1368 : i32 to index
        %get3A_1413 = arith.constant 64 : index
        %get3A_1414 = tpu.vector_load %arg13[%get3A_1412, %get3A_1413] {strides = array<i32>} : memref<32x128xf32, #tpu.memory_space<vmem>>, vector<1x16xf32>,
        %get3A_1415 = vector.shape_cast %get3A_1414 : vector<1x16xf32> to vector<16xf32>
        %mul3A_1416 = arith.mulf %get3A_1411, %get3A_1415 : vector<16xf32>
        %add3A_1417 = arith.addf %add3A_1407, %mul3A_1416 : vector<16xf32>
        %get3A_1418 = arith.index_cast %add3A_1368 : i32 to index
        %get3A_1419 = arith.constant 80 : index
        %get3A_1420 = tpu.vector_load %arg11[%get3A_1418, %get3A_1419] {strides = array<i32>} : memref<32x128xf32, #tpu.memory_space<vmem>>, vector<1x16xf32>,
        %get3A_1421 = vector.shape_cast %get3A_1420 : vector<1x16xf32> to vector<16xf32>
        %get3A_1422 = arith.index_cast %add3A_1368 : i32 to index
        %get3A_1423 = arith.constant 80 : index
        %get3A_1424 = tpu.vector_load %arg13[%get3A_1422, %get3A_1423] {strides = array<i32>} : memref<32x128xf32, #tpu.memory_space<vmem>>, vector<1x16xf32>,
        %get3A_1425 = vector.shape_cast %get3A_1424 : vector<1x16xf32> to vector<16xf32>
        %mul3A_1426 = arith.mulf %get3A_1421, %get3A_1425 : vector<16xf32>
        %add3A_1427 = arith.addf %add3A_1417, %mul3A_1426 : vector<16xf32>
        %get3A_1428 = arith.index_cast %add3A_1368 : i32 to index
        %get3A_1429 = arith.constant 96 : index
        %get3A_1430 = tpu.vector_load %arg11[%get3A_1428, %get3A_1429] {strides = array<i32>} : memref<32x128xf32, #tpu.memory_space<vmem>>, vector<1x16xf32>,
        %get3A_1431 = vector.shape_cast %get3A_1430 : vector<1x16xf32> to vector<16xf32>
        %get3A_1432 = arith.index_cast %add3A_1368 : i32 to index
        %get3A_1433 = arith.constant 96 : index
        %get3A_1434 = tpu.vector_load %arg13[%get3A_1432, %get3A_1433] {strides = array<i32>} : memref<32x128xf32, #tpu.memory_space<vmem>>, vector<1x16xf32>,
        %get3A_1435 = vector.shape_cast %get3A_1434 : vector<1x16xf32> to vector<16xf32>
        %mul3A_1436 = arith.mulf %get3A_1431, %get3A_1435 : vector<16xf32>
        %add3A_1437 = arith.addf %add3A_1427, %mul3A_1436 : vector<16xf32>
        %get3A_1438 = arith.index_cast %add3A_1368 : i32 to index
        %get3A_1439 = arith.constant 112 : index
        %get3A_1440 = tpu.vector_load %arg11[%get3A_1438, %get3A_1439] {strides = array<i32>} : memref<32x128xf32, #tpu.memory_space<vmem>>, vector<1x16xf32>,
        %get3A_1441 = vector.shape_cast %get3A_1440 : vector<1x16xf32> to vector<16xf32>
        %get3A_1442 = arith.index_cast %add3A_1368 : i32 to index
        %get3A_1443 = arith.constant 112 : index
        %get3A_1444 = tpu.vector_load %arg13[%get3A_1442, %get3A_1443] {strides = array<i32>} : memref<32x128xf32, #tpu.memory_space<vmem>>, vector<1x16xf32>,
        %get3A_1445 = vector.shape_cast %get3A_1444 : vector<1x16xf32> to vector<16xf32>
        %mul3A_1446 = arith.mulf %get3A_1441, %get3A_1445 : vector<16xf32>
        %add3A_1447 = arith.addf %add3A_1437, %mul3A_1446 : vector<16xf32>
        %broadcast_in_dim3A_1448 = vector.shape_cast %xor3A_4 : vector<16xi32> to vector<16x1xi32>
        %gather3A_1449 = vector.shape_cast %broadcast_in_dim3A_1448 : vector<16x1xi32> to vector<16xi32>
        %gather3A_1450 = tpu.dynamic_gather %add3A_1447[%gather3A_1449] in [0] : vector<16xf32>, vector<16xi32> -> vector<16xf32>
        %add3A_1451 = arith.addf %add3A_1447, %gather3A_1450 : vector<16xf32>
        %broadcast_in_dim3A_1452 = vector.shape_cast %xor3A_7 : vector<16xi32> to vector<16x1xi32>
        %gather3A_1453 = vector.shape_cast %broadcast_in_dim3A_1452 : vector<16x1xi32> to vector<16xi32>
        %gather3A_1454 = tpu.dynamic_gather %add3A_1451[%gather3A_1453] in [0] : vector<16xf32>, vector<16xi32> -> vector<16xf32>
        %add3A_1455 = arith.addf %add3A_1451, %gather3A_1454 : vector<16xf32>
        %broadcast_in_dim3A_1456 = vector.shape_cast %xor3A_10 : vector<16xi32> to vector<16x1xi32>
        %gather3A_1457 = vector.shape_cast %broadcast_in_dim3A_1456 : vector<16x1xi32> to vector<16xi32>
        %gather3A_1458 = tpu.dynamic_gather %add3A_1455[%gather3A_1457] in [0] : vector<16xf32>, vector<16xi32> -> vector<16xf32>
        %add3A_1459 = arith.addf %add3A_1455, %gather3A_1458 : vector<16xf32>
        %broadcast_in_dim3A_1460 = vector.shape_cast %xor3A_13 : vector<16xi32> to vector<16x1xi32>
        %gather3A_1461 = vector.shape_cast %broadcast_in_dim3A_1460 : vector<16x1xi32> to vector<16xi32>
        %gather3A_1462 = tpu.dynamic_gather %add3A_1459[%gather3A_1461] in [0] : vector<16xf32>, vector<16xi32> -> vector<16xf32>
        %add3A_1463 = arith.addf %add3A_1459, %gather3A_1462 : vector<16xf32>
        %eq3A_1464 = arith.constant 12 : i32
        %eq3A_1465 = vector.broadcast %eq3A_1464 : i32 to vector<16xi32>
        %eq3A_1466 = arith.cmpi eq, %iota3A, %eq3A_1465 : vector<16xi32>
        %select_n3A_1467 = arith.select %eq3A_1466, %add3A_1463, %select_n3A_1364 : vector<16xi1>, vector<16xf32>
        %mul3A_1468 = arith.constant 16 : i32
        %mul3A_1469 = arith.muli %scan3A_129, %mul3A_1468 : i32
        %add3A_1470 = arith.constant 13 : i32
        %add3A_1471 = arith.addi %mul3A_1469, %add3A_1470 : i32
        %get3A_1472 = arith.index_cast %add3A_1471 : i32 to index
        %get3A_1473 = arith.constant 0 : index
        %get3A_1474 = tpu.vector_load %arg11[%get3A_1472, %get3A_1473] {strides = array<i32>} : memref<32x128xf32, #tpu.memory_space<vmem>>, vector<1x16xf32>,
        %get3A_1475 = vector.shape_cast %get3A_1474 : vector<1x16xf32> to vector<16xf32>
        %get3A_1476 = arith.index_cast %add3A_1471 : i32 to index
        %get3A_1477 = arith.constant 0 : index
        %get3A_1478 = tpu.vector_load %arg13[%get3A_1476, %get3A_1477] {strides = array<i32>} : memref<32x128xf32, #tpu.memory_space<vmem>>, vector<1x16xf32>,
        %get3A_1479 = vector.shape_cast %get3A_1478 : vector<1x16xf32> to vector<16xf32>
        %mul3A_1480 = arith.mulf %get3A_1475, %get3A_1479 : vector<16xf32>
        %get3A_1481 = arith.index_cast %add3A_1471 : i32 to index
        %get3A_1482 = arith.constant 16 : index
        %get3A_1483 = tpu.vector_load %arg11[%get3A_1481, %get3A_1482] {strides = array<i32>} : memref<32x128xf32, #tpu.memory_space<vmem>>, vector<1x16xf32>,
        %get3A_1484 = vector.shape_cast %get3A_1483 : vector<1x16xf32> to vector<16xf32>
        %get3A_1485 = arith.index_cast %add3A_1471 : i32 to index
        %get3A_1486 = arith.constant 16 : index
        %get3A_1487 = tpu.vector_load %arg13[%get3A_1485, %get3A_1486] {strides = array<i32>} : memref<32x128xf32, #tpu.memory_space<vmem>>, vector<1x16xf32>,
        %get3A_1488 = vector.shape_cast %get3A_1487 : vector<1x16xf32> to vector<16xf32>
        %mul3A_1489 = arith.mulf %get3A_1484, %get3A_1488 : vector<16xf32>
        %add3A_1490 = arith.addf %mul3A_1480, %mul3A_1489 : vector<16xf32>
        %get3A_1491 = arith.index_cast %add3A_1471 : i32 to index
        %get3A_1492 = arith.constant 32 : index
        %get3A_1493 = tpu.vector_load %arg11[%get3A_1491, %get3A_1492] {strides = array<i32>} : memref<32x128xf32, #tpu.memory_space<vmem>>, vector<1x16xf32>,
        %get3A_1494 = vector.shape_cast %get3A_1493 : vector<1x16xf32> to vector<16xf32>
        %get3A_1495 = arith.index_cast %add3A_1471 : i32 to index
        %get3A_1496 = arith.constant 32 : index
        %get3A_1497 = tpu.vector_load %arg13[%get3A_1495, %get3A_1496] {strides = array<i32>} : memref<32x128xf32, #tpu.memory_space<vmem>>, vector<1x16xf32>,
        %get3A_1498 = vector.shape_cast %get3A_1497 : vector<1x16xf32> to vector<16xf32>
        %mul3A_1499 = arith.mulf %get3A_1494, %get3A_1498 : vector<16xf32>
        %add3A_1500 = arith.addf %add3A_1490, %mul3A_1499 : vector<16xf32>
        %get3A_1501 = arith.index_cast %add3A_1471 : i32 to index
        %get3A_1502 = arith.constant 48 : index
        %get3A_1503 = tpu.vector_load %arg11[%get3A_1501, %get3A_1502] {strides = array<i32>} : memref<32x128xf32, #tpu.memory_space<vmem>>, vector<1x16xf32>,
        %get3A_1504 = vector.shape_cast %get3A_1503 : vector<1x16xf32> to vector<16xf32>
        %get3A_1505 = arith.index_cast %add3A_1471 : i32 to index
        %get3A_1506 = arith.constant 48 : index
        %get3A_1507 = tpu.vector_load %arg13[%get3A_1505, %get3A_1506] {strides = array<i32>} : memref<32x128xf32, #tpu.memory_space<vmem>>, vector<1x16xf32>,
        %get3A_1508 = vector.shape_cast %get3A_1507 : vector<1x16xf32> to vector<16xf32>
        %mul3A_1509 = arith.mulf %get3A_1504, %get3A_1508 : vector<16xf32>
        %add3A_1510 = arith.addf %add3A_1500, %mul3A_1509 : vector<16xf32>
        %get3A_1511 = arith.index_cast %add3A_1471 : i32 to index
        %get3A_1512 = arith.constant 64 : index
        %get3A_1513 = tpu.vector_load %arg11[%get3A_1511, %get3A_1512] {strides = array<i32>} : memref<32x128xf32, #tpu.memory_space<vmem>>, vector<1x16xf32>,
        %get3A_1514 = vector.shape_cast %get3A_1513 : vector<1x16xf32> to vector<16xf32>
        %get3A_1515 = arith.index_cast %add3A_1471 : i32 to index
        %get3A_1516 = arith.constant 64 : index
        %get3A_1517 = tpu.vector_load %arg13[%get3A_1515, %get3A_1516] {strides = array<i32>} : memref<32x128xf32, #tpu.memory_space<vmem>>, vector<1x16xf32>,
        %get3A_1518 = vector.shape_cast %get3A_1517 : vector<1x16xf32> to vector<16xf32>
        %mul3A_1519 = arith.mulf %get3A_1514, %get3A_1518 : vector<16xf32>
        %add3A_1520 = arith.addf %add3A_1510, %mul3A_1519 : vector<16xf32>
        %get3A_1521 = arith.index_cast %add3A_1471 : i32 to index
        %get3A_1522 = arith.constant 80 : index
        %get3A_1523 = tpu.vector_load %arg11[%get3A_1521, %get3A_1522] {strides = array<i32>} : memref<32x128xf32, #tpu.memory_space<vmem>>, vector<1x16xf32>,
        %get3A_1524 = vector.shape_cast %get3A_1523 : vector<1x16xf32> to vector<16xf32>
        %get3A_1525 = arith.index_cast %add3A_1471 : i32 to index
        %get3A_1526 = arith.constant 80 : index
        %get3A_1527 = tpu.vector_load %arg13[%get3A_1525, %get3A_1526] {strides = array<i32>} : memref<32x128xf32, #tpu.memory_space<vmem>>, vector<1x16xf32>,
        %get3A_1528 = vector.shape_cast %get3A_1527 : vector<1x16xf32> to vector<16xf32>
        %mul3A_1529 = arith.mulf %get3A_1524, %get3A_1528 : vector<16xf32>
        %add3A_1530 = arith.addf %add3A_1520, %mul3A_1529 : vector<16xf32>
        %get3A_1531 = arith.index_cast %add3A_1471 : i32 to index
        %get3A_1532 = arith.constant 96 : index
        %get3A_1533 = tpu.vector_load %arg11[%get3A_1531, %get3A_1532] {strides = array<i32>} : memref<32x128xf32, #tpu.memory_space<vmem>>, vector<1x16xf32>,
        %get3A_1534 = vector.shape_cast %get3A_1533 : vector<1x16xf32> to vector<16xf32>
        %get3A_1535 = arith.index_cast %add3A_1471 : i32 to index
        %get3A_1536 = arith.constant 96 : index
        %get3A_1537 = tpu.vector_load %arg13[%get3A_1535, %get3A_1536] {strides = array<i32>} : memref<32x128xf32, #tpu.memory_space<vmem>>, vector<1x16xf32>,
        %get3A_1538 = vector.shape_cast %get3A_1537 : vector<1x16xf32> to vector<16xf32>
        %mul3A_1539 = arith.mulf %get3A_1534, %get3A_1538 : vector<16xf32>
        %add3A_1540 = arith.addf %add3A_1530, %mul3A_1539 : vector<16xf32>
        %get3A_1541 = arith.index_cast %add3A_1471 : i32 to index
        %get3A_1542 = arith.constant 112 : index
        %get3A_1543 = tpu.vector_load %arg11[%get3A_1541, %get3A_1542] {strides = array<i32>} : memref<32x128xf32, #tpu.memory_space<vmem>>, vector<1x16xf32>,
        %get3A_1544 = vector.shape_cast %get3A_1543 : vector<1x16xf32> to vector<16xf32>
        %get3A_1545 = arith.index_cast %add3A_1471 : i32 to index
        %get3A_1546 = arith.constant 112 : index
        %get3A_1547 = tpu.vector_load %arg13[%get3A_1545, %get3A_1546] {strides = array<i32>} : memref<32x128xf32, #tpu.memory_space<vmem>>, vector<1x16xf32>,
        %get3A_1548 = vector.shape_cast %get3A_1547 : vector<1x16xf32> to vector<16xf32>
        %mul3A_1549 = arith.mulf %get3A_1544, %get3A_1548 : vector<16xf32>
        %add3A_1550 = arith.addf %add3A_1540, %mul3A_1549 : vector<16xf32>
        %broadcast_in_dim3A_1551 = vector.shape_cast %xor3A_4 : vector<16xi32> to vector<16x1xi32>
        %gather3A_1552 = vector.shape_cast %broadcast_in_dim3A_1551 : vector<16x1xi32> to vector<16xi32>
        %gather3A_1553 = tpu.dynamic_gather %add3A_1550[%gather3A_1552] in [0] : vector<16xf32>, vector<16xi32> -> vector<16xf32>
        %add3A_1554 = arith.addf %add3A_1550, %gather3A_1553 : vector<16xf32>
        %broadcast_in_dim3A_1555 = vector.shape_cast %xor3A_7 : vector<16xi32> to vector<16x1xi32>
        %gather3A_1556 = vector.shape_cast %broadcast_in_dim3A_1555 : vector<16x1xi32> to vector<16xi32>
        %gather3A_1557 = tpu.dynamic_gather %add3A_1554[%gather3A_1556] in [0] : vector<16xf32>, vector<16xi32> -> vector<16xf32>
        %add3A_1558 = arith.addf %add3A_1554, %gather3A_1557 : vector<16xf32>
        %broadcast_in_dim3A_1559 = vector.shape_cast %xor3A_10 : vector<16xi32> to vector<16x1xi32>
        %gather3A_1560 = vector.shape_cast %broadcast_in_dim3A_1559 : vector<16x1xi32> to vector<16xi32>
        %gather3A_1561 = tpu.dynamic_gather %add3A_1558[%gather3A_1560] in [0] : vector<16xf32>, vector<16xi32> -> vector<16xf32>
        %add3A_1562 = arith.addf %add3A_1558, %gather3A_1561 : vector<16xf32>
        %broadcast_in_dim3A_1563 = vector.shape_cast %xor3A_13 : vector<16xi32> to vector<16x1xi32>
        %gather3A_1564 = vector.shape_cast %broadcast_in_dim3A_1563 : vector<16x1xi32> to vector<16xi32>
        %gather3A_1565 = tpu.dynamic_gather %add3A_1562[%gather3A_1564] in [0] : vector<16xf32>, vector<16xi32> -> vector<16xf32>
        %add3A_1566 = arith.addf %add3A_1562, %gather3A_1565 : vector<16xf32>
        %eq3A_1567 = arith.constant 13 : i32
        %eq3A_1568 = vector.broadcast %eq3A_1567 : i32 to vector<16xi32>
        %eq3A_1569 = arith.cmpi eq, %iota3A, %eq3A_1568 : vector<16xi32>
        %select_n3A_1570 = arith.select %eq3A_1569, %add3A_1566, %select_n3A_1467 : vector<16xi1>, vector<16xf32>
        %mul3A_1571 = arith.constant 16 : i32
        %mul3A_1572 = arith.muli %scan3A_129, %mul3A_1571 : i32
        %add3A_1573 = arith.constant 14 : i32
        %add3A_1574 = arith.addi %mul3A_1572, %add3A_1573 : i32
        %get3A_1575 = arith.index_cast %add3A_1574 : i32 to index
        %get3A_1576 = arith.constant 0 : index
        %get3A_1577 = tpu.vector_load %arg11[%get3A_1575, %get3A_1576] {strides = array<i32>} : memref<32x128xf32, #tpu.memory_space<vmem>>, vector<1x16xf32>,
        %get3A_1578 = vector.shape_cast %get3A_1577 : vector<1x16xf32> to vector<16xf32>
        %get3A_1579 = arith.index_cast %add3A_1574 : i32 to index
        %get3A_1580 = arith.constant 0 : index
        %get3A_1581 = tpu.vector_load %arg13[%get3A_1579, %get3A_1580] {strides = array<i32>} : memref<32x128xf32, #tpu.memory_space<vmem>>, vector<1x16xf32>,
        %get3A_1582 = vector.shape_cast %get3A_1581 : vector<1x16xf32> to vector<16xf32>
        %mul3A_1583 = arith.mulf %get3A_1578, %get3A_1582 : vector<16xf32>
        %get3A_1584 = arith.index_cast %add3A_1574 : i32 to index
        %get3A_1585 = arith.constant 16 : index
        %get3A_1586 = tpu.vector_load %arg11[%get3A_1584, %get3A_1585] {strides = array<i32>} : memref<32x128xf32, #tpu.memory_space<vmem>>, vector<1x16xf32>,
        %get3A_1587 = vector.shape_cast %get3A_1586 : vector<1x16xf32> to vector<16xf32>
        %get3A_1588 = arith.index_cast %add3A_1574 : i32 to index
        %get3A_1589 = arith.constant 16 : index
        %get3A_1590 = tpu.vector_load %arg13[%get3A_1588, %get3A_1589] {strides = array<i32>} : memref<32x128xf32, #tpu.memory_space<vmem>>, vector<1x16xf32>,
        %get3A_1591 = vector.shape_cast %get3A_1590 : vector<1x16xf32> to vector<16xf32>
        %mul3A_1592 = arith.mulf %get3A_1587, %get3A_1591 : vector<16xf32>
        %add3A_1593 = arith.addf %mul3A_1583, %mul3A_1592 : vector<16xf32>
        %get3A_1594 = arith.index_cast %add3A_1574 : i32 to index
        %get3A_1595 = arith.constant 32 : index
        %get3A_1596 = tpu.vector_load %arg11[%get3A_1594, %get3A_1595] {strides = array<i32>} : memref<32x128xf32, #tpu.memory_space<vmem>>, vector<1x16xf32>,
        %get3A_1597 = vector.shape_cast %get3A_1596 : vector<1x16xf32> to vector<16xf32>
        %get3A_1598 = arith.index_cast %add3A_1574 : i32 to index
        %get3A_1599 = arith.constant 32 : index
        %get3A_1600 = tpu.vector_load %arg13[%get3A_1598, %get3A_1599] {strides = array<i32>} : memref<32x128xf32, #tpu.memory_space<vmem>>, vector<1x16xf32>,
        %get3A_1601 = vector.shape_cast %get3A_1600 : vector<1x16xf32> to vector<16xf32>
        %mul3A_1602 = arith.mulf %get3A_1597, %get3A_1601 : vector<16xf32>
        %add3A_1603 = arith.addf %add3A_1593, %mul3A_1602 : vector<16xf32>
        %get3A_1604 = arith.index_cast %add3A_1574 : i32 to index
        %get3A_1605 = arith.constant 48 : index
        %get3A_1606 = tpu.vector_load %arg11[%get3A_1604, %get3A_1605] {strides = array<i32>} : memref<32x128xf32, #tpu.memory_space<vmem>>, vector<1x16xf32>,
        %get3A_1607 = vector.shape_cast %get3A_1606 : vector<1x16xf32> to vector<16xf32>
        %get3A_1608 = arith.index_cast %add3A_1574 : i32 to index
        %get3A_1609 = arith.constant 48 : index
        %get3A_1610 = tpu.vector_load %arg13[%get3A_1608, %get3A_1609] {strides = array<i32>} : memref<32x128xf32, #tpu.memory_space<vmem>>, vector<1x16xf32>,
        %get3A_1611 = vector.shape_cast %get3A_1610 : vector<1x16xf32> to vector<16xf32>
        %mul3A_1612 = arith.mulf %get3A_1607, %get3A_1611 : vector<16xf32>
        %add3A_1613 = arith.addf %add3A_1603, %mul3A_1612 : vector<16xf32>
        %get3A_1614 = arith.index_cast %add3A_1574 : i32 to index
        %get3A_1615 = arith.constant 64 : index
        %get3A_1616 = tpu.vector_load %arg11[%get3A_1614, %get3A_1615] {strides = array<i32>} : memref<32x128xf32, #tpu.memory_space<vmem>>, vector<1x16xf32>,
        %get3A_1617 = vector.shape_cast %get3A_1616 : vector<1x16xf32> to vector<16xf32>
        %get3A_1618 = arith.index_cast %add3A_1574 : i32 to index
        %get3A_1619 = arith.constant 64 : index
        %get3A_1620 = tpu.vector_load %arg13[%get3A_1618, %get3A_1619] {strides = array<i32>} : memref<32x128xf32, #tpu.memory_space<vmem>>, vector<1x16xf32>,
        %get3A_1621 = vector.shape_cast %get3A_1620 : vector<1x16xf32> to vector<16xf32>
        %mul3A_1622 = arith.mulf %get3A_1617, %get3A_1621 : vector<16xf32>
        %add3A_1623 = arith.addf %add3A_1613, %mul3A_1622 : vector<16xf32>
        %get3A_1624 = arith.index_cast %add3A_1574 : i32 to index
        %get3A_1625 = arith.constant 80 : index
        %get3A_1626 = tpu.vector_load %arg11[%get3A_1624, %get3A_1625] {strides = array<i32>} : memref<32x128xf32, #tpu.memory_space<vmem>>, vector<1x16xf32>,
        %get3A_1627 = vector.shape_cast %get3A_1626 : vector<1x16xf32> to vector<16xf32>
        %get3A_1628 = arith.index_cast %add3A_1574 : i32 to index
        %get3A_1629 = arith.constant 80 : index
        %get3A_1630 = tpu.vector_load %arg13[%get3A_1628, %get3A_1629] {strides = array<i32>} : memref<32x128xf32, #tpu.memory_space<vmem>>, vector<1x16xf32>,
        %get3A_1631 = vector.shape_cast %get3A_1630 : vector<1x16xf32> to vector<16xf32>
        %mul3A_1632 = arith.mulf %get3A_1627, %get3A_1631 : vector<16xf32>
        %add3A_1633 = arith.addf %add3A_1623, %mul3A_1632 : vector<16xf32>
        %get3A_1634 = arith.index_cast %add3A_1574 : i32 to index
        %get3A_1635 = arith.constant 96 : index
        %get3A_1636 = tpu.vector_load %arg11[%get3A_1634, %get3A_1635] {strides = array<i32>} : memref<32x128xf32, #tpu.memory_space<vmem>>, vector<1x16xf32>,
        %get3A_1637 = vector.shape_cast %get3A_1636 : vector<1x16xf32> to vector<16xf32>
        %get3A_1638 = arith.index_cast %add3A_1574 : i32 to index
        %get3A_1639 = arith.constant 96 : index
        %get3A_1640 = tpu.vector_load %arg13[%get3A_1638, %get3A_1639] {strides = array<i32>} : memref<32x128xf32, #tpu.memory_space<vmem>>, vector<1x16xf32>,
        %get3A_1641 = vector.shape_cast %get3A_1640 : vector<1x16xf32> to vector<16xf32>
        %mul3A_1642 = arith.mulf %get3A_1637, %get3A_1641 : vector<16xf32>
        %add3A_1643 = arith.addf %add3A_1633, %mul3A_1642 : vector<16xf32>
        %get3A_1644 = arith.index_cast %add3A_1574 : i32 to index
        %get3A_1645 = arith.constant 112 : index
        %get3A_1646 = tpu.vector_load %arg11[%get3A_1644, %get3A_1645] {strides = array<i32>} : memref<32x128xf32, #tpu.memory_space<vmem>>, vector<1x16xf32>,
        %get3A_1647 = vector.shape_cast %get3A_1646 : vector<1x16xf32> to vector<16xf32>
        %get3A_1648 = arith.index_cast %add3A_1574 : i32 to index
        %get3A_1649 = arith.constant 112 : index
        %get3A_1650 = tpu.vector_load %arg13[%get3A_1648, %get3A_1649] {strides = array<i32>} : memref<32x128xf32, #tpu.memory_space<vmem>>, vector<1x16xf32>,
        %get3A_1651 = vector.shape_cast %get3A_1650 : vector<1x16xf32> to vector<16xf32>
        %mul3A_1652 = arith.mulf %get3A_1647, %get3A_1651 : vector<16xf32>
        %add3A_1653 = arith.addf %add3A_1643, %mul3A_1652 : vector<16xf32>
        %broadcast_in_dim3A_1654 = vector.shape_cast %xor3A_4 : vector<16xi32> to vector<16x1xi32>
        %gather3A_1655 = vector.shape_cast %broadcast_in_dim3A_1654 : vector<16x1xi32> to vector<16xi32>
        %gather3A_1656 = tpu.dynamic_gather %add3A_1653[%gather3A_1655] in [0] : vector<16xf32>, vector<16xi32> -> vector<16xf32>
        %add3A_1657 = arith.addf %add3A_1653, %gather3A_1656 : vector<16xf32>
        %broadcast_in_dim3A_1658 = vector.shape_cast %xor3A_7 : vector<16xi32> to vector<16x1xi32>
        %gather3A_1659 = vector.shape_cast %broadcast_in_dim3A_1658 : vector<16x1xi32> to vector<16xi32>
        %gather3A_1660 = tpu.dynamic_gather %add3A_1657[%gather3A_1659] in [0] : vector<16xf32>, vector<16xi32> -> vector<16xf32>
        %add3A_1661 = arith.addf %add3A_1657, %gather3A_1660 : vector<16xf32>
        %broadcast_in_dim3A_1662 = vector.shape_cast %xor3A_10 : vector<16xi32> to vector<16x1xi32>
        %gather3A_1663 = vector.shape_cast %broadcast_in_dim3A_1662 : vector<16x1xi32> to vector<16xi32>
        %gather3A_1664 = tpu.dynamic_gather %add3A_1661[%gather3A_1663] in [0] : vector<16xf32>, vector<16xi32> -> vector<16xf32>
        %add3A_1665 = arith.addf %add3A_1661, %gather3A_1664 : vector<16xf32>
        %broadcast_in_dim3A_1666 = vector.shape_cast %xor3A_13 : vector<16xi32> to vector<16x1xi32>
        %gather3A_1667 = vector.shape_cast %broadcast_in_dim3A_1666 : vector<16x1xi32> to vector<16xi32>
        %gather3A_1668 = tpu.dynamic_gather %add3A_1665[%gather3A_1667] in [0] : vector<16xf32>, vector<16xi32> -> vector<16xf32>
        %add3A_1669 = arith.addf %add3A_1665, %gather3A_1668 : vector<16xf32>
        %eq3A_1670 = arith.constant 14 : i32
        %eq3A_1671 = vector.broadcast %eq3A_1670 : i32 to vector<16xi32>
        %eq3A_1672 = arith.cmpi eq, %iota3A, %eq3A_1671 : vector<16xi32>
        %select_n3A_1673 = arith.select %eq3A_1672, %add3A_1669, %select_n3A_1570 : vector<16xi1>, vector<16xf32>
        %mul3A_1674 = arith.constant 16 : i32
        %mul3A_1675 = arith.muli %scan3A_129, %mul3A_1674 : i32
        %add3A_1676 = arith.constant 15 : i32
        %add3A_1677 = arith.addi %mul3A_1675, %add3A_1676 : i32
        %get3A_1678 = arith.index_cast %add3A_1677 : i32 to index
        %get3A_1679 = arith.constant 0 : index
        %get3A_1680 = tpu.vector_load %arg11[%get3A_1678, %get3A_1679] {strides = array<i32>} : memref<32x128xf32, #tpu.memory_space<vmem>>, vector<1x16xf32>,
        %get3A_1681 = vector.shape_cast %get3A_1680 : vector<1x16xf32> to vector<16xf32>
        %get3A_1682 = arith.index_cast %add3A_1677 : i32 to index
        %get3A_1683 = arith.constant 0 : index
        %get3A_1684 = tpu.vector_load %arg13[%get3A_1682, %get3A_1683] {strides = array<i32>} : memref<32x128xf32, #tpu.memory_space<vmem>>, vector<1x16xf32>,
        %get3A_1685 = vector.shape_cast %get3A_1684 : vector<1x16xf32> to vector<16xf32>
        %mul3A_1686 = arith.mulf %get3A_1681, %get3A_1685 : vector<16xf32>
        %get3A_1687 = arith.index_cast %add3A_1677 : i32 to index
        %get3A_1688 = arith.constant 16 : index
        %get3A_1689 = tpu.vector_load %arg11[%get3A_1687, %get3A_1688] {strides = array<i32>} : memref<32x128xf32, #tpu.memory_space<vmem>>, vector<1x16xf32>,
        %get3A_1690 = vector.shape_cast %get3A_1689 : vector<1x16xf32> to vector<16xf32>
        %get3A_1691 = arith.index_cast %add3A_1677 : i32 to index
        %get3A_1692 = arith.constant 16 : index
        %get3A_1693 = tpu.vector_load %arg13[%get3A_1691, %get3A_1692] {strides = array<i32>} : memref<32x128xf32, #tpu.memory_space<vmem>>, vector<1x16xf32>,
        %get3A_1694 = vector.shape_cast %get3A_1693 : vector<1x16xf32> to vector<16xf32>
        %mul3A_1695 = arith.mulf %get3A_1690, %get3A_1694 : vector<16xf32>
        %add3A_1696 = arith.addf %mul3A_1686, %mul3A_1695 : vector<16xf32>
        %get3A_1697 = arith.index_cast %add3A_1677 : i32 to index
        %get3A_1698 = arith.constant 32 : index
        %get3A_1699 = tpu.vector_load %arg11[%get3A_1697, %get3A_1698] {strides = array<i32>} : memref<32x128xf32, #tpu.memory_space<vmem>>, vector<1x16xf32>,
        %get3A_1700 = vector.shape_cast %get3A_1699 : vector<1x16xf32> to vector<16xf32>
        %get3A_1701 = arith.index_cast %add3A_1677 : i32 to index
        %get3A_1702 = arith.constant 32 : index
        %get3A_1703 = tpu.vector_load %arg13[%get3A_1701, %get3A_1702] {strides = array<i32>} : memref<32x128xf32, #tpu.memory_space<vmem>>, vector<1x16xf32>,
        %get3A_1704 = vector.shape_cast %get3A_1703 : vector<1x16xf32> to vector<16xf32>
        %mul3A_1705 = arith.mulf %get3A_1700, %get3A_1704 : vector<16xf32>
        %add3A_1706 = arith.addf %add3A_1696, %mul3A_1705 : vector<16xf32>
        %get3A_1707 = arith.index_cast %add3A_1677 : i32 to index
        %get3A_1708 = arith.constant 48 : index
        %get3A_1709 = tpu.vector_load %arg11[%get3A_1707, %get3A_1708] {strides = array<i32>} : memref<32x128xf32, #tpu.memory_space<vmem>>, vector<1x16xf32>,
        %get3A_1710 = vector.shape_cast %get3A_1709 : vector<1x16xf32> to vector<16xf32>
        %get3A_1711 = arith.index_cast %add3A_1677 : i32 to index
        %get3A_1712 = arith.constant 48 : index
        %get3A_1713 = tpu.vector_load %arg13[%get3A_1711, %get3A_1712] {strides = array<i32>} : memref<32x128xf32, #tpu.memory_space<vmem>>, vector<1x16xf32>,
        %get3A_1714 = vector.shape_cast %get3A_1713 : vector<1x16xf32> to vector<16xf32>
        %mul3A_1715 = arith.mulf %get3A_1710, %get3A_1714 : vector<16xf32>
        %add3A_1716 = arith.addf %add3A_1706, %mul3A_1715 : vector<16xf32>
        %get3A_1717 = arith.index_cast %add3A_1677 : i32 to index
        %get3A_1718 = arith.constant 64 : index
        %get3A_1719 = tpu.vector_load %arg11[%get3A_1717, %get3A_1718] {strides = array<i32>} : memref<32x128xf32, #tpu.memory_space<vmem>>, vector<1x16xf32>,
        %get3A_1720 = vector.shape_cast %get3A_1719 : vector<1x16xf32> to vector<16xf32>
        %get3A_1721 = arith.index_cast %add3A_1677 : i32 to index
        %get3A_1722 = arith.constant 64 : index
        %get3A_1723 = tpu.vector_load %arg13[%get3A_1721, %get3A_1722] {strides = array<i32>} : memref<32x128xf32, #tpu.memory_space<vmem>>, vector<1x16xf32>,
        %get3A_1724 = vector.shape_cast %get3A_1723 : vector<1x16xf32> to vector<16xf32>
        %mul3A_1725 = arith.mulf %get3A_1720, %get3A_1724 : vector<16xf32>
        %add3A_1726 = arith.addf %add3A_1716, %mul3A_1725 : vector<16xf32>
        %get3A_1727 = arith.index_cast %add3A_1677 : i32 to index
        %get3A_1728 = arith.constant 80 : index
        %get3A_1729 = tpu.vector_load %arg11[%get3A_1727, %get3A_1728] {strides = array<i32>} : memref<32x128xf32, #tpu.memory_space<vmem>>, vector<1x16xf32>,
        %get3A_1730 = vector.shape_cast %get3A_1729 : vector<1x16xf32> to vector<16xf32>
        %get3A_1731 = arith.index_cast %add3A_1677 : i32 to index
        %get3A_1732 = arith.constant 80 : index
        %get3A_1733 = tpu.vector_load %arg13[%get3A_1731, %get3A_1732] {strides = array<i32>} : memref<32x128xf32, #tpu.memory_space<vmem>>, vector<1x16xf32>,
        %get3A_1734 = vector.shape_cast %get3A_1733 : vector<1x16xf32> to vector<16xf32>
        %mul3A_1735 = arith.mulf %get3A_1730, %get3A_1734 : vector<16xf32>
        %add3A_1736 = arith.addf %add3A_1726, %mul3A_1735 : vector<16xf32>
        %get3A_1737 = arith.index_cast %add3A_1677 : i32 to index
        %get3A_1738 = arith.constant 96 : index
        %get3A_1739 = tpu.vector_load %arg11[%get3A_1737, %get3A_1738] {strides = array<i32>} : memref<32x128xf32, #tpu.memory_space<vmem>>, vector<1x16xf32>,
        %get3A_1740 = vector.shape_cast %get3A_1739 : vector<1x16xf32> to vector<16xf32>
        %get3A_1741 = arith.index_cast %add3A_1677 : i32 to index
        %get3A_1742 = arith.constant 96 : index
        %get3A_1743 = tpu.vector_load %arg13[%get3A_1741, %get3A_1742] {strides = array<i32>} : memref<32x128xf32, #tpu.memory_space<vmem>>, vector<1x16xf32>,
        %get3A_1744 = vector.shape_cast %get3A_1743 : vector<1x16xf32> to vector<16xf32>
        %mul3A_1745 = arith.mulf %get3A_1740, %get3A_1744 : vector<16xf32>
        %add3A_1746 = arith.addf %add3A_1736, %mul3A_1745 : vector<16xf32>
        %get3A_1747 = arith.index_cast %add3A_1677 : i32 to index
        %get3A_1748 = arith.constant 112 : index
        %get3A_1749 = tpu.vector_load %arg11[%get3A_1747, %get3A_1748] {strides = array<i32>} : memref<32x128xf32, #tpu.memory_space<vmem>>, vector<1x16xf32>,
        %get3A_1750 = vector.shape_cast %get3A_1749 : vector<1x16xf32> to vector<16xf32>
        %get3A_1751 = arith.index_cast %add3A_1677 : i32 to index
        %get3A_1752 = arith.constant 112 : index
        %get3A_1753 = tpu.vector_load %arg13[%get3A_1751, %get3A_1752] {strides = array<i32>} : memref<32x128xf32, #tpu.memory_space<vmem>>, vector<1x16xf32>,
        %get3A_1754 = vector.shape_cast %get3A_1753 : vector<1x16xf32> to vector<16xf32>
        %mul3A_1755 = arith.mulf %get3A_1750, %get3A_1754 : vector<16xf32>
        %add3A_1756 = arith.addf %add3A_1746, %mul3A_1755 : vector<16xf32>
        %broadcast_in_dim3A_1757 = vector.shape_cast %xor3A_4 : vector<16xi32> to vector<16x1xi32>
        %gather3A_1758 = vector.shape_cast %broadcast_in_dim3A_1757 : vector<16x1xi32> to vector<16xi32>
        %gather3A_1759 = tpu.dynamic_gather %add3A_1756[%gather3A_1758] in [0] : vector<16xf32>, vector<16xi32> -> vector<16xf32>
        %add3A_1760 = arith.addf %add3A_1756, %gather3A_1759 : vector<16xf32>
        %broadcast_in_dim3A_1761 = vector.shape_cast %xor3A_7 : vector<16xi32> to vector<16x1xi32>
        %gather3A_1762 = vector.shape_cast %broadcast_in_dim3A_1761 : vector<16x1xi32> to vector<16xi32>
        %gather3A_1763 = tpu.dynamic_gather %add3A_1760[%gather3A_1762] in [0] : vector<16xf32>, vector<16xi32> -> vector<16xf32>
        %add3A_1764 = arith.addf %add3A_1760, %gather3A_1763 : vector<16xf32>
        %broadcast_in_dim3A_1765 = vector.shape_cast %xor3A_10 : vector<16xi32> to vector<16x1xi32>
        %gather3A_1766 = vector.shape_cast %broadcast_in_dim3A_1765 : vector<16x1xi32> to vector<16xi32>
        %gather3A_1767 = tpu.dynamic_gather %add3A_1764[%gather3A_1766] in [0] : vector<16xf32>, vector<16xi32> -> vector<16xf32>
        %add3A_1768 = arith.addf %add3A_1764, %gather3A_1767 : vector<16xf32>
        %broadcast_in_dim3A_1769 = vector.shape_cast %xor3A_13 : vector<16xi32> to vector<16x1xi32>
        %gather3A_1770 = vector.shape_cast %broadcast_in_dim3A_1769 : vector<16x1xi32> to vector<16xi32>
        %gather3A_1771 = tpu.dynamic_gather %add3A_1768[%gather3A_1770] in [0] : vector<16xf32>, vector<16xi32> -> vector<16xf32>
        %add3A_1772 = arith.addf %add3A_1768, %gather3A_1771 : vector<16xf32>
        %eq3A_1773 = arith.constant 15 : i32
        %eq3A_1774 = vector.broadcast %eq3A_1773 : i32 to vector<16xi32>
        %eq3A_1775 = arith.cmpi eq, %iota3A, %eq3A_1774 : vector<16xi32>
        %select_n3A_1776 = arith.select %eq3A_1775, %add3A_1772, %select_n3A_1673 : vector<16xi1>, vector<16xf32>
        %mul3A_1777 = arith.constant 16 : i32
        %mul3A_1778 = arith.muli %scan3A_129, %mul3A_1777 : i32
        %add3A_1779 = arith.addi %mul3A_120, %mul3A_1778 : i32
        %swap3A = arith.index_cast %add3A_1779 : i32 to index
        %swap3A_1780 = tpu.vector_load %arg14[%swap3A] {strides = array<i32>} : memref<20032xf32, #tpu.memory_space<vmem>>, vector<16xf32>,
        %swap3A_1781 = vector.shape_cast %swap3A_1780 : vector<16xf32> to vector<16xf32>
        %swap3A_1782 = vector.shape_cast %select_n3A_1776 : vector<16xf32> to vector<16xf32>
        tpu.vector_store %arg14[%swap3A], %swap3A_1782 {strides = array<i32>} : memref<20032xf32, #tpu.memory_space<vmem>>, vector<16xf32>,
        %scan3A_1783 = arith.constant 0 : i32
        scf.yield %scan3A_1783 : i32
      }
      %scan3A_127 = arith.constant 2 : i32
      %scan3A_128 = arith.constant 0 : i32
      scf.yield %scan3A_128 : i32
    }
    %scan3A_41 = arith.constant 313 : i32
    %dma_wait3A_42 = arith.constant 0 : i32
    %dma_wait3A_43 = arith.constant 0 : i32
    %dma_wait3A_44 = tpu.memref_slice %arg15[%dma_wait3A_42, %dma_wait3A_43] : memref<10000x128xf32, #tpu.memory_space<vmem_shared>> -> memref<10000x128xf32, #tpu.memory_space<vmem_shared>>
    tpu.wait_indirect_dma semaphore(%arg16 : memref<!tpu.dma_semaphore, #tpu.memory_space<semaphore_mem>>) src(%dma_wait3A_44 : memref<10000x128xf32, #tpu.memory_space<vmem_shared>>) dst(%arg10 : memref<32x128xf32, #tpu.memory_space<vmem>>)
    %dma_wait3A_45 = arith.constant 0 : i32
    %dma_wait3A_46 = arith.constant 0 : i32
    %dma_wait3A_47 = tpu.memref_slice %arg15[%dma_wait3A_45, %dma_wait3A_46] : memref<10000x128xf32, #tpu.memory_space<vmem_shared>> -> memref<10000x128xf32, #tpu.memory_space<vmem_shared>>
    tpu.wait_indirect_dma semaphore(%arg16 : memref<!tpu.dma_semaphore, #tpu.memory_space<semaphore_mem>>) src(%dma_wait3A_47 : memref<10000x128xf32, #tpu.memory_space<vmem_shared>>) dst(%arg12 : memref<32x128xf32, #tpu.memory_space<vmem>>)
    %dma_wait3A_48 = tpu.memref_slice %arg3[%mul3A_2] : memref<641088xi32, #tpu.memory_space<hbm>> -> memref<32xi32, #tpu.memory_space<hbm>>
    %dma_wait3A_49 = tpu.memref_slice %arg3[%mul3A_2] : memref<641088xi32, #tpu.memory_space<hbm>> -> memref<32xi32, #tpu.memory_space<hbm>>
    tpu.wait_dma2 semaphore(%arg19 : memref<!tpu.dma_semaphore, #tpu.memory_space<semaphore_mem>>) src(%dma_wait3A_49 : memref<32xi32, #tpu.memory_space<hbm>>) dst(%arg7 : memref<32xi32, #tpu.memory_space<vmem>>)
    %dma_wait3A_50 = tpu.memref_slice %arg4[%mul3A_2] : memref<641088xi32, #tpu.memory_space<hbm>> -> memref<32xi32, #tpu.memory_space<hbm>>
    %dma_wait3A_51 = tpu.memref_slice %arg4[%mul3A_2] : memref<641088xi32, #tpu.memory_space<hbm>> -> memref<32xi32, #tpu.memory_space<hbm>>
    tpu.wait_dma2 semaphore(%arg21 : memref<!tpu.dma_semaphore, #tpu.memory_space<semaphore_mem>>) src(%dma_wait3A_51 : memref<32xi32, #tpu.memory_space<hbm>>) dst(%arg9 : memref<32xi32, #tpu.memory_space<vmem>>)
    "tpu.region"() ({
      %run_scoped3A = tpu.sem_alloc : memref<!tpu.dma_semaphore, #tpu.memory_space<semaphore_mem>>
      %dma_start3A_52 = tpu.memref_slice %arg5[%mul3A_2] : memref<641024xf32, #tpu.memory_space<hbm>> -> memref<20032xf32, #tpu.memory_space<hbm>>
      %dma_start3A_53 = tpu.memref_slice %arg5[%mul3A_2] : memref<641024xf32, #tpu.memory_space<hbm>> -> memref<20032xf32, #tpu.memory_space<hbm>>
      tpu.enqueue_dma source(%arg14 : memref<20032xf32, #tpu.memory_space<vmem>>) target(%dma_start3A_53 : memref<20032xf32, #tpu.memory_space<hbm>>) target_semaphore(%run_scoped3A : memref<!tpu.dma_semaphore, #tpu.memory_space<semaphore_mem>>)
      %dma_wait3A_54 = tpu.memref_slice %arg5[%mul3A_2] : memref<641024xf32, #tpu.memory_space<hbm>> -> memref<20032xf32, #tpu.memory_space<hbm>>
      %dma_wait3A_55 = tpu.memref_slice %arg5[%mul3A_2] : memref<641024xf32, #tpu.memory_space<hbm>> -> memref<20032xf32, #tpu.memory_space<hbm>>
      tpu.wait_dma2 semaphore(%run_scoped3A : memref<!tpu.dma_semaphore, #tpu.memory_space<semaphore_mem>>) src(%arg14 : memref<20032xf32, #tpu.memory_space<vmem>>) dst(%dma_wait3A_55 : memref<20032xf32, #tpu.memory_space<hbm>>)
      tpu.yield
    }) : () -> ()
    return
  }
}

module attributes {stable_mosaic.version = 14 : i64} {
  func.func @body(%arg0: memref<5008x128xf32, #tpu.memory_space<vmem>>, %arg1: memref<1x1xf32, #tpu.memory_space<vmem>>) attributes {dimension_semantics = [], scalar_prefetch = 0 : i64, scratch_operands = 0 : i64, tpu.core_type = #tpu.core_type<tc>} {
    %get3A = arith.constant 0 : index
    %get3A_0 = arith.constant 0 : index
    %get3A_1 = vector.load %arg0[%get3A, %get3A_0] : memref<5008x128xf32, #tpu.memory_space<vmem>>, vector<5008x128xf32>
    %iota3A = tpu.iota {dimensions = array<i32: 0>} : vector<5008x128xi32>
    %iota3A_2 = tpu.iota {dimensions = array<i32: 1>} : vector<5008x128xi32>
    %mul3A = arith.constant 128 : i32
    %mul3A_3 = vector.broadcast %mul3A : i32 to vector<5008x128xi32>
    %mul3A_4 = arith.muli %iota3A, %mul3A_3 : vector<5008x128xi32>
    %add3A = arith.addi %mul3A_4, %iota3A_2 : vector<5008x128xi32>
    %lt3A = arith.constant 320000 : i32
    %lt3A_5 = vector.broadcast %lt3A : i32 to vector<5008x128xi32>
    %lt3A_6 = arith.cmpi slt, %add3A, %lt3A_5 : vector<5008x128xi32>
    %ge3A = arith.constant 320000 : i32
    %ge3A_7 = vector.broadcast %ge3A : i32 to vector<5008x128xi32>
    %ge3A_8 = arith.cmpi sge, %add3A, %ge3A_7 : vector<5008x128xi32>
    %lt3A_9 = arith.constant 640000 : i32
    %lt3A_10 = vector.broadcast %lt3A_9 : i32 to vector<5008x128xi32>
    %lt3A_11 = arith.cmpi slt, %add3A, %lt3A_10 : vector<5008x128xi32>
    %and3A = arith.andi %ge3A_8, %lt3A_11 : vector<5008x128xi1>
    %jit3A = arith.constant 1.000000e+00 : f32
    %jit3A_12 = arith.constant 0.000000e+00 : f32
    %broadcast_in_dim3A = vector.broadcast %jit3A : f32 to vector<5008x128xf32>
    %broadcast_in_dim3A_13 = vector.broadcast %jit3A_12 : f32 to vector<5008x128xf32>
    %select_n3A = arith.select %lt3A_6, %broadcast_in_dim3A, %broadcast_in_dim3A_13 : vector<5008x128xi1>, vector<5008x128xf32>
    %max3A = arith.constant 0.000000e+00 : f32
    %max3A_14 = vector.broadcast %max3A : f32 to vector<5008x128xf32>
    %max3A_15 = arith.maximumf %get3A_1, %max3A_14 : vector<5008x128xf32>
    %mul3A_16 = arith.mulf %get3A_1, %select_n3A : vector<5008x128xf32>
    %sub3A = arith.subf %max3A_15, %mul3A_16 : vector<5008x128xf32>
    %abs3A = math.absf %get3A_1 : vector<5008x128xf32>
    %neg3A = arith.constant 0.000000e+00 : f32
    %neg3A_17 = vector.broadcast %neg3A : f32 to vector<5008x128xf32>
    %neg3A_18 = arith.subf %neg3A_17, %abs3A : vector<5008x128xf32>
    %exp3A = math.exp %neg3A_18 : vector<5008x128xf32>
    %log1p3A = math.log1p %exp3A : vector<5008x128xf32>
    %add3A_19 = arith.addf %sub3A, %log1p3A : vector<5008x128xf32>
    %jit3A_20 = arith.constant 0.000000e+00 : f32
    %broadcast_in_dim3A_21 = vector.broadcast %jit3A_20 : f32 to vector<5008x128xf32>
    %select_n3A_22 = arith.select %lt3A_6, %add3A_19, %broadcast_in_dim3A_21 : vector<5008x128xi1>, vector<5008x128xf32>
    %reduce_sum3A = vector.shape_cast %select_n3A_22 : vector<5008x128xf32> to vector<1x5008x128xf32>
    %reduce_sum3A_23 = arith.constant dense<0.000000e+00> : vector<1xf32>
    %reduce_sum3A_24 = vector.multi_reduction <add>, %reduce_sum3A, %reduce_sum3A_23 [1, 2] : vector<1x5008x128xf32> to vector<1xf32>
    %reduce_sum3A_25 = vector.shape_cast %reduce_sum3A_24 : vector<1xf32> to vector<1x1x1xf32>
    %reduce_sum3A_26 = vector.extract %reduce_sum3A_25[0, 0, 0] : f32 from vector<1x1x1xf32>
    %jit3A_27 = arith.constant 0.000000e+00 : f32
    %broadcast_in_dim3A_28 = vector.broadcast %jit3A_27 : f32 to vector<5008x128xf32>
    %select_n3A_29 = arith.select %and3A, %add3A_19, %broadcast_in_dim3A_28 : vector<5008x128xi1>, vector<5008x128xf32>
    %reduce_sum3A_30 = vector.shape_cast %select_n3A_29 : vector<5008x128xf32> to vector<1x5008x128xf32>
    %reduce_sum3A_31 = arith.constant dense<0.000000e+00> : vector<1xf32>
    %reduce_sum3A_32 = vector.multi_reduction <add>, %reduce_sum3A_30, %reduce_sum3A_31 [1, 2] : vector<1x5008x128xf32> to vector<1xf32>
    %reduce_sum3A_33 = vector.shape_cast %reduce_sum3A_32 : vector<1xf32> to vector<1x1x1xf32>
    %reduce_sum3A_34 = vector.extract %reduce_sum3A_33[0, 0, 0] : f32 from vector<1x1x1xf32>
    %div3A = arith.constant 3.200000e+05 : f32
    %div3A_35 = arith.divf %reduce_sum3A_26, %div3A : f32
    %div3A_36 = arith.constant 3.200000e+05 : f32
    %div3A_37 = arith.divf %reduce_sum3A_34, %div3A_36 : f32
    %add3A_38 = arith.addf %div3A_35, %div3A_37 : f32
    %reshape3A = vector.broadcast %add3A_38 : f32 to vector<1x1xf32>
    %swap3A = arith.constant 0 : index
    %swap3A_39 = arith.constant 0 : index
    %swap3A_40 = vector.load %arg1[%swap3A, %swap3A_39] : memref<1x1xf32, #tpu.memory_space<vmem>>, vector<1x1xf32>
    tpu.vector_store %arg1[%swap3A, %swap3A_39], %reshape3A {strides = array<i32>} : memref<1x1xf32, #tpu.memory_space<vmem>>, vector<1x1xf32>,
    return
  }
}

</mosaic_0001>

<sc_bundles>
// kernel: kernel.4.cloned.1.call-start
scs
__scs_entry_jumppad:
0x0: {  	(pc) =	sbr.rel $0x88, $3  }
0x1: {  	(tag) =	ssettag $0x0;
	lr =	simm.s32 $0x1  }
0x2: {  	[smem:$0x3F9E] =	sst lr;
	_ =	strace $0xD0000000  }
0x3: {  	_ = 	snop  }
0x4: {  	_ = 	snop  }
0x5: {  	_ = 	snop  }
0x6: {  	_ = 	snop  }
0x7: {  	_ = 	snop  }
__scs_overlays_trampoline_lowered:
0x8: {  	[smem:$0x3FAD] =	sst s0  }
0x9: {  	[smem:$0x3FAE] =	sst s1  }
0xa: {  	[smem:$0x3FAF] =	sst s2  }
0xb: {  	[smem:$0x3FB0] =	sst s3  }
0xc: {  	[smem:$0x3FB1] =	sst s4  }
0xd: {  	[smem:$0x3FB2] =	sst s5  }
0xe: {  	[smem:$0x3FB3] =	sst s6  }
0xf: {  	[smem:$0x3FB4] =	sst s7  }
0x10: {  	[smem:$0x3FB5] =	sst s8  }
0x11: {  	[smem:$0x3FB6] =	sst s9;
	s0 =	simm.s32 @!p0 $0x0  }
0x12: {  	s1 =	sld [smem:$0x3F9C];
	s0 =	simm.s32 @p0 $0x1  }
0x13: {  	[smem:$0x3FB7] =	sst s0;
	s0 =	simm.s32 @!p1 $0x0  }
0x14: {  	s2 =	sld [smem:$0x3F9B];
	s0 =	simm.s32 @p1 $0x1  }
0x15: {  	[smem:$0x3FB8] =	sst s0;
	s0 =	simm.s32 @!p2 $0x0  }
0x16: {  	s3 =	sld [smem:$0x3FDB];
	s0 =	simm.s32 @p2 $0x1  }
0x17: {  	s4 =	simm.s32 $0x1BF5;
	[smem:$0x3FBA] =	sst s0  }
0x18: {  	s0 =	sld [smem:$0x3F9D];
	_ =	swait.ge [sflag:s4], $0x0  }
0x19: {  	s7 =	sld [smem:$0x3F9E]  }
0x1a: {  	s8 =	sadd.s32 $0xFFFFE003, lr  }
0x1b: {  	s9 =	sadd.s32 $0xFFFFFEF7, lr;
	s5 =	simm.s32 $0xFFFFFFFF;
	p2 =	slt.u32 s8, $0xFFFFF086  }
0x1c: {  	p1 =	slt.u32 s9, $0xF7A;
	s5 =	simm.s32 @!p2 $0x0  }
0x1d: {  	s5 =	simm.s32 @p1 $0x1;
	p0 =	seq.s32 s7, s2  }
0x1e: {  	s7 =	smul.u32 @!p0 $0xF7A, s2;
	p2 =	seq.s32 @!p0 s5, $0x0  }
0x1f: {  	s9 =	smul.u32 $0xF7A, s1;
	s8 =	simm.s32 @!p0 $0x1BF5;
	p2 =	por !p2, p0  }
0x20: {  	[sflag:s8] =	ssyncset.s32 @!p0 $0xFFFFF086;
	s6 =	sadd.s32 @!p0 s3, s7;
	s7 =	simm.s32 @!p0 $0x108  }
0x21: {  	s3 =	sadd.s32 s3, s9;
	s6 =	sadd.s32 @!p0 $0x88, s6;
	s7 =	simm.s32 @p2 $0x1082  }
0x22: {  	[simem:s7], [sflag:s8] =	dma.local @!p0 [hbm:s6], $0xF7A  }
0x23: {  	s9 =	sor.u32 $0xD0000000, s2;
	s6 =	simm.s32 $0x108;
	_ =	swait.ge @!p0 [sflag:s8], $0x0  }
0x24: {  	s3 =	sadd.s32 $0x88, s3;
	s6 =	simm.s32 @!p1 $0x1082;
	[sflag:s4] =	ssyncset.s32 $0xFFFFF086  }
0x25: {  	[simem:s6], [sflag:s4] =	dma.local [hbm:s3], $0xF7A  }
0x26: {  	[smem:$0x3F9E] =	sst s1;
	(tag) =	ssettag s2;
	_ =	strace s9  }
0x27: {  	s1 =	sld [smem:$0x3FAE]  }
0x28: {  	s2 =	sld [smem:$0x3FAF]  }
0x29: {  	s4 =	sld [smem:$0x3FB1]  }
0x2a: {  	p0 =	seq.s32 s5, $0x0;
	s5 =	sld [smem:$0x3FB2]  }
0x2b: {  	s6 =	sld [smem:$0x3FB3]  }
0x2c: {  	s7 =	sld [smem:$0x3FB4]  }
0x2d: {  	s3 =	simm.s32 $0x108;
	s8 =	sld [smem:$0x3FB5]  }
0x2e: {  	s3 =	simm.s32 @!p0 $0x1082;
	s9 =	sld [smem:$0x3FB6]  }
0x2f: {  	lr =	sadd.s32 s0, s3;
	s0 =	sld [smem:$0x3FAD]  }
0x30: {  	s3 =	sld [smem:$0x3FB0]  }
0x31: {  	[smem:$0x3FB9] =	sst s10  }
0x32: {  	s10 =	sld [smem:$0x3FB7];
	_ =	sdelay $0x3  }
0x33: {  	p0 =	seq.s32 s10, $0x1;
	s10 =	sld [smem:$0x3FB9];
	_ =	sdelay $0x3  }
0x34: {  	[smem:$0x3FB9] =	sst s10  }
0x35: {  	s10 =	sld [smem:$0x3FB8];
	_ =	sdelay $0x3  }
0x36: {  	p1 =	seq.s32 s10, $0x1;
	s10 =	sld [smem:$0x3FB9];
	_ =	sdelay $0x3  }
0x37: {  	[smem:$0x3FB9] =	sst s10  }
0x38: {  	s10 =	sld [smem:$0x3FBA]  }
0x39: {  	_ = 	snop;
	(pc) =	sbr.ind lr, $3  }
0x3a: {  	_ = 	snop  }
0x3b: {  	_ = 	snop  }
0x3c: {  	p2 =	seq.s32 s10, $0x1;
	s10 =	sld [smem:$0x3FB9]  }
0x3d: {  	_ =	shalt  }
0x3e: {  	_ =	shalt  }
0x3f: {  	_ =	shalt  }
0x40: {  	_ =	shalt  }
0x41: {  	_ =	shalt  }
0x42: {  	_ =	shalt  }
0x43: {  	_ =	shalt  }
0x44: {  	_ =	shalt  }
0x45: {  	_ =	shalt  }
0x46: {  	_ =	shalt  }
0x47: {  	_ =	shalt  }
0x48: {  	_ =	shalt  }
0x49: {  	_ =	shalt  }
0x4a: {  	_ =	shalt  }
0x4b: {  	_ =	shalt  }
0x4c: {  	_ =	shalt  }
0x4d: {  	_ =	shalt  }
0x4e: {  	_ =	shalt  }
0x4f: {  	_ =	shalt  }
0x50: {  	_ =	shalt  }
0x51: {  	_ =	shalt  }
0x52: {  	_ =	shalt  }
0x53: {  	_ =	shalt  }
0x54: {  	_ =	shalt  }
0x55: {  	_ =	shalt  }
0x56: {  	_ =	shalt  }
0x57: {  	_ =	shalt  }
0x58: {  	_ =	shalt  }
0x59: {  	_ =	shalt  }
0x5a: {  	_ =	shalt  }
0x5b: {  	_ =	shalt  }
0x5c: {  	_ =	shalt  }
0x5d: {  	_ =	shalt  }
0x5e: {  	_ =	shalt  }
0x5f: {  	_ =	shalt  }
0x60: {  	_ =	shalt  }
0x61: {  	_ =	shalt  }
0x62: {  	_ =	shalt  }
0x63: {  	_ =	shalt  }
0x64: {  	_ =	shalt  }
0x65: {  	_ =	shalt  }
0x66: {  	_ =	shalt  }
0x67: {  	_ =	shalt  }
0x68: {  	_ =	shalt  }
0x69: {  	_ =	shalt  }
0x6a: {  	_ =	shalt  }
0x6b: {  	_ =	shalt  }
0x6c: {  	_ =	shalt  }
0x6d: {  	_ =	shalt  }
0x6e: {  	_ =	shalt  }
0x6f: {  	_ =	shalt  }
0x70: {  	_ =	shalt  }
0x71: {  	_ =	shalt  }
0x72: {  	_ =	shalt  }
0x73: {  	_ =	shalt  }
0x74: {  	_ =	shalt  }
0x75: {  	_ =	shalt  }
0x76: {  	_ =	shalt  }
0x77: {  	_ =	shalt  }
0x78: {  	_ =	shalt  }
0x79: {  	_ =	shalt  }
0x7a: {  	_ =	shalt  }
0x7b: {  	_ =	shalt  }
0x7c: {  	_ =	shalt  }
0x7d: {  	_ =	shalt  }
0x7e: {  	_ =	shalt  }
0x7f: {  	_ =	shalt  }
0x80: {  	_ =	shalt  }
0x81: {  	_ =	shalt  }
0x82: {  	_ =	shalt  }
0x83: {  	_ =	shalt  }
0x84: {  	_ =	shalt  }
0x85: {  	_ =	shalt  }
0x86: {  	_ =	shalt  }
0x87: {  	_ =	shalt  }
.Lfunc_end0:
.L_simem_size_0:
called_computation_lowered:
.L_overlay_start_0:
0x88: {  	s2 =	sld [smem:$0x3FD9]  }
0x89: {  	s3 =	sld [smem:$0x3FFE];
	_ =	sdelay $0x1  }
0x8a: {  	s1 =	srdreg.scid  }
0x8b: {  	s0 =	sand.u32 $0x1, s1  }
0x8c: {  	s17 =	sshll.u32 s0, $0xA;
	s2 =	sadd.s32 s3, s2  }
0x8d: {  	s2 =	sadd.s32 s2, s17  }
0x8e: {  	[smem:$0x3FC5] =	sst s2  }
0x8f: {  	_ = 	snop  }
0x90: {  	s2 =	sld [smem:$0x3FC9];
	(tm) =	ssettm $0x1  }
0x91: {  	s18 =	sld [smem:$0x3FFB];
	_ =	sdelay $0x3  }
0x92: {  	_ =	strace s18  }
0x93: {  	s3 =	sld [smem:$0x3FFC];
	_ =	sdelay $0x3  }
0x94: {  	_ =	strace s3  }
0x95: {  	s3 =	sld [smem:$0x3FFD];
	_ =	sdelay $0x3  }
0x96: {  	_ =	strace s3  }
0x97: {  	_ =	strace $0x8FFFFFFF  }
0x98: {  	s19 =	sld [smem:$0x3FDB];
	_ =	sdelay $0x1  }
0x99: {  	s4 =	simm.s32 $_scs_section_size  }
0x9a: {  	s5 =	simm.s32 $_size__tile_overlayer_lowered;
	s6 =	simm.s32 $_tile_overlayer_lowered  }
0x9b: {  	s22 =	simm.s32 $0x1BFF;
	s21 =	sshll.u32 s6, $0x1;
	s3 =	sadd.s32 s4, s19  }
0x9c: {  	s7 =	simm.s32 $0x0;
	s20 =	sshll.u32 s5, $0x1;
	s5 =	sadd.s32 s21, s3  }
0x9d: {  	[timem:s7], [sflag:s22] =	dma.local [hbm:s5], s20  }
0x9e: {  	_ =	swait.ge [sflag:s22], s20  }
0x9f: {  	s4 =	ssub.s32 $0x0, s20;
	[sflag:s22] =	ssyncset.done $0x0  }
0xa0: {  	[sflag:s22] =	ssyncadd.s32 s4;
	_ =	sdelay $0x1  }
0xa1: {  	s23 =	simm.s32 $0x1B8B  }
0xa2: {  	_ =	swait.ge [sflag:s23], $0x1  }
0xa3: {  	[sflag:s23] =	ssyncset.done $0x0  }
0xa4: {  	s25 =	simm.s32 $0x1B8E;
	s24 =	sld [smem:$0x3FFE];
	[sflag:s23] =	ssyncadd.s32 $0xFFFFFFFF  }
0xa5: {  	s26 =	simm.s32 $execute0_lowered;
	[smem:$0x3FD2] =	sst s25  }
0xa6: {  	s5 =	sshll.u32 s26, $0x1;
	_ =	strace $0x80000046;
	[dreg:$0x1] =	wrdreg $0xFFFFFFFF  }
0xa7: {  	s28 =	simm.s32 $_size_execute0_lowered;
	s3 =	sadd.s32 s3, s5;
	[dreg:$0x0] =	wrdreg $0x0  }
0xa8: {  	s5 =	sshll.u32 s28, $0x1;
	[dreg:$0x2] =	wrdreg s3  }
0xa9: {  	[dreg:$0x3] =	wrdreg s5  }
0xaa: {  	[dreg:$0x4] =	wrdreg $0xC0  }
0xab: {  	_ =	task [dreg:s7], $0x5FFFF  }
0xac: {  	[dreg:$0x1] =	wrdreg $0xFFFFFFFF  }
0xad: {  	[dreg:$0x0] =	wrdreg $0x60  }
0xae: {  	[dreg:$0x2] =	wrdreg s2  }
0xaf: {  	[dreg:$0x3] =	wrdreg s24  }
0xb0: {  	[dreg:$0x4] =	wrdreg $0x90800  }
0xb1: {  	[dreg:$0x5] =	wrdreg $0x9  }
0xb2: {  	_ =	task.clear_ibuf [dreg:s7], $0x6FFFF;
	_ =	strace $0x90000046  }
0xb3: {  	s29 =	simm.s32 $0x9;
	_ =	strace $0x80000048  }
0xb4: {  	_ =	swait.ge [sflag:s29], $0x1  }
0xb5: {  	[sflag:s29] =	ssyncadd.s32 $0xFFFFFFFF  }
0xb6: {  	_ =	strace $0x90000048  }
0xb7: {  	_ =	sfence  }
0xb8: {  	s30 =	sld [smem:$0x0];
	_ =	sdelay $0x2  }
0xb9: {  	s31 =	sshll.u32 s1, $0xD;
	s1 =	sshrl.u32 s1, $0x2  }
0xba: {  	s3 =	sand.u32 $0x4000, s31;
	s1 =	sadd.s32 s1, s30  }
0xbb: {  	s0 =	sor.u32 s3, s0;
	s1 =	sshll.u32 s1, $0x11  }
0xbc: {  	s0 =	sor.u32 s1, s0  }
0xbd: {  	s0 =	sadd.s32 $0x8F2B, s0  }
0xbe: {  	[sflag:s0] =	ssyncadd.remote.s32 $0x1  }
0xbf: {  	_ =	sfence.sel $0xFFFF  }
0xc0: {  	[dreg:$0x0] =	wrdreg $0xFFFFFFFF;
	(pc) =	sbr.abs _section_cstart, $3  }
0xc1: {  	[dreg:$0x1] =	wrdreg $0xFFFFFFFF  }
0xc2: {  	_ =	task.clear_ibuf [dreg:s7], $0x2FFFF;
	_ =	strace $0x9FFFFFFF  }
0xc3: {  	(tm) =	ssettm $0x7FFFFFFF  }
tec
execute0_lowered:
.L_overlay_start_1:
0x0: {  	(tag) =	ssettag $0x1  }
0x1: {  	v0 =	vimm.s32 $0xFEDCBA98;
	s0 =	srdreg.scid;
	v1 =	vimm.s32 $0x76543210;
	v2 =	vimm.s32 $0xBA98FEDC  }
0x2: {  	s2 =	stileid.u32;
	s1 =	rddreg [dreg:$0x1];
	v3 =	vimm.s32 $0x32107654;
	v4 =	vimm.s32 $0xDCFE98BA;
	v5 =	vimm.s32 $0x54761032;
	s15 =	simm.s32 $0x100  }
0x3: {  	v6 =	vimm.s32 $0xEFCDAB89;
	v7 =	vimm.s32 $0x67452301;
	s16 =	simm.s32 $0x80;
	s17 =	simm.s32 $0x180;
	s18 =	simm.s32 $0x3  }
0x4: {  	s19 =	simm.s32 $0x5;
	vm0 =	vmmov $0x1;
	vm1 =	vmmov $0x3;
	vm2 =	vmmov $0x7;
	s20 =	simm.s32 $0x20;
	s21 =	simm.s32 $0x200  }
0x5: {  	s22 =	simm.s32 $0x2200;
	vm3 =	vmmov $0xf;
	vm4 =	vmmov $0x1f;
	vm5 =	vmmov $0x3f;
	s23 =	simm.s32 $0x1;
	s24 =	simm.s32 $0x4  }
0x6: {  	vm6 =	vmmov $0x7f;
	vm7 =	vmmov $0xff;
	vm8 =	vmmov $0x1ff;
	s28 =	simm.s32 $0x3200;
	s29 =	simm.s32 $0x2;
	s0 =	sand.u32 $0x1, s0  }
0x7: {  	vm9 =	vmmov $0x3ff;
	vm10 =	vmmov $0x7ff;
	vm11 =	vmmov $0xfff;
	s31 =	simm.s32 $0x7;
	s5 =	sadd.s32 $0x13A00, s1;
	s3 =	sshll.u32 s0, $0x4  }
0x8: {  	v0 =	vunpack.c.l.s4.s8 v0;
	v1 =	vunpack.c.l.s4.s8 v1;
	v2 =	vunpack.c.l.s4.s8 v2;
	p0 =	sne.s32 s2, $0x0;
	s0 =	ssub.s32 $0x2, s0;
	s4 =	sor.u32 s2, s3  }
0x9: {  	v3 =	vunpack.c.l.s4.s8 v3;
	v4 =	vunpack.c.l.s4.s8 v4;
	v5 =	vunpack.c.l.s4.s8 v5;
	s3 =	rddreg [dreg:$0x2];
	s7 =	sshrl.u32 s0, $0x1;
	s2 =	simm.s32 $0x0  }
0xa: {  	v6 =	vunpack.c.l.s4.s8 v6;
	v7 =	vunpack.c.l.s4.s8 v7;
	v0 =	vunpack.c.0.s8.s32 v0;
	s6 =	smul.u32 $0x4E40, s4;
	s4 =	simm.s32 $0x0;
	s0 =	ssub.s32 s0, s7  }
0xb: {  	v2 =	vunpack.c.0.s8.s32 v2;
	v3 =	vunpack.c.0.s8.s32 v3;
	v4 =	vunpack.c.0.s8.s32 v4;
	s14 =	sshrl.u32 @!p0 s3, $0x3;
	[smem:$0x7FF] =	sst s4;
	s13 =	smax.u32 s0, $0x1  }
0xc: {  	v5 =	vunpack.c.0.s8.s32 v5;
	v6 =	vunpack.c.0.s8.s32 v6;
	v7 =	vunpack.c.0.s8.s32 v7;
	_ =	strace $0x80000047;
	s8 =	sshrl.u32 s6, $0x3;
	s10 =	sadd.s32 $0x40, s6  }
0xd: {  	vm12 =	vmmov $0x1fff;
	v1 =	vunpack.c.0.s8.s32 v1;
	v2 =	vcombine.low v3, v2;
	s11 =	sadd.s32 $0x60, s6;
	s9 =	sor.u32 $0x4, s8;
	s25 =	sadd.s32 s5, s8  }
0xe: {  	v3 =	vcombine.low v5, v4;
	v4 =	vcombine.low v7, v6;
	v0 =	vand.u32 $0xF, v0;
	s7 =	sadd.s32 s1, s8;
	[dreg:$0x4] =	wrdreg s25;
	s26 =	sadd.s32 s5, s9  }
0xf: {  	vm13 =	vmmov $0x3fff;
	vm14 =	vmmov $0x7fff;
	v0 =	vcombine.low v0, v1;
	s30 =	sadd.s32 s1, s9;
	s12 =	sadd.s32 $0x27400, s7;
	[dreg:$0x5] =	wrdreg s26  }
0x10: {  	v1 =	vand.u32 $0xF, v2;
	v2 =	vand.u32 $0xF, v3;
	v3 =	vand.u32 $0xF, v4;
	s25 =	simm.s32 $0x6;
	[dreg:$0x6] =	wrdreg s30;
	s26 =	simm.s32 $0x1200  }
.LBB2_1:
0x11: {  	s0 =	simm.s32 @!p0 $0x1C07;
	s6 =	rddreg [dreg:$0x0]  }
0x12: {  	[spmem:s14], [sflag:s0] =	dma.local @!p0 [hbm:s6], $0x27100  }
0x13: {  	s0 =	simm.s32 @!p0 $0x7  }
0x14: {  	_ =	swait.ge @!p0 [sflag:s0], $0x27100  }
0x15: {  	[sflag:s0] =	ssyncset.done @!p0 $0x0  }
0x16: {  	[sflag:s0] =	ssyncadd.s32 @!p0 $0xFFFD8F00  }
0x17: {  	[bflag:$0x0] =	sbarrier.arrive $0xFFFF  }
0x18: {  	s8 =	rddreg [dreg:$0x4]  }
0x19: {  	[tilespmem:s4], [sflag:$0x3] =	stream.linear.gather [hbm4b:s8+s4], $0x20, $0x38;
	[tilespmem:$0x1C900] =	vst v63  }
0x1a: {  	_ = 	snop  }
0x1b: {  	[tilespmem:s15], [sflag:$0x5] =	stream.linear.gather [hbm4b:s7+s4], $0x20, $0x38;
	[tilespmem:$0x1C900] =	vst v63  }
0x1c: {  	s9 =	rddreg [dreg:$0x5]  }
0x1d: {  	[tilespmem:s16], [sflag:$0x4] =	stream.linear.gather [hbm4b:s9+s4], $0x20, $0x38;
	[tilespmem:$0x1C900] =	vst v63  }
0x1e: {  	s30 =	rddreg [dreg:$0x6]  }
0x1f: {  	[tilespmem:s17], [sflag:$0x6] =	stream.linear.gather [hbm4b:s30+s4], $0x20, $0x38;
	[tilespmem:$0x1C900] =	vst v63  }
0x20: {  	_ =	swait.ge [sflag:s18], $0x20  }
0x21: {  	[sflag:s18] =	ssyncset.done $0x0  }
0x22: {  	[sflag:s18] =	ssyncadd.s32 $0xFFFFFFE0  }
0x23: {  	_ =	swait.ge [sflag:s19], $0x20  }
0x24: {  	[sflag:s19] =	ssyncset.done $0x0  }
0x25: {  	[sflag:s19] =	ssyncadd.s32 $0xFFFFFFE0  }
0x26: {  	[tilespmem:s21], [sflag:$0x1] =	stream.indirect.gather [spmem:s3], $0x80, s4, s20, $0xb8;
	[tilespmem:$0x1C900] =	vst v63  }
0x27: {  	s0 =	simm.s32 $0x0  }
0x28: {  	[tilespmem:s22], [sflag:$0x1] =	stream.indirect.gather [spmem:s3], $0x80, s15, s20, $0xb8;
	[tilespmem:$0x1C900] =	vst v63  }
.LBB2_2:
0x29: {  	_ =	swait.ge [sflag:s23], $0x1000  }
0x2a: {  	[sflag:s23] =	ssyncset.done $0x0  }
0x2b: {  	[sflag:s23] =	ssyncadd.s32 $0xFFFFF000  }
0x2c: {  	_ =	swait.ge [sflag:s23], $0x1000  }
0x2d: {  	[sflag:s23] =	ssyncset.done $0x0  }
0x2e: {  	[sflag:s23] =	ssyncadd.s32 $0xFFFFF000  }
0x2f: {  	_ =	swait.ge [sflag:s24], $0x20  }
0x30: {  	[sflag:s24] =	ssyncset.done $0x0  }
0x31: {  	[sflag:s24] =	ssyncadd.s32 $0xFFFFFFE0  }
0x32: {  	_ =	swait.ge [sflag:s25], $0x20  }
0x33: {  	s30 =	sshll.u32 s0, $0x6;
	[sflag:s25] =	ssyncset.done $0x0  }
0x34: {  	s6 =	sadd.s32 s30, s10;
	[sflag:s25] =	ssyncadd.s32 $0xFFFFFFE0  }
0x35: {  	[tilespmem:s26], [sflag:$0x2] =	stream.indirect.gather [spmem:s3], $0x80, s16, s20, $0xb8;
	[tilespmem:$0x1C900] =	vst v63  }
0x36: {  	s6 =	sshrl.u32 s6, $0x3  }
0x37: {  	[tilespmem:s28], [sflag:$0x2] =	stream.indirect.gather [spmem:s3], $0x80, s17, s20, $0xb8;
	[tilespmem:$0x1C900] =	vst v63  }
0x38: {  	s8 =	simm.s32 $0x0;
	s9 =	sadd.s32 s5, s6  }
0x39: {  	[tilespmem:s8], [sflag:$0x3] =	stream.linear.gather [hbm4b:s9+s8], $0x20, $0x38;
	[tilespmem:$0x1C900] =	vst v63  }
0x3a: {  	s6 =	sadd.s32 s1, s6  }
0x3b: {  	[tilespmem:s15], [sflag:$0x5] =	stream.linear.gather [hbm4b:s6+s8], $0x20, $0x38;
	[tilespmem:$0x1C900] =	vst v63  }
0x3c: {  	s6 =	sand.u32 $0x3FFFFFC0, s30  }
0x3d: {  	s9 =	sadd.s32 $0x4200, s6  }
0x3e: {  	v4 =	vmov s9  }
0x3f: {  	p1 =	por $0x1, $0x1;
	[tilespmem:$0x1FFF0] =	vst v4  }
.LBB2_3:
0x40: {  	s9 =	sshll.u32 s8, $0xB  }
0x41: {  	v63 =	vld [tilespmem:s9+$0x3F0];
	_ =	sdelay $0x4  }
0x42: {  	[tilespmem:$0x1F8F0] =	vst v63;
	v63 =	vld [tilespmem:s9+$0x23F0];
	_ =	sdelay $0x4  }
0x43: {  	[tilespmem:$0x1F900] =	vst v63;
	v63 =	vld [tilespmem:s9+$0x400];
	_ =	sdelay $0x4  }
0x44: {  	[tilespmem:$0x1F910] =	vst v63;
	v63 =	vld [tilespmem:s9+$0x2400];
	_ =	sdelay $0x4  }
0x45: {  	[tilespmem:$0x1F920] =	vst v63;
	v63 =	vld [tilespmem:s9+$0x410];
	_ =	sdelay $0x4  }
0x46: {  	[tilespmem:$0x1F930] =	vst v63;
	v63 =	vld [tilespmem:s9+$0x2410];
	_ =	sdelay $0x4  }
0x47: {  	[tilespmem:$0x1F940] =	vst v63;
	v63 =	vld [tilespmem:s9+$0x420];
	_ =	sdelay $0x4  }
0x48: {  	[tilespmem:$0x1F950] =	vst v63;
	v63 =	vld [tilespmem:s9+$0x2420];
	_ =	sdelay $0x4  }
0x49: {  	[tilespmem:$0x1F960] =	vst v63;
	v63 =	vld [tilespmem:s9+$0x430];
	_ =	sdelay $0x4  }
0x4a: {  	[tilespmem:$0x1F970] =	vst v63;
	v63 =	vld [tilespmem:s9+$0x2430];
	_ =	sdelay $0x4  }
0x4b: {  	[tilespmem:$0x1F980] =	vst v63;
	v63 =	vld [tilespmem:s9+$0x440];
	_ =	sdelay $0x4  }
0x4c: {  	[tilespmem:$0x1F9D0] =	vst v63;
	v63 =	vld [tilespmem:s9+$0x2440];
	_ =	sdelay $0x4  }
0x4d: {  	[tilespmem:$0x1F9E0] =	vst v63;
	v63 =	vld [tilespmem:s9+$0x450];
	_ =	sdelay $0x4  }
0x4e: {  	[tilespmem:$0x1FA10] =	vst v63;
	v63 =	vld [tilespmem:s9+$0x2450];
	_ =	sdelay $0x4  }
0x4f: {  	[tilespmem:$0x1FA20] =	vst v63;
	v63 =	vld [tilespmem:s9+$0x460];
	_ =	sdelay $0x4  }
0x50: {  	[tilespmem:$0x1FA50] =	vst v63;
	v63 =	vld [tilespmem:s9+$0x2460];
	_ =	sdelay $0x4  }
0x51: {  	[tilespmem:$0x1FA60] =	vst v63;
	v63 =	vld [tilespmem:s9+$0x470];
	_ =	sdelay $0x4  }
0x52: {  	[tilespmem:$0x1FA90] =	vst v63;
	v63 =	vld [tilespmem:s9+$0x2470];
	_ =	sdelay $0x4  }
0x53: {  	[tilespmem:$0x1FAA0] =	vst v63;
	v63 =	vld [tilespmem:s9+$0x480];
	_ =	sdelay $0x4  }
0x54: {  	[tilespmem:$0x1F990] =	vst v63;
	v63 =	vld [tilespmem:s9+$0x2480];
	_ =	sdelay $0x4  }
0x55: {  	[tilespmem:$0x1F9A0] =	vst v63;
	v63 =	vld [tilespmem:s9+$0x490];
	_ =	sdelay $0x4  }
0x56: {  	[tilespmem:$0x1F9B0] =	vst v63;
	v63 =	vld [tilespmem:s9+$0x2490];
	_ =	sdelay $0x4  }
0x57: {  	[tilespmem:$0x1F9C0] =	vst v63;
	v63 =	vld [tilespmem:s9+$0x4A0];
	_ =	sdelay $0x4  }
0x58: {  	[tilespmem:$0x1F9F0] =	vst v63;
	v63 =	vld [tilespmem:s9+$0x24A0];
	_ =	sdelay $0x4  }
0x59: {  	[tilespmem:$0x1FA00] =	vst v63;
	v63 =	vld [tilespmem:s9+$0x4B0];
	_ =	sdelay $0x4  }
0x5a: {  	[tilespmem:$0x1FA30] =	vst v63;
	v63 =	vld [tilespmem:s9+$0x24B0];
	_ =	sdelay $0x4  }
0x5b: {  	[tilespmem:$0x1FA40] =	vst v63;
	v63 =	vld [tilespmem:s9+$0x4C0];
	_ =	sdelay $0x4  }
0x5c: {  	[tilespmem:$0x1FA70] =	vst v63;
	v63 =	vld [tilespmem:s9+$0x24C0];
	_ =	sdelay $0x4  }
0x5d: {  	[tilespmem:$0x1FA80] =	vst v63;
	v63 =	vld [tilespmem:s9+$0x4D0];
	_ =	sdelay $0x4  }
0x5e: {  	[tilespmem:$0x1FAB0] =	vst v63;
	v63 =	vld [tilespmem:s9+$0x24D0];
	_ =	sdelay $0x4  }
0x5f: {  	[tilespmem:$0x1FAC0] =	vst v63;
	v63 =	vld [tilespmem:s9+$0x4E0];
	_ =	sdelay $0x4  }
0x60: {  	[tilespmem:$0x1FAD0] =	vst v63;
	v63 =	vld [tilespmem:s9+$0x24E0];
	_ =	sdelay $0x4  }
0x61: {  	[tilespmem:$0x1FAE0] =	vst v63;
	v63 =	vld [tilespmem:s9+$0x4F0];
	_ =	sdelay $0x4  }
0x62: {  	[tilespmem:$0x1FB30] =	vst v63;
	v63 =	vld [tilespmem:s9+$0x24F0];
	_ =	sdelay $0x4  }
0x63: {  	[tilespmem:$0x1FB40] =	vst v63;
	v63 =	vld [tilespmem:s9+$0x500];
	_ =	sdelay $0x4  }
0x64: {  	[tilespmem:$0x1FAF0] =	vst v63;
	v63 =	vld [tilespmem:s9+$0x2500];
	_ =	sdelay $0x2  }
0x65: {  	v17 =	vld [tilespmem:s9+$0x200]  }
0x66: {  	v16 =	vld [tilespmem:s9+$0x2200]  }
0x67: {  	[tilespmem:$0x1FB00] =	vst v63;
	v63 =	vld [tilespmem:s9+$0x510]  }
0x68: {  	v15 =	vld [tilespmem:s9+$0x210]  }
0x69: {  	v14 =	vld [tilespmem:s9+$0x2210]  }
0x6a: {  	v24 =	vld [tilespmem:s9+$0x220]  }
0x6b: {  	v20 =	vld [tilespmem:s9+$0x2220]  }
0x6c: {  	[tilespmem:$0x1FB10] =	vst v63;
	v63 =	vld [tilespmem:s9+$0x2510]  }
0x6d: {  	v33 =	vld [tilespmem:s9+$0x230]  }
0x6e: {  	v32 =	vld [tilespmem:s9+$0x2230]  }
0x6f: {  	v40 =	vld [tilespmem:s9+$0x240]  }
0x70: {  	v36 =	vld [tilespmem:s9+$0x2240]  }
0x71: {  	[tilespmem:$0x1FB20] =	vst v63;
	v63 =	vld [tilespmem:s9+$0x520]  }
0x72: {  	v46 =	vld [tilespmem:s9+$0x250]  }
0x73: {  	v44 =	vld [tilespmem:s9+$0x2250]  }
0x74: {  	v51 =	vld [tilespmem:s9+$0x260]  }
0x75: {  	v50 =	vld [tilespmem:s9+$0x2260]  }
0x76: {  	[tilespmem:$0x1FB50] =	vst v63;
	v63 =	vld [tilespmem:s9+$0x2520]  }
0x77: {  	v57 =	vld [tilespmem:s9+$0x270]  }
0x78: {  	v56 =	vld [tilespmem:s9+$0x2270]  }
0x79: {  	v7 =	vld [tilespmem:s9+$0x280]  }
0x7a: {  	v6 =	vld [tilespmem:s9+$0x2280]  }
0x7b: {  	[tilespmem:$0x1FB60] =	vst v63;
	v63 =	vld [tilespmem:s9+$0x530]  }
0x7c: {  	v5 =	vld [tilespmem:s9+$0x290]  }
0x7d: {  	v4 =	vld [tilespmem:s9+$0x2290]  }
0x7e: {  	v9 =	vld [tilespmem:s9+$0x2A0]  }
0x7f: {  	v8 =	vld [tilespmem:s9+$0x22A0]  }
0x80: {  	[tilespmem:$0x1FB70] =	vst v63;
	v63 =	vld [tilespmem:s9+$0x2530]  }
0x81: {  	v11 =	vld [tilespmem:s9+$0x2B0]  }
0x82: {  	v10 =	vld [tilespmem:s9+$0x22B0]  }
0x83: {  	v13 =	vld [tilespmem:s9+$0x2C0]  }
0x84: {  	v12 =	vld [tilespmem:s9+$0x22C0]  }
0x85: {  	[tilespmem:$0x1FB80] =	vst v63;
	v63 =	vld [tilespmem:s9+$0x540]  }
0x86: {  	v19 =	vld [tilespmem:s9+$0x2D0]  }
0x87: {  	v18 =	vld [tilespmem:s9+$0x22D0]  }
0x88: {  	v31 =	vld [tilespmem:s9+$0x2E0]  }
0x89: {  	v30 =	vld [tilespmem:s9+$0x22E0]  }
0x8a: {  	[tilespmem:$0x1FBD0] =	vst v63;
	v63 =	vld [tilespmem:s9+$0x2540]  }
0x8b: {  	v42 =	vld [tilespmem:s9+$0x2F0]  }
0x8c: {  	v38 =	vld [tilespmem:s9+$0x22F0]  }
0x8d: {  	v29 =	vld [tilespmem:s9+$0x300]  }
0x8e: {  	v28 =	vld [tilespmem:s9+$0x2300]  }
0x8f: {  	[tilespmem:$0x1FBE0] =	vst v63;
	v63 =	vld [tilespmem:s9+$0x550]  }
0x90: {  	v25 =	vld [tilespmem:s9+$0x310]  }
0x91: {  	v21 =	vld [tilespmem:s9+$0x2310]  }
0x92: {  	v35 =	vld [tilespmem:s9+$0x320]  }
0x93: {  	v34 =	vld [tilespmem:s9+$0x2320]  }
0x94: {  	[tilespmem:$0x1FC10] =	vst v63;
	v63 =	vld [tilespmem:s9+$0x2550]  }
0x95: {  	v43 =	vld [tilespmem:s9+$0x330]  }
0x96: {  	v41 =	vld [tilespmem:s9+$0x2330]  }
0x97: {  	v49 =	vld [tilespmem:s9+$0x340]  }
0x98: {  	v48 =	vld [tilespmem:s9+$0x2340]  }
0x99: {  	[tilespmem:$0x1FC20] =	vst v63;
	v63 =	vld [tilespmem:s9+$0x560]  }
0x9a: {  	v55 =	vld [tilespmem:s9+$0x350]  }
0x9b: {  	v54 =	vld [tilespmem:s9+$0x2350]  }
0x9c: {  	v61 =	vld [tilespmem:s9+$0x360]  }
0x9d: {  	v60 =	vld [tilespmem:s9+$0x2360]  }
0x9e: {  	[tilespmem:$0x1FC50] =	vst v63;
	v63 =	vld [tilespmem:s9+$0x2560]  }
0x9f: {  	v22 =	vld [tilespmem:s9+$0x370]  }
0xa0: {  	v62 =	vld [tilespmem:s9+$0x2370]  }
0xa1: {  	v26 =	vld [tilespmem:s9+$0x380]  }
0xa2: {  	v27 =	vld [tilespmem:s9+$0x390]  }
0xa3: {  	[tilespmem:$0x1FC60] =	vst v63;
	v63 =	vld [tilespmem:s9+$0x570]  }
0xa4: {  	v23 =	vld [tilespmem:s9+$0x2390]  }
0xa5: {  	v39 =	vld [tilespmem:s9+$0x3A0]  }
0xa6: {  	v37 =	vld [tilespmem:s9+$0x23A0]  }
0xa7: {  	v47 =	vld [tilespmem:s9+$0x3B0]  }
0xa8: {  	[tilespmem:$0x1FCD0] =	vst v63;
	v63 =	vld [tilespmem:s9+$0x2570]  }
0xa9: {  	v45 =	vld [tilespmem:s9+$0x23B0]  }
0xaa: {  	v53 =	vld [tilespmem:s9+$0x3C0]  }
0xab: {  	v52 =	vld [tilespmem:s9+$0x23C0]  }
0xac: {  	v59 =	vld [tilespmem:s9+$0x3D0]  }
0xad: {  	[tilespmem:$0x1FCE0] =	vst v63;
	v63 =	vld [tilespmem:s9+$0x580]  }
0xae: {  	v58 =	vld [tilespmem:s9+$0x23D0]  }
0xaf: {  	[tilespmem:$0x1F8C0] =	vst v22;
	v22 =	vld [tilespmem:s9+$0x2380]  }
0xb0: {  	[tilespmem:$0x1F8D0] =	vst v62;
	v62 =	vld [tilespmem:s9+$0x3E0]  }
0xb1: {  	v4 =	vmul.f32 v4, v5;
	v5 =	vld [tilespmem:s9+$0x2690]  }
0xb2: {  	[tilespmem:$0x1FB90] =	vst v63;
	v63 =	vld [tilespmem:s9+$0x2580]  }
0xb3: {  	v16 =	vmul.f32 v16, v17;
	v17 =	vmul.f32 v20, v24;
	v20 =	vld [tilespmem:s9+$0x6A0]  }
0xb4: {  	v14 =	vmul.f32 v14, v15;
	v15 =	vmul.f32 v32, v33;
	v33 =	vld [tilespmem:s9+$0x26C0]  }
0xb5: {  	v32 =	vmul.f32 v12, v13;
	v12 =	vld [tilespmem:s9+$0x6E0]  }
0xb6: {  	v6 =	vmul.f32 v6, v7;
	v13 =	vmul.f32 v30, v31;
	v30 =	vld [tilespmem:s9+$0x710]  }
0xb7: {  	v24 =	vmul.f32 v8, v9;
	[tilespmem:$0x1FBA0] =	vst v63;
	v63 =	vld [tilespmem:s9+$0x590]  }
0xb8: {  	v37 =	vmul.f32 v37, v39;
	v39 =	vmul.f32 v54, v55;
	v54 =	vld [tilespmem:s9+$0x2750];
	v4 =	vadd.f32 v4, v6  }
0xb9: {  	v51 =	vmul.f32 v50, v51;
	v50 =	vld [tilespmem:$0x1F8D0]  }
0xba: {  	v4 =	vadd.f32 v24, v4;
	v24 =	vld [tilespmem:s9+$0x6C0]  }
0xbb: {  	[tilespmem:$0x1F8E0] =	vst v62;
	v62 =	vld [tilespmem:s9+$0x23E0]  }
0xbc: {  	[tilespmem:$0x1FBB0] =	vst v63;
	v63 =	vld [tilespmem:s9+$0x2590]  }
0xbd: {  	[tilespmem:$0x1FD80] =	vst v5;
	v5 =	vadd.f32 v14, v16;
	v14 =	vld [tilespmem:s9+$0x26A0]  }
0xbe: {  	[tilespmem:$0x1FDB0] =	vst v20;
	v20 =	vmul.f32 v36, v40;
	v40 =	vld [tilespmem:s9+$0x6D0]  }
0xbf: {  	v36 =	vmul.f32 v44, v46;
	v46 =	vld [tilespmem:s9+$0x26D0]  }
0xc0: {  	v44 =	vmul.f32 v18, v19;
	v18 =	vmul.f32 v56, v57;
	v56 =	vld [tilespmem:s9+$0x26F0]  }
0xc1: {  	[tilespmem:$0x1FBC0] =	vst v63;
	v63 =	vld [tilespmem:s9+$0x5A0]  }
0xc2: {  	[tilespmem:$0x1FE50] =	vst v33;
	v33 =	vld [tilespmem:s9+$0x2710]  }
0xc3: {  	v19 =	vmul.f32 v38, v42;
	v38 =	vld [tilespmem:s9+$0x2720]  }
0xc4: {  	v57 =	vld [tilespmem:s9+$0x760]  }
0xc5: {  	v16 =	vmul.f32 v10, v11;
	v5 =	vadd.f32 v17, v5;
	v17 =	vld [tilespmem:s9+$0x26B0]  }
0xc6: {  	[tilespmem:$0x1FBF0] =	vst v63;
	v63 =	vld [tilespmem:s9+$0x25A0]  }
0xc7: {  	v4 =	vadd.f32 v16, v4;
	v16 =	vmul.f32 v21, v25;
	v21 =	vld [tilespmem:s9+$0x700]  }
0xc8: {  	v5 =	vadd.f32 v15, v5;
	[tilespmem:$0x1FE40] =	vst v24;
	v15 =	vmul.f32 v28, v29;
	v24 =	vld [tilespmem:s9+$0x2700]  }
0xc9: {  	v28 =	vmul.f32 v41, v43;
	v41 =	vmul.f32 v45, v47;
	v43 =	vld [tilespmem:s9+$0x2730]  }
0xca: {  	v47 =	vmul.f32 v52, v53;
	v52 =	vmul.f32 v58, v59;
	v58 =	vld [tilespmem:$0x1F8E0]  }
0xcb: {  	[tilespmem:$0x1FC00] =	vst v63;
	v63 =	vld [tilespmem:s9+$0x5B0]  }
0xcc: {  	v59 =	vld [tilespmem:s9+$0x2760]  }
0xcd: {  	[tilespmem:$0x1FDC0] =	vst v14;
	v14 =	vld [tilespmem:s9+$0x26E0]  }
0xce: {  	[tilespmem:$0x1FE80] =	vst v40;
	v40 =	vld [tilespmem:s9+$0x730]  }
0xcf: {  	[tilespmem:$0x1FE90] =	vst v46;
	v46 =	vld [tilespmem:s9+$0x740]  }
0xd0: {  	v4 =	vadd.f32 v32, v4;
	[tilespmem:$0x1FC30] =	vst v63;
	v63 =	vld [tilespmem:s9+$0x25B0]  }
0xd1: {  	v5 =	vadd.f32 v20, v5;
	v20 =	vmul.f32 v34, v35;
	v34 =	vmul.f32 v48, v49;
	v48 =	vld [tilespmem:s9+$0x2740]  }
0xd2: {  	v49 =	vld [tilespmem:$0x1F8C0]  }
0xd3: {  	v4 =	vadd.f32 v44, v4;
	v44 =	vmul.f32 v60, v61;
	v60 =	vld [tilespmem:$0x1F8F0]  }
0xd4: {  	v61 =	vld [tilespmem:$0x1F900]  }
0xd5: {  	[tilespmem:$0x1FC40] =	vst v63;
	v63 =	vld [tilespmem:s9+$0x5C0]  }
0xd6: {  	v7 =	vadd.f32 v16, v15;
	v15 =	vld [tilespmem:$0x1F910]  }
0xd7: {  	v31 =	vmul.f32 v23, v27;
	v29 =	vmul.f32 v22, v26;
	[tilespmem:$0x1FE10] =	vst v17;
	v17 =	vld [tilespmem:s9+$0x6F0]  }
0xd8: {  	v5 =	vadd.f32 v36, v5;
	v4 =	vadd.f32 v13, v4;
	v36 =	vld [tilespmem:s9+$0x720]  }
0xd9: {  	v8 =	vadd.f32 v31, v29;
	v25 =	vadd.f32 v20, v7;
	[tilespmem:$0x1FF00] =	vst v24;
	v24 =	vld [tilespmem:s9+$0x2780]  }
0xda: {  	v5 =	vadd.f32 v51, v5;
	v4 =	vadd.f32 v19, v4;
	[tilespmem:$0x1FC70] =	vst v63;
	v63 =	vld [tilespmem:s9+$0x25C0]  }
0xdb: {  	v8 =	vadd.f32 v37, v8;
	v6 =	vadd.f32 v28, v25;
	v51 =	vld [tilespmem:s9+$0x750]  }
0xdc: {  	[tilespmem:$0x1FED0] =	vst v14;
	v14 =	vld [tilespmem:s9+$0x770];
	v5 =	vadd.f32 v18, v5;
	v35 =	vperm.xlane v4, v0  }
0xdd: {  	v8 =	vadd.f32 v41, v8;
	v19 =	vld [tilespmem:s9+$0x2770];
	v6 =	vadd.f32 v34, v6  }
0xde: {  	v16 =	vld [tilespmem:$0x1F920];
	v32 =	vperm.xlane v5, v0;
	v4 =	vadd.f32 v4, v35  }
0xdf: {  	v8 =	vadd.f32 v47, v8;
	v6 =	vadd.f32 v39, v6;
	[tilespmem:$0x1FC80] =	vst v63;
	v63 =	vld [tilespmem:s9+$0x5D0]  }
0xe0: {  	v9 =	vmul.f32 v62, v58;
	v35 =	vld [tilespmem:s9+$0x780];
	v5 =	vadd.f32 v5, v32;
	v45 =	vperm.xlane v4, v1  }
0xe1: {  	v7 =	vmul.f32 v50, v49;
	v8 =	vadd.f32 v52, v8;
	[tilespmem:$0x1FFD0] =	vst v14;
	v14 =	vld [tilespmem:s9+$0x7B0];
	v6 =	vadd.f32 v44, v6  }
0xe2: {  	[tilespmem:$0x1FFE0] =	vst v19;
	v19 =	vld [tilespmem:s9+$0x27D0];
	v42 =	vperm.xlane v5, v1;
	v4 =	vadd.f32 v4, v45  }
0xe3: {  	[tilespmem:$0x1FEE0] =	vst v17;
	v8 =	vadd.f32 v9, v8;
	v17 =	vld [tilespmem:$0x1F930];
	v6 =	vadd.f32 v7, v6;
	v7 =	vmul.f32 v61, v60  }
0xe4: {  	v5 =	vadd.f32 v5, v42;
	v55 =	vperm.xlane v4, v2;
	[tilespmem:$0x1FCF0] =	vst v63;
	v63 =	vld [tilespmem:s9+$0x25D0]  }
0xe5: {  	v22 =	vadd.f32 v7, v8;
	v8 =	vld [tilespmem:s9+$0x790]  }
0xe6: {  	v18 =	vld [tilespmem:$0x1F940];
	v53 =	vperm.xlane v5, v2;
	v4 =	vadd.f32 v4, v55  }
0xe7: {  	[tilespmem:$0x1FEC0] =	vst v12;
	v62 =	vperm.xlane v6, v0;
	v7 =	vld [tilespmem:s9+$0x7A0]  }
0xe8: {  	[tilespmem:$0x1FEF0] =	vst v21;
	v5 =	vadd.f32 v5, v53;
	v21 =	vperm.xlane v4, v3;
	v28 =	vld [tilespmem:$0x1F950]  }
0xe9: {  	v6 =	vadd.f32 v6, v62;
	[tilespmem:$0x1FD00] =	vst v63;
	v63 =	vld [tilespmem:s9+$0x5E0]  }
0xea: {  	[tilespmem:$0x1FF20] =	vst v33;
	v33 =	vperm.xlane v22, v0;
	v20 =	vperm.xlane v5, v3;
	v12 =	vadd.f32 v4, v21;
	v21 =	vld [tilespmem:s9+$0x27B0]  }
0xeb: {  	v11 =	vmul.f32 v18, v17;
	v4 =	vperm.xlane v6, v1;
	v18 =	vld [tilespmem:s9+$0x27C0]  }
0xec: {  	[tilespmem:$0x1FF10] =	vst v30;
	v13 =	vadd.f32 v22, v33;
	v30 =	vadd.f32 v5, v20;
	v5 =	vld [tilespmem:$0x1F970]  }
0xed: {  	v9 =	vmul.f32 v16, v15;
	v6 =	vadd.f32 v6, v4;
	v31 =	vld [tilespmem:$0x1F980]  }
0xee: {  	v45 =	vperm.xlane v13, v1;
	[tilespmem:$0x1FD10] =	vst v63;
	v63 =	vld [tilespmem:s9+$0x25E0]  }
0xef: {  	v23 =	vadd.f32 v11, v9;
	v42 =	vperm.xlane v6, v2;
	v11 =	vsel vm0, v30, v12;
	v12 =	vld [tilespmem:s9+$0x27F0]  }
0xf0: {  	v13 =	vadd.f32 v13, v45;
	v29 =	vld [tilespmem:$0x1F960]  }
0xf1: {  	v17 =	vadd.f32 v6, v42;
	v6 =	vld [tilespmem:s9+$0x7C0]  }
0xf2: {  	[tilespmem:$0x1FFC0] =	vst v59;
	v59 =	vperm.xlane v13, v2;
	v32 =	vmul.f32 v31, v5;
	v5 =	vld [tilespmem:s9+$0x2790]  }
0xf3: {  	[tilespmem:$0x1FD20] =	vst v63;
	v63 =	vld [tilespmem:s9+$0x5F0]  }
0xf4: {  	v25 =	vadd.f32 v13, v59;
	v13 =	vld [tilespmem:s9+$0x7F0]  }
0xf5: {  	v4 =	vld [tilespmem:$0x1F990]  }
0xf6: {  	v34 =	vld [tilespmem:$0x1F9A0]  }
0xf7: {  	v39 =	vld [tilespmem:$0x1F9E0]  }
0xf8: {  	v24 =	vmul.f32 v24, v35;
	v5 =	vmul.f32 v5, v8;
	[tilespmem:$0x1FDD0] =	vst v63;
	v63 =	vld [tilespmem:s9+$0x25F0]  }
0xf9: {  	v8 =	vld [tilespmem:s9+$0x2920]  }
0xfa: {  	v5 =	vadd.f32 v5, v24;
	v24 =	vld [tilespmem:s9+$0x2930]  }
0xfb: {  	[tilespmem:$0x1FF30] =	vst v36;
	v36 =	vmul.f32 v34, v4;
	v4 =	vld [tilespmem:$0x1F9B0]  }
0xfc: {  	v37 =	vld [tilespmem:$0x1F9C0]  }
0xfd: {  	[tilespmem:$0x1FDE0] =	vst v63;
	v63 =	vld [tilespmem:s9+$0x600]  }
0xfe: {  	[tilespmem:$0x1FF60] =	vst v43;
	v43 =	vld [tilespmem:$0x1FA10]  }
0xff: {  	v44 =	vld [tilespmem:$0x1FA20]  }
0x100: {  	[tilespmem:$0x1FF80] =	vst v48;
	v48 =	vld [tilespmem:$0x1FA50]  }
0x101: {  	[tilespmem:$0x1FF40] =	vst v38;
	v38 =	vmul.f32 v37, v4;
	v4 =	vld [tilespmem:$0x1F9D0]  }
0x102: {  	v9 =	vmul.f32 v29, v28;
	[tilespmem:$0x1FC90] =	vst v63;
	v63 =	vld [tilespmem:s9+$0x2600]  }
0x103: {  	v49 =	vld [tilespmem:$0x1FA60]  }
0x104: {  	v9 =	vadd.f32 v9, v23;
	v55 =	vld [tilespmem:$0x1FA90]  }
0x105: {  	[tilespmem:$0x1FFB0] =	vst v57;
	v57 =	vld [tilespmem:$0x1FAA0]  }
0x106: {  	v9 =	vadd.f32 v32, v9;
	v10 =	vmul.f32 v39, v4;
	v4 =	vld [tilespmem:s9+$0x27A0]  }
0x107: {  	[tilespmem:$0x1FCA0] =	vst v63;
	v63 =	vld [tilespmem:s9+$0x610]  }
0x108: {  	[tilespmem:$0x1FF50] =	vst v40;
	v40 =	vld [tilespmem:$0x1F9F0];
	v9 =	vadd.f32 v10, v9;
	v10 =	vmul.f32 v44, v43  }
0x109: {  	v41 =	vld [tilespmem:$0x1FA00]  }
0x10a: {  	v10 =	vadd.f32 v10, v9;
	v9 =	vld [tilespmem:s9+$0x7D0]  }
0x10b: {  	[tilespmem:$0x1FF70] =	vst v46;
	v50 =	vmul.f32 v49, v48;
	v46 =	vld [tilespmem:$0x1FA30];
	v4 =	vmul.f32 v4, v7  }
0x10c: {  	[tilespmem:$0x1FCB0] =	vst v63;
	v63 =	vld [tilespmem:s9+$0x2610]  }
0x10d: {  	[tilespmem:$0x1FFA0] =	vst v54;
	v54 =	vadd.f32 v50, v10;
	v10 =	vld [tilespmem:s9+$0x7E0];
	v4 =	vadd.f32 v4, v5;
	v5 =	vmul.f32 v21, v14  }
0x10e: {  	v14 =	vld [tilespmem:s9+$0x2940]  }
0x10f: {  	v4 =	vadd.f32 v5, v4;
	v5 =	vmul.f32 v18, v6;
	v6 =	vld [tilespmem:s9+$0x2950]  }
0x110: {  	v9 =	vmul.f32 v19, v9;
	v19 =	vld [tilespmem:s9+$0x2960]  }
0x111: {  	[tilespmem:$0x1FCC0] =	vst v63;
	v63 =	vld [tilespmem:s9+$0x620]  }
0x112: {  	v47 =	vld [tilespmem:$0x1FA40]  }
0x113: {  	[tilespmem:$0x1FF90] =	vst v51;
	v51 =	vld [tilespmem:$0x1FA70]  }
0x114: {  	v52 =	vld [tilespmem:$0x1FA80]  }
0x115: {  	v60 =	vld [tilespmem:$0x1FAB0]  }
0x116: {  	[tilespmem:$0x1FD30] =	vst v63;
	v63 =	vld [tilespmem:s9+$0x2620]  }
0x117: {  	v58 =	vmul.f32 v57, v55;
	v15 =	vadd.f32 v38, v36;
	v16 =	vmul.f32 v41, v40;
	v61 =	vld [tilespmem:$0x1FAC0]  }
0x118: {  	v27 =	vld [tilespmem:$0x1FAD0]  }
0x119: {  	v15 =	vadd.f32 v16, v15;
	v22 =	vadd.f32 v58, v54;
	v16 =	vmul.f32 v47, v46;
	v28 =	vld [tilespmem:$0x1FAE0]  }
0x11a: {  	v37 =	vld [tilespmem:$0x1FB30]  }
0x11b: {  	v36 =	vperm.xlane v22, v0;
	v15 =	vadd.f32 v16, v15;
	v16 =	vmul.f32 v52, v51;
	[tilespmem:$0x1FD40] =	vst v63;
	v63 =	vld [tilespmem:s9+$0x630]  }
0x11c: {  	v38 =	vld [tilespmem:$0x1FB40]  }
0x11d: {  	v26 =	vadd.f32 v22, v36;
	v22 =	vld [tilespmem:s9+$0x2800];
	v15 =	vadd.f32 v16, v15;
	v62 =	vmul.f32 v61, v60  }
0x11e: {  	v16 =	vld [tilespmem:s9+$0x27E0]  }
0x11f: {  	v15 =	vadd.f32 v62, v15;
	v29 =	vmul.f32 v28, v27;
	v28 =	vld [tilespmem:s9+$0x2820]  }
0x120: {  	[tilespmem:$0x1FD90] =	vst v63;
	v63 =	vld [tilespmem:s9+$0x2630]  }
0x121: {  	v20 =	vadd.f32 v29, v15;
	v15 =	vld [tilespmem:s9+$0x800];
	v27 =	vmul.f32 v38, v37  }
0x122: {  	v30 =	vld [tilespmem:$0x1FAF0]  }
0x123: {  	v20 =	vadd.f32 v27, v20;
	v27 =	vld [tilespmem:s9+$0x2810]  }
0x124: {  	v31 =	vld [tilespmem:$0x1FB00]  }
0x125: {  	[tilespmem:$0x1FDA0] =	vst v63;
	v63 =	vld [tilespmem:s9+$0x640]  }
0x126: {  	v33 =	vld [tilespmem:$0x1FB10]  }
0x127: {  	v34 =	vld [tilespmem:$0x1FB20]  }
0x128: {  	v40 =	vld [tilespmem:$0x1FB50]  }
0x129: {  	v41 =	vld [tilespmem:$0x1FB60]  }
0x12a: {  	v53 =	vperm.xlane v17, v3;
	[tilespmem:$0x1FDF0] =	vst v63;
	v63 =	vld [tilespmem:s9+$0x2640]  }
0x12b: {  	v43 =	vld [tilespmem:$0x1FB70]  }
0x12c: {  	v17 =	vadd.f32 v17, v53;
	v44 =	vld [tilespmem:$0x1FB80]  }
0x12d: {  	v54 =	vld [tilespmem:$0x1FBD0]  }
0x12e: {  	v11 =	vsel vm1, v11, v17;
	v32 =	vmul.f32 v31, v30;
	v17 =	vmul.f32 v34, v33;
	v55 =	vld [tilespmem:$0x1FBE0]  }
0x12f: {  	[tilespmem:$0x1FE00] =	vst v63;
	v63 =	vld [tilespmem:s9+$0x650]  }
0x130: {  	v49 =	vperm.xlane v26, v1;
	v23 =	vadd.f32 v17, v32;
	v42 =	vmul.f32 v41, v40;
	v60 =	vld [tilespmem:$0x1FC10]  }
0x131: {  	v61 =	vld [tilespmem:$0x1FC20]  }
0x132: {  	v31 =	vadd.f32 v26, v49;
	v26 =	vld [tilespmem:s9+$0x840];
	v29 =	vadd.f32 v42, v23;
	v45 =	vmul.f32 v44, v43  }
0x133: {  	v33 =	vld [tilespmem:s9+$0x2850]  }
0x134: {  	v53 =	vadd.f32 v45, v29;
	v29 =	vmul.f32 v55, v54;
	[tilespmem:$0x1FE20] =	vst v63;
	v63 =	vld [tilespmem:s9+$0x2650]  }
0x135: {  	v46 =	vld [tilespmem:$0x1FB90]  }
0x136: {  	v59 =	vadd.f32 v29, v53;
	v62 =	vmul.f32 v61, v60;
	v47 =	vld [tilespmem:$0x1FBA0]  }
0x137: {  	v34 =	vld [tilespmem:s9+$0x2860]  }
0x138: {  	v32 =	vadd.f32 v62, v59;
	v59 =	vld [tilespmem:$0x1FCE0]  }
0x139: {  	[tilespmem:$0x1FE30] =	vst v63;
	v63 =	vld [tilespmem:s9+$0x660]  }
0x13a: {  	v50 =	vld [tilespmem:$0x1FBB0]  }
0x13b: {  	v48 =	vmul.f32 v47, v46;
	v46 =	vld [tilespmem:$0x1FC50]  }
0x13c: {  	v51 =	vld [tilespmem:$0x1FBC0]  }
0x13d: {  	v57 =	vld [tilespmem:$0x1FBF0]  }
0x13e: {  	[tilespmem:$0x1FE60] =	vst v63;
	v63 =	vld [tilespmem:s9+$0x2660]  }
0x13f: {  	v39 =	vperm.xlane v25, v3;
	v58 =	vld [tilespmem:$0x1FC00]  }
0x140: {  	v42 =	vld [tilespmem:$0x1FC30]  }
0x141: {  	v25 =	vadd.f32 v25, v39;
	v43 =	vld [tilespmem:$0x1FC40]  }
0x142: {  	v49 =	vld [tilespmem:$0x1FC70]  }
0x143: {  	v52 =	vperm.xlane v20, v0;
	v40 =	vsel vm2, v11, v25;
	v11 =	vmul.f32 v51, v50;
	[tilespmem:$0x1FE70] =	vst v63;
	v63 =	vld [tilespmem:s9+$0x670]  }
0x144: {  	v50 =	vld [tilespmem:$0x1FC80]  }
0x145: {  	v20 =	vadd.f32 v20, v52;
	v11 =	vadd.f32 v11, v48;
	v30 =	vmul.f32 v58, v57;
	v60 =	vld [tilespmem:$0x1FCF0]  }
0x146: {  	v61 =	vld [tilespmem:$0x1FD00]  }
0x147: {  	v45 =	vperm.xlane v20, v1;
	v47 =	vld [tilespmem:$0x1FC60];
	v11 =	vadd.f32 v30, v11;
	v44 =	vmul.f32 v43, v42  }
0x148: {  	[tilespmem:$0x1FEA0] =	vst v63;
	v63 =	vld [tilespmem:s9+$0x2670]  }
0x149: {  	v38 =	vadd.f32 v20, v45;
	v58 =	vld [tilespmem:$0x1FCD0];
	v11 =	vadd.f32 v44, v11;
	v20 =	vmul.f32 v50, v49  }
0x14a: {  	v62 =	vld [tilespmem:$0x1FD10]  }
0x14b: {  	v11 =	vadd.f32 v20, v11;
	v20 =	vmul.f32 v61, v60;
	v61 =	vld [tilespmem:$0x1FDB0]  }
0x14c: {  	v45 =	vld [tilespmem:$0x1FD20]  }
0x14d: {  	[tilespmem:$0x1FEB0] =	vst v63;
	v63 =	vld [tilespmem:s9+$0x680]  }
0x14e: {  	v51 =	vld [tilespmem:$0x1FC90]  }
0x14f: {  	v52 =	vld [tilespmem:$0x1FCA0]  }
0x150: {  	v48 =	vmul.f32 v47, v46;
	v54 =	vld [tilespmem:$0x1FCB0]  }
0x151: {  	v55 =	vld [tilespmem:$0x1FCC0]  }
0x152: {  	v36 =	vadd.f32 v48, v32;
	v48 =	vadd.f32 v20, v11;
	v42 =	vmul.f32 v45, v62;
	[tilespmem:$0x1FD50] =	vst v63;
	v63 =	vld [tilespmem:s9+$0x2680]  }
0x153: {  	v62 =	vld [tilespmem:$0x1FDC0]  }
0x154: {  	v42 =	vadd.f32 v42, v48;
	v48 =	vld [tilespmem:$0x1FDD0]  }
0x155: {  	v46 =	vld [tilespmem:$0x1FD30]  }
0x156: {  	v53 =	vmul.f32 v52, v51;
	v57 =	vmul.f32 v55, v54;
	v47 =	vld [tilespmem:$0x1FD40]  }
0x157: {  	v41 =	vperm.xlane v31, v2;
	[tilespmem:$0x1FD60] =	vst v63;
	v63 =	vld [tilespmem:s9+$0x690]  }
0x158: {  	v37 =	vadd.f32 v57, v53;
	v57 =	vld [tilespmem:$0x1FD90]  }
0x159: {  	v39 =	vadd.f32 v31, v41;
	v41 =	vmul.f32 v59, v58;
	v58 =	vld [tilespmem:$0x1FDA0]  }
0x15a: {  	v53 =	vld [tilespmem:$0x1FD80]  }
0x15b: {  	v49 =	vld [tilespmem:$0x1FD50]  }
0x15c: {  	v43 =	vmul.f32 v47, v46;
	v50 =	vld [tilespmem:$0x1FD60];
	[tilespmem:$0x1FD70] =	vst v63  }
0x15d: {  	v52 =	vld [tilespmem:$0x1FD70]  }
0x15e: {  	v55 =	vadd.f32 v43, v37;
	v59 =	vmul.f32 v58, v57;
	v57 =	vld [tilespmem:$0x1FE40]  }
0x15f: {  	v58 =	vld [tilespmem:$0x1FE50]  }
0x160: {  	v36 =	vadd.f32 v41, v36;
	v41 =	vadd.f32 v59, v55;
	v55 =	vld [tilespmem:$0x1FE30]  }
0x161: {  	v63 =	vld [tilespmem:s9+$0x6B0]  }
0x162: {  	v51 =	vmul.f32 v50, v49;
	v49 =	vld [tilespmem:$0x1FDE0];
	v54 =	vmul.f32 v53, v52  }
0x163: {  	v50 =	vld [tilespmem:$0x1FDF0]  }
0x164: {  	v60 =	vadd.f32 v54, v51;
	v51 =	vld [tilespmem:$0x1FE00]  }
0x165: {  	v52 =	vld [tilespmem:$0x1FE10]  }
0x166: {  	v45 =	vmul.f32 v62, v61;
	v54 =	vld [tilespmem:$0x1FE20]  }
0x167: {  	v59 =	vld [tilespmem:$0x1FE60]  }
0x168: {  	v46 =	vmul.f32 v49, v48;
	v44 =	vadd.f32 v45, v60;
	v60 =	vld [tilespmem:$0x1FE70]  }
0x169: {  	v17 =	vld [tilespmem:s9+$0x810];
	v43 =	vmul.f32 v51, v50  }
0x16a: {  	v62 =	vld [tilespmem:$0x1FE80];
	v42 =	vadd.f32 v46, v42;
	v45 =	vmul.f32 v52, v63  }
0x16b: {  	v63 =	vld [tilespmem:$0x1FE90];
	v41 =	vadd.f32 v43, v41;
	v43 =	vmul.f32 v55, v54  }
0x16c: {  	v61 =	vperm.xlane v42, v0;
	v44 =	vadd.f32 v45, v44;
	v45 =	vmul.f32 v58, v57;
	v58 =	vld [tilespmem:$0x1FEA0]  }
0x16d: {  	v53 =	vperm.xlane v36, v0;
	v41 =	vadd.f32 v43, v41;
	v43 =	vmul.f32 v60, v59;
	v59 =	vld [tilespmem:$0x1FEB0]  }
0x16e: {  	v42 =	vadd.f32 v42, v61;
	v61 =	vld [tilespmem:$0x1FED0]  }
0x16f: {  	v36 =	vadd.f32 v36, v53;
	v60 =	vld [tilespmem:$0x1FEC0]  }
0x170: {  	v27 =	vmul.f32 v27, v17;
	v17 =	vld [tilespmem:s9+$0x970]  }
0x171: {  	v25 =	vld [tilespmem:s9+$0x830];
	v57 =	vperm.xlane v36, v1;
	v44 =	vadd.f32 v45, v44  }
0x172: {  	v45 =	vmul.f32 v63, v62;
	v41 =	vadd.f32 v43, v41;
	v43 =	vmul.f32 v59, v58;
	v59 =	vld [tilespmem:$0x1FEE0]  }
0x173: {  	v23 =	vld [tilespmem:s9+$0x820]  }
0x174: {  	v31 =	vld [tilespmem:s9+$0x850];
	v36 =	vadd.f32 v36, v57;
	v44 =	vadd.f32 v45, v44;
	v45 =	vmul.f32 v61, v60  }
0x175: {  	v29 =	vld [tilespmem:s9+$0x2830];
	v62 =	vperm.xlane v38, v2  }
0x176: {  	v32 =	vld [tilespmem:s9+$0x860];
	v60 =	vperm.xlane v36, v2;
	v41 =	vadd.f32 v43, v41;
	v44 =	vadd.f32 v45, v44  }
0x177: {  	v30 =	vld [tilespmem:s9+$0x2840];
	v43 =	vadd.f32 v38, v62;
	v62 =	vperm.xlane v39, v3;
	v45 =	vmul.f32 v56, v59  }
0x178: {  	v11 =	vld [tilespmem:s9+$0x870];
	v56 =	vadd.f32 v36, v60  }
0x179: {  	v20 =	vld [tilespmem:s9+$0x2870];
	v60 =	vadd.f32 v39, v62;
	v44 =	vadd.f32 v45, v44;
	v45 =	vperm.xlane v43, v3  }
0x17a: {  	v47 =	vld [tilespmem:s9+$0x2880]  }
0x17b: {  	v40 =	vsel vm3, v40, v60;
	v60 =	vld [tilespmem:$0x1FF00];
	v43 =	vadd.f32 v43, v45  }
0x17c: {  	v62 =	vperm.xlane v44, v0;
	v45 =	vld [tilespmem:$0x1FEF0]  }
0x17d: {  	v40 =	vsel vm4, v40, v43;
	v43 =	vld [tilespmem:$0x1FF10]  }
0x17e: {  	v44 =	vadd.f32 v44, v62;
	v62 =	vld [tilespmem:$0x1FF20]  }
0x17f: {  	v37 =	vld [tilespmem:s9+$0x880]  }
0x180: {  	v49 =	vld [tilespmem:s9+$0x890]  }
0x181: {  	v48 =	vld [tilespmem:s9+$0x8A0];
	v63 =	vperm.xlane v42, v1  }
0x182: {  	v46 =	vld [tilespmem:s9+$0x2890];
	v61 =	vperm.xlane v41, v0  }
0x183: {  	v53 =	vld [tilespmem:s9+$0x8B0];
	v42 =	vadd.f32 v42, v63;
	v45 =	vmul.f32 v60, v45;
	v43 =	vmul.f32 v62, v43  }
0x184: {  	v52 =	vld [tilespmem:s9+$0x8C0];
	v41 =	vadd.f32 v41, v61;
	v62 =	vperm.xlane v44, v1  }
0x185: {  	v54 =	vperm.xlane v42, v2;
	v43 =	vadd.f32 v43, v45;
	v45 =	vld [tilespmem:$0x1FF30]  }
0x186: {  	v61 =	vperm.xlane v56, v3;
	v63 =	vperm.xlane v41, v1;
	v44 =	vadd.f32 v44, v62;
	v62 =	vld [tilespmem:$0x1FF40]  }
0x187: {  	v51 =	vld [tilespmem:s9+$0x28A0];
	v42 =	vadd.f32 v42, v54  }
0x188: {  	v50 =	vld [tilespmem:s9+$0x28B0];
	v54 =	vadd.f32 v56, v61;
	v41 =	vadd.f32 v41, v63  }
0x189: {  	v55 =	vld [tilespmem:s9+$0x28C0]  }
0x18a: {  	v57 =	vld [tilespmem:s9+$0x8D0];
	v40 =	vsel vm5, v40, v54;
	v54 =	vperm.xlane v41, v2  }
0x18b: {  	v58 =	vld [tilespmem:s9+$0x28D0];
	v45 =	vmul.f32 v62, v45  }
0x18c: {  	v41 =	vadd.f32 v41, v54;
	v54 =	vld [tilespmem:$0x1FF60]  }
0x18d: {  	v35 =	vadd.f32 v45, v43;
	v43 =	vld [tilespmem:$0x1FF50]  }
0x18e: {  	v38 =	vld [tilespmem:s9+$0x8E0]  }
0x18f: {  	v59 =	vld [tilespmem:s9+$0x28E0]  }
0x190: {  	v36 =	vld [tilespmem:s9+$0x8F0]  }
0x191: {  	v39 =	vld [tilespmem:s9+$0x28F0];
	v45 =	vperm.xlane v44, v2  }
0x192: {  	v56 =	vld [tilespmem:s9+$0x900];
	v43 =	vmul.f32 v54, v43  }
0x193: {  	v44 =	vadd.f32 v44, v45;
	v45 =	vld [tilespmem:$0x1FF80]  }
0x194: {  	v35 =	vadd.f32 v43, v35;
	v43 =	vld [tilespmem:$0x1FF70]  }
0x195: {  	v61 =	vld [tilespmem:s9+$0x2900];
	v60 =	vperm.xlane v42, v3  }
0x196: {  	v63 =	vld [tilespmem:s9+$0x910];
	v7 =	vperm.xlane v41, v3  }
0x197: {  	v42 =	vadd.f32 v42, v60;
	v60 =	vld [tilespmem:s9+$0x2910]  }
0x198: {  	v7 =	vadd.f32 v41, v7;
	v41 =	vld [tilespmem:$0x1FF90]  }
0x199: {  	v62 =	vld [tilespmem:s9+$0x920];
	v43 =	vmul.f32 v45, v43  }
0x19a: {  	v40 =	vsel vm6, v40, v42;
	v42 =	vld [tilespmem:$0x1FFE0]  }
0x19b: {  	v21 =	vadd.f32 v43, v35;
	v35 =	vperm.xlane v44, v3;
	v43 =	vld [tilespmem:$0x1FFA0]  }
0x19c: {  	v7 =	vsel vm7, v40, v7;
	v40 =	vld [tilespmem:$0x1FFB0]  }
0x19d: {  	v18 =	vadd.f32 v44, v35;
	v44 =	vld [tilespmem:$0x1FFC0]  }
0x19e: {  	v8 =	vmul.f32 v8, v62;
	v62 =	vld [tilespmem:s9+$0x29D0]  }
0x19f: {  	v54 =	vld [tilespmem:s9+$0x930]  }
0x1a0: {  	v12 =	vmul.f32 v12, v13;
	v45 =	vld [tilespmem:s9+$0x940];
	v41 =	vmul.f32 v43, v41  }
0x1a1: {  	v5 =	vadd.f32 v5, v4;
	v29 =	vmul.f32 v29, v25;
	v11 =	vmul.f32 v20, v11;
	v35 =	vld [tilespmem:s9+$0x960]  }
0x1a2: {  	v58 =	vmul.f32 v58, v57;
	v43 =	vld [tilespmem:s9+$0x950];
	v21 =	vadd.f32 v41, v21;
	v40 =	vmul.f32 v44, v40  }
0x1a3: {  	v5 =	vadd.f32 v9, v5;
	v36 =	vmul.f32 v39, v36;
	v44 =	vmul.f32 v22, v15;
	v41 =	vld [tilespmem:$0x1FFD0]  }
0x1a4: {  	v4 =	vsel vm8, v7, v18;
	v15 =	vld [tilespmem:s9+$0x990];
	v18 =	vadd.f32 v40, v21;
	v40 =	vmul.f32 v16, v10  }
0x1a5: {  	v7 =	vadd.f32 v27, v44;
	v44 =	vmul.f32 v28, v23;
	v21 =	vld [tilespmem:s9+$0x980];
	v27 =	vmul.f32 v47, v37  }
0x1a6: {  	v28 =	vmul.f32 v46, v49;
	v23 =	vld [tilespmem:s9+$0x2980];
	v37 =	vmul.f32 v51, v48  }
0x1a7: {  	v46 =	vmul.f32 v50, v53;
	v48 =	vmul.f32 v34, v32;
	v5 =	vadd.f32 v40, v5;
	v40 =	vld [tilespmem:s9+$0x2990]  }
0x1a8: {  	v47 =	vld [tilespmem:s9+$0x29A0];
	v49 =	vmul.f32 v55, v52;
	v51 =	vmul.f32 v61, v56  }
0x1a9: {  	v52 =	vmul.f32 v60, v63;
	v16 =	vmul.f32 v42, v41;
	v42 =	vld [tilespmem:s9+$0x9A0]  }
0x1aa: {  	v50 =	vld [tilespmem:s9+$0x9B0];
	v61 =	vmul.f32 v24, v54;
	v6 =	vmul.f32 v6, v43;
	v7 =	vadd.f32 v44, v7  }
0x1ab: {  	v53 =	vld [tilespmem:s9+$0x29B0];
	v9 =	vadd.f32 v28, v27;
	v44 =	vmul.f32 v33, v31;
	v41 =	vmul.f32 v30, v26  }
0x1ac: {  	v55 =	vld [tilespmem:s9+$0x9C0];
	v5 =	vadd.f32 v12, v5;
	v21 =	vmul.f32 v23, v21;
	v15 =	vmul.f32 v40, v15  }
0x1ad: {  	v56 =	vld [tilespmem:s9+$0x29C0];
	v30 =	vmul.f32 v14, v45;
	v16 =	vadd.f32 v16, v18;
	v18 =	vadd.f32 v52, v51  }
0x1ae: {  	v60 =	vld [tilespmem:s9+$0x9D0];
	v9 =	vadd.f32 v37, v9;
	v13 =	vmul.f32 v47, v42;
	v15 =	vadd.f32 v15, v21  }
0x1af: {  	v10 =	vld [tilespmem:s9+$0x2970];
	v7 =	vadd.f32 v29, v7;
	v29 =	vmul.f32 v59, v38;
	v8 =	vadd.f32 v8, v18  }
0x1b0: {  	v28 =	vld [tilespmem:s9+$0x9E0];
	v63 =	vmul.f32 v53, v50;
	v9 =	vadd.f32 v46, v9;
	v13 =	vadd.f32 v13, v15  }
0x1b1: {  	v31 =	vld [tilespmem:s9+$0x29E0];
	v38 =	vmul.f32 v19, v35;
	v7 =	vadd.f32 v41, v7;
	v8 =	vadd.f32 v61, v8  }
0x1b2: {  	v34 =	vld [tilespmem:s9+$0x29F0];
	v32 =	vmul.f32 v56, v55;
	v9 =	vadd.f32 v49, v9;
	v13 =	vadd.f32 v63, v13  }
0x1b3: {  	v33 =	vld [tilespmem:s9+$0x9F0];
	v37 =	vmul.f32 v62, v60;
	v7 =	vadd.f32 v44, v7;
	v8 =	vadd.f32 v30, v8  }
0x1b4: {  	v41 =	vmul.f32 v10, v17;
	v9 =	vadd.f32 v58, v9;
	v13 =	vadd.f32 v32, v13  }
0x1b5: {  	v43 =	vperm.xlane v5, v0;
	v7 =	vadd.f32 v48, v7;
	v6 =	vadd.f32 v6, v8  }
0x1b6: {  	v40 =	vmul.f32 v31, v28;
	v9 =	vadd.f32 v29, v9;
	v39 =	vadd.f32 v37, v13  }
0x1b7: {  	v42 =	vperm.xlane v16, v0;
	v7 =	vadd.f32 v11, v7;
	v6 =	vadd.f32 v38, v6  }
0x1b8: {  	v12 =	vmul.f32 v34, v33;
	v9 =	vadd.f32 v36, v9;
	v11 =	vadd.f32 v40, v39  }
0x1b9: {  	v10 =	vadd.f32 v16, v42;
	v44 =	vperm.xlane v7, v0;
	v6 =	vadd.f32 v41, v6  }
0x1ba: {  	v5 =	vadd.f32 v5, v43;
	v45 =	vperm.xlane v9, v0;
	v11 =	vadd.f32 v12, v11  }
0x1bb: {  	v46 =	vperm.xlane v10, v1;
	v7 =	vadd.f32 v7, v44;
	v47 =	vperm.xlane v6, v0  }
0x1bc: {  	v48 =	vperm.xlane v5, v1;
	v8 =	vadd.f32 v9, v45;
	v49 =	vperm.xlane v11, v0  }
0x1bd: {  	v10 =	vadd.f32 v10, v46;
	v50 =	vperm.xlane v7, v1;
	v6 =	vadd.f32 v6, v47  }
0x1be: {  	v5 =	vadd.f32 v5, v48;
	v51 =	vperm.xlane v8, v1;
	v9 =	vadd.f32 v11, v49  }
0x1bf: {  	v52 =	vperm.xlane v10, v2;
	v7 =	vadd.f32 v7, v50;
	v53 =	vperm.xlane v6, v1  }
0x1c0: {  	v14 =	vperm.xlane v5, v2;
	v8 =	vadd.f32 v8, v51;
	v54 =	vperm.xlane v9, v1  }
0x1c1: {  	v10 =	vadd.f32 v10, v52;
	v55 =	vperm.xlane v7, v2;
	v6 =	vadd.f32 v6, v53  }
0x1c2: {  	v5 =	vadd.f32 v5, v14;
	v56 =	vperm.xlane v8, v2;
	v9 =	vadd.f32 v9, v54  }
0x1c3: {  	v57 =	vperm.xlane v10, v3;
	v7 =	vadd.f32 v7, v55;
	v58 =	vperm.xlane v6, v2  }
0x1c4: {  	v14 =	vperm.xlane v5, v3;
	v8 =	vadd.f32 v8, v56;
	v59 =	vperm.xlane v9, v2  }
0x1c5: {  	v10 =	vadd.f32 v10, v57;
	v60 =	vperm.xlane v7, v3;
	v6 =	vadd.f32 v6, v58  }
0x1c6: {  	v5 =	vadd.f32 v5, v14;
	v61 =	vperm.xlane v8, v3;
	v9 =	vadd.f32 v9, v59  }
0x1c7: {  	v4 =	vsel vm9, v4, v10;
	v7 =	vadd.f32 v7, v60;
	v62 =	vperm.xlane v6, v3  }
0x1c8: {  	v4 =	vsel vm10, v4, v5;
	v5 =	vadd.f32 v8, v61;
	v63 =	vperm.xlane v9, v3  }
0x1c9: {  	v4 =	vsel vm11, v4, v7;
	v6 =	vadd.f32 v6, v62  }
0x1ca: {  	v4 =	vsel vm12, v4, v5;
	v5 =	vadd.f32 v9, v63  }
0x1cb: {  	v4 =	vsel vm13, v4, v6  }
0x1cc: {  	v4 =	vsel vm14, v4, v5;
	v5 =	vld [tilespmem:$0x1FFF0];
	_ =	sdelay $0x2  }
0x1cd: {  	p2 =	por p1, p1  }
.Ltmp0:
0x1ce: {  	_ = 	snop;
	(pc) =	sbr.rel @p2 .LBB2_3-.Ltmp0, $4  }
0x1cf: {  	_ = 	snop  }
0x1d0: {  	s9 =	sshll.u32 s8, $0x4  }
0x1d1: {  	s8 =	sand.u32 $0x3FFFFFF0, s9  }
0x1d2: {  	p1 =	por $0x0, $0x0;
	[tilespmem:v5+s8+$0x0 ss:$0x1] =	vst.idx.msk $0xffff, v4;
	s8 =	simm.s32 $0x1  }
0x1d3: {  	_ =	swait.ge [sflag:s29], $0x1000  }
0x1d4: {  	[sflag:s29] =	ssyncset.done $0x0  }
0x1d5: {  	[sflag:s29] =	ssyncadd.s32 $0xFFFFF000  }
0x1d6: {  	_ =	swait.ge [sflag:s29], $0x1000  }
0x1d7: {  	[sflag:s29] =	ssyncset.done $0x0  }
0x1d8: {  	[sflag:s29] =	ssyncadd.s32 $0xFFFFF000  }
0x1d9: {  	_ =	swait.ge [sflag:s18], $0x20  }
0x1da: {  	[sflag:s18] =	ssyncset.done $0x0  }
0x1db: {  	[sflag:s18] =	ssyncadd.s32 $0xFFFFFFE0  }
0x1dc: {  	_ =	swait.ge [sflag:s19], $0x20  }
0x1dd: {  	[sflag:s19] =	ssyncset.done $0x0  }
0x1de: {  	s8 =	simm.s32 $0x0;
	s9 =	sadd.s32 s30, s11;
	[sflag:s19] =	ssyncadd.s32 $0xFFFFFFE0  }
0x1df: {  	[tilespmem:s21], [sflag:$0x1] =	stream.indirect.gather [spmem:s3], $0x80, s8, s20, $0xb8;
	[tilespmem:$0x1C900] =	vst v63  }
0x1e0: {  	s9 =	sshrl.u32 s9, $0x3  }
0x1e1: {  	[tilespmem:s22], [sflag:$0x1] =	stream.indirect.gather [spmem:s3], $0x80, s15, s20, $0xb8;
	[tilespmem:$0x1C900] =	vst v63  }
0x1e2: {  	s6 =	sadd.s32 $0x4220, s6;
	s30 =	sadd.s32 s5, s9  }
0x1e3: {  	v4 =	vmov s6;
	[tilespmem:s16], [sflag:$0x4] =	stream.linear.gather [hbm4b:s30+s8], $0x20, $0x38;
	[tilespmem:$0x1C900] =	vst v63  }
0x1e4: {  	p1 =	por $0x1, $0x1;
	s9 =	sadd.s32 s1, s9;
	[tilespmem:$0x1F8B0] =	vst v4  }
0x1e5: {  	[tilespmem:s17], [sflag:$0x6] =	stream.linear.gather [hbm4b:s9+s8], $0x20, $0x38;
	[tilespmem:$0x1C900] =	vst v63  }
.LBB2_5:
0x1e6: {  	s6 =	sshll.u32 s8, $0xB  }
0x1e7: {  	v63 =	vld [tilespmem:s6+$0x13F0];
	_ =	sdelay $0x4  }
0x1e8: {  	[tilespmem:$0x1F1B0] =	vst v63;
	v63 =	vld [tilespmem:s6+$0x33F0];
	_ =	sdelay $0x4  }
0x1e9: {  	[tilespmem:$0x1F1C0] =	vst v63;
	v63 =	vld [tilespmem:s6+$0x1400];
	_ =	sdelay $0x4  }
0x1ea: {  	[tilespmem:$0x1F1D0] =	vst v63;
	v63 =	vld [tilespmem:s6+$0x3400];
	_ =	sdelay $0x4  }
0x1eb: {  	[tilespmem:$0x1F1E0] =	vst v63;
	v63 =	vld [tilespmem:s6+$0x1410];
	_ =	sdelay $0x4  }
0x1ec: {  	[tilespmem:$0x1F1F0] =	vst v63;
	v63 =	vld [tilespmem:s6+$0x3410];
	_ =	sdelay $0x4  }
0x1ed: {  	[tilespmem:$0x1F200] =	vst v63;
	v63 =	vld [tilespmem:s6+$0x1420];
	_ =	sdelay $0x4  }
0x1ee: {  	[tilespmem:$0x1F210] =	vst v63;
	v63 =	vld [tilespmem:s6+$0x3420];
	_ =	sdelay $0x4  }
0x1ef: {  	[tilespmem:$0x1F220] =	vst v63;
	v63 =	vld [tilespmem:s6+$0x1430];
	_ =	sdelay $0x4  }
0x1f0: {  	[tilespmem:$0x1F230] =	vst v63;
	v63 =	vld [tilespmem:s6+$0x3430];
	_ =	sdelay $0x4  }
0x1f1: {  	[tilespmem:$0x1F240] =	vst v63;
	v63 =	vld [tilespmem:s6+$0x1440];
	_ =	sdelay $0x4  }
0x1f2: {  	[tilespmem:$0x1F290] =	vst v63;
	v63 =	vld [tilespmem:s6+$0x3440];
	_ =	sdelay $0x4  }
0x1f3: {  	[tilespmem:$0x1F2A0] =	vst v63;
	v63 =	vld [tilespmem:s6+$0x1450];
	_ =	sdelay $0x4  }
0x1f4: {  	[tilespmem:$0x1F2D0] =	vst v63;
	v63 =	vld [tilespmem:s6+$0x3450];
	_ =	sdelay $0x4  }
0x1f5: {  	[tilespmem:$0x1F2E0] =	vst v63;
	v63 =	vld [tilespmem:s6+$0x1460];
	_ =	sdelay $0x4  }
0x1f6: {  	[tilespmem:$0x1F310] =	vst v63;
	v63 =	vld [tilespmem:s6+$0x3460];
	_ =	sdelay $0x4  }
0x1f7: {  	[tilespmem:$0x1F320] =	vst v63;
	v63 =	vld [tilespmem:s6+$0x1470];
	_ =	sdelay $0x4  }
0x1f8: {  	[tilespmem:$0x1F350] =	vst v63;
	v63 =	vld [tilespmem:s6+$0x3470];
	_ =	sdelay $0x4  }
0x1f9: {  	[tilespmem:$0x1F360] =	vst v63;
	v63 =	vld [tilespmem:s6+$0x1480];
	_ =	sdelay $0x4  }
0x1fa: {  	[tilespmem:$0x1F250] =	vst v63;
	v63 =	vld [tilespmem:s6+$0x3480];
	_ =	sdelay $0x4  }
0x1fb: {  	[tilespmem:$0x1F260] =	vst v63;
	v63 =	vld [tilespmem:s6+$0x1490];
	_ =	sdelay $0x4  }
0x1fc: {  	[tilespmem:$0x1F270] =	vst v63;
	v63 =	vld [tilespmem:s6+$0x3490];
	_ =	sdelay $0x4  }
0x1fd: {  	[tilespmem:$0x1F280] =	vst v63;
	v63 =	vld [tilespmem:s6+$0x14A0];
	_ =	sdelay $0x4  }
0x1fe: {  	[tilespmem:$0x1F2B0] =	vst v63;
	v63 =	vld [tilespmem:s6+$0x34A0];
	_ =	sdelay $0x4  }
0x1ff: {  	[tilespmem:$0x1F2C0] =	vst v63;
	v63 =	vld [tilespmem:s6+$0x14B0];
	_ =	sdelay $0x4  }
0x200: {  	[tilespmem:$0x1F2F0] =	vst v63;
	v63 =	vld [tilespmem:s6+$0x34B0];
	_ =	sdelay $0x4  }
0x201: {  	[tilespmem:$0x1F300] =	vst v63;
	v63 =	vld [tilespmem:s6+$0x14C0];
	_ =	sdelay $0x4  }
0x202: {  	[tilespmem:$0x1F330] =	vst v63;
	v63 =	vld [tilespmem:s6+$0x34C0];
	_ =	sdelay $0x4  }
0x203: {  	[tilespmem:$0x1F340] =	vst v63;
	v63 =	vld [tilespmem:s6+$0x14D0];
	_ =	sdelay $0x4  }
0x204: {  	[tilespmem:$0x1F370] =	vst v63;
	v63 =	vld [tilespmem:s6+$0x34D0];
	_ =	sdelay $0x4  }
0x205: {  	[tilespmem:$0x1F380] =	vst v63;
	v63 =	vld [tilespmem:s6+$0x14E0];
	_ =	sdelay $0x4  }
0x206: {  	[tilespmem:$0x1F390] =	vst v63;
	v63 =	vld [tilespmem:s6+$0x34E0];
	_ =	sdelay $0x4  }
0x207: {  	[tilespmem:$0x1F3A0] =	vst v63;
	v63 =	vld [tilespmem:s6+$0x14F0];
	_ =	sdelay $0x4  }
0x208: {  	[tilespmem:$0x1F3F0] =	vst v63;
	v63 =	vld [tilespmem:s6+$0x34F0];
	_ =	sdelay $0x4  }
0x209: {  	[tilespmem:$0x1F400] =	vst v63;
	v63 =	vld [tilespmem:s6+$0x1500];
	_ =	sdelay $0x4  }
0x20a: {  	[tilespmem:$0x1F3B0] =	vst v63;
	v63 =	vld [tilespmem:s6+$0x3500];
	_ =	sdelay $0x2  }
0x20b: {  	v17 =	vld [tilespmem:s6+$0x1200]  }
0x20c: {  	v16 =	vld [tilespmem:s6+$0x3200]  }
0x20d: {  	[tilespmem:$0x1F3C0] =	vst v63;
	v63 =	vld [tilespmem:s6+$0x1510]  }
0x20e: {  	v15 =	vld [tilespmem:s6+$0x1210]  }
0x20f: {  	v14 =	vld [tilespmem:s6+$0x3210]  }
0x210: {  	v24 =	vld [tilespmem:s6+$0x1220]  }
0x211: {  	v20 =	vld [tilespmem:s6+$0x3220]  }
0x212: {  	[tilespmem:$0x1F3D0] =	vst v63;
	v63 =	vld [tilespmem:s6+$0x3510]  }
0x213: {  	v33 =	vld [tilespmem:s6+$0x1230]  }
0x214: {  	v32 =	vld [tilespmem:s6+$0x3230]  }
0x215: {  	v40 =	vld [tilespmem:s6+$0x1240]  }
0x216: {  	v36 =	vld [tilespmem:s6+$0x3240]  }
0x217: {  	[tilespmem:$0x1F3E0] =	vst v63;
	v63 =	vld [tilespmem:s6+$0x1520]  }
0x218: {  	v46 =	vld [tilespmem:s6+$0x1250]  }
0x219: {  	v44 =	vld [tilespmem:s6+$0x3250]  }
0x21a: {  	v51 =	vld [tilespmem:s6+$0x1260]  }
0x21b: {  	v50 =	vld [tilespmem:s6+$0x3260]  }
0x21c: {  	[tilespmem:$0x1F410] =	vst v63;
	v63 =	vld [tilespmem:s6+$0x3520]  }
0x21d: {  	v57 =	vld [tilespmem:s6+$0x1270]  }
0x21e: {  	v56 =	vld [tilespmem:s6+$0x3270]  }
0x21f: {  	v7 =	vld [tilespmem:s6+$0x1280]  }
0x220: {  	v6 =	vld [tilespmem:s6+$0x3280]  }
0x221: {  	[tilespmem:$0x1F420] =	vst v63;
	v63 =	vld [tilespmem:s6+$0x1530]  }
0x222: {  	v5 =	vld [tilespmem:s6+$0x1290]  }
0x223: {  	v4 =	vld [tilespmem:s6+$0x3290]  }
0x224: {  	v9 =	vld [tilespmem:s6+$0x12A0]  }
0x225: {  	v8 =	vld [tilespmem:s6+$0x32A0]  }
0x226: {  	[tilespmem:$0x1F430] =	vst v63;
	v63 =	vld [tilespmem:s6+$0x3530]  }
0x227: {  	v11 =	vld [tilespmem:s6+$0x12B0]  }
0x228: {  	v10 =	vld [tilespmem:s6+$0x32B0]  }
0x229: {  	v13 =	vld [tilespmem:s6+$0x12C0]  }
0x22a: {  	v12 =	vld [tilespmem:s6+$0x32C0]  }
0x22b: {  	[tilespmem:$0x1F440] =	vst v63;
	v63 =	vld [tilespmem:s6+$0x1540]  }
0x22c: {  	v19 =	vld [tilespmem:s6+$0x12D0]  }
0x22d: {  	v18 =	vld [tilespmem:s6+$0x32D0]  }
0x22e: {  	v31 =	vld [tilespmem:s6+$0x12E0]  }
0x22f: {  	v30 =	vld [tilespmem:s6+$0x32E0]  }
0x230: {  	[tilespmem:$0x1F490] =	vst v63;
	v63 =	vld [tilespmem:s6+$0x3540]  }
0x231: {  	v42 =	vld [tilespmem:s6+$0x12F0]  }
0x232: {  	v38 =	vld [tilespmem:s6+$0x32F0]  }
0x233: {  	v29 =	vld [tilespmem:s6+$0x1300]  }
0x234: {  	v28 =	vld [tilespmem:s6+$0x3300]  }
0x235: {  	[tilespmem:$0x1F4A0] =	vst v63;
	v63 =	vld [tilespmem:s6+$0x1550]  }
0x236: {  	v25 =	vld [tilespmem:s6+$0x1310]  }
0x237: {  	v21 =	vld [tilespmem:s6+$0x3310]  }
0x238: {  	v35 =	vld [tilespmem:s6+$0x1320]  }
0x239: {  	v34 =	vld [tilespmem:s6+$0x3320]  }
0x23a: {  	[tilespmem:$0x1F4D0] =	vst v63;
	v63 =	vld [tilespmem:s6+$0x3550]  }
0x23b: {  	v43 =	vld [tilespmem:s6+$0x1330]  }
0x23c: {  	v41 =	vld [tilespmem:s6+$0x3330]  }
0x23d: {  	v49 =	vld [tilespmem:s6+$0x1340]  }
0x23e: {  	v48 =	vld [tilespmem:s6+$0x3340]  }
0x23f: {  	[tilespmem:$0x1F4E0] =	vst v63;
	v63 =	vld [tilespmem:s6+$0x1560]  }
0x240: {  	v55 =	vld [tilespmem:s6+$0x1350]  }
0x241: {  	v54 =	vld [tilespmem:s6+$0x3350]  }
0x242: {  	v61 =	vld [tilespmem:s6+$0x1360]  }
0x243: {  	v60 =	vld [tilespmem:s6+$0x3360]  }
0x244: {  	[tilespmem:$0x1F510] =	vst v63;
	v63 =	vld [tilespmem:s6+$0x3560]  }
0x245: {  	v22 =	vld [tilespmem:s6+$0x1370]  }
0x246: {  	v62 =	vld [tilespmem:s6+$0x3370]  }
0x247: {  	v26 =	vld [tilespmem:s6+$0x1380]  }
0x248: {  	v27 =	vld [tilespmem:s6+$0x1390]  }
0x249: {  	[tilespmem:$0x1F520] =	vst v63;
	v63 =	vld [tilespmem:s6+$0x1570]  }
0x24a: {  	v23 =	vld [tilespmem:s6+$0x3390]  }
0x24b: {  	v39 =	vld [tilespmem:s6+$0x13A0]  }
0x24c: {  	v37 =	vld [tilespmem:s6+$0x33A0]  }
0x24d: {  	v47 =	vld [tilespmem:s6+$0x13B0]  }
0x24e: {  	[tilespmem:$0x1F590] =	vst v63;
	v63 =	vld [tilespmem:s6+$0x3570]  }
0x24f: {  	v45 =	vld [tilespmem:s6+$0x33B0]  }
0x250: {  	v53 =	vld [tilespmem:s6+$0x13C0]  }
0x251: {  	v52 =	vld [tilespmem:s6+$0x33C0]  }
0x252: {  	v59 =	vld [tilespmem:s6+$0x13D0]  }
0x253: {  	[tilespmem:$0x1F5A0] =	vst v63;
	v63 =	vld [tilespmem:s6+$0x1580]  }
0x254: {  	v58 =	vld [tilespmem:s6+$0x33D0]  }
0x255: {  	[tilespmem:$0x1F180] =	vst v22;
	v22 =	vld [tilespmem:s6+$0x3380]  }
0x256: {  	[tilespmem:$0x1F190] =	vst v62;
	v62 =	vld [tilespmem:s6+$0x13E0]  }
0x257: {  	v4 =	vmul.f32 v4, v5;
	v5 =	vld [tilespmem:s6+$0x3690]  }
0x258: {  	[tilespmem:$0x1F450] =	vst v63;
	v63 =	vld [tilespmem:s6+$0x3580]  }
0x259: {  	v16 =	vmul.f32 v16, v17;
	v17 =	vmul.f32 v20, v24;
	v20 =	vld [tilespmem:s6+$0x16A0]  }
0x25a: {  	v14 =	vmul.f32 v14, v15;
	v15 =	vmul.f32 v32, v33;
	v33 =	vld [tilespmem:s6+$0x36C0]  }
0x25b: {  	v32 =	vmul.f32 v12, v13;
	v12 =	vld [tilespmem:s6+$0x16E0]  }
0x25c: {  	v6 =	vmul.f32 v6, v7;
	v13 =	vmul.f32 v30, v31;
	v30 =	vld [tilespmem:s6+$0x1710]  }
0x25d: {  	v24 =	vmul.f32 v8, v9;
	[tilespmem:$0x1F460] =	vst v63;
	v63 =	vld [tilespmem:s6+$0x1590]  }
0x25e: {  	v37 =	vmul.f32 v37, v39;
	v39 =	vmul.f32 v54, v55;
	v54 =	vld [tilespmem:s6+$0x3750];
	v4 =	vadd.f32 v4, v6  }
0x25f: {  	v51 =	vmul.f32 v50, v51;
	v50 =	vld [tilespmem:$0x1F190]  }
0x260: {  	v4 =	vadd.f32 v24, v4;
	v24 =	vld [tilespmem:s6+$0x16C0]  }
0x261: {  	[tilespmem:$0x1F1A0] =	vst v62;
	v62 =	vld [tilespmem:s6+$0x33E0]  }
0x262: {  	[tilespmem:$0x1F470] =	vst v63;
	v63 =	vld [tilespmem:s6+$0x3590]  }
0x263: {  	[tilespmem:$0x1F640] =	vst v5;
	v5 =	vadd.f32 v14, v16;
	v14 =	vld [tilespmem:s6+$0x36A0]  }
0x264: {  	[tilespmem:$0x1F670] =	vst v20;
	v20 =	vmul.f32 v36, v40;
	v40 =	vld [tilespmem:s6+$0x16D0]  }
0x265: {  	v36 =	vmul.f32 v44, v46;
	v46 =	vld [tilespmem:s6+$0x36D0]  }
0x266: {  	v44 =	vmul.f32 v18, v19;
	v18 =	vmul.f32 v56, v57;
	v56 =	vld [tilespmem:s6+$0x36F0]  }
0x267: {  	[tilespmem:$0x1F480] =	vst v63;
	v63 =	vld [tilespmem:s6+$0x15A0]  }
0x268: {  	[tilespmem:$0x1F710] =	vst v33;
	v33 =	vld [tilespmem:s6+$0x3710]  }
0x269: {  	v19 =	vmul.f32 v38, v42;
	v38 =	vld [tilespmem:s6+$0x3720]  }
0x26a: {  	v57 =	vld [tilespmem:s6+$0x1760]  }
0x26b: {  	v16 =	vmul.f32 v10, v11;
	v5 =	vadd.f32 v17, v5;
	v17 =	vld [tilespmem:s6+$0x36B0]  }
0x26c: {  	[tilespmem:$0x1F4B0] =	vst v63;
	v63 =	vld [tilespmem:s6+$0x35A0]  }
0x26d: {  	v4 =	vadd.f32 v16, v4;
	v16 =	vmul.f32 v21, v25;
	v21 =	vld [tilespmem:s6+$0x1700]  }
0x26e: {  	v5 =	vadd.f32 v15, v5;
	[tilespmem:$0x1F700] =	vst v24;
	v15 =	vmul.f32 v28, v29;
	v24 =	vld [tilespmem:s6+$0x3700]  }
0x26f: {  	v28 =	vmul.f32 v41, v43;
	v41 =	vmul.f32 v45, v47;
	v43 =	vld [tilespmem:s6+$0x3730]  }
0x270: {  	v47 =	vmul.f32 v52, v53;
	v52 =	vmul.f32 v58, v59;
	v58 =	vld [tilespmem:$0x1F1A0]  }
0x271: {  	[tilespmem:$0x1F4C0] =	vst v63;
	v63 =	vld [tilespmem:s6+$0x15B0]  }
0x272: {  	v59 =	vld [tilespmem:s6+$0x3760]  }
0x273: {  	[tilespmem:$0x1F680] =	vst v14;
	v14 =	vld [tilespmem:s6+$0x36E0]  }
0x274: {  	[tilespmem:$0x1F740] =	vst v40;
	v40 =	vld [tilespmem:s6+$0x1730]  }
0x275: {  	[tilespmem:$0x1F750] =	vst v46;
	v46 =	vld [tilespmem:s6+$0x1740]  }
0x276: {  	v4 =	vadd.f32 v32, v4;
	[tilespmem:$0x1F4F0] =	vst v63;
	v63 =	vld [tilespmem:s6+$0x35B0]  }
0x277: {  	v5 =	vadd.f32 v20, v5;
	v20 =	vmul.f32 v34, v35;
	v34 =	vmul.f32 v48, v49;
	v48 =	vld [tilespmem:s6+$0x3740]  }
0x278: {  	v49 =	vld [tilespmem:$0x1F180]  }
0x279: {  	v4 =	vadd.f32 v44, v4;
	v44 =	vmul.f32 v60, v61;
	v60 =	vld [tilespmem:$0x1F1B0]  }
0x27a: {  	v61 =	vld [tilespmem:$0x1F1C0]  }
0x27b: {  	[tilespmem:$0x1F500] =	vst v63;
	v63 =	vld [tilespmem:s6+$0x15C0]  }
0x27c: {  	v7 =	vadd.f32 v16, v15;
	v15 =	vld [tilespmem:$0x1F1D0]  }
0x27d: {  	v31 =	vmul.f32 v23, v27;
	v29 =	vmul.f32 v22, v26;
	[tilespmem:$0x1F6D0] =	vst v17;
	v17 =	vld [tilespmem:s6+$0x16F0]  }
0x27e: {  	v5 =	vadd.f32 v36, v5;
	v4 =	vadd.f32 v13, v4;
	v36 =	vld [tilespmem:s6+$0x1720]  }
0x27f: {  	v8 =	vadd.f32 v31, v29;
	v25 =	vadd.f32 v20, v7;
	[tilespmem:$0x1F7C0] =	vst v24;
	v24 =	vld [tilespmem:s6+$0x3780]  }
0x280: {  	v5 =	vadd.f32 v51, v5;
	v4 =	vadd.f32 v19, v4;
	[tilespmem:$0x1F530] =	vst v63;
	v63 =	vld [tilespmem:s6+$0x35C0]  }
0x281: {  	v8 =	vadd.f32 v37, v8;
	v6 =	vadd.f32 v28, v25;
	v51 =	vld [tilespmem:s6+$0x1750]  }
0x282: {  	[tilespmem:$0x1F790] =	vst v14;
	v14 =	vld [tilespmem:s6+$0x1770];
	v5 =	vadd.f32 v18, v5;
	v35 =	vperm.xlane v4, v0  }
0x283: {  	v8 =	vadd.f32 v41, v8;
	v19 =	vld [tilespmem:s6+$0x3770];
	v6 =	vadd.f32 v34, v6  }
0x284: {  	v16 =	vld [tilespmem:$0x1F1E0];
	v32 =	vperm.xlane v5, v0;
	v4 =	vadd.f32 v4, v35  }
0x285: {  	v8 =	vadd.f32 v47, v8;
	v6 =	vadd.f32 v39, v6;
	[tilespmem:$0x1F540] =	vst v63;
	v63 =	vld [tilespmem:s6+$0x15D0]  }
0x286: {  	v9 =	vmul.f32 v62, v58;
	v35 =	vld [tilespmem:s6+$0x1780];
	v5 =	vadd.f32 v5, v32;
	v45 =	vperm.xlane v4, v1  }
0x287: {  	v7 =	vmul.f32 v50, v49;
	v8 =	vadd.f32 v52, v8;
	[tilespmem:$0x1F890] =	vst v14;
	v14 =	vld [tilespmem:s6+$0x17B0];
	v6 =	vadd.f32 v44, v6  }
0x288: {  	[tilespmem:$0x1F8A0] =	vst v19;
	v19 =	vld [tilespmem:s6+$0x37D0];
	v42 =	vperm.xlane v5, v1;
	v4 =	vadd.f32 v4, v45  }
0x289: {  	[tilespmem:$0x1F7A0] =	vst v17;
	v8 =	vadd.f32 v9, v8;
	v17 =	vld [tilespmem:$0x1F1F0];
	v6 =	vadd.f32 v7, v6;
	v7 =	vmul.f32 v61, v60  }
0x28a: {  	v5 =	vadd.f32 v5, v42;
	v55 =	vperm.xlane v4, v2;
	[tilespmem:$0x1F5B0] =	vst v63;
	v63 =	vld [tilespmem:s6+$0x35D0]  }
0x28b: {  	v22 =	vadd.f32 v7, v8;
	v8 =	vld [tilespmem:s6+$0x1790]  }
0x28c: {  	v18 =	vld [tilespmem:$0x1F200];
	v53 =	vperm.xlane v5, v2;
	v4 =	vadd.f32 v4, v55  }
0x28d: {  	[tilespmem:$0x1F780] =	vst v12;
	v62 =	vperm.xlane v6, v0;
	v7 =	vld [tilespmem:s6+$0x17A0]  }
0x28e: {  	[tilespmem:$0x1F7B0] =	vst v21;
	v5 =	vadd.f32 v5, v53;
	v21 =	vperm.xlane v4, v3;
	v28 =	vld [tilespmem:$0x1F210]  }
0x28f: {  	v6 =	vadd.f32 v6, v62;
	[tilespmem:$0x1F5C0] =	vst v63;
	v63 =	vld [tilespmem:s6+$0x15E0]  }
0x290: {  	[tilespmem:$0x1F7E0] =	vst v33;
	v33 =	vperm.xlane v22, v0;
	v20 =	vperm.xlane v5, v3;
	v12 =	vadd.f32 v4, v21;
	v21 =	vld [tilespmem:s6+$0x37B0]  }
0x291: {  	v11 =	vmul.f32 v18, v17;
	v4 =	vperm.xlane v6, v1;
	v18 =	vld [tilespmem:s6+$0x37C0]  }
0x292: {  	[tilespmem:$0x1F7D0] =	vst v30;
	v13 =	vadd.f32 v22, v33;
	v30 =	vadd.f32 v5, v20;
	v5 =	vld [tilespmem:$0x1F230]  }
0x293: {  	v9 =	vmul.f32 v16, v15;
	v6 =	vadd.f32 v6, v4;
	v31 =	vld [tilespmem:$0x1F240]  }
0x294: {  	v45 =	vperm.xlane v13, v1;
	[tilespmem:$0x1F5D0] =	vst v63;
	v63 =	vld [tilespmem:s6+$0x35E0]  }
0x295: {  	v23 =	vadd.f32 v11, v9;
	v42 =	vperm.xlane v6, v2;
	v11 =	vsel vm0, v30, v12;
	v12 =	vld [tilespmem:s6+$0x37F0]  }
0x296: {  	v13 =	vadd.f32 v13, v45;
	v29 =	vld [tilespmem:$0x1F220]  }
0x297: {  	v17 =	vadd.f32 v6, v42;
	v6 =	vld [tilespmem:s6+$0x17C0]  }
0x298: {  	[tilespmem:$0x1F880] =	vst v59;
	v59 =	vperm.xlane v13, v2;
	v32 =	vmul.f32 v31, v5;
	v5 =	vld [tilespmem:s6+$0x3790]  }
0x299: {  	[tilespmem:$0x1F5E0] =	vst v63;
	v63 =	vld [tilespmem:s6+$0x15F0]  }
0x29a: {  	v25 =	vadd.f32 v13, v59;
	v13 =	vld [tilespmem:s6+$0x17F0]  }
0x29b: {  	v4 =	vld [tilespmem:$0x1F250]  }
0x29c: {  	v34 =	vld [tilespmem:$0x1F260]  }
0x29d: {  	v39 =	vld [tilespmem:$0x1F2A0]  }
0x29e: {  	v24 =	vmul.f32 v24, v35;
	v5 =	vmul.f32 v5, v8;
	[tilespmem:$0x1F690] =	vst v63;
	v63 =	vld [tilespmem:s6+$0x35F0]  }
0x29f: {  	v8 =	vld [tilespmem:s6+$0x3920]  }
0x2a0: {  	v5 =	vadd.f32 v5, v24;
	v24 =	vld [tilespmem:s6+$0x3930]  }
0x2a1: {  	[tilespmem:$0x1F7F0] =	vst v36;
	v36 =	vmul.f32 v34, v4;
	v4 =	vld [tilespmem:$0x1F270]  }
0x2a2: {  	v37 =	vld [tilespmem:$0x1F280]  }
0x2a3: {  	[tilespmem:$0x1F6A0] =	vst v63;
	v63 =	vld [tilespmem:s6+$0x1600]  }
0x2a4: {  	[tilespmem:$0x1F820] =	vst v43;
	v43 =	vld [tilespmem:$0x1F2D0]  }
0x2a5: {  	v44 =	vld [tilespmem:$0x1F2E0]  }
0x2a6: {  	[tilespmem:$0x1F840] =	vst v48;
	v48 =	vld [tilespmem:$0x1F310]  }
0x2a7: {  	[tilespmem:$0x1F800] =	vst v38;
	v38 =	vmul.f32 v37, v4;
	v4 =	vld [tilespmem:$0x1F290]  }
0x2a8: {  	v9 =	vmul.f32 v29, v28;
	[tilespmem:$0x1F550] =	vst v63;
	v63 =	vld [tilespmem:s6+$0x3600]  }
0x2a9: {  	v49 =	vld [tilespmem:$0x1F320]  }
0x2aa: {  	v9 =	vadd.f32 v9, v23;
	v55 =	vld [tilespmem:$0x1F350]  }
0x2ab: {  	[tilespmem:$0x1F870] =	vst v57;
	v57 =	vld [tilespmem:$0x1F360]  }
0x2ac: {  	v9 =	vadd.f32 v32, v9;
	v10 =	vmul.f32 v39, v4;
	v4 =	vld [tilespmem:s6+$0x37A0]  }
0x2ad: {  	[tilespmem:$0x1F560] =	vst v63;
	v63 =	vld [tilespmem:s6+$0x1610]  }
0x2ae: {  	[tilespmem:$0x1F810] =	vst v40;
	v40 =	vld [tilespmem:$0x1F2B0];
	v9 =	vadd.f32 v10, v9;
	v10 =	vmul.f32 v44, v43  }
0x2af: {  	v41 =	vld [tilespmem:$0x1F2C0]  }
0x2b0: {  	v10 =	vadd.f32 v10, v9;
	v9 =	vld [tilespmem:s6+$0x17D0]  }
0x2b1: {  	[tilespmem:$0x1F830] =	vst v46;
	v50 =	vmul.f32 v49, v48;
	v46 =	vld [tilespmem:$0x1F2F0];
	v4 =	vmul.f32 v4, v7  }
0x2b2: {  	[tilespmem:$0x1F570] =	vst v63;
	v63 =	vld [tilespmem:s6+$0x3610]  }
0x2b3: {  	[tilespmem:$0x1F860] =	vst v54;
	v54 =	vadd.f32 v50, v10;
	v10 =	vld [tilespmem:s6+$0x17E0];
	v4 =	vadd.f32 v4, v5;
	v5 =	vmul.f32 v21, v14  }
0x2b4: {  	v14 =	vld [tilespmem:s6+$0x3940]  }
0x2b5: {  	v4 =	vadd.f32 v5, v4;
	v5 =	vmul.f32 v18, v6;
	v6 =	vld [tilespmem:s6+$0x3950]  }
0x2b6: {  	v9 =	vmul.f32 v19, v9;
	v19 =	vld [tilespmem:s6+$0x3960]  }
0x2b7: {  	[tilespmem:$0x1F580] =	vst v63;
	v63 =	vld [tilespmem:s6+$0x1620]  }
0x2b8: {  	v47 =	vld [tilespmem:$0x1F300]  }
0x2b9: {  	[tilespmem:$0x1F850] =	vst v51;
	v51 =	vld [tilespmem:$0x1F330]  }
0x2ba: {  	v52 =	vld [tilespmem:$0x1F340]  }
0x2bb: {  	v60 =	vld [tilespmem:$0x1F370]  }
0x2bc: {  	[tilespmem:$0x1F5F0] =	vst v63;
	v63 =	vld [tilespmem:s6+$0x3620]  }
0x2bd: {  	v58 =	vmul.f32 v57, v55;
	v15 =	vadd.f32 v38, v36;
	v16 =	vmul.f32 v41, v40;
	v61 =	vld [tilespmem:$0x1F380]  }
0x2be: {  	v27 =	vld [tilespmem:$0x1F390]  }
0x2bf: {  	v15 =	vadd.f32 v16, v15;
	v22 =	vadd.f32 v58, v54;
	v16 =	vmul.f32 v47, v46;
	v28 =	vld [tilespmem:$0x1F3A0]  }
0x2c0: {  	v37 =	vld [tilespmem:$0x1F3F0]  }
0x2c1: {  	v36 =	vperm.xlane v22, v0;
	v15 =	vadd.f32 v16, v15;
	v16 =	vmul.f32 v52, v51;
	[tilespmem:$0x1F600] =	vst v63;
	v63 =	vld [tilespmem:s6+$0x1630]  }
0x2c2: {  	v38 =	vld [tilespmem:$0x1F400]  }
0x2c3: {  	v26 =	vadd.f32 v22, v36;
	v22 =	vld [tilespmem:s6+$0x3800];
	v15 =	vadd.f32 v16, v15;
	v62 =	vmul.f32 v61, v60  }
0x2c4: {  	v16 =	vld [tilespmem:s6+$0x37E0]  }
0x2c5: {  	v15 =	vadd.f32 v62, v15;
	v29 =	vmul.f32 v28, v27;
	v28 =	vld [tilespmem:s6+$0x3820]  }
0x2c6: {  	[tilespmem:$0x1F650] =	vst v63;
	v63 =	vld [tilespmem:s6+$0x3630]  }
0x2c7: {  	v20 =	vadd.f32 v29, v15;
	v15 =	vld [tilespmem:s6+$0x1800];
	v27 =	vmul.f32 v38, v37  }
0x2c8: {  	v30 =	vld [tilespmem:$0x1F3B0]  }
0x2c9: {  	v20 =	vadd.f32 v27, v20;
	v27 =	vld [tilespmem:s6+$0x3810]  }
0x2ca: {  	v31 =	vld [tilespmem:$0x1F3C0]  }
0x2cb: {  	[tilespmem:$0x1F660] =	vst v63;
	v63 =	vld [tilespmem:s6+$0x1640]  }
0x2cc: {  	v33 =	vld [tilespmem:$0x1F3D0]  }
0x2cd: {  	v34 =	vld [tilespmem:$0x1F3E0]  }
0x2ce: {  	v40 =	vld [tilespmem:$0x1F410]  }
0x2cf: {  	v41 =	vld [tilespmem:$0x1F420]  }
0x2d0: {  	v53 =	vperm.xlane v17, v3;
	[tilespmem:$0x1F6B0] =	vst v63;
	v63 =	vld [tilespmem:s6+$0x3640]  }
0x2d1: {  	v43 =	vld [tilespmem:$0x1F430]  }
0x2d2: {  	v17 =	vadd.f32 v17, v53;
	v44 =	vld [tilespmem:$0x1F440]  }
0x2d3: {  	v54 =	vld [tilespmem:$0x1F490]  }
0x2d4: {  	v11 =	vsel vm1, v11, v17;
	v32 =	vmul.f32 v31, v30;
	v17 =	vmul.f32 v34, v33;
	v55 =	vld [tilespmem:$0x1F4A0]  }
0x2d5: {  	[tilespmem:$0x1F6C0] =	vst v63;
	v63 =	vld [tilespmem:s6+$0x1650]  }
0x2d6: {  	v49 =	vperm.xlane v26, v1;
	v23 =	vadd.f32 v17, v32;
	v42 =	vmul.f32 v41, v40;
	v60 =	vld [tilespmem:$0x1F4D0]  }
0x2d7: {  	v61 =	vld [tilespmem:$0x1F4E0]  }
0x2d8: {  	v31 =	vadd.f32 v26, v49;
	v26 =	vld [tilespmem:s6+$0x1840];
	v29 =	vadd.f32 v42, v23;
	v45 =	vmul.f32 v44, v43  }
0x2d9: {  	v33 =	vld [tilespmem:s6+$0x3850]  }
0x2da: {  	v53 =	vadd.f32 v45, v29;
	v29 =	vmul.f32 v55, v54;
	[tilespmem:$0x1F6E0] =	vst v63;
	v63 =	vld [tilespmem:s6+$0x3650]  }
0x2db: {  	v46 =	vld [tilespmem:$0x1F450]  }
0x2dc: {  	v59 =	vadd.f32 v29, v53;
	v62 =	vmul.f32 v61, v60;
	v47 =	vld [tilespmem:$0x1F460]  }
0x2dd: {  	v34 =	vld [tilespmem:s6+$0x3860]  }
0x2de: {  	v32 =	vadd.f32 v62, v59;
	v59 =	vld [tilespmem:$0x1F5A0]  }
0x2df: {  	[tilespmem:$0x1F6F0] =	vst v63;
	v63 =	vld [tilespmem:s6+$0x1660]  }
0x2e0: {  	v50 =	vld [tilespmem:$0x1F470]  }
0x2e1: {  	v48 =	vmul.f32 v47, v46;
	v46 =	vld [tilespmem:$0x1F510]  }
0x2e2: {  	v51 =	vld [tilespmem:$0x1F480]  }
0x2e3: {  	v57 =	vld [tilespmem:$0x1F4B0]  }
0x2e4: {  	[tilespmem:$0x1F720] =	vst v63;
	v63 =	vld [tilespmem:s6+$0x3660]  }
0x2e5: {  	v39 =	vperm.xlane v25, v3;
	v58 =	vld [tilespmem:$0x1F4C0]  }
0x2e6: {  	v42 =	vld [tilespmem:$0x1F4F0]  }
0x2e7: {  	v25 =	vadd.f32 v25, v39;
	v43 =	vld [tilespmem:$0x1F500]  }
0x2e8: {  	v49 =	vld [tilespmem:$0x1F530]  }
0x2e9: {  	v52 =	vperm.xlane v20, v0;
	v40 =	vsel vm2, v11, v25;
	v11 =	vmul.f32 v51, v50;
	[tilespmem:$0x1F730] =	vst v63;
	v63 =	vld [tilespmem:s6+$0x1670]  }
0x2ea: {  	v50 =	vld [tilespmem:$0x1F540]  }
0x2eb: {  	v20 =	vadd.f32 v20, v52;
	v11 =	vadd.f32 v11, v48;
	v30 =	vmul.f32 v58, v57;
	v60 =	vld [tilespmem:$0x1F5B0]  }
0x2ec: {  	v61 =	vld [tilespmem:$0x1F5C0]  }
0x2ed: {  	v45 =	vperm.xlane v20, v1;
	v47 =	vld [tilespmem:$0x1F520];
	v11 =	vadd.f32 v30, v11;
	v44 =	vmul.f32 v43, v42  }
0x2ee: {  	[tilespmem:$0x1F760] =	vst v63;
	v63 =	vld [tilespmem:s6+$0x3670]  }
0x2ef: {  	v38 =	vadd.f32 v20, v45;
	v58 =	vld [tilespmem:$0x1F590];
	v11 =	vadd.f32 v44, v11;
	v20 =	vmul.f32 v50, v49  }
0x2f0: {  	v62 =	vld [tilespmem:$0x1F5D0]  }
0x2f1: {  	v11 =	vadd.f32 v20, v11;
	v20 =	vmul.f32 v61, v60;
	v61 =	vld [tilespmem:$0x1F670]  }
0x2f2: {  	v45 =	vld [tilespmem:$0x1F5E0]  }
0x2f3: {  	[tilespmem:$0x1F770] =	vst v63;
	v63 =	vld [tilespmem:s6+$0x1680]  }
0x2f4: {  	v51 =	vld [tilespmem:$0x1F550]  }
0x2f5: {  	v52 =	vld [tilespmem:$0x1F560]  }
0x2f6: {  	v48 =	vmul.f32 v47, v46;
	v54 =	vld [tilespmem:$0x1F570]  }
0x2f7: {  	v55 =	vld [tilespmem:$0x1F580]  }
0x2f8: {  	v36 =	vadd.f32 v48, v32;
	v48 =	vadd.f32 v20, v11;
	v42 =	vmul.f32 v45, v62;
	[tilespmem:$0x1F610] =	vst v63;
	v63 =	vld [tilespmem:s6+$0x3680]  }
0x2f9: {  	v62 =	vld [tilespmem:$0x1F680]  }
0x2fa: {  	v42 =	vadd.f32 v42, v48;
	v48 =	vld [tilespmem:$0x1F690]  }
0x2fb: {  	v46 =	vld [tilespmem:$0x1F5F0]  }
0x2fc: {  	v53 =	vmul.f32 v52, v51;
	v57 =	vmul.f32 v55, v54;
	v47 =	vld [tilespmem:$0x1F600]  }
0x2fd: {  	v41 =	vperm.xlane v31, v2;
	[tilespmem:$0x1F620] =	vst v63;
	v63 =	vld [tilespmem:s6+$0x1690]  }
0x2fe: {  	v37 =	vadd.f32 v57, v53;
	v57 =	vld [tilespmem:$0x1F650]  }
0x2ff: {  	v39 =	vadd.f32 v31, v41;
	v41 =	vmul.f32 v59, v58;
	v58 =	vld [tilespmem:$0x1F660]  }
0x300: {  	v53 =	vld [tilespmem:$0x1F640]  }
0x301: {  	v49 =	vld [tilespmem:$0x1F610]  }
0x302: {  	v43 =	vmul.f32 v47, v46;
	v50 =	vld [tilespmem:$0x1F620];
	[tilespmem:$0x1F630] =	vst v63  }
0x303: {  	v52 =	vld [tilespmem:$0x1F630]  }
0x304: {  	v55 =	vadd.f32 v43, v37;
	v59 =	vmul.f32 v58, v57;
	v57 =	vld [tilespmem:$0x1F700]  }
0x305: {  	v58 =	vld [tilespmem:$0x1F710]  }
0x306: {  	v36 =	vadd.f32 v41, v36;
	v41 =	vadd.f32 v59, v55;
	v55 =	vld [tilespmem:$0x1F6F0]  }
0x307: {  	v63 =	vld [tilespmem:s6+$0x16B0]  }
0x308: {  	v51 =	vmul.f32 v50, v49;
	v49 =	vld [tilespmem:$0x1F6A0];
	v54 =	vmul.f32 v53, v52  }
0x309: {  	v50 =	vld [tilespmem:$0x1F6B0]  }
0x30a: {  	v60 =	vadd.f32 v54, v51;
	v51 =	vld [tilespmem:$0x1F6C0]  }
0x30b: {  	v52 =	vld [tilespmem:$0x1F6D0]  }
0x30c: {  	v45 =	vmul.f32 v62, v61;
	v54 =	vld [tilespmem:$0x1F6E0]  }
0x30d: {  	v59 =	vld [tilespmem:$0x1F720]  }
0x30e: {  	v46 =	vmul.f32 v49, v48;
	v44 =	vadd.f32 v45, v60;
	v60 =	vld [tilespmem:$0x1F730]  }
0x30f: {  	v17 =	vld [tilespmem:s6+$0x1810];
	v43 =	vmul.f32 v51, v50  }
0x310: {  	v62 =	vld [tilespmem:$0x1F740];
	v42 =	vadd.f32 v46, v42;
	v45 =	vmul.f32 v52, v63  }
0x311: {  	v63 =	vld [tilespmem:$0x1F750];
	v41 =	vadd.f32 v43, v41;
	v43 =	vmul.f32 v55, v54  }
0x312: {  	v61 =	vperm.xlane v42, v0;
	v44 =	vadd.f32 v45, v44;
	v45 =	vmul.f32 v58, v57;
	v58 =	vld [tilespmem:$0x1F760]  }
0x313: {  	v53 =	vperm.xlane v36, v0;
	v41 =	vadd.f32 v43, v41;
	v43 =	vmul.f32 v60, v59;
	v59 =	vld [tilespmem:$0x1F770]  }
0x314: {  	v42 =	vadd.f32 v42, v61;
	v61 =	vld [tilespmem:$0x1F790]  }
0x315: {  	v36 =	vadd.f32 v36, v53;
	v60 =	vld [tilespmem:$0x1F780]  }
0x316: {  	v27 =	vmul.f32 v27, v17;
	v17 =	vld [tilespmem:s6+$0x1970]  }
0x317: {  	v25 =	vld [tilespmem:s6+$0x1830];
	v57 =	vperm.xlane v36, v1;
	v44 =	vadd.f32 v45, v44  }
0x318: {  	v45 =	vmul.f32 v63, v62;
	v41 =	vadd.f32 v43, v41;
	v43 =	vmul.f32 v59, v58;
	v59 =	vld [tilespmem:$0x1F7A0]  }
0x319: {  	v23 =	vld [tilespmem:s6+$0x1820]  }
0x31a: {  	v31 =	vld [tilespmem:s6+$0x1850];
	v36 =	vadd.f32 v36, v57;
	v44 =	vadd.f32 v45, v44;
	v45 =	vmul.f32 v61, v60  }
0x31b: {  	v29 =	vld [tilespmem:s6+$0x3830];
	v62 =	vperm.xlane v38, v2  }
0x31c: {  	v32 =	vld [tilespmem:s6+$0x1860];
	v60 =	vperm.xlane v36, v2;
	v41 =	vadd.f32 v43, v41;
	v44 =	vadd.f32 v45, v44  }
0x31d: {  	v30 =	vld [tilespmem:s6+$0x3840];
	v43 =	vadd.f32 v38, v62;
	v62 =	vperm.xlane v39, v3;
	v45 =	vmul.f32 v56, v59  }
0x31e: {  	v11 =	vld [tilespmem:s6+$0x1870];
	v56 =	vadd.f32 v36, v60  }
0x31f: {  	v20 =	vld [tilespmem:s6+$0x3870];
	v60 =	vadd.f32 v39, v62;
	v44 =	vadd.f32 v45, v44;
	v45 =	vperm.xlane v43, v3  }
0x320: {  	v47 =	vld [tilespmem:s6+$0x3880]  }
0x321: {  	v40 =	vsel vm3, v40, v60;
	v60 =	vld [tilespmem:$0x1F7C0];
	v43 =	vadd.f32 v43, v45  }
0x322: {  	v62 =	vperm.xlane v44, v0;
	v45 =	vld [tilespmem:$0x1F7B0]  }
0x323: {  	v40 =	vsel vm4, v40, v43;
	v43 =	vld [tilespmem:$0x1F7D0]  }
0x324: {  	v44 =	vadd.f32 v44, v62;
	v62 =	vld [tilespmem:$0x1F7E0]  }
0x325: {  	v37 =	vld [tilespmem:s6+$0x1880]  }
0x326: {  	v49 =	vld [tilespmem:s6+$0x1890]  }
0x327: {  	v48 =	vld [tilespmem:s6+$0x18A0];
	v63 =	vperm.xlane v42, v1  }
0x328: {  	v46 =	vld [tilespmem:s6+$0x3890];
	v61 =	vperm.xlane v41, v0  }
0x329: {  	v53 =	vld [tilespmem:s6+$0x18B0];
	v42 =	vadd.f32 v42, v63;
	v45 =	vmul.f32 v60, v45;
	v43 =	vmul.f32 v62, v43  }
0x32a: {  	v52 =	vld [tilespmem:s6+$0x18C0];
	v41 =	vadd.f32 v41, v61;
	v62 =	vperm.xlane v44, v1  }
0x32b: {  	v54 =	vperm.xlane v42, v2;
	v43 =	vadd.f32 v43, v45;
	v45 =	vld [tilespmem:$0x1F7F0]  }
0x32c: {  	v61 =	vperm.xlane v56, v3;
	v63 =	vperm.xlane v41, v1;
	v44 =	vadd.f32 v44, v62;
	v62 =	vld [tilespmem:$0x1F800]  }
0x32d: {  	v51 =	vld [tilespmem:s6+$0x38A0];
	v42 =	vadd.f32 v42, v54  }
0x32e: {  	v50 =	vld [tilespmem:s6+$0x38B0];
	v54 =	vadd.f32 v56, v61;
	v41 =	vadd.f32 v41, v63  }
0x32f: {  	v55 =	vld [tilespmem:s6+$0x38C0]  }
0x330: {  	v57 =	vld [tilespmem:s6+$0x18D0];
	v40 =	vsel vm5, v40, v54;
	v54 =	vperm.xlane v41, v2  }
0x331: {  	v58 =	vld [tilespmem:s6+$0x38D0];
	v45 =	vmul.f32 v62, v45  }
0x332: {  	v41 =	vadd.f32 v41, v54;
	v54 =	vld [tilespmem:$0x1F820]  }
0x333: {  	v35 =	vadd.f32 v45, v43;
	v43 =	vld [tilespmem:$0x1F810]  }
0x334: {  	v38 =	vld [tilespmem:s6+$0x18E0]  }
0x335: {  	v59 =	vld [tilespmem:s6+$0x38E0]  }
0x336: {  	v36 =	vld [tilespmem:s6+$0x18F0]  }
0x337: {  	v39 =	vld [tilespmem:s6+$0x38F0];
	v45 =	vperm.xlane v44, v2  }
0x338: {  	v56 =	vld [tilespmem:s6+$0x1900];
	v43 =	vmul.f32 v54, v43  }
0x339: {  	v44 =	vadd.f32 v44, v45;
	v45 =	vld [tilespmem:$0x1F840]  }
0x33a: {  	v35 =	vadd.f32 v43, v35;
	v43 =	vld [tilespmem:$0x1F830]  }
0x33b: {  	v61 =	vld [tilespmem:s6+$0x3900];
	v60 =	vperm.xlane v42, v3  }
0x33c: {  	v63 =	vld [tilespmem:s6+$0x1910];
	v7 =	vperm.xlane v41, v3  }
0x33d: {  	v42 =	vadd.f32 v42, v60;
	v60 =	vld [tilespmem:s6+$0x3910]  }
0x33e: {  	v7 =	vadd.f32 v41, v7;
	v41 =	vld [tilespmem:$0x1F850]  }
0x33f: {  	v62 =	vld [tilespmem:s6+$0x1920];
	v43 =	vmul.f32 v45, v43  }
0x340: {  	v40 =	vsel vm6, v40, v42;
	v42 =	vld [tilespmem:$0x1F8A0]  }
0x341: {  	v21 =	vadd.f32 v43, v35;
	v35 =	vperm.xlane v44, v3;
	v43 =	vld [tilespmem:$0x1F860]  }
0x342: {  	v7 =	vsel vm7, v40, v7;
	v40 =	vld [tilespmem:$0x1F870]  }
0x343: {  	v18 =	vadd.f32 v44, v35;
	v44 =	vld [tilespmem:$0x1F880]  }
0x344: {  	v8 =	vmul.f32 v8, v62;
	v62 =	vld [tilespmem:s6+$0x39D0]  }
0x345: {  	v54 =	vld [tilespmem:s6+$0x1930]  }
0x346: {  	v12 =	vmul.f32 v12, v13;
	v45 =	vld [tilespmem:s6+$0x1940];
	v41 =	vmul.f32 v43, v41  }
0x347: {  	v5 =	vadd.f32 v5, v4;
	v29 =	vmul.f32 v29, v25;
	v11 =	vmul.f32 v20, v11;
	v35 =	vld [tilespmem:s6+$0x1960]  }
0x348: {  	v58 =	vmul.f32 v58, v57;
	v43 =	vld [tilespmem:s6+$0x1950];
	v21 =	vadd.f32 v41, v21;
	v40 =	vmul.f32 v44, v40  }
0x349: {  	v5 =	vadd.f32 v9, v5;
	v36 =	vmul.f32 v39, v36;
	v44 =	vmul.f32 v22, v15;
	v41 =	vld [tilespmem:$0x1F890]  }
0x34a: {  	v4 =	vsel vm8, v7, v18;
	v15 =	vld [tilespmem:s6+$0x1990];
	v18 =	vadd.f32 v40, v21;
	v40 =	vmul.f32 v16, v10  }
0x34b: {  	v7 =	vadd.f32 v27, v44;
	v44 =	vmul.f32 v28, v23;
	v21 =	vld [tilespmem:s6+$0x1980];
	v27 =	vmul.f32 v47, v37  }
0x34c: {  	v28 =	vmul.f32 v46, v49;
	v23 =	vld [tilespmem:s6+$0x3980];
	v37 =	vmul.f32 v51, v48  }
0x34d: {  	v46 =	vmul.f32 v50, v53;
	v48 =	vmul.f32 v34, v32;
	v5 =	vadd.f32 v40, v5;
	v40 =	vld [tilespmem:s6+$0x3990]  }
0x34e: {  	v47 =	vld [tilespmem:s6+$0x39A0];
	v49 =	vmul.f32 v55, v52;
	v51 =	vmul.f32 v61, v56  }
0x34f: {  	v52 =	vmul.f32 v60, v63;
	v16 =	vmul.f32 v42, v41;
	v42 =	vld [tilespmem:s6+$0x19A0]  }
0x350: {  	v50 =	vld [tilespmem:s6+$0x19B0];
	v61 =	vmul.f32 v24, v54;
	v6 =	vmul.f32 v6, v43;
	v7 =	vadd.f32 v44, v7  }
0x351: {  	v53 =	vld [tilespmem:s6+$0x39B0];
	v9 =	vadd.f32 v28, v27;
	v44 =	vmul.f32 v33, v31;
	v41 =	vmul.f32 v30, v26  }
0x352: {  	v55 =	vld [tilespmem:s6+$0x19C0];
	v5 =	vadd.f32 v12, v5;
	v21 =	vmul.f32 v23, v21;
	v15 =	vmul.f32 v40, v15  }
0x353: {  	v56 =	vld [tilespmem:s6+$0x39C0];
	v30 =	vmul.f32 v14, v45;
	v16 =	vadd.f32 v16, v18;
	v18 =	vadd.f32 v52, v51  }
0x354: {  	v60 =	vld [tilespmem:s6+$0x19D0];
	v9 =	vadd.f32 v37, v9;
	v13 =	vmul.f32 v47, v42;
	v15 =	vadd.f32 v15, v21  }
0x355: {  	v10 =	vld [tilespmem:s6+$0x3970];
	v7 =	vadd.f32 v29, v7;
	v29 =	vmul.f32 v59, v38;
	v8 =	vadd.f32 v8, v18  }
0x356: {  	v28 =	vld [tilespmem:s6+$0x19E0];
	v63 =	vmul.f32 v53, v50;
	v9 =	vadd.f32 v46, v9;
	v13 =	vadd.f32 v13, v15  }
0x357: {  	v31 =	vld [tilespmem:s6+$0x39E0];
	v38 =	vmul.f32 v19, v35;
	v7 =	vadd.f32 v41, v7;
	v8 =	vadd.f32 v61, v8  }
0x358: {  	v34 =	vld [tilespmem:s6+$0x39F0];
	v32 =	vmul.f32 v56, v55;
	v9 =	vadd.f32 v49, v9;
	v13 =	vadd.f32 v63, v13  }
0x359: {  	v33 =	vld [tilespmem:s6+$0x19F0];
	v37 =	vmul.f32 v62, v60;
	v7 =	vadd.f32 v44, v7;
	v8 =	vadd.f32 v30, v8  }
0x35a: {  	v41 =	vmul.f32 v10, v17;
	v9 =	vadd.f32 v58, v9;
	v13 =	vadd.f32 v32, v13  }
0x35b: {  	v43 =	vperm.xlane v5, v0;
	v7 =	vadd.f32 v48, v7;
	v6 =	vadd.f32 v6, v8  }
0x35c: {  	v40 =	vmul.f32 v31, v28;
	v9 =	vadd.f32 v29, v9;
	v39 =	vadd.f32 v37, v13  }
0x35d: {  	v42 =	vperm.xlane v16, v0;
	v7 =	vadd.f32 v11, v7;
	v6 =	vadd.f32 v38, v6  }
0x35e: {  	v12 =	vmul.f32 v34, v33;
	v9 =	vadd.f32 v36, v9;
	v11 =	vadd.f32 v40, v39  }
0x35f: {  	v10 =	vadd.f32 v16, v42;
	v44 =	vperm.xlane v7, v0;
	v6 =	vadd.f32 v41, v6  }
0x360: {  	v5 =	vadd.f32 v5, v43;
	v45 =	vperm.xlane v9, v0;
	v11 =	vadd.f32 v12, v11  }
0x361: {  	v46 =	vperm.xlane v10, v1;
	v7 =	vadd.f32 v7, v44;
	v47 =	vperm.xlane v6, v0  }
0x362: {  	v48 =	vperm.xlane v5, v1;
	v8 =	vadd.f32 v9, v45;
	v49 =	vperm.xlane v11, v0  }
0x363: {  	v10 =	vadd.f32 v10, v46;
	v50 =	vperm.xlane v7, v1;
	v6 =	vadd.f32 v6, v47  }
0x364: {  	v5 =	vadd.f32 v5, v48;
	v51 =	vperm.xlane v8, v1;
	v9 =	vadd.f32 v11, v49  }
0x365: {  	v52 =	vperm.xlane v10, v2;
	v7 =	vadd.f32 v7, v50;
	v53 =	vperm.xlane v6, v1  }
0x366: {  	v14 =	vperm.xlane v5, v2;
	v8 =	vadd.f32 v8, v51;
	v54 =	vperm.xlane v9, v1  }
0x367: {  	v10 =	vadd.f32 v10, v52;
	v55 =	vperm.xlane v7, v2;
	v6 =	vadd.f32 v6, v53  }
0x368: {  	v5 =	vadd.f32 v5, v14;
	v56 =	vperm.xlane v8, v2;
	v9 =	vadd.f32 v9, v54  }
0x369: {  	v57 =	vperm.xlane v10, v3;
	v7 =	vadd.f32 v7, v55;
	v58 =	vperm.xlane v6, v2  }
0x36a: {  	v14 =	vperm.xlane v5, v3;
	v8 =	vadd.f32 v8, v56;
	v59 =	vperm.xlane v9, v2  }
0x36b: {  	v10 =	vadd.f32 v10, v57;
	v60 =	vperm.xlane v7, v3;
	v6 =	vadd.f32 v6, v58  }
0x36c: {  	v5 =	vadd.f32 v5, v14;
	v61 =	vperm.xlane v8, v3;
	v9 =	vadd.f32 v9, v59  }
0x36d: {  	v4 =	vsel vm9, v4, v10;
	v7 =	vadd.f32 v7, v60;
	v62 =	vperm.xlane v6, v3  }
0x36e: {  	v4 =	vsel vm10, v4, v5;
	v5 =	vadd.f32 v8, v61;
	v63 =	vperm.xlane v9, v3  }
0x36f: {  	v4 =	vsel vm11, v4, v7;
	v6 =	vadd.f32 v6, v62  }
0x370: {  	v4 =	vsel vm12, v4, v5;
	v5 =	vadd.f32 v9, v63  }
0x371: {  	v4 =	vsel vm13, v4, v6  }
0x372: {  	v4 =	vsel vm14, v4, v5;
	v5 =	vld [tilespmem:$0x1F8B0];
	_ =	sdelay $0x2  }
0x373: {  	p2 =	por p1, p1  }
.Ltmp1:
0x374: {  	_ = 	snop;
	(pc) =	sbr.rel @p2 .LBB2_5-.Ltmp1, $4  }
0x375: {  	_ = 	snop  }
0x376: {  	s30 =	sshll.u32 s8, $0x4  }
0x377: {  	s6 =	sand.u32 $0x3FFFFFF0, s30  }
0x378: {  	s8 =	simm.s32 $0x1;
	p1 =	por $0x0, $0x0;
	[tilespmem:v5+s6+$0x0 ss:$0x1] =	vst.idx.msk $0xffff, v4  }
0x379: {  	s0 =	sadd.s32 $0x1, s0  }
0x37a: {  	p1 =	sne.s32 s0, $0x139  }
.Ltmp2:
0x37b: {  	_ = 	snop;
	(pc) =	sbr.rel @p1 .LBB2_2-.Ltmp2, $1  }
0x37c: {  	_ =	sdelay $0x3  }
0x37d: {  	_ =	swait.ge [sflag:s23], $0x1000  }
0x37e: {  	[sflag:s23] =	ssyncset.done $0x0  }
0x37f: {  	[sflag:s23] =	ssyncadd.s32 $0xFFFFF000  }
0x380: {  	_ =	swait.ge [sflag:s23], $0x1000  }
0x381: {  	[sflag:s23] =	ssyncset.done $0x0  }
0x382: {  	[sflag:s23] =	ssyncadd.s32 $0xFFFFF000  }
0x383: {  	_ =	swait.ge [sflag:s24], $0x20  }
0x384: {  	[sflag:s24] =	ssyncset.done $0x0  }
0x385: {  	[sflag:s24] =	ssyncadd.s32 $0xFFFFFFE0  }
0x386: {  	s2 =	sadd.s32 $0x1, s2;
	_ =	swait.ge [sflag:s25], $0x20  }
0x387: {  	p1 =	sne.s32 s2, s13;
	[sflag:s25] =	ssyncset.done $0x0  }
.Ltmp3:
0x388: {  	s0 =	simm.s32 $0x4200;
	[sflag:s25] =	ssyncadd.s32 $0xFFFFFFE0;
	(pc) =	sbr.rel @p1 .LBB2_1-.Ltmp3, $4  }
0x389: {  	[hbm4b:s12+s4] =	stream.linear.scatter [tilespmem:s0], [sflag:$0x7], $0x4E40, $0x38;
	[tilespmem:$0x1C900] =	vst v63  }
0x38a: {  	_ =	swait.ge [sflag:s31], $0x4E40  }
0x38b: {  	[sflag:s31] =	ssyncset.done $0x0  }
0x38c: {  	[sflag:s31] =	ssyncadd.s32 $0xFFFFB1C0  }
0x38d: {  	_ =	sfence.sel $0x180000  }
0x38e: {  	[bflag:$0x0] =	sbarrier.arrive $0xFFFF  }
0x38f: {  	_ =	strace $0x90000047  }
0x390: {  	[bflag:$0x2] =	sbarrier.arrive $0xFFFF  }
0x391: {  	s0 =	rddreg [dreg:$0x3]  }
0x392: {  	s0 =	sadd.s32 @!p0 $0x100000, s0  }
0x393: {  	[sflag:s0] =	ssyncadd.tile.s32 @!p0 $0x1;
	_ =	shalt  }
.Lfunc_end2:
_tile_overlayer_lowered:
.L_overlay_start_2:
0x394: {  	(tag) =	ssettag $0x2  }
0x395: {  	s0 =	rddreg [dreg:$0x0];
	s2 =	stileid.u32  }
0x396: {  	s1 =	rddreg [dreg:$0x1];
	p0 =	sne.s32 s2, $0x0  }
0x397: {  	s3 =	rddreg [dreg:$0x2];
	[bflag:$0x3] =	sbarrier.arrive $0xFFFF;
	s2 =	simm.s32 @!p0 $0x1C07  }
0x398: {  	[timem:s3], [sflag:s2] =	dma.local @!p0 [hbm:s0], s1  }
0x399: {  	s0 =	simm.s32 @!p0 $0x7  }
0x39a: {  	_ =	swait.ge @!p0 [sflag:s0], s1  }
0x39b: {  	s1 =	ssub.s32 @!p0 $0x0, s1;
	[sflag:s0] =	ssyncset.done @!p0 $0x0  }
0x39c: {  	[sflag:s0] =	ssyncadd.s32 @!p0 s1  }
0x39d: {  	[bflag:$0x3] =	sbarrier.arrive $0xFFFF  }
0x39e: {  	_ =	shalt  }

</sc_bundles>
